<compile_context>
chip_gen: v7x
topology: tpu7x:2x2x1
jax: 0.10.2.dev20260603
libtpu: 0.0.44.dev20260713+nightly
codegen_flags: <defaults>
</compile_context>

<pallas_src>
import functools

import jax
import jax.numpy as jnp
from jax import lax
from jax.experimental import pallas as pl
from jax.experimental.pallas import tpu as pltpu
from jax.experimental.pallas import tpu_sc as plsc

_NUM_CORES = 2
_NUM_SUBCORES = 16
_NUM_WORKERS = _NUM_CORES * _NUM_SUBCORES

_LANES = 16
_BB = 8
_LPAD = 128


def _matmul_body(t_ref, w_ref, b_ref, o_ref):
    y = (
        lax.dot_general(
            t_ref[...], w_ref[...], (((1,), (1,)), ((), ())),
            preferred_element_type=jnp.float32,
        )
        + b_ref[...]
    )
    h = y.shape[0] // 2
    o_ref[...] = jnp.concatenate([y[:h, :], y[h:, :]], axis=1)


def _transform_table(table, w, bias, blk):
    v, d = table.shape
    return pl.pallas_call(
        _matmul_body,
        grid=(v // blk,),
        in_specs=[
            pl.BlockSpec((blk, d), lambda i: (i, 0)),
            pl.BlockSpec((d, d), lambda i: (0, 0)),
            pl.BlockSpec((1, d), lambda i: (0, 0)),
        ],
        out_specs=pl.BlockSpec((blk // 2, 2 * d), lambda i: (i, 0)),
        out_shape=jax.ShapeDtypeStruct((v // 2, 2 * d), jnp.float32),
    )(table, w, bias.reshape(1, d))


def _make_gather(bsz, seq, d, half_blk):
    assert half_blk == 4000
    assert bsz % (_NUM_WORKERS * _BB) == 0
    per_w = bsz // _NUM_WORKERS
    n_slabs = per_w // _BB
    mesh = plsc.VectorSubcoreMesh(
        core_axis_name="c", subcore_axis_name="s",
        num_cores=_NUM_CORES, num_subcores=_NUM_SUBCORES,
    )

    @functools.partial(
        pl.kernel,
        mesh=mesh,
        out_type=jax.ShapeDtypeStruct((bsz, seq, d), jnp.float32),
        scratch_types=[
            pltpu.VMEM((_BB, _LPAD), jnp.int32),
            pltpu.VMEM((_BB, _LPAD), jnp.int32),
            [pltpu.VMEM((seq, 2 * d), jnp.float32) for _ in range(_BB)],
            pltpu.VMEM((_BB, seq, d), jnp.float32),
            pltpu.SemaphoreType.DMA,
        ],
        compiler_params=pltpu.CompilerParams(use_tc_tiling_on_sc=True),
    )
    def gather_kernel(ttab_hbm, xpad_hbm, out_hbm, idx_v, idx_g, rows,
                      slab_v, sem):
        wid = lax.axis_index("s") * _NUM_CORES + lax.axis_index("c")
        e0 = wid * per_w

        def slab(s, carry):
            b0 = pl.multiple_of(e0 + s * _BB, _BB)
            pltpu.sync_copy(xpad_hbm.at[pl.ds(b0, _BB)], idx_v)
            for j in range(_BB):
                for k in range(_LPAD // _LANES):
                    sl = pl.ds(k * _LANES, _LANES)
                    v_ = idx_v[j, sl]
                    u = jax.lax.shift_right_logical(
                        jax.lax.shift_right_logical(v_, 5) * 33555, 22
                    )
                    idx_g[j, sl] = (
                        jax.lax.shift_right_logical(u, 1) * half_blk
                        + (v_ - u * half_blk)
                    )
                    idx_v[j, sl] = u & 1
            copies = []
            for j in range(_BB):
                copies.append(
                    pltpu.async_copy(
                        ttab_hbm.at[idx_g.at[j, pl.ds(0, seq)]],
                        rows[j],
                        sem,
                    )
                )
            for j in range(_BB):
                copies[j].wait()

                zero16 = jnp.zeros((_LANES, 1), jnp.int32)
                dnums = lax.GatherDimensionNumbers(
                    offset_dims=(), collapsed_slice_dims=(0,),
                    start_index_map=(0,),
                )

                def compact(t, c, j=j):
                    iv = idx_v[j, pl.ds(t, _LANES)]
                    flag = lax.gather(
                        iv, zero16, dnums, (1,),
                        mode=lax.GatherScatterMode.PROMISE_IN_BOUNDS,
                    ).astype(jnp.float32)
                    for k in range(d // _LANES):
                        lo = rows[j][t, pl.ds(k * _LANES, _LANES)]
                        hi = rows[j][t, pl.ds(d + k * _LANES, _LANES)]
                        slab_v[j, t, pl.ds(k * _LANES, _LANES)] = (
                            lo + flag * (hi - lo)
                        )
                    return c

                lax.fori_loop(0, seq, compact, 0, unroll=False)
            pltpu.sync_copy(slab_v, out_hbm.at[pl.ds(b0, _BB)])
            return carry

        lax.fori_loop(0, n_slabs, slab, 0, unroll=False)

    return gather_kernel


def kernel(x, table, W, b):
    v, d = table.shape
    bsz, seq = x.shape

    blk = 8000
    ttable = _transform_table(table, W, b, blk=blk)

    xpad = jnp.pad(x, ((0, 0), (0, _LPAD - seq)))
    return _make_gather(bsz, seq, d, blk // 2)(ttable, xpad)

# --- scband reference (transcript-rebuilt; emitter-appended) ---
"""Pipeline reference for scband-to-vector-contex-75634374082891 (READ-ONLY COPY).

The authoritative reference and input builder live on the scoring server;
editing this copy changes nothing except your own understanding.
"""

import jax, jax.numpy as jnp
import numpy as np

VOCAB = 1000000
D = 64
B = 16384
L = 50

def setup_inputs(seed: int = 0) -> dict:
    key = jax.random.key(seed)
    k1, k2, k3, k4 = jax.random.split(key, 4)
    x = jax.random.randint(k1, (B, L), 0, VOCAB, dtype=jnp.int64) if jax.config.jax_enable_x64 else jax.random.randint(k1, (B, L), 0, VOCAB, dtype=jnp.int32)
    table = jax.random.normal(k2, (VOCAB, D), dtype=jnp.float32)
    W = jax.random.normal(k3, (D, D), dtype=jnp.float32) * (1.0 / np.sqrt(D))
    b = jax.random.normal(k4, (D,), dtype=jnp.float32) * 0.01
    return {"x": x, "table": table, "W": W, "b": b}

def reference(x, table, W, b):
    # nn.Embedding lookup
    emb = jnp.take(table, x, axis=0)  # [B, L, D]
    # nn.Linear: y = emb @ W^T + b
    out = jnp.einsum('bld,ed->ble', emb, W) + b
    return out

if __name__ == "__main__":
    import jax
    _d = setup_inputs()
    print(jax.jit(kernel)(*tuple(_d.values())))

</pallas_src>

<mosaic_0001>
#map = affine_map<(d0, d1) -> (0, 0)>
#map1 = affine_map<(d0, d1) -> (0, 0, 0)>
module attributes {stable_mosaic.version = 14 : i64} {
  func.func @gather_kernel(%arg0: i32, %arg1: i32, %arg2: memref<500000x128xf32, #tpu.memory_space<hbm>>, %arg3: memref<16384x128xi32, #tpu.memory_space<hbm>>, %arg4: memref<16384x50x64xf32, #tpu.memory_space<hbm>>, %arg5: memref<8x128xi32, #tpu.memory_space<vmem>>, %arg6: memref<8x128xi32, #tpu.memory_space<vmem>>, %arg7: memref<50x128xf32, #tpu.memory_space<vmem>>, %arg8: memref<50x128xf32, #tpu.memory_space<vmem>>, %arg9: memref<50x128xf32, #tpu.memory_space<vmem>>, %arg10: memref<50x128xf32, #tpu.memory_space<vmem>>, %arg11: memref<50x128xf32, #tpu.memory_space<vmem>>, %arg12: memref<50x128xf32, #tpu.memory_space<vmem>>, %arg13: memref<50x128xf32, #tpu.memory_space<vmem>>, %arg14: memref<50x128xf32, #tpu.memory_space<vmem>>, %arg15: memref<8x50x64xf32, #tpu.memory_space<vmem>>, %arg16: memref<!tpu.dma_semaphore, #tpu.memory_space<semaphore_mem>>) attributes {dimension_semantics = [#tpu.dimension_semantics<core_parallel>, #tpu.dimension_semantics<subcore_parallel>], iteration_bounds = array<i64: 2, 16>, scalar_prefetch = 0 : i64, scratch_operands = 12 : i64, tpu.core_type = #tpu.core_type<sc_vector_subcore>, window_params = [{transform_indices = #map}, {transform_indices = #map}, {transform_indices = #map1}]} {
    %mul3A = arith.constant 2 : i32
    %mul3A_0 = arith.muli %arg1, %mul3A : i32
    %add3A = arith.addi %mul3A_0, %arg0 : i32
    %mul3A_1 = arith.constant 512 : i32
    %mul3A_2 = arith.muli %add3A, %mul3A_1 : i32
    %scan3A = arith.constant 0 : i32
    %scan3A_3 = arith.constant 0 : i32
    %scan3A_4 = arith.constant 64 : i32
    %scan3A_5 = arith.addi %scan3A_3, %scan3A_4 : i32
    %scan3A_6 = arith.constant 1 : i32
    scf.for %scan3A_8 = %scan3A_3 to %scan3A_5 step %scan3A_6  : i32 {
      %mul3A_9 = arith.constant 8 : i32
      %mul3A_10 = arith.muli %scan3A_8, %mul3A_9 : i32
      %add3A_11 = arith.addi %mul3A_2, %mul3A_10 : i32
      %multiple_of3A = tpu.assume_multiple %add3A_11, 8 : i32
      "tpu.region"() ({
        %run_scoped3A = tpu.sem_alloc : memref<!tpu.dma_semaphore, #tpu.memory_space<semaphore_mem>>
        %dma_start3A_2740 = arith.constant 0 : i32
        %dma_start3A_2741 = tpu.memref_slice %arg3[%multiple_of3A, %dma_start3A_2740] : memref<16384x128xi32, #tpu.memory_space<hbm>> -> memref<8x128xi32, #tpu.memory_space<hbm>>
        %dma_start3A_2742 = arith.constant 0 : i32
        %dma_start3A_2743 = tpu.memref_slice %arg3[%multiple_of3A, %dma_start3A_2742] : memref<16384x128xi32, #tpu.memory_space<hbm>> -> memref<8x128xi32, #tpu.memory_space<hbm>>
        tpu.enqueue_dma source(%dma_start3A_2743 : memref<8x128xi32, #tpu.memory_space<hbm>>) target(%arg5 : memref<8x128xi32, #tpu.memory_space<vmem>>) target_semaphore(%run_scoped3A : memref<!tpu.dma_semaphore, #tpu.memory_space<semaphore_mem>>)
        %dma_wait3A_2744 = arith.constant 0 : i32
        %dma_wait3A_2745 = tpu.memref_slice %arg3[%multiple_of3A, %dma_wait3A_2744] : memref<16384x128xi32, #tpu.memory_space<hbm>> -> memref<8x128xi32, #tpu.memory_space<hbm>>
        %dma_wait3A_2746 = arith.constant 0 : i32
        %dma_wait3A_2747 = tpu.memref_slice %arg3[%multiple_of3A, %dma_wait3A_2746] : memref<16384x128xi32, #tpu.memory_space<hbm>> -> memref<8x128xi32, #tpu.memory_space<hbm>>
        tpu.wait_dma2 semaphore(%run_scoped3A : memref<!tpu.dma_semaphore, #tpu.memory_space<semaphore_mem>>) src(%dma_wait3A_2747 : memref<8x128xi32, #tpu.memory_space<hbm>>) dst(%arg5 : memref<8x128xi32, #tpu.memory_space<vmem>>)
        tpu.yield
      }) : () -> ()
      %get3A = arith.constant 0 : i32
      %get3A_12 = arith.index_cast %get3A : i32 to index
      %get3A_13 = arith.constant 0 : index
      %get3A_14 = tpu.vector_load %arg5[%get3A_12, %get3A_13] {strides = array<i32>} : memref<8x128xi32, #tpu.memory_space<vmem>>, vector<1x16xi32>,
      %get3A_15 = vector.shape_cast %get3A_14 : vector<1x16xi32> to vector<16xi32>
      %shift_right_logical3A = arith.constant 5 : i32
      %shift_right_logical3A_16 = vector.broadcast %shift_right_logical3A : i32 to vector<16xi32>
      %shift_right_logical3A_17 = arith.shrui %get3A_15, %shift_right_logical3A_16 : vector<16xi32>
      %mul3A_18 = arith.constant 33555 : i32
      %mul3A_19 = vector.broadcast %mul3A_18 : i32 to vector<16xi32>
      %mul3A_20 = arith.muli %shift_right_logical3A_17, %mul3A_19 : vector<16xi32>
      %shift_right_logical3A_21 = arith.constant 22 : i32
      %shift_right_logical3A_22 = vector.broadcast %shift_right_logical3A_21 : i32 to vector<16xi32>
      %shift_right_logical3A_23 = arith.shrui %mul3A_20, %shift_right_logical3A_22 : vector<16xi32>
      %shift_right_logical3A_24 = arith.constant 1 : i32
      %shift_right_logical3A_25 = vector.broadcast %shift_right_logical3A_24 : i32 to vector<16xi32>
      %shift_right_logical3A_26 = arith.shrui %shift_right_logical3A_23, %shift_right_logical3A_25 : vector<16xi32>
      %mul3A_27 = arith.constant 4000 : i32
      %mul3A_28 = vector.broadcast %mul3A_27 : i32 to vector<16xi32>
      %mul3A_29 = arith.muli %shift_right_logical3A_26, %mul3A_28 : vector<16xi32>
      %mul3A_30 = arith.constant 4000 : i32
      %mul3A_31 = vector.broadcast %mul3A_30 : i32 to vector<16xi32>
      %mul3A_32 = arith.muli %shift_right_logical3A_23, %mul3A_31 : vector<16xi32>
      %sub3A = arith.subi %get3A_15, %mul3A_32 : vector<16xi32>
      %add3A_33 = arith.addi %mul3A_29, %sub3A : vector<16xi32>
      %swap3A = arith.constant 0 : i32
      %swap3A_34 = arith.index_cast %swap3A : i32 to index
      %swap3A_35 = arith.constant 0 : index
      %swap3A_36 = tpu.vector_load %arg6[%swap3A_34, %swap3A_35] {strides = array<i32>} : memref<8x128xi32, #tpu.memory_space<vmem>>, vector<1x16xi32>,
      %swap3A_37 = vector.shape_cast %swap3A_36 : vector<1x16xi32> to vector<16xi32>
      %swap3A_38 = vector.shape_cast %add3A_33 : vector<16xi32> to vector<1x16xi32>
      tpu.vector_store %arg6[%swap3A_34, %swap3A_35], %swap3A_38 {strides = array<i32>} : memref<8x128xi32, #tpu.memory_space<vmem>>, vector<1x16xi32>,
      %and3A = arith.constant 1 : i32
      %and3A_39 = vector.broadcast %and3A : i32 to vector<16xi32>
      %and3A_40 = arith.andi %shift_right_logical3A_23, %and3A_39 : vector<16xi32>
      %swap3A_41 = arith.constant 0 : i32
      %swap3A_42 = arith.index_cast %swap3A_41 : i32 to index
      %swap3A_43 = arith.constant 0 : index
      %swap3A_44 = tpu.vector_load %arg5[%swap3A_42, %swap3A_43] {strides = array<i32>} : memref<8x128xi32, #tpu.memory_space<vmem>>, vector<1x16xi32>,
      %swap3A_45 = vector.shape_cast %swap3A_44 : vector<1x16xi32> to vector<16xi32>
      %swap3A_46 = vector.shape_cast %and3A_40 : vector<16xi32> to vector<1x16xi32>
      tpu.vector_store %arg5[%swap3A_42, %swap3A_43], %swap3A_46 {strides = array<i32>} : memref<8x128xi32, #tpu.memory_space<vmem>>, vector<1x16xi32>,
      %get3A_47 = arith.constant 0 : i32
      %get3A_48 = arith.index_cast %get3A_47 : i32 to index
      %get3A_49 = arith.constant 16 : index
      %get3A_50 = tpu.vector_load %arg5[%get3A_48, %get3A_49] {strides = array<i32>} : memref<8x128xi32, #tpu.memory_space<vmem>>, vector<1x16xi32>,
      %get3A_51 = vector.shape_cast %get3A_50 : vector<1x16xi32> to vector<16xi32>
      %shift_right_logical3A_52 = arith.constant 5 : i32
      %shift_right_logical3A_53 = vector.broadcast %shift_right_logical3A_52 : i32 to vector<16xi32>
      %shift_right_logical3A_54 = arith.shrui %get3A_51, %shift_right_logical3A_53 : vector<16xi32>
      %mul3A_55 = arith.constant 33555 : i32
      %mul3A_56 = vector.broadcast %mul3A_55 : i32 to vector<16xi32>
      %mul3A_57 = arith.muli %shift_right_logical3A_54, %mul3A_56 : vector<16xi32>
      %shift_right_logical3A_58 = arith.constant 22 : i32
      %shift_right_logical3A_59 = vector.broadcast %shift_right_logical3A_58 : i32 to vector<16xi32>
      %shift_right_logical3A_60 = arith.shrui %mul3A_57, %shift_right_logical3A_59 : vector<16xi32>
      %shift_right_logical3A_61 = arith.constant 1 : i32
      %shift_right_logical3A_62 = vector.broadcast %shift_right_logical3A_61 : i32 to vector<16xi32>
      %shift_right_logical3A_63 = arith.shrui %shift_right_logical3A_60, %shift_right_logical3A_62 : vector<16xi32>
      %mul3A_64 = arith.constant 4000 : i32
      %mul3A_65 = vector.broadcast %mul3A_64 : i32 to vector<16xi32>
      %mul3A_66 = arith.muli %shift_right_logical3A_63, %mul3A_65 : vector<16xi32>
      %mul3A_67 = arith.constant 4000 : i32
      %mul3A_68 = vector.broadcast %mul3A_67 : i32 to vector<16xi32>
      %mul3A_69 = arith.muli %shift_right_logical3A_60, %mul3A_68 : vector<16xi32>
      %sub3A_70 = arith.subi %get3A_51, %mul3A_69 : vector<16xi32>
      %add3A_71 = arith.addi %mul3A_66, %sub3A_70 : vector<16xi32>
      %swap3A_72 = arith.constant 0 : i32
      %swap3A_73 = arith.index_cast %swap3A_72 : i32 to index
      %swap3A_74 = arith.constant 16 : index
      %swap3A_75 = tpu.vector_load %arg6[%swap3A_73, %swap3A_74] {strides = array<i32>} : memref<8x128xi32, #tpu.memory_space<vmem>>, vector<1x16xi32>,
      %swap3A_76 = vector.shape_cast %swap3A_75 : vector<1x16xi32> to vector<16xi32>
      %swap3A_77 = vector.shape_cast %add3A_71 : vector<16xi32> to vector<1x16xi32>
      tpu.vector_store %arg6[%swap3A_73, %swap3A_74], %swap3A_77 {strides = array<i32>} : memref<8x128xi32, #tpu.memory_space<vmem>>, vector<1x16xi32>,
      %and3A_78 = arith.constant 1 : i32
      %and3A_79 = vector.broadcast %and3A_78 : i32 to vector<16xi32>
      %and3A_80 = arith.andi %shift_right_logical3A_60, %and3A_79 : vector<16xi32>
      %swap3A_81 = arith.constant 0 : i32
      %swap3A_82 = arith.index_cast %swap3A_81 : i32 to index
      %swap3A_83 = arith.constant 16 : index
      %swap3A_84 = tpu.vector_load %arg5[%swap3A_82, %swap3A_83] {strides = array<i32>} : memref<8x128xi32, #tpu.memory_space<vmem>>, vector<1x16xi32>,
      %swap3A_85 = vector.shape_cast %swap3A_84 : vector<1x16xi32> to vector<16xi32>
      %swap3A_86 = vector.shape_cast %and3A_80 : vector<16xi32> to vector<1x16xi32>
      tpu.vector_store %arg5[%swap3A_82, %swap3A_83], %swap3A_86 {strides = array<i32>} : memref<8x128xi32, #tpu.memory_space<vmem>>, vector<1x16xi32>,
      %get3A_87 = arith.constant 0 : i32
      %get3A_88 = arith.index_cast %get3A_87 : i32 to index
      %get3A_89 = arith.constant 32 : index
      %get3A_90 = tpu.vector_load %arg5[%get3A_88, %get3A_89] {strides = array<i32>} : memref<8x128xi32, #tpu.memory_space<vmem>>, vector<1x16xi32>,
      %get3A_91 = vector.shape_cast %get3A_90 : vector<1x16xi32> to vector<16xi32>
      %shift_right_logical3A_92 = arith.constant 5 : i32
      %shift_right_logical3A_93 = vector.broadcast %shift_right_logical3A_92 : i32 to vector<16xi32>
      %shift_right_logical3A_94 = arith.shrui %get3A_91, %shift_right_logical3A_93 : vector<16xi32>
      %mul3A_95 = arith.constant 33555 : i32
      %mul3A_96 = vector.broadcast %mul3A_95 : i32 to vector<16xi32>
      %mul3A_97 = arith.muli %shift_right_logical3A_94, %mul3A_96 : vector<16xi32>
      %shift_right_logical3A_98 = arith.constant 22 : i32
      %shift_right_logical3A_99 = vector.broadcast %shift_right_logical3A_98 : i32 to vector<16xi32>
      %shift_right_logical3A_100 = arith.shrui %mul3A_97, %shift_right_logical3A_99 : vector<16xi32>
      %shift_right_logical3A_101 = arith.constant 1 : i32
      %shift_right_logical3A_102 = vector.broadcast %shift_right_logical3A_101 : i32 to vector<16xi32>
      %shift_right_logical3A_103 = arith.shrui %shift_right_logical3A_100, %shift_right_logical3A_102 : vector<16xi32>
      %mul3A_104 = arith.constant 4000 : i32
      %mul3A_105 = vector.broadcast %mul3A_104 : i32 to vector<16xi32>
      %mul3A_106 = arith.muli %shift_right_logical3A_103, %mul3A_105 : vector<16xi32>
      %mul3A_107 = arith.constant 4000 : i32
      %mul3A_108 = vector.broadcast %mul3A_107 : i32 to vector<16xi32>
      %mul3A_109 = arith.muli %shift_right_logical3A_100, %mul3A_108 : vector<16xi32>
      %sub3A_110 = arith.subi %get3A_91, %mul3A_109 : vector<16xi32>
      %add3A_111 = arith.addi %mul3A_106, %sub3A_110 : vector<16xi32>
      %swap3A_112 = arith.constant 0 : i32
      %swap3A_113 = arith.index_cast %swap3A_112 : i32 to index
      %swap3A_114 = arith.constant 32 : index
      %swap3A_115 = tpu.vector_load %arg6[%swap3A_113, %swap3A_114] {strides = array<i32>} : memref<8x128xi32, #tpu.memory_space<vmem>>, vector<1x16xi32>,
      %swap3A_116 = vector.shape_cast %swap3A_115 : vector<1x16xi32> to vector<16xi32>
      %swap3A_117 = vector.shape_cast %add3A_111 : vector<16xi32> to vector<1x16xi32>
      tpu.vector_store %arg6[%swap3A_113, %swap3A_114], %swap3A_117 {strides = array<i32>} : memref<8x128xi32, #tpu.memory_space<vmem>>, vector<1x16xi32>,
      %and3A_118 = arith.constant 1 : i32
      %and3A_119 = vector.broadcast %and3A_118 : i32 to vector<16xi32>
      %and3A_120 = arith.andi %shift_right_logical3A_100, %and3A_119 : vector<16xi32>
      %swap3A_121 = arith.constant 0 : i32
      %swap3A_122 = arith.index_cast %swap3A_121 : i32 to index
      %swap3A_123 = arith.constant 32 : index
      %swap3A_124 = tpu.vector_load %arg5[%swap3A_122, %swap3A_123] {strides = array<i32>} : memref<8x128xi32, #tpu.memory_space<vmem>>, vector<1x16xi32>,
      %swap3A_125 = vector.shape_cast %swap3A_124 : vector<1x16xi32> to vector<16xi32>
      %swap3A_126 = vector.shape_cast %and3A_120 : vector<16xi32> to vector<1x16xi32>
      tpu.vector_store %arg5[%swap3A_122, %swap3A_123], %swap3A_126 {strides = array<i32>} : memref<8x128xi32, #tpu.memory_space<vmem>>, vector<1x16xi32>,
      %get3A_127 = arith.constant 0 : i32
      %get3A_128 = arith.index_cast %get3A_127 : i32 to index
      %get3A_129 = arith.constant 48 : index
      %get3A_130 = tpu.vector_load %arg5[%get3A_128, %get3A_129] {strides = array<i32>} : memref<8x128xi32, #tpu.memory_space<vmem>>, vector<1x16xi32>,
      %get3A_131 = vector.shape_cast %get3A_130 : vector<1x16xi32> to vector<16xi32>
      %shift_right_logical3A_132 = arith.constant 5 : i32
      %shift_right_logical3A_133 = vector.broadcast %shift_right_logical3A_132 : i32 to vector<16xi32>
      %shift_right_logical3A_134 = arith.shrui %get3A_131, %shift_right_logical3A_133 : vector<16xi32>
      %mul3A_135 = arith.constant 33555 : i32
      %mul3A_136 = vector.broadcast %mul3A_135 : i32 to vector<16xi32>
      %mul3A_137 = arith.muli %shift_right_logical3A_134, %mul3A_136 : vector<16xi32>
      %shift_right_logical3A_138 = arith.constant 22 : i32
      %shift_right_logical3A_139 = vector.broadcast %shift_right_logical3A_138 : i32 to vector<16xi32>
      %shift_right_logical3A_140 = arith.shrui %mul3A_137, %shift_right_logical3A_139 : vector<16xi32>
      %shift_right_logical3A_141 = arith.constant 1 : i32
      %shift_right_logical3A_142 = vector.broadcast %shift_right_logical3A_141 : i32 to vector<16xi32>
      %shift_right_logical3A_143 = arith.shrui %shift_right_logical3A_140, %shift_right_logical3A_142 : vector<16xi32>
      %mul3A_144 = arith.constant 4000 : i32
      %mul3A_145 = vector.broadcast %mul3A_144 : i32 to vector<16xi32>
      %mul3A_146 = arith.muli %shift_right_logical3A_143, %mul3A_145 : vector<16xi32>
      %mul3A_147 = arith.constant 4000 : i32
      %mul3A_148 = vector.broadcast %mul3A_147 : i32 to vector<16xi32>
      %mul3A_149 = arith.muli %shift_right_logical3A_140, %mul3A_148 : vector<16xi32>
      %sub3A_150 = arith.subi %get3A_131, %mul3A_149 : vector<16xi32>
      %add3A_151 = arith.addi %mul3A_146, %sub3A_150 : vector<16xi32>
      %swap3A_152 = arith.constant 0 : i32
      %swap3A_153 = arith.index_cast %swap3A_152 : i32 to index
      %swap3A_154 = arith.constant 48 : index
      %swap3A_155 = tpu.vector_load %arg6[%swap3A_153, %swap3A_154] {strides = array<i32>} : memref<8x128xi32, #tpu.memory_space<vmem>>, vector<1x16xi32>,
      %swap3A_156 = vector.shape_cast %swap3A_155 : vector<1x16xi32> to vector<16xi32>
      %swap3A_157 = vector.shape_cast %add3A_151 : vector<16xi32> to vector<1x16xi32>
      tpu.vector_store %arg6[%swap3A_153, %swap3A_154], %swap3A_157 {strides = array<i32>} : memref<8x128xi32, #tpu.memory_space<vmem>>, vector<1x16xi32>,
      %and3A_158 = arith.constant 1 : i32
      %and3A_159 = vector.broadcast %and3A_158 : i32 to vector<16xi32>
      %and3A_160 = arith.andi %shift_right_logical3A_140, %and3A_159 : vector<16xi32>
      %swap3A_161 = arith.constant 0 : i32
      %swap3A_162 = arith.index_cast %swap3A_161 : i32 to index
      %swap3A_163 = arith.constant 48 : index
      %swap3A_164 = tpu.vector_load %arg5[%swap3A_162, %swap3A_163] {strides = array<i32>} : memref<8x128xi32, #tpu.memory_space<vmem>>, vector<1x16xi32>,
      %swap3A_165 = vector.shape_cast %swap3A_164 : vector<1x16xi32> to vector<16xi32>
      %swap3A_166 = vector.shape_cast %and3A_160 : vector<16xi32> to vector<1x16xi32>
      tpu.vector_store %arg5[%swap3A_162, %swap3A_163], %swap3A_166 {strides = array<i32>} : memref<8x128xi32, #tpu.memory_space<vmem>>, vector<1x16xi32>,
      %get3A_167 = arith.constant 0 : i32
      %get3A_168 = arith.index_cast %get3A_167 : i32 to index
      %get3A_169 = arith.constant 64 : index
      %get3A_170 = tpu.vector_load %arg5[%get3A_168, %get3A_169] {strides = array<i32>} : memref<8x128xi32, #tpu.memory_space<vmem>>, vector<1x16xi32>,
      %get3A_171 = vector.shape_cast %get3A_170 : vector<1x16xi32> to vector<16xi32>
      %shift_right_logical3A_172 = arith.constant 5 : i32
      %shift_right_logical3A_173 = vector.broadcast %shift_right_logical3A_172 : i32 to vector<16xi32>
      %shift_right_logical3A_174 = arith.shrui %get3A_171, %shift_right_logical3A_173 : vector<16xi32>
      %mul3A_175 = arith.constant 33555 : i32
      %mul3A_176 = vector.broadcast %mul3A_175 : i32 to vector<16xi32>
      %mul3A_177 = arith.muli %shift_right_logical3A_174, %mul3A_176 : vector<16xi32>
      %shift_right_logical3A_178 = arith.constant 22 : i32
      %shift_right_logical3A_179 = vector.broadcast %shift_right_logical3A_178 : i32 to vector<16xi32>
      %shift_right_logical3A_180 = arith.shrui %mul3A_177, %shift_right_logical3A_179 : vector<16xi32>
      %shift_right_logical3A_181 = arith.constant 1 : i32
      %shift_right_logical3A_182 = vector.broadcast %shift_right_logical3A_181 : i32 to vector<16xi32>
      %shift_right_logical3A_183 = arith.shrui %shift_right_logical3A_180, %shift_right_logical3A_182 : vector<16xi32>
      %mul3A_184 = arith.constant 4000 : i32
      %mul3A_185 = vector.broadcast %mul3A_184 : i32 to vector<16xi32>
      %mul3A_186 = arith.muli %shift_right_logical3A_183, %mul3A_185 : vector<16xi32>
      %mul3A_187 = arith.constant 4000 : i32
      %mul3A_188 = vector.broadcast %mul3A_187 : i32 to vector<16xi32>
      %mul3A_189 = arith.muli %shift_right_logical3A_180, %mul3A_188 : vector<16xi32>
      %sub3A_190 = arith.subi %get3A_171, %mul3A_189 : vector<16xi32>
      %add3A_191 = arith.addi %mul3A_186, %sub3A_190 : vector<16xi32>
      %swap3A_192 = arith.constant 0 : i32
      %swap3A_193 = arith.index_cast %swap3A_192 : i32 to index
      %swap3A_194 = arith.constant 64 : index
      %swap3A_195 = tpu.vector_load %arg6[%swap3A_193, %swap3A_194] {strides = array<i32>} : memref<8x128xi32, #tpu.memory_space<vmem>>, vector<1x16xi32>,
      %swap3A_196 = vector.shape_cast %swap3A_195 : vector<1x16xi32> to vector<16xi32>
      %swap3A_197 = vector.shape_cast %add3A_191 : vector<16xi32> to vector<1x16xi32>
      tpu.vector_store %arg6[%swap3A_193, %swap3A_194], %swap3A_197 {strides = array<i32>} : memref<8x128xi32, #tpu.memory_space<vmem>>, vector<1x16xi32>,
      %and3A_198 = arith.constant 1 : i32
      %and3A_199 = vector.broadcast %and3A_198 : i32 to vector<16xi32>
      %and3A_200 = arith.andi %shift_right_logical3A_180, %and3A_199 : vector<16xi32>
      %swap3A_201 = arith.constant 0 : i32
      %swap3A_202 = arith.index_cast %swap3A_201 : i32 to index
      %swap3A_203 = arith.constant 64 : index
      %swap3A_204 = tpu.vector_load %arg5[%swap3A_202, %swap3A_203] {strides = array<i32>} : memref<8x128xi32, #tpu.memory_space<vmem>>, vector<1x16xi32>,
      %swap3A_205 = vector.shape_cast %swap3A_204 : vector<1x16xi32> to vector<16xi32>
      %swap3A_206 = vector.shape_cast %and3A_200 : vector<16xi32> to vector<1x16xi32>
      tpu.vector_store %arg5[%swap3A_202, %swap3A_203], %swap3A_206 {strides = array<i32>} : memref<8x128xi32, #tpu.memory_space<vmem>>, vector<1x16xi32>,
      %get3A_207 = arith.constant 0 : i32
      %get3A_208 = arith.index_cast %get3A_207 : i32 to index
      %get3A_209 = arith.constant 80 : index
      %get3A_210 = tpu.vector_load %arg5[%get3A_208, %get3A_209] {strides = array<i32>} : memref<8x128xi32, #tpu.memory_space<vmem>>, vector<1x16xi32>,
      %get3A_211 = vector.shape_cast %get3A_210 : vector<1x16xi32> to vector<16xi32>
      %shift_right_logical3A_212 = arith.constant 5 : i32
      %shift_right_logical3A_213 = vector.broadcast %shift_right_logical3A_212 : i32 to vector<16xi32>
      %shift_right_logical3A_214 = arith.shrui %get3A_211, %shift_right_logical3A_213 : vector<16xi32>
      %mul3A_215 = arith.constant 33555 : i32
      %mul3A_216 = vector.broadcast %mul3A_215 : i32 to vector<16xi32>
      %mul3A_217 = arith.muli %shift_right_logical3A_214, %mul3A_216 : vector<16xi32>
      %shift_right_logical3A_218 = arith.constant 22 : i32
      %shift_right_logical3A_219 = vector.broadcast %shift_right_logical3A_218 : i32 to vector<16xi32>
      %shift_right_logical3A_220 = arith.shrui %mul3A_217, %shift_right_logical3A_219 : vector<16xi32>
      %shift_right_logical3A_221 = arith.constant 1 : i32
      %shift_right_logical3A_222 = vector.broadcast %shift_right_logical3A_221 : i32 to vector<16xi32>
      %shift_right_logical3A_223 = arith.shrui %shift_right_logical3A_220, %shift_right_logical3A_222 : vector<16xi32>
      %mul3A_224 = arith.constant 4000 : i32
      %mul3A_225 = vector.broadcast %mul3A_224 : i32 to vector<16xi32>
      %mul3A_226 = arith.muli %shift_right_logical3A_223, %mul3A_225 : vector<16xi32>
      %mul3A_227 = arith.constant 4000 : i32
      %mul3A_228 = vector.broadcast %mul3A_227 : i32 to vector<16xi32>
      %mul3A_229 = arith.muli %shift_right_logical3A_220, %mul3A_228 : vector<16xi32>
      %sub3A_230 = arith.subi %get3A_211, %mul3A_229 : vector<16xi32>
      %add3A_231 = arith.addi %mul3A_226, %sub3A_230 : vector<16xi32>
      %swap3A_232 = arith.constant 0 : i32
      %swap3A_233 = arith.index_cast %swap3A_232 : i32 to index
      %swap3A_234 = arith.constant 80 : index
      %swap3A_235 = tpu.vector_load %arg6[%swap3A_233, %swap3A_234] {strides = array<i32>} : memref<8x128xi32, #tpu.memory_space<vmem>>, vector<1x16xi32>,
      %swap3A_236 = vector.shape_cast %swap3A_235 : vector<1x16xi32> to vector<16xi32>
      %swap3A_237 = vector.shape_cast %add3A_231 : vector<16xi32> to vector<1x16xi32>
      tpu.vector_store %arg6[%swap3A_233, %swap3A_234], %swap3A_237 {strides = array<i32>} : memref<8x128xi32, #tpu.memory_space<vmem>>, vector<1x16xi32>,
      %and3A_238 = arith.constant 1 : i32
      %and3A_239 = vector.broadcast %and3A_238 : i32 to vector<16xi32>
      %and3A_240 = arith.andi %shift_right_logical3A_220, %and3A_239 : vector<16xi32>
      %swap3A_241 = arith.constant 0 : i32
      %swap3A_242 = arith.index_cast %swap3A_241 : i32 to index
      %swap3A_243 = arith.constant 80 : index
      %swap3A_244 = tpu.vector_load %arg5[%swap3A_242, %swap3A_243] {strides = array<i32>} : memref<8x128xi32, #tpu.memory_space<vmem>>, vector<1x16xi32>,
      %swap3A_245 = vector.shape_cast %swap3A_244 : vector<1x16xi32> to vector<16xi32>
      %swap3A_246 = vector.shape_cast %and3A_240 : vector<16xi32> to vector<1x16xi32>
      tpu.vector_store %arg5[%swap3A_242, %swap3A_243], %swap3A_246 {strides = array<i32>} : memref<8x128xi32, #tpu.memory_space<vmem>>, vector<1x16xi32>,
      %get3A_247 = arith.constant 0 : i32
      %get3A_248 = arith.index_cast %get3A_247 : i32 to index
      %get3A_249 = arith.constant 96 : index
      %get3A_250 = tpu.vector_load %arg5[%get3A_248, %get3A_249] {strides = array<i32>} : memref<8x128xi32, #tpu.memory_space<vmem>>, vector<1x16xi32>,
      %get3A_251 = vector.shape_cast %get3A_250 : vector<1x16xi32> to vector<16xi32>
      %shift_right_logical3A_252 = arith.constant 5 : i32
      %shift_right_logical3A_253 = vector.broadcast %shift_right_logical3A_252 : i32 to vector<16xi32>
      %shift_right_logical3A_254 = arith.shrui %get3A_251, %shift_right_logical3A_253 : vector<16xi32>
      %mul3A_255 = arith.constant 33555 : i32
      %mul3A_256 = vector.broadcast %mul3A_255 : i32 to vector<16xi32>
      %mul3A_257 = arith.muli %shift_right_logical3A_254, %mul3A_256 : vector<16xi32>
      %shift_right_logical3A_258 = arith.constant 22 : i32
      %shift_right_logical3A_259 = vector.broadcast %shift_right_logical3A_258 : i32 to vector<16xi32>
      %shift_right_logical3A_260 = arith.shrui %mul3A_257, %shift_right_logical3A_259 : vector<16xi32>
      %shift_right_logical3A_261 = arith.constant 1 : i32
      %shift_right_logical3A_262 = vector.broadcast %shift_right_logical3A_261 : i32 to vector<16xi32>
      %shift_right_logical3A_263 = arith.shrui %shift_right_logical3A_260, %shift_right_logical3A_262 : vector<16xi32>
      %mul3A_264 = arith.constant 4000 : i32
      %mul3A_265 = vector.broadcast %mul3A_264 : i32 to vector<16xi32>
      %mul3A_266 = arith.muli %shift_right_logical3A_263, %mul3A_265 : vector<16xi32>
      %mul3A_267 = arith.constant 4000 : i32
      %mul3A_268 = vector.broadcast %mul3A_267 : i32 to vector<16xi32>
      %mul3A_269 = arith.muli %shift_right_logical3A_260, %mul3A_268 : vector<16xi32>
      %sub3A_270 = arith.subi %get3A_251, %mul3A_269 : vector<16xi32>
      %add3A_271 = arith.addi %mul3A_266, %sub3A_270 : vector<16xi32>
      %swap3A_272 = arith.constant 0 : i32
      %swap3A_273 = arith.index_cast %swap3A_272 : i32 to index
      %swap3A_274 = arith.constant 96 : index
      %swap3A_275 = tpu.vector_load %arg6[%swap3A_273, %swap3A_274] {strides = array<i32>} : memref<8x128xi32, #tpu.memory_space<vmem>>, vector<1x16xi32>,
      %swap3A_276 = vector.shape_cast %swap3A_275 : vector<1x16xi32> to vector<16xi32>
      %swap3A_277 = vector.shape_cast %add3A_271 : vector<16xi32> to vector<1x16xi32>
      tpu.vector_store %arg6[%swap3A_273, %swap3A_274], %swap3A_277 {strides = array<i32>} : memref<8x128xi32, #tpu.memory_space<vmem>>, vector<1x16xi32>,
      %and3A_278 = arith.constant 1 : i32
      %and3A_279 = vector.broadcast %and3A_278 : i32 to vector<16xi32>
      %and3A_280 = arith.andi %shift_right_logical3A_260, %and3A_279 : vector<16xi32>
      %swap3A_281 = arith.constant 0 : i32
      %swap3A_282 = arith.index_cast %swap3A_281 : i32 to index
      %swap3A_283 = arith.constant 96 : index
      %swap3A_284 = tpu.vector_load %arg5[%swap3A_282, %swap3A_283] {strides = array<i32>} : memref<8x128xi32, #tpu.memory_space<vmem>>, vector<1x16xi32>,
      %swap3A_285 = vector.shape_cast %swap3A_284 : vector<1x16xi32> to vector<16xi32>
      %swap3A_286 = vector.shape_cast %and3A_280 : vector<16xi32> to vector<1x16xi32>
      tpu.vector_store %arg5[%swap3A_282, %swap3A_283], %swap3A_286 {strides = array<i32>} : memref<8x128xi32, #tpu.memory_space<vmem>>, vector<1x16xi32>,
      %get3A_287 = arith.constant 0 : i32
      %get3A_288 = arith.index_cast %get3A_287 : i32 to index
      %get3A_289 = arith.constant 112 : index
      %get3A_290 = tpu.vector_load %arg5[%get3A_288, %get3A_289] {strides = array<i32>} : memref<8x128xi32, #tpu.memory_space<vmem>>, vector<1x16xi32>,
      %get3A_291 = vector.shape_cast %get3A_290 : vector<1x16xi32> to vector<16xi32>
      %shift_right_logical3A_292 = arith.constant 5 : i32
      %shift_right_logical3A_293 = vector.broadcast %shift_right_logical3A_292 : i32 to vector<16xi32>
      %shift_right_logical3A_294 = arith.shrui %get3A_291, %shift_right_logical3A_293 : vector<16xi32>
      %mul3A_295 = arith.constant 33555 : i32
      %mul3A_296 = vector.broadcast %mul3A_295 : i32 to vector<16xi32>
      %mul3A_297 = arith.muli %shift_right_logical3A_294, %mul3A_296 : vector<16xi32>
      %shift_right_logical3A_298 = arith.constant 22 : i32
      %shift_right_logical3A_299 = vector.broadcast %shift_right_logical3A_298 : i32 to vector<16xi32>
      %shift_right_logical3A_300 = arith.shrui %mul3A_297, %shift_right_logical3A_299 : vector<16xi32>
      %shift_right_logical3A_301 = arith.constant 1 : i32
      %shift_right_logical3A_302 = vector.broadcast %shift_right_logical3A_301 : i32 to vector<16xi32>
      %shift_right_logical3A_303 = arith.shrui %shift_right_logical3A_300, %shift_right_logical3A_302 : vector<16xi32>
      %mul3A_304 = arith.constant 4000 : i32
      %mul3A_305 = vector.broadcast %mul3A_304 : i32 to vector<16xi32>
      %mul3A_306 = arith.muli %shift_right_logical3A_303, %mul3A_305 : vector<16xi32>
      %mul3A_307 = arith.constant 4000 : i32
      %mul3A_308 = vector.broadcast %mul3A_307 : i32 to vector<16xi32>
      %mul3A_309 = arith.muli %shift_right_logical3A_300, %mul3A_308 : vector<16xi32>
      %sub3A_310 = arith.subi %get3A_291, %mul3A_309 : vector<16xi32>
      %add3A_311 = arith.addi %mul3A_306, %sub3A_310 : vector<16xi32>
      %swap3A_312 = arith.constant 0 : i32
      %swap3A_313 = arith.index_cast %swap3A_312 : i32 to index
      %swap3A_314 = arith.constant 112 : index
      %swap3A_315 = tpu.vector_load %arg6[%swap3A_313, %swap3A_314] {strides = array<i32>} : memref<8x128xi32, #tpu.memory_space<vmem>>, vector<1x16xi32>,
      %swap3A_316 = vector.shape_cast %swap3A_315 : vector<1x16xi32> to vector<16xi32>
      %swap3A_317 = vector.shape_cast %add3A_311 : vector<16xi32> to vector<1x16xi32>
      tpu.vector_store %arg6[%swap3A_313, %swap3A_314], %swap3A_317 {strides = array<i32>} : memref<8x128xi32, #tpu.memory_space<vmem>>, vector<1x16xi32>,
      %and3A_318 = arith.constant 1 : i32
      %and3A_319 = vector.broadcast %and3A_318 : i32 to vector<16xi32>
      %and3A_320 = arith.andi %shift_right_logical3A_300, %and3A_319 : vector<16xi32>
      %swap3A_321 = arith.constant 0 : i32
      %swap3A_322 = arith.index_cast %swap3A_321 : i32 to index
      %swap3A_323 = arith.constant 112 : index
      %swap3A_324 = tpu.vector_load %arg5[%swap3A_322, %swap3A_323] {strides = array<i32>} : memref<8x128xi32, #tpu.memory_space<vmem>>, vector<1x16xi32>,
      %swap3A_325 = vector.shape_cast %swap3A_324 : vector<1x16xi32> to vector<16xi32>
      %swap3A_326 = vector.shape_cast %and3A_320 : vector<16xi32> to vector<1x16xi32>
      tpu.vector_store %arg5[%swap3A_322, %swap3A_323], %swap3A_326 {strides = array<i32>} : memref<8x128xi32, #tpu.memory_space<vmem>>, vector<1x16xi32>,
      %get3A_327 = arith.constant 1 : i32
      %get3A_328 = arith.index_cast %get3A_327 : i32 to index
      %get3A_329 = arith.constant 0 : index
      %get3A_330 = tpu.vector_load %arg5[%get3A_328, %get3A_329] {strides = array<i32>} : memref<8x128xi32, #tpu.memory_space<vmem>>, vector<1x16xi32>,
      %get3A_331 = vector.shape_cast %get3A_330 : vector<1x16xi32> to vector<16xi32>
      %shift_right_logical3A_332 = arith.constant 5 : i32
      %shift_right_logical3A_333 = vector.broadcast %shift_right_logical3A_332 : i32 to vector<16xi32>
      %shift_right_logical3A_334 = arith.shrui %get3A_331, %shift_right_logical3A_333 : vector<16xi32>
      %mul3A_335 = arith.constant 33555 : i32
      %mul3A_336 = vector.broadcast %mul3A_335 : i32 to vector<16xi32>
      %mul3A_337 = arith.muli %shift_right_logical3A_334, %mul3A_336 : vector<16xi32>
      %shift_right_logical3A_338 = arith.constant 22 : i32
      %shift_right_logical3A_339 = vector.broadcast %shift_right_logical3A_338 : i32 to vector<16xi32>
      %shift_right_logical3A_340 = arith.shrui %mul3A_337, %shift_right_logical3A_339 : vector<16xi32>
      %shift_right_logical3A_341 = arith.constant 1 : i32
      %shift_right_logical3A_342 = vector.broadcast %shift_right_logical3A_341 : i32 to vector<16xi32>
      %shift_right_logical3A_343 = arith.shrui %shift_right_logical3A_340, %shift_right_logical3A_342 : vector<16xi32>
      %mul3A_344 = arith.constant 4000 : i32
      %mul3A_345 = vector.broadcast %mul3A_344 : i32 to vector<16xi32>
      %mul3A_346 = arith.muli %shift_right_logical3A_343, %mul3A_345 : vector<16xi32>
      %mul3A_347 = arith.constant 4000 : i32
      %mul3A_348 = vector.broadcast %mul3A_347 : i32 to vector<16xi32>
      %mul3A_349 = arith.muli %shift_right_logical3A_340, %mul3A_348 : vector<16xi32>
      %sub3A_350 = arith.subi %get3A_331, %mul3A_349 : vector<16xi32>
      %add3A_351 = arith.addi %mul3A_346, %sub3A_350 : vector<16xi32>
      %swap3A_352 = arith.constant 1 : i32
      %swap3A_353 = arith.index_cast %swap3A_352 : i32 to index
      %swap3A_354 = arith.constant 0 : index
      %swap3A_355 = tpu.vector_load %arg6[%swap3A_353, %swap3A_354] {strides = array<i32>} : memref<8x128xi32, #tpu.memory_space<vmem>>, vector<1x16xi32>,
      %swap3A_356 = vector.shape_cast %swap3A_355 : vector<1x16xi32> to vector<16xi32>
      %swap3A_357 = vector.shape_cast %add3A_351 : vector<16xi32> to vector<1x16xi32>
      tpu.vector_store %arg6[%swap3A_353, %swap3A_354], %swap3A_357 {strides = array<i32>} : memref<8x128xi32, #tpu.memory_space<vmem>>, vector<1x16xi32>,
      %and3A_358 = arith.constant 1 : i32
      %and3A_359 = vector.broadcast %and3A_358 : i32 to vector<16xi32>
      %and3A_360 = arith.andi %shift_right_logical3A_340, %and3A_359 : vector<16xi32>
      %swap3A_361 = arith.constant 1 : i32
      %swap3A_362 = arith.index_cast %swap3A_361 : i32 to index
      %swap3A_363 = arith.constant 0 : index
      %swap3A_364 = tpu.vector_load %arg5[%swap3A_362, %swap3A_363] {strides = array<i32>} : memref<8x128xi32, #tpu.memory_space<vmem>>, vector<1x16xi32>,
      %swap3A_365 = vector.shape_cast %swap3A_364 : vector<1x16xi32> to vector<16xi32>
      %swap3A_366 = vector.shape_cast %and3A_360 : vector<16xi32> to vector<1x16xi32>
      tpu.vector_store %arg5[%swap3A_362, %swap3A_363], %swap3A_366 {strides = array<i32>} : memref<8x128xi32, #tpu.memory_space<vmem>>, vector<1x16xi32>,
      %get3A_367 = arith.constant 1 : i32
      %get3A_368 = arith.index_cast %get3A_367 : i32 to index
      %get3A_369 = arith.constant 16 : index
      %get3A_370 = tpu.vector_load %arg5[%get3A_368, %get3A_369] {strides = array<i32>} : memref<8x128xi32, #tpu.memory_space<vmem>>, vector<1x16xi32>,
      %get3A_371 = vector.shape_cast %get3A_370 : vector<1x16xi32> to vector<16xi32>
      %shift_right_logical3A_372 = arith.constant 5 : i32
      %shift_right_logical3A_373 = vector.broadcast %shift_right_logical3A_372 : i32 to vector<16xi32>
      %shift_right_logical3A_374 = arith.shrui %get3A_371, %shift_right_logical3A_373 : vector<16xi32>
      %mul3A_375 = arith.constant 33555 : i32
      %mul3A_376 = vector.broadcast %mul3A_375 : i32 to vector<16xi32>
      %mul3A_377 = arith.muli %shift_right_logical3A_374, %mul3A_376 : vector<16xi32>
      %shift_right_logical3A_378 = arith.constant 22 : i32
      %shift_right_logical3A_379 = vector.broadcast %shift_right_logical3A_378 : i32 to vector<16xi32>
      %shift_right_logical3A_380 = arith.shrui %mul3A_377, %shift_right_logical3A_379 : vector<16xi32>
      %shift_right_logical3A_381 = arith.constant 1 : i32
      %shift_right_logical3A_382 = vector.broadcast %shift_right_logical3A_381 : i32 to vector<16xi32>
      %shift_right_logical3A_383 = arith.shrui %shift_right_logical3A_380, %shift_right_logical3A_382 : vector<16xi32>
      %mul3A_384 = arith.constant 4000 : i32
      %mul3A_385 = vector.broadcast %mul3A_384 : i32 to vector<16xi32>
      %mul3A_386 = arith.muli %shift_right_logical3A_383, %mul3A_385 : vector<16xi32>
      %mul3A_387 = arith.constant 4000 : i32
      %mul3A_388 = vector.broadcast %mul3A_387 : i32 to vector<16xi32>
      %mul3A_389 = arith.muli %shift_right_logical3A_380, %mul3A_388 : vector<16xi32>
      %sub3A_390 = arith.subi %get3A_371, %mul3A_389 : vector<16xi32>
      %add3A_391 = arith.addi %mul3A_386, %sub3A_390 : vector<16xi32>
      %swap3A_392 = arith.constant 1 : i32
      %swap3A_393 = arith.index_cast %swap3A_392 : i32 to index
      %swap3A_394 = arith.constant 16 : index
      %swap3A_395 = tpu.vector_load %arg6[%swap3A_393, %swap3A_394] {strides = array<i32>} : memref<8x128xi32, #tpu.memory_space<vmem>>, vector<1x16xi32>,
      %swap3A_396 = vector.shape_cast %swap3A_395 : vector<1x16xi32> to vector<16xi32>
      %swap3A_397 = vector.shape_cast %add3A_391 : vector<16xi32> to vector<1x16xi32>
      tpu.vector_store %arg6[%swap3A_393, %swap3A_394], %swap3A_397 {strides = array<i32>} : memref<8x128xi32, #tpu.memory_space<vmem>>, vector<1x16xi32>,
      %and3A_398 = arith.constant 1 : i32
      %and3A_399 = vector.broadcast %and3A_398 : i32 to vector<16xi32>
      %and3A_400 = arith.andi %shift_right_logical3A_380, %and3A_399 : vector<16xi32>
      %swap3A_401 = arith.constant 1 : i32
      %swap3A_402 = arith.index_cast %swap3A_401 : i32 to index
      %swap3A_403 = arith.constant 16 : index
      %swap3A_404 = tpu.vector_load %arg5[%swap3A_402, %swap3A_403] {strides = array<i32>} : memref<8x128xi32, #tpu.memory_space<vmem>>, vector<1x16xi32>,
      %swap3A_405 = vector.shape_cast %swap3A_404 : vector<1x16xi32> to vector<16xi32>
      %swap3A_406 = vector.shape_cast %and3A_400 : vector<16xi32> to vector<1x16xi32>
      tpu.vector_store %arg5[%swap3A_402, %swap3A_403], %swap3A_406 {strides = array<i32>} : memref<8x128xi32, #tpu.memory_space<vmem>>, vector<1x16xi32>,
      %get3A_407 = arith.constant 1 : i32
      %get3A_408 = arith.index_cast %get3A_407 : i32 to index
      %get3A_409 = arith.constant 32 : index
      %get3A_410 = tpu.vector_load %arg5[%get3A_408, %get3A_409] {strides = array<i32>} : memref<8x128xi32, #tpu.memory_space<vmem>>, vector<1x16xi32>,
      %get3A_411 = vector.shape_cast %get3A_410 : vector<1x16xi32> to vector<16xi32>
      %shift_right_logical3A_412 = arith.constant 5 : i32
      %shift_right_logical3A_413 = vector.broadcast %shift_right_logical3A_412 : i32 to vector<16xi32>
      %shift_right_logical3A_414 = arith.shrui %get3A_411, %shift_right_logical3A_413 : vector<16xi32>
      %mul3A_415 = arith.constant 33555 : i32
      %mul3A_416 = vector.broadcast %mul3A_415 : i32 to vector<16xi32>
      %mul3A_417 = arith.muli %shift_right_logical3A_414, %mul3A_416 : vector<16xi32>
      %shift_right_logical3A_418 = arith.constant 22 : i32
      %shift_right_logical3A_419 = vector.broadcast %shift_right_logical3A_418 : i32 to vector<16xi32>
      %shift_right_logical3A_420 = arith.shrui %mul3A_417, %shift_right_logical3A_419 : vector<16xi32>
      %shift_right_logical3A_421 = arith.constant 1 : i32
      %shift_right_logical3A_422 = vector.broadcast %shift_right_logical3A_421 : i32 to vector<16xi32>
      %shift_right_logical3A_423 = arith.shrui %shift_right_logical3A_420, %shift_right_logical3A_422 : vector<16xi32>
      %mul3A_424 = arith.constant 4000 : i32
      %mul3A_425 = vector.broadcast %mul3A_424 : i32 to vector<16xi32>
      %mul3A_426 = arith.muli %shift_right_logical3A_423, %mul3A_425 : vector<16xi32>
      %mul3A_427 = arith.constant 4000 : i32
      %mul3A_428 = vector.broadcast %mul3A_427 : i32 to vector<16xi32>
      %mul3A_429 = arith.muli %shift_right_logical3A_420, %mul3A_428 : vector<16xi32>
      %sub3A_430 = arith.subi %get3A_411, %mul3A_429 : vector<16xi32>
      %add3A_431 = arith.addi %mul3A_426, %sub3A_430 : vector<16xi32>
      %swap3A_432 = arith.constant 1 : i32
      %swap3A_433 = arith.index_cast %swap3A_432 : i32 to index
      %swap3A_434 = arith.constant 32 : index
      %swap3A_435 = tpu.vector_load %arg6[%swap3A_433, %swap3A_434] {strides = array<i32>} : memref<8x128xi32, #tpu.memory_space<vmem>>, vector<1x16xi32>,
      %swap3A_436 = vector.shape_cast %swap3A_435 : vector<1x16xi32> to vector<16xi32>
      %swap3A_437 = vector.shape_cast %add3A_431 : vector<16xi32> to vector<1x16xi32>
      tpu.vector_store %arg6[%swap3A_433, %swap3A_434], %swap3A_437 {strides = array<i32>} : memref<8x128xi32, #tpu.memory_space<vmem>>, vector<1x16xi32>,
      %and3A_438 = arith.constant 1 : i32
      %and3A_439 = vector.broadcast %and3A_438 : i32 to vector<16xi32>
      %and3A_440 = arith.andi %shift_right_logical3A_420, %and3A_439 : vector<16xi32>
      %swap3A_441 = arith.constant 1 : i32
      %swap3A_442 = arith.index_cast %swap3A_441 : i32 to index
      %swap3A_443 = arith.constant 32 : index
      %swap3A_444 = tpu.vector_load %arg5[%swap3A_442, %swap3A_443] {strides = array<i32>} : memref<8x128xi32, #tpu.memory_space<vmem>>, vector<1x16xi32>,
      %swap3A_445 = vector.shape_cast %swap3A_444 : vector<1x16xi32> to vector<16xi32>
      %swap3A_446 = vector.shape_cast %and3A_440 : vector<16xi32> to vector<1x16xi32>
      tpu.vector_store %arg5[%swap3A_442, %swap3A_443], %swap3A_446 {strides = array<i32>} : memref<8x128xi32, #tpu.memory_space<vmem>>, vector<1x16xi32>,
      %get3A_447 = arith.constant 1 : i32
      %get3A_448 = arith.index_cast %get3A_447 : i32 to index
      %get3A_449 = arith.constant 48 : index
      %get3A_450 = tpu.vector_load %arg5[%get3A_448, %get3A_449] {strides = array<i32>} : memref<8x128xi32, #tpu.memory_space<vmem>>, vector<1x16xi32>,
      %get3A_451 = vector.shape_cast %get3A_450 : vector<1x16xi32> to vector<16xi32>
      %shift_right_logical3A_452 = arith.constant 5 : i32
      %shift_right_logical3A_453 = vector.broadcast %shift_right_logical3A_452 : i32 to vector<16xi32>
      %shift_right_logical3A_454 = arith.shrui %get3A_451, %shift_right_logical3A_453 : vector<16xi32>
      %mul3A_455 = arith.constant 33555 : i32
      %mul3A_456 = vector.broadcast %mul3A_455 : i32 to vector<16xi32>
      %mul3A_457 = arith.muli %shift_right_logical3A_454, %mul3A_456 : vector<16xi32>
      %shift_right_logical3A_458 = arith.constant 22 : i32
      %shift_right_logical3A_459 = vector.broadcast %shift_right_logical3A_458 : i32 to vector<16xi32>
      %shift_right_logical3A_460 = arith.shrui %mul3A_457, %shift_right_logical3A_459 : vector<16xi32>
      %shift_right_logical3A_461 = arith.constant 1 : i32
      %shift_right_logical3A_462 = vector.broadcast %shift_right_logical3A_461 : i32 to vector<16xi32>
      %shift_right_logical3A_463 = arith.shrui %shift_right_logical3A_460, %shift_right_logical3A_462 : vector<16xi32>
      %mul3A_464 = arith.constant 4000 : i32
      %mul3A_465 = vector.broadcast %mul3A_464 : i32 to vector<16xi32>
      %mul3A_466 = arith.muli %shift_right_logical3A_463, %mul3A_465 : vector<16xi32>
      %mul3A_467 = arith.constant 4000 : i32
      %mul3A_468 = vector.broadcast %mul3A_467 : i32 to vector<16xi32>
      %mul3A_469 = arith.muli %shift_right_logical3A_460, %mul3A_468 : vector<16xi32>
      %sub3A_470 = arith.subi %get3A_451, %mul3A_469 : vector<16xi32>
      %add3A_471 = arith.addi %mul3A_466, %sub3A_470 : vector<16xi32>
      %swap3A_472 = arith.constant 1 : i32
      %swap3A_473 = arith.index_cast %swap3A_472 : i32 to index
      %swap3A_474 = arith.constant 48 : index
      %swap3A_475 = tpu.vector_load %arg6[%swap3A_473, %swap3A_474] {strides = array<i32>} : memref<8x128xi32, #tpu.memory_space<vmem>>, vector<1x16xi32>,
      %swap3A_476 = vector.shape_cast %swap3A_475 : vector<1x16xi32> to vector<16xi32>
      %swap3A_477 = vector.shape_cast %add3A_471 : vector<16xi32> to vector<1x16xi32>
      tpu.vector_store %arg6[%swap3A_473, %swap3A_474], %swap3A_477 {strides = array<i32>} : memref<8x128xi32, #tpu.memory_space<vmem>>, vector<1x16xi32>,
      %and3A_478 = arith.constant 1 : i32
      %and3A_479 = vector.broadcast %and3A_478 : i32 to vector<16xi32>
      %and3A_480 = arith.andi %shift_right_logical3A_460, %and3A_479 : vector<16xi32>
      %swap3A_481 = arith.constant 1 : i32
      %swap3A_482 = arith.index_cast %swap3A_481 : i32 to index
      %swap3A_483 = arith.constant 48 : index
      %swap3A_484 = tpu.vector_load %arg5[%swap3A_482, %swap3A_483] {strides = array<i32>} : memref<8x128xi32, #tpu.memory_space<vmem>>, vector<1x16xi32>,
      %swap3A_485 = vector.shape_cast %swap3A_484 : vector<1x16xi32> to vector<16xi32>
      %swap3A_486 = vector.shape_cast %and3A_480 : vector<16xi32> to vector<1x16xi32>
      tpu.vector_store %arg5[%swap3A_482, %swap3A_483], %swap3A_486 {strides = array<i32>} : memref<8x128xi32, #tpu.memory_space<vmem>>, vector<1x16xi32>,
      %get3A_487 = arith.constant 1 : i32
      %get3A_488 = arith.index_cast %get3A_487 : i32 to index
      %get3A_489 = arith.constant 64 : index
      %get3A_490 = tpu.vector_load %arg5[%get3A_488, %get3A_489] {strides = array<i32>} : memref<8x128xi32, #tpu.memory_space<vmem>>, vector<1x16xi32>,
      %get3A_491 = vector.shape_cast %get3A_490 : vector<1x16xi32> to vector<16xi32>
      %shift_right_logical3A_492 = arith.constant 5 : i32
      %shift_right_logical3A_493 = vector.broadcast %shift_right_logical3A_492 : i32 to vector<16xi32>
      %shift_right_logical3A_494 = arith.shrui %get3A_491, %shift_right_logical3A_493 : vector<16xi32>
      %mul3A_495 = arith.constant 33555 : i32
      %mul3A_496 = vector.broadcast %mul3A_495 : i32 to vector<16xi32>
      %mul3A_497 = arith.muli %shift_right_logical3A_494, %mul3A_496 : vector<16xi32>
      %shift_right_logical3A_498 = arith.constant 22 : i32
      %shift_right_logical3A_499 = vector.broadcast %shift_right_logical3A_498 : i32 to vector<16xi32>
      %shift_right_logical3A_500 = arith.shrui %mul3A_497, %shift_right_logical3A_499 : vector<16xi32>
      %shift_right_logical3A_501 = arith.constant 1 : i32
      %shift_right_logical3A_502 = vector.broadcast %shift_right_logical3A_501 : i32 to vector<16xi32>
      %shift_right_logical3A_503 = arith.shrui %shift_right_logical3A_500, %shift_right_logical3A_502 : vector<16xi32>
      %mul3A_504 = arith.constant 4000 : i32
      %mul3A_505 = vector.broadcast %mul3A_504 : i32 to vector<16xi32>
      %mul3A_506 = arith.muli %shift_right_logical3A_503, %mul3A_505 : vector<16xi32>
      %mul3A_507 = arith.constant 4000 : i32
      %mul3A_508 = vector.broadcast %mul3A_507 : i32 to vector<16xi32>
      %mul3A_509 = arith.muli %shift_right_logical3A_500, %mul3A_508 : vector<16xi32>
      %sub3A_510 = arith.subi %get3A_491, %mul3A_509 : vector<16xi32>
      %add3A_511 = arith.addi %mul3A_506, %sub3A_510 : vector<16xi32>
      %swap3A_512 = arith.constant 1 : i32
      %swap3A_513 = arith.index_cast %swap3A_512 : i32 to index
      %swap3A_514 = arith.constant 64 : index
      %swap3A_515 = tpu.vector_load %arg6[%swap3A_513, %swap3A_514] {strides = array<i32>} : memref<8x128xi32, #tpu.memory_space<vmem>>, vector<1x16xi32>,
      %swap3A_516 = vector.shape_cast %swap3A_515 : vector<1x16xi32> to vector<16xi32>
      %swap3A_517 = vector.shape_cast %add3A_511 : vector<16xi32> to vector<1x16xi32>
      tpu.vector_store %arg6[%swap3A_513, %swap3A_514], %swap3A_517 {strides = array<i32>} : memref<8x128xi32, #tpu.memory_space<vmem>>, vector<1x16xi32>,
      %and3A_518 = arith.constant 1 : i32
      %and3A_519 = vector.broadcast %and3A_518 : i32 to vector<16xi32>
      %and3A_520 = arith.andi %shift_right_logical3A_500, %and3A_519 : vector<16xi32>
      %swap3A_521 = arith.constant 1 : i32
      %swap3A_522 = arith.index_cast %swap3A_521 : i32 to index
      %swap3A_523 = arith.constant 64 : index
      %swap3A_524 = tpu.vector_load %arg5[%swap3A_522, %swap3A_523] {strides = array<i32>} : memref<8x128xi32, #tpu.memory_space<vmem>>, vector<1x16xi32>,
      %swap3A_525 = vector.shape_cast %swap3A_524 : vector<1x16xi32> to vector<16xi32>
      %swap3A_526 = vector.shape_cast %and3A_520 : vector<16xi32> to vector<1x16xi32>
      tpu.vector_store %arg5[%swap3A_522, %swap3A_523], %swap3A_526 {strides = array<i32>} : memref<8x128xi32, #tpu.memory_space<vmem>>, vector<1x16xi32>,
      %get3A_527 = arith.constant 1 : i32
      %get3A_528 = arith.index_cast %get3A_527 : i32 to index
      %get3A_529 = arith.constant 80 : index
      %get3A_530 = tpu.vector_load %arg5[%get3A_528, %get3A_529] {strides = array<i32>} : memref<8x128xi32, #tpu.memory_space<vmem>>, vector<1x16xi32>,
      %get3A_531 = vector.shape_cast %get3A_530 : vector<1x16xi32> to vector<16xi32>
      %shift_right_logical3A_532 = arith.constant 5 : i32
      %shift_right_logical3A_533 = vector.broadcast %shift_right_logical3A_532 : i32 to vector<16xi32>
      %shift_right_logical3A_534 = arith.shrui %get3A_531, %shift_right_logical3A_533 : vector<16xi32>
      %mul3A_535 = arith.constant 33555 : i32
      %mul3A_536 = vector.broadcast %mul3A_535 : i32 to vector<16xi32>
      %mul3A_537 = arith.muli %shift_right_logical3A_534, %mul3A_536 : vector<16xi32>
      %shift_right_logical3A_538 = arith.constant 22 : i32
      %shift_right_logical3A_539 = vector.broadcast %shift_right_logical3A_538 : i32 to vector<16xi32>
      %shift_right_logical3A_540 = arith.shrui %mul3A_537, %shift_right_logical3A_539 : vector<16xi32>
      %shift_right_logical3A_541 = arith.constant 1 : i32
      %shift_right_logical3A_542 = vector.broadcast %shift_right_logical3A_541 : i32 to vector<16xi32>
      %shift_right_logical3A_543 = arith.shrui %shift_right_logical3A_540, %shift_right_logical3A_542 : vector<16xi32>
      %mul3A_544 = arith.constant 4000 : i32
      %mul3A_545 = vector.broadcast %mul3A_544 : i32 to vector<16xi32>
      %mul3A_546 = arith.muli %shift_right_logical3A_543, %mul3A_545 : vector<16xi32>
      %mul3A_547 = arith.constant 4000 : i32
      %mul3A_548 = vector.broadcast %mul3A_547 : i32 to vector<16xi32>
      %mul3A_549 = arith.muli %shift_right_logical3A_540, %mul3A_548 : vector<16xi32>
      %sub3A_550 = arith.subi %get3A_531, %mul3A_549 : vector<16xi32>
      %add3A_551 = arith.addi %mul3A_546, %sub3A_550 : vector<16xi32>
      %swap3A_552 = arith.constant 1 : i32
      %swap3A_553 = arith.index_cast %swap3A_552 : i32 to index
      %swap3A_554 = arith.constant 80 : index
      %swap3A_555 = tpu.vector_load %arg6[%swap3A_553, %swap3A_554] {strides = array<i32>} : memref<8x128xi32, #tpu.memory_space<vmem>>, vector<1x16xi32>,
      %swap3A_556 = vector.shape_cast %swap3A_555 : vector<1x16xi32> to vector<16xi32>
      %swap3A_557 = vector.shape_cast %add3A_551 : vector<16xi32> to vector<1x16xi32>
      tpu.vector_store %arg6[%swap3A_553, %swap3A_554], %swap3A_557 {strides = array<i32>} : memref<8x128xi32, #tpu.memory_space<vmem>>, vector<1x16xi32>,
      %and3A_558 = arith.constant 1 : i32
      %and3A_559 = vector.broadcast %and3A_558 : i32 to vector<16xi32>
      %and3A_560 = arith.andi %shift_right_logical3A_540, %and3A_559 : vector<16xi32>
      %swap3A_561 = arith.constant 1 : i32
      %swap3A_562 = arith.index_cast %swap3A_561 : i32 to index
      %swap3A_563 = arith.constant 80 : index
      %swap3A_564 = tpu.vector_load %arg5[%swap3A_562, %swap3A_563] {strides = array<i32>} : memref<8x128xi32, #tpu.memory_space<vmem>>, vector<1x16xi32>,
      %swap3A_565 = vector.shape_cast %swap3A_564 : vector<1x16xi32> to vector<16xi32>
      %swap3A_566 = vector.shape_cast %and3A_560 : vector<16xi32> to vector<1x16xi32>
      tpu.vector_store %arg5[%swap3A_562, %swap3A_563], %swap3A_566 {strides = array<i32>} : memref<8x128xi32, #tpu.memory_space<vmem>>, vector<1x16xi32>,
      %get3A_567 = arith.constant 1 : i32
      %get3A_568 = arith.index_cast %get3A_567 : i32 to index
      %get3A_569 = arith.constant 96 : index
      %get3A_570 = tpu.vector_load %arg5[%get3A_568, %get3A_569] {strides = array<i32>} : memref<8x128xi32, #tpu.memory_space<vmem>>, vector<1x16xi32>,
      %get3A_571 = vector.shape_cast %get3A_570 : vector<1x16xi32> to vector<16xi32>
      %shift_right_logical3A_572 = arith.constant 5 : i32
      %shift_right_logical3A_573 = vector.broadcast %shift_right_logical3A_572 : i32 to vector<16xi32>
      %shift_right_logical3A_574 = arith.shrui %get3A_571, %shift_right_logical3A_573 : vector<16xi32>
      %mul3A_575 = arith.constant 33555 : i32
      %mul3A_576 = vector.broadcast %mul3A_575 : i32 to vector<16xi32>
      %mul3A_577 = arith.muli %shift_right_logical3A_574, %mul3A_576 : vector<16xi32>
      %shift_right_logical3A_578 = arith.constant 22 : i32
      %shift_right_logical3A_579 = vector.broadcast %shift_right_logical3A_578 : i32 to vector<16xi32>
      %shift_right_logical3A_580 = arith.shrui %mul3A_577, %shift_right_logical3A_579 : vector<16xi32>
      %shift_right_logical3A_581 = arith.constant 1 : i32
      %shift_right_logical3A_582 = vector.broadcast %shift_right_logical3A_581 : i32 to vector<16xi32>
      %shift_right_logical3A_583 = arith.shrui %shift_right_logical3A_580, %shift_right_logical3A_582 : vector<16xi32>
      %mul3A_584 = arith.constant 4000 : i32
      %mul3A_585 = vector.broadcast %mul3A_584 : i32 to vector<16xi32>
      %mul3A_586 = arith.muli %shift_right_logical3A_583, %mul3A_585 : vector<16xi32>
      %mul3A_587 = arith.constant 4000 : i32
      %mul3A_588 = vector.broadcast %mul3A_587 : i32 to vector<16xi32>
      %mul3A_589 = arith.muli %shift_right_logical3A_580, %mul3A_588 : vector<16xi32>
      %sub3A_590 = arith.subi %get3A_571, %mul3A_589 : vector<16xi32>
      %add3A_591 = arith.addi %mul3A_586, %sub3A_590 : vector<16xi32>
      %swap3A_592 = arith.constant 1 : i32
      %swap3A_593 = arith.index_cast %swap3A_592 : i32 to index
      %swap3A_594 = arith.constant 96 : index
      %swap3A_595 = tpu.vector_load %arg6[%swap3A_593, %swap3A_594] {strides = array<i32>} : memref<8x128xi32, #tpu.memory_space<vmem>>, vector<1x16xi32>,
      %swap3A_596 = vector.shape_cast %swap3A_595 : vector<1x16xi32> to vector<16xi32>
      %swap3A_597 = vector.shape_cast %add3A_591 : vector<16xi32> to vector<1x16xi32>
      tpu.vector_store %arg6[%swap3A_593, %swap3A_594], %swap3A_597 {strides = array<i32>} : memref<8x128xi32, #tpu.memory_space<vmem>>, vector<1x16xi32>,
      %and3A_598 = arith.constant 1 : i32
      %and3A_599 = vector.broadcast %and3A_598 : i32 to vector<16xi32>
      %and3A_600 = arith.andi %shift_right_logical3A_580, %and3A_599 : vector<16xi32>
      %swap3A_601 = arith.constant 1 : i32
      %swap3A_602 = arith.index_cast %swap3A_601 : i32 to index
      %swap3A_603 = arith.constant 96 : index
      %swap3A_604 = tpu.vector_load %arg5[%swap3A_602, %swap3A_603] {strides = array<i32>} : memref<8x128xi32, #tpu.memory_space<vmem>>, vector<1x16xi32>,
      %swap3A_605 = vector.shape_cast %swap3A_604 : vector<1x16xi32> to vector<16xi32>
      %swap3A_606 = vector.shape_cast %and3A_600 : vector<16xi32> to vector<1x16xi32>
      tpu.vector_store %arg5[%swap3A_602, %swap3A_603], %swap3A_606 {strides = array<i32>} : memref<8x128xi32, #tpu.memory_space<vmem>>, vector<1x16xi32>,
      %get3A_607 = arith.constant 1 : i32
      %get3A_608 = arith.index_cast %get3A_607 : i32 to index
      %get3A_609 = arith.constant 112 : index
      %get3A_610 = tpu.vector_load %arg5[%get3A_608, %get3A_609] {strides = array<i32>} : memref<8x128xi32, #tpu.memory_space<vmem>>, vector<1x16xi32>,
      %get3A_611 = vector.shape_cast %get3A_610 : vector<1x16xi32> to vector<16xi32>
      %shift_right_logical3A_612 = arith.constant 5 : i32
      %shift_right_logical3A_613 = vector.broadcast %shift_right_logical3A_612 : i32 to vector<16xi32>
      %shift_right_logical3A_614 = arith.shrui %get3A_611, %shift_right_logical3A_613 : vector<16xi32>
      %mul3A_615 = arith.constant 33555 : i32
      %mul3A_616 = vector.broadcast %mul3A_615 : i32 to vector<16xi32>
      %mul3A_617 = arith.muli %shift_right_logical3A_614, %mul3A_616 : vector<16xi32>
      %shift_right_logical3A_618 = arith.constant 22 : i32
      %shift_right_logical3A_619 = vector.broadcast %shift_right_logical3A_618 : i32 to vector<16xi32>
      %shift_right_logical3A_620 = arith.shrui %mul3A_617, %shift_right_logical3A_619 : vector<16xi32>
      %shift_right_logical3A_621 = arith.constant 1 : i32
      %shift_right_logical3A_622 = vector.broadcast %shift_right_logical3A_621 : i32 to vector<16xi32>
      %shift_right_logical3A_623 = arith.shrui %shift_right_logical3A_620, %shift_right_logical3A_622 : vector<16xi32>
      %mul3A_624 = arith.constant 4000 : i32
      %mul3A_625 = vector.broadcast %mul3A_624 : i32 to vector<16xi32>
      %mul3A_626 = arith.muli %shift_right_logical3A_623, %mul3A_625 : vector<16xi32>
      %mul3A_627 = arith.constant 4000 : i32
      %mul3A_628 = vector.broadcast %mul3A_627 : i32 to vector<16xi32>
      %mul3A_629 = arith.muli %shift_right_logical3A_620, %mul3A_628 : vector<16xi32>
      %sub3A_630 = arith.subi %get3A_611, %mul3A_629 : vector<16xi32>
      %add3A_631 = arith.addi %mul3A_626, %sub3A_630 : vector<16xi32>
      %swap3A_632 = arith.constant 1 : i32
      %swap3A_633 = arith.index_cast %swap3A_632 : i32 to index
      %swap3A_634 = arith.constant 112 : index
      %swap3A_635 = tpu.vector_load %arg6[%swap3A_633, %swap3A_634] {strides = array<i32>} : memref<8x128xi32, #tpu.memory_space<vmem>>, vector<1x16xi32>,
      %swap3A_636 = vector.shape_cast %swap3A_635 : vector<1x16xi32> to vector<16xi32>
      %swap3A_637 = vector.shape_cast %add3A_631 : vector<16xi32> to vector<1x16xi32>
      tpu.vector_store %arg6[%swap3A_633, %swap3A_634], %swap3A_637 {strides = array<i32>} : memref<8x128xi32, #tpu.memory_space<vmem>>, vector<1x16xi32>,
      %and3A_638 = arith.constant 1 : i32
      %and3A_639 = vector.broadcast %and3A_638 : i32 to vector<16xi32>
      %and3A_640 = arith.andi %shift_right_logical3A_620, %and3A_639 : vector<16xi32>
      %swap3A_641 = arith.constant 1 : i32
      %swap3A_642 = arith.index_cast %swap3A_641 : i32 to index
      %swap3A_643 = arith.constant 112 : index
      %swap3A_644 = tpu.vector_load %arg5[%swap3A_642, %swap3A_643] {strides = array<i32>} : memref<8x128xi32, #tpu.memory_space<vmem>>, vector<1x16xi32>,
      %swap3A_645 = vector.shape_cast %swap3A_644 : vector<1x16xi32> to vector<16xi32>
      %swap3A_646 = vector.shape_cast %and3A_640 : vector<16xi32> to vector<1x16xi32>
      tpu.vector_store %arg5[%swap3A_642, %swap3A_643], %swap3A_646 {strides = array<i32>} : memref<8x128xi32, #tpu.memory_space<vmem>>, vector<1x16xi32>,
      %get3A_647 = arith.constant 2 : i32
      %get3A_648 = arith.index_cast %get3A_647 : i32 to index
      %get3A_649 = arith.constant 0 : index
      %get3A_650 = tpu.vector_load %arg5[%get3A_648, %get3A_649] {strides = array<i32>} : memref<8x128xi32, #tpu.memory_space<vmem>>, vector<1x16xi32>,
      %get3A_651 = vector.shape_cast %get3A_650 : vector<1x16xi32> to vector<16xi32>
      %shift_right_logical3A_652 = arith.constant 5 : i32
      %shift_right_logical3A_653 = vector.broadcast %shift_right_logical3A_652 : i32 to vector<16xi32>
      %shift_right_logical3A_654 = arith.shrui %get3A_651, %shift_right_logical3A_653 : vector<16xi32>
      %mul3A_655 = arith.constant 33555 : i32
      %mul3A_656 = vector.broadcast %mul3A_655 : i32 to vector<16xi32>
      %mul3A_657 = arith.muli %shift_right_logical3A_654, %mul3A_656 : vector<16xi32>
      %shift_right_logical3A_658 = arith.constant 22 : i32
      %shift_right_logical3A_659 = vector.broadcast %shift_right_logical3A_658 : i32 to vector<16xi32>
      %shift_right_logical3A_660 = arith.shrui %mul3A_657, %shift_right_logical3A_659 : vector<16xi32>
      %shift_right_logical3A_661 = arith.constant 1 : i32
      %shift_right_logical3A_662 = vector.broadcast %shift_right_logical3A_661 : i32 to vector<16xi32>
      %shift_right_logical3A_663 = arith.shrui %shift_right_logical3A_660, %shift_right_logical3A_662 : vector<16xi32>
      %mul3A_664 = arith.constant 4000 : i32
      %mul3A_665 = vector.broadcast %mul3A_664 : i32 to vector<16xi32>
      %mul3A_666 = arith.muli %shift_right_logical3A_663, %mul3A_665 : vector<16xi32>
      %mul3A_667 = arith.constant 4000 : i32
      %mul3A_668 = vector.broadcast %mul3A_667 : i32 to vector<16xi32>
      %mul3A_669 = arith.muli %shift_right_logical3A_660, %mul3A_668 : vector<16xi32>
      %sub3A_670 = arith.subi %get3A_651, %mul3A_669 : vector<16xi32>
      %add3A_671 = arith.addi %mul3A_666, %sub3A_670 : vector<16xi32>
      %swap3A_672 = arith.constant 2 : i32
      %swap3A_673 = arith.index_cast %swap3A_672 : i32 to index
      %swap3A_674 = arith.constant 0 : index
      %swap3A_675 = tpu.vector_load %arg6[%swap3A_673, %swap3A_674] {strides = array<i32>} : memref<8x128xi32, #tpu.memory_space<vmem>>, vector<1x16xi32>,
      %swap3A_676 = vector.shape_cast %swap3A_675 : vector<1x16xi32> to vector<16xi32>
      %swap3A_677 = vector.shape_cast %add3A_671 : vector<16xi32> to vector<1x16xi32>
      tpu.vector_store %arg6[%swap3A_673, %swap3A_674], %swap3A_677 {strides = array<i32>} : memref<8x128xi32, #tpu.memory_space<vmem>>, vector<1x16xi32>,
      %and3A_678 = arith.constant 1 : i32
      %and3A_679 = vector.broadcast %and3A_678 : i32 to vector<16xi32>
      %and3A_680 = arith.andi %shift_right_logical3A_660, %and3A_679 : vector<16xi32>
      %swap3A_681 = arith.constant 2 : i32
      %swap3A_682 = arith.index_cast %swap3A_681 : i32 to index
      %swap3A_683 = arith.constant 0 : index
      %swap3A_684 = tpu.vector_load %arg5[%swap3A_682, %swap3A_683] {strides = array<i32>} : memref<8x128xi32, #tpu.memory_space<vmem>>, vector<1x16xi32>,
      %swap3A_685 = vector.shape_cast %swap3A_684 : vector<1x16xi32> to vector<16xi32>
      %swap3A_686 = vector.shape_cast %and3A_680 : vector<16xi32> to vector<1x16xi32>
      tpu.vector_store %arg5[%swap3A_682, %swap3A_683], %swap3A_686 {strides = array<i32>} : memref<8x128xi32, #tpu.memory_space<vmem>>, vector<1x16xi32>,
      %get3A_687 = arith.constant 2 : i32
      %get3A_688 = arith.index_cast %get3A_687 : i32 to index
      %get3A_689 = arith.constant 16 : index
      %get3A_690 = tpu.vector_load %arg5[%get3A_688, %get3A_689] {strides = array<i32>} : memref<8x128xi32, #tpu.memory_space<vmem>>, vector<1x16xi32>,
      %get3A_691 = vector.shape_cast %get3A_690 : vector<1x16xi32> to vector<16xi32>
      %shift_right_logical3A_692 = arith.constant 5 : i32
      %shift_right_logical3A_693 = vector.broadcast %shift_right_logical3A_692 : i32 to vector<16xi32>
      %shift_right_logical3A_694 = arith.shrui %get3A_691, %shift_right_logical3A_693 : vector<16xi32>
      %mul3A_695 = arith.constant 33555 : i32
      %mul3A_696 = vector.broadcast %mul3A_695 : i32 to vector<16xi32>
      %mul3A_697 = arith.muli %shift_right_logical3A_694, %mul3A_696 : vector<16xi32>
      %shift_right_logical3A_698 = arith.constant 22 : i32
      %shift_right_logical3A_699 = vector.broadcast %shift_right_logical3A_698 : i32 to vector<16xi32>
      %shift_right_logical3A_700 = arith.shrui %mul3A_697, %shift_right_logical3A_699 : vector<16xi32>
      %shift_right_logical3A_701 = arith.constant 1 : i32
      %shift_right_logical3A_702 = vector.broadcast %shift_right_logical3A_701 : i32 to vector<16xi32>
      %shift_right_logical3A_703 = arith.shrui %shift_right_logical3A_700, %shift_right_logical3A_702 : vector<16xi32>
      %mul3A_704 = arith.constant 4000 : i32
      %mul3A_705 = vector.broadcast %mul3A_704 : i32 to vector<16xi32>
      %mul3A_706 = arith.muli %shift_right_logical3A_703, %mul3A_705 : vector<16xi32>
      %mul3A_707 = arith.constant 4000 : i32
      %mul3A_708 = vector.broadcast %mul3A_707 : i32 to vector<16xi32>
      %mul3A_709 = arith.muli %shift_right_logical3A_700, %mul3A_708 : vector<16xi32>
      %sub3A_710 = arith.subi %get3A_691, %mul3A_709 : vector<16xi32>
      %add3A_711 = arith.addi %mul3A_706, %sub3A_710 : vector<16xi32>
      %swap3A_712 = arith.constant 2 : i32
      %swap3A_713 = arith.index_cast %swap3A_712 : i32 to index
      %swap3A_714 = arith.constant 16 : index
      %swap3A_715 = tpu.vector_load %arg6[%swap3A_713, %swap3A_714] {strides = array<i32>} : memref<8x128xi32, #tpu.memory_space<vmem>>, vector<1x16xi32>,
      %swap3A_716 = vector.shape_cast %swap3A_715 : vector<1x16xi32> to vector<16xi32>
      %swap3A_717 = vector.shape_cast %add3A_711 : vector<16xi32> to vector<1x16xi32>
      tpu.vector_store %arg6[%swap3A_713, %swap3A_714], %swap3A_717 {strides = array<i32>} : memref<8x128xi32, #tpu.memory_space<vmem>>, vector<1x16xi32>,
      %and3A_718 = arith.constant 1 : i32
      %and3A_719 = vector.broadcast %and3A_718 : i32 to vector<16xi32>
      %and3A_720 = arith.andi %shift_right_logical3A_700, %and3A_719 : vector<16xi32>
      %swap3A_721 = arith.constant 2 : i32
      %swap3A_722 = arith.index_cast %swap3A_721 : i32 to index
      %swap3A_723 = arith.constant 16 : index
      %swap3A_724 = tpu.vector_load %arg5[%swap3A_722, %swap3A_723] {strides = array<i32>} : memref<8x128xi32, #tpu.memory_space<vmem>>, vector<1x16xi32>,
      %swap3A_725 = vector.shape_cast %swap3A_724 : vector<1x16xi32> to vector<16xi32>
      %swap3A_726 = vector.shape_cast %and3A_720 : vector<16xi32> to vector<1x16xi32>
      tpu.vector_store %arg5[%swap3A_722, %swap3A_723], %swap3A_726 {strides = array<i32>} : memref<8x128xi32, #tpu.memory_space<vmem>>, vector<1x16xi32>,
      %get3A_727 = arith.constant 2 : i32
      %get3A_728 = arith.index_cast %get3A_727 : i32 to index
      %get3A_729 = arith.constant 32 : index
      %get3A_730 = tpu.vector_load %arg5[%get3A_728, %get3A_729] {strides = array<i32>} : memref<8x128xi32, #tpu.memory_space<vmem>>, vector<1x16xi32>,
      %get3A_731 = vector.shape_cast %get3A_730 : vector<1x16xi32> to vector<16xi32>
      %shift_right_logical3A_732 = arith.constant 5 : i32
      %shift_right_logical3A_733 = vector.broadcast %shift_right_logical3A_732 : i32 to vector<16xi32>
      %shift_right_logical3A_734 = arith.shrui %get3A_731, %shift_right_logical3A_733 : vector<16xi32>
      %mul3A_735 = arith.constant 33555 : i32
      %mul3A_736 = vector.broadcast %mul3A_735 : i32 to vector<16xi32>
      %mul3A_737 = arith.muli %shift_right_logical3A_734, %mul3A_736 : vector<16xi32>
      %shift_right_logical3A_738 = arith.constant 22 : i32
      %shift_right_logical3A_739 = vector.broadcast %shift_right_logical3A_738 : i32 to vector<16xi32>
      %shift_right_logical3A_740 = arith.shrui %mul3A_737, %shift_right_logical3A_739 : vector<16xi32>
      %shift_right_logical3A_741 = arith.constant 1 : i32
      %shift_right_logical3A_742 = vector.broadcast %shift_right_logical3A_741 : i32 to vector<16xi32>
      %shift_right_logical3A_743 = arith.shrui %shift_right_logical3A_740, %shift_right_logical3A_742 : vector<16xi32>
      %mul3A_744 = arith.constant 4000 : i32
      %mul3A_745 = vector.broadcast %mul3A_744 : i32 to vector<16xi32>
      %mul3A_746 = arith.muli %shift_right_logical3A_743, %mul3A_745 : vector<16xi32>
      %mul3A_747 = arith.constant 4000 : i32
      %mul3A_748 = vector.broadcast %mul3A_747 : i32 to vector<16xi32>
      %mul3A_749 = arith.muli %shift_right_logical3A_740, %mul3A_748 : vector<16xi32>
      %sub3A_750 = arith.subi %get3A_731, %mul3A_749 : vector<16xi32>
      %add3A_751 = arith.addi %mul3A_746, %sub3A_750 : vector<16xi32>
      %swap3A_752 = arith.constant 2 : i32
      %swap3A_753 = arith.index_cast %swap3A_752 : i32 to index
      %swap3A_754 = arith.constant 32 : index
      %swap3A_755 = tpu.vector_load %arg6[%swap3A_753, %swap3A_754] {strides = array<i32>} : memref<8x128xi32, #tpu.memory_space<vmem>>, vector<1x16xi32>,
      %swap3A_756 = vector.shape_cast %swap3A_755 : vector<1x16xi32> to vector<16xi32>
      %swap3A_757 = vector.shape_cast %add3A_751 : vector<16xi32> to vector<1x16xi32>
      tpu.vector_store %arg6[%swap3A_753, %swap3A_754], %swap3A_757 {strides = array<i32>} : memref<8x128xi32, #tpu.memory_space<vmem>>, vector<1x16xi32>,
      %and3A_758 = arith.constant 1 : i32
      %and3A_759 = vector.broadcast %and3A_758 : i32 to vector<16xi32>
      %and3A_760 = arith.andi %shift_right_logical3A_740, %and3A_759 : vector<16xi32>
      %swap3A_761 = arith.constant 2 : i32
      %swap3A_762 = arith.index_cast %swap3A_761 : i32 to index
      %swap3A_763 = arith.constant 32 : index
      %swap3A_764 = tpu.vector_load %arg5[%swap3A_762, %swap3A_763] {strides = array<i32>} : memref<8x128xi32, #tpu.memory_space<vmem>>, vector<1x16xi32>,
      %swap3A_765 = vector.shape_cast %swap3A_764 : vector<1x16xi32> to vector<16xi32>
      %swap3A_766 = vector.shape_cast %and3A_760 : vector<16xi32> to vector<1x16xi32>
      tpu.vector_store %arg5[%swap3A_762, %swap3A_763], %swap3A_766 {strides = array<i32>} : memref<8x128xi32, #tpu.memory_space<vmem>>, vector<1x16xi32>,
      %get3A_767 = arith.constant 2 : i32
      %get3A_768 = arith.index_cast %get3A_767 : i32 to index
      %get3A_769 = arith.constant 48 : index
      %get3A_770 = tpu.vector_load %arg5[%get3A_768, %get3A_769] {strides = array<i32>} : memref<8x128xi32, #tpu.memory_space<vmem>>, vector<1x16xi32>,
      %get3A_771 = vector.shape_cast %get3A_770 : vector<1x16xi32> to vector<16xi32>
      %shift_right_logical3A_772 = arith.constant 5 : i32
      %shift_right_logical3A_773 = vector.broadcast %shift_right_logical3A_772 : i32 to vector<16xi32>
      %shift_right_logical3A_774 = arith.shrui %get3A_771, %shift_right_logical3A_773 : vector<16xi32>
      %mul3A_775 = arith.constant 33555 : i32
      %mul3A_776 = vector.broadcast %mul3A_775 : i32 to vector<16xi32>
      %mul3A_777 = arith.muli %shift_right_logical3A_774, %mul3A_776 : vector<16xi32>
      %shift_right_logical3A_778 = arith.constant 22 : i32
      %shift_right_logical3A_779 = vector.broadcast %shift_right_logical3A_778 : i32 to vector<16xi32>
      %shift_right_logical3A_780 = arith.shrui %mul3A_777, %shift_right_logical3A_779 : vector<16xi32>
      %shift_right_logical3A_781 = arith.constant 1 : i32
      %shift_right_logical3A_782 = vector.broadcast %shift_right_logical3A_781 : i32 to vector<16xi32>
      %shift_right_logical3A_783 = arith.shrui %shift_right_logical3A_780, %shift_right_logical3A_782 : vector<16xi32>
      %mul3A_784 = arith.constant 4000 : i32
      %mul3A_785 = vector.broadcast %mul3A_784 : i32 to vector<16xi32>
      %mul3A_786 = arith.muli %shift_right_logical3A_783, %mul3A_785 : vector<16xi32>
      %mul3A_787 = arith.constant 4000 : i32
      %mul3A_788 = vector.broadcast %mul3A_787 : i32 to vector<16xi32>
      %mul3A_789 = arith.muli %shift_right_logical3A_780, %mul3A_788 : vector<16xi32>
      %sub3A_790 = arith.subi %get3A_771, %mul3A_789 : vector<16xi32>
      %add3A_791 = arith.addi %mul3A_786, %sub3A_790 : vector<16xi32>
      %swap3A_792 = arith.constant 2 : i32
      %swap3A_793 = arith.index_cast %swap3A_792 : i32 to index
      %swap3A_794 = arith.constant 48 : index
      %swap3A_795 = tpu.vector_load %arg6[%swap3A_793, %swap3A_794] {strides = array<i32>} : memref<8x128xi32, #tpu.memory_space<vmem>>, vector<1x16xi32>,
      %swap3A_796 = vector.shape_cast %swap3A_795 : vector<1x16xi32> to vector<16xi32>
      %swap3A_797 = vector.shape_cast %add3A_791 : vector<16xi32> to vector<1x16xi32>
      tpu.vector_store %arg6[%swap3A_793, %swap3A_794], %swap3A_797 {strides = array<i32>} : memref<8x128xi32, #tpu.memory_space<vmem>>, vector<1x16xi32>,
      %and3A_798 = arith.constant 1 : i32
      %and3A_799 = vector.broadcast %and3A_798 : i32 to vector<16xi32>
      %and3A_800 = arith.andi %shift_right_logical3A_780, %and3A_799 : vector<16xi32>
      %swap3A_801 = arith.constant 2 : i32
      %swap3A_802 = arith.index_cast %swap3A_801 : i32 to index
      %swap3A_803 = arith.constant 48 : index
      %swap3A_804 = tpu.vector_load %arg5[%swap3A_802, %swap3A_803] {strides = array<i32>} : memref<8x128xi32, #tpu.memory_space<vmem>>, vector<1x16xi32>,
      %swap3A_805 = vector.shape_cast %swap3A_804 : vector<1x16xi32> to vector<16xi32>
      %swap3A_806 = vector.shape_cast %and3A_800 : vector<16xi32> to vector<1x16xi32>
      tpu.vector_store %arg5[%swap3A_802, %swap3A_803], %swap3A_806 {strides = array<i32>} : memref<8x128xi32, #tpu.memory_space<vmem>>, vector<1x16xi32>,
      %get3A_807 = arith.constant 2 : i32
      %get3A_808 = arith.index_cast %get3A_807 : i32 to index
      %get3A_809 = arith.constant 64 : index
      %get3A_810 = tpu.vector_load %arg5[%get3A_808, %get3A_809] {strides = array<i32>} : memref<8x128xi32, #tpu.memory_space<vmem>>, vector<1x16xi32>,
      %get3A_811 = vector.shape_cast %get3A_810 : vector<1x16xi32> to vector<16xi32>
      %shift_right_logical3A_812 = arith.constant 5 : i32
      %shift_right_logical3A_813 = vector.broadcast %shift_right_logical3A_812 : i32 to vector<16xi32>
      %shift_right_logical3A_814 = arith.shrui %get3A_811, %shift_right_logical3A_813 : vector<16xi32>
      %mul3A_815 = arith.constant 33555 : i32
      %mul3A_816 = vector.broadcast %mul3A_815 : i32 to vector<16xi32>
      %mul3A_817 = arith.muli %shift_right_logical3A_814, %mul3A_816 : vector<16xi32>
      %shift_right_logical3A_818 = arith.constant 22 : i32
      %shift_right_logical3A_819 = vector.broadcast %shift_right_logical3A_818 : i32 to vector<16xi32>
      %shift_right_logical3A_820 = arith.shrui %mul3A_817, %shift_right_logical3A_819 : vector<16xi32>
      %shift_right_logical3A_821 = arith.constant 1 : i32
      %shift_right_logical3A_822 = vector.broadcast %shift_right_logical3A_821 : i32 to vector<16xi32>
      %shift_right_logical3A_823 = arith.shrui %shift_right_logical3A_820, %shift_right_logical3A_822 : vector<16xi32>
      %mul3A_824 = arith.constant 4000 : i32
      %mul3A_825 = vector.broadcast %mul3A_824 : i32 to vector<16xi32>
      %mul3A_826 = arith.muli %shift_right_logical3A_823, %mul3A_825 : vector<16xi32>
      %mul3A_827 = arith.constant 4000 : i32
      %mul3A_828 = vector.broadcast %mul3A_827 : i32 to vector<16xi32>
      %mul3A_829 = arith.muli %shift_right_logical3A_820, %mul3A_828 : vector<16xi32>
      %sub3A_830 = arith.subi %get3A_811, %mul3A_829 : vector<16xi32>
      %add3A_831 = arith.addi %mul3A_826, %sub3A_830 : vector<16xi32>
      %swap3A_832 = arith.constant 2 : i32
      %swap3A_833 = arith.index_cast %swap3A_832 : i32 to index
      %swap3A_834 = arith.constant 64 : index
      %swap3A_835 = tpu.vector_load %arg6[%swap3A_833, %swap3A_834] {strides = array<i32>} : memref<8x128xi32, #tpu.memory_space<vmem>>, vector<1x16xi32>,
      %swap3A_836 = vector.shape_cast %swap3A_835 : vector<1x16xi32> to vector<16xi32>
      %swap3A_837 = vector.shape_cast %add3A_831 : vector<16xi32> to vector<1x16xi32>
      tpu.vector_store %arg6[%swap3A_833, %swap3A_834], %swap3A_837 {strides = array<i32>} : memref<8x128xi32, #tpu.memory_space<vmem>>, vector<1x16xi32>,
      %and3A_838 = arith.constant 1 : i32
      %and3A_839 = vector.broadcast %and3A_838 : i32 to vector<16xi32>
      %and3A_840 = arith.andi %shift_right_logical3A_820, %and3A_839 : vector<16xi32>
      %swap3A_841 = arith.constant 2 : i32
      %swap3A_842 = arith.index_cast %swap3A_841 : i32 to index
      %swap3A_843 = arith.constant 64 : index
      %swap3A_844 = tpu.vector_load %arg5[%swap3A_842, %swap3A_843] {strides = array<i32>} : memref<8x128xi32, #tpu.memory_space<vmem>>, vector<1x16xi32>,
      %swap3A_845 = vector.shape_cast %swap3A_844 : vector<1x16xi32> to vector<16xi32>
      %swap3A_846 = vector.shape_cast %and3A_840 : vector<16xi32> to vector<1x16xi32>
      tpu.vector_store %arg5[%swap3A_842, %swap3A_843], %swap3A_846 {strides = array<i32>} : memref<8x128xi32, #tpu.memory_space<vmem>>, vector<1x16xi32>,
      %get3A_847 = arith.constant 2 : i32
      %get3A_848 = arith.index_cast %get3A_847 : i32 to index
      %get3A_849 = arith.constant 80 : index
      %get3A_850 = tpu.vector_load %arg5[%get3A_848, %get3A_849] {strides = array<i32>} : memref<8x128xi32, #tpu.memory_space<vmem>>, vector<1x16xi32>,
      %get3A_851 = vector.shape_cast %get3A_850 : vector<1x16xi32> to vector<16xi32>
      %shift_right_logical3A_852 = arith.constant 5 : i32
      %shift_right_logical3A_853 = vector.broadcast %shift_right_logical3A_852 : i32 to vector<16xi32>
      %shift_right_logical3A_854 = arith.shrui %get3A_851, %shift_right_logical3A_853 : vector<16xi32>
      %mul3A_855 = arith.constant 33555 : i32
      %mul3A_856 = vector.broadcast %mul3A_855 : i32 to vector<16xi32>
      %mul3A_857 = arith.muli %shift_right_logical3A_854, %mul3A_856 : vector<16xi32>
      %shift_right_logical3A_858 = arith.constant 22 : i32
      %shift_right_logical3A_859 = vector.broadcast %shift_right_logical3A_858 : i32 to vector<16xi32>
      %shift_right_logical3A_860 = arith.shrui %mul3A_857, %shift_right_logical3A_859 : vector<16xi32>
      %shift_right_logical3A_861 = arith.constant 1 : i32
      %shift_right_logical3A_862 = vector.broadcast %shift_right_logical3A_861 : i32 to vector<16xi32>
      %shift_right_logical3A_863 = arith.shrui %shift_right_logical3A_860, %shift_right_logical3A_862 : vector<16xi32>
      %mul3A_864 = arith.constant 4000 : i32
      %mul3A_865 = vector.broadcast %mul3A_864 : i32 to vector<16xi32>
      %mul3A_866 = arith.muli %shift_right_logical3A_863, %mul3A_865 : vector<16xi32>
      %mul3A_867 = arith.constant 4000 : i32
      %mul3A_868 = vector.broadcast %mul3A_867 : i32 to vector<16xi32>
      %mul3A_869 = arith.muli %shift_right_logical3A_860, %mul3A_868 : vector<16xi32>
      %sub3A_870 = arith.subi %get3A_851, %mul3A_869 : vector<16xi32>
      %add3A_871 = arith.addi %mul3A_866, %sub3A_870 : vector<16xi32>
      %swap3A_872 = arith.constant 2 : i32
      %swap3A_873 = arith.index_cast %swap3A_872 : i32 to index
      %swap3A_874 = arith.constant 80 : index
      %swap3A_875 = tpu.vector_load %arg6[%swap3A_873, %swap3A_874] {strides = array<i32>} : memref<8x128xi32, #tpu.memory_space<vmem>>, vector<1x16xi32>,
      %swap3A_876 = vector.shape_cast %swap3A_875 : vector<1x16xi32> to vector<16xi32>
      %swap3A_877 = vector.shape_cast %add3A_871 : vector<16xi32> to vector<1x16xi32>
      tpu.vector_store %arg6[%swap3A_873, %swap3A_874], %swap3A_877 {strides = array<i32>} : memref<8x128xi32, #tpu.memory_space<vmem>>, vector<1x16xi32>,
      %and3A_878 = arith.constant 1 : i32
      %and3A_879 = vector.broadcast %and3A_878 : i32 to vector<16xi32>
      %and3A_880 = arith.andi %shift_right_logical3A_860, %and3A_879 : vector<16xi32>
      %swap3A_881 = arith.constant 2 : i32
      %swap3A_882 = arith.index_cast %swap3A_881 : i32 to index
      %swap3A_883 = arith.constant 80 : index
      %swap3A_884 = tpu.vector_load %arg5[%swap3A_882, %swap3A_883] {strides = array<i32>} : memref<8x128xi32, #tpu.memory_space<vmem>>, vector<1x16xi32>,
      %swap3A_885 = vector.shape_cast %swap3A_884 : vector<1x16xi32> to vector<16xi32>
      %swap3A_886 = vector.shape_cast %and3A_880 : vector<16xi32> to vector<1x16xi32>
      tpu.vector_store %arg5[%swap3A_882, %swap3A_883], %swap3A_886 {strides = array<i32>} : memref<8x128xi32, #tpu.memory_space<vmem>>, vector<1x16xi32>,
      %get3A_887 = arith.constant 2 : i32
      %get3A_888 = arith.index_cast %get3A_887 : i32 to index
      %get3A_889 = arith.constant 96 : index
      %get3A_890 = tpu.vector_load %arg5[%get3A_888, %get3A_889] {strides = array<i32>} : memref<8x128xi32, #tpu.memory_space<vmem>>, vector<1x16xi32>,
      %get3A_891 = vector.shape_cast %get3A_890 : vector<1x16xi32> to vector<16xi32>
      %shift_right_logical3A_892 = arith.constant 5 : i32
      %shift_right_logical3A_893 = vector.broadcast %shift_right_logical3A_892 : i32 to vector<16xi32>
      %shift_right_logical3A_894 = arith.shrui %get3A_891, %shift_right_logical3A_893 : vector<16xi32>
      %mul3A_895 = arith.constant 33555 : i32
      %mul3A_896 = vector.broadcast %mul3A_895 : i32 to vector<16xi32>
      %mul3A_897 = arith.muli %shift_right_logical3A_894, %mul3A_896 : vector<16xi32>
      %shift_right_logical3A_898 = arith.constant 22 : i32
      %shift_right_logical3A_899 = vector.broadcast %shift_right_logical3A_898 : i32 to vector<16xi32>
      %shift_right_logical3A_900 = arith.shrui %mul3A_897, %shift_right_logical3A_899 : vector<16xi32>
      %shift_right_logical3A_901 = arith.constant 1 : i32
      %shift_right_logical3A_902 = vector.broadcast %shift_right_logical3A_901 : i32 to vector<16xi32>
      %shift_right_logical3A_903 = arith.shrui %shift_right_logical3A_900, %shift_right_logical3A_902 : vector<16xi32>
      %mul3A_904 = arith.constant 4000 : i32
      %mul3A_905 = vector.broadcast %mul3A_904 : i32 to vector<16xi32>
      %mul3A_906 = arith.muli %shift_right_logical3A_903, %mul3A_905 : vector<16xi32>
      %mul3A_907 = arith.constant 4000 : i32
      %mul3A_908 = vector.broadcast %mul3A_907 : i32 to vector<16xi32>
      %mul3A_909 = arith.muli %shift_right_logical3A_900, %mul3A_908 : vector<16xi32>
      %sub3A_910 = arith.subi %get3A_891, %mul3A_909 : vector<16xi32>
      %add3A_911 = arith.addi %mul3A_906, %sub3A_910 : vector<16xi32>
      %swap3A_912 = arith.constant 2 : i32
      %swap3A_913 = arith.index_cast %swap3A_912 : i32 to index
      %swap3A_914 = arith.constant 96 : index
      %swap3A_915 = tpu.vector_load %arg6[%swap3A_913, %swap3A_914] {strides = array<i32>} : memref<8x128xi32, #tpu.memory_space<vmem>>, vector<1x16xi32>,
      %swap3A_916 = vector.shape_cast %swap3A_915 : vector<1x16xi32> to vector<16xi32>
      %swap3A_917 = vector.shape_cast %add3A_911 : vector<16xi32> to vector<1x16xi32>
      tpu.vector_store %arg6[%swap3A_913, %swap3A_914], %swap3A_917 {strides = array<i32>} : memref<8x128xi32, #tpu.memory_space<vmem>>, vector<1x16xi32>,
      %and3A_918 = arith.constant 1 : i32
      %and3A_919 = vector.broadcast %and3A_918 : i32 to vector<16xi32>
      %and3A_920 = arith.andi %shift_right_logical3A_900, %and3A_919 : vector<16xi32>
      %swap3A_921 = arith.constant 2 : i32
      %swap3A_922 = arith.index_cast %swap3A_921 : i32 to index
      %swap3A_923 = arith.constant 96 : index
      %swap3A_924 = tpu.vector_load %arg5[%swap3A_922, %swap3A_923] {strides = array<i32>} : memref<8x128xi32, #tpu.memory_space<vmem>>, vector<1x16xi32>,
      %swap3A_925 = vector.shape_cast %swap3A_924 : vector<1x16xi32> to vector<16xi32>
      %swap3A_926 = vector.shape_cast %and3A_920 : vector<16xi32> to vector<1x16xi32>
      tpu.vector_store %arg5[%swap3A_922, %swap3A_923], %swap3A_926 {strides = array<i32>} : memref<8x128xi32, #tpu.memory_space<vmem>>, vector<1x16xi32>,
      %get3A_927 = arith.constant 2 : i32
      %get3A_928 = arith.index_cast %get3A_927 : i32 to index
      %get3A_929 = arith.constant 112 : index
      %get3A_930 = tpu.vector_load %arg5[%get3A_928, %get3A_929] {strides = array<i32>} : memref<8x128xi32, #tpu.memory_space<vmem>>, vector<1x16xi32>,
      %get3A_931 = vector.shape_cast %get3A_930 : vector<1x16xi32> to vector<16xi32>
      %shift_right_logical3A_932 = arith.constant 5 : i32
      %shift_right_logical3A_933 = vector.broadcast %shift_right_logical3A_932 : i32 to vector<16xi32>
      %shift_right_logical3A_934 = arith.shrui %get3A_931, %shift_right_logical3A_933 : vector<16xi32>
      %mul3A_935 = arith.constant 33555 : i32
      %mul3A_936 = vector.broadcast %mul3A_935 : i32 to vector<16xi32>
      %mul3A_937 = arith.muli %shift_right_logical3A_934, %mul3A_936 : vector<16xi32>
      %shift_right_logical3A_938 = arith.constant 22 : i32
      %shift_right_logical3A_939 = vector.broadcast %shift_right_logical3A_938 : i32 to vector<16xi32>
      %shift_right_logical3A_940 = arith.shrui %mul3A_937, %shift_right_logical3A_939 : vector<16xi32>
      %shift_right_logical3A_941 = arith.constant 1 : i32
      %shift_right_logical3A_942 = vector.broadcast %shift_right_logical3A_941 : i32 to vector<16xi32>
      %shift_right_logical3A_943 = arith.shrui %shift_right_logical3A_940, %shift_right_logical3A_942 : vector<16xi32>
      %mul3A_944 = arith.constant 4000 : i32
      %mul3A_945 = vector.broadcast %mul3A_944 : i32 to vector<16xi32>
      %mul3A_946 = arith.muli %shift_right_logical3A_943, %mul3A_945 : vector<16xi32>
      %mul3A_947 = arith.constant 4000 : i32
      %mul3A_948 = vector.broadcast %mul3A_947 : i32 to vector<16xi32>
      %mul3A_949 = arith.muli %shift_right_logical3A_940, %mul3A_948 : vector<16xi32>
      %sub3A_950 = arith.subi %get3A_931, %mul3A_949 : vector<16xi32>
      %add3A_951 = arith.addi %mul3A_946, %sub3A_950 : vector<16xi32>
      %swap3A_952 = arith.constant 2 : i32
      %swap3A_953 = arith.index_cast %swap3A_952 : i32 to index
      %swap3A_954 = arith.constant 112 : index
      %swap3A_955 = tpu.vector_load %arg6[%swap3A_953, %swap3A_954] {strides = array<i32>} : memref<8x128xi32, #tpu.memory_space<vmem>>, vector<1x16xi32>,
      %swap3A_956 = vector.shape_cast %swap3A_955 : vector<1x16xi32> to vector<16xi32>
      %swap3A_957 = vector.shape_cast %add3A_951 : vector<16xi32> to vector<1x16xi32>
      tpu.vector_store %arg6[%swap3A_953, %swap3A_954], %swap3A_957 {strides = array<i32>} : memref<8x128xi32, #tpu.memory_space<vmem>>, vector<1x16xi32>,
      %and3A_958 = arith.constant 1 : i32
      %and3A_959 = vector.broadcast %and3A_958 : i32 to vector<16xi32>
      %and3A_960 = arith.andi %shift_right_logical3A_940, %and3A_959 : vector<16xi32>
      %swap3A_961 = arith.constant 2 : i32
      %swap3A_962 = arith.index_cast %swap3A_961 : i32 to index
      %swap3A_963 = arith.constant 112 : index
      %swap3A_964 = tpu.vector_load %arg5[%swap3A_962, %swap3A_963] {strides = array<i32>} : memref<8x128xi32, #tpu.memory_space<vmem>>, vector<1x16xi32>,
      %swap3A_965 = vector.shape_cast %swap3A_964 : vector<1x16xi32> to vector<16xi32>
      %swap3A_966 = vector.shape_cast %and3A_960 : vector<16xi32> to vector<1x16xi32>
      tpu.vector_store %arg5[%swap3A_962, %swap3A_963], %swap3A_966 {strides = array<i32>} : memref<8x128xi32, #tpu.memory_space<vmem>>, vector<1x16xi32>,
      %get3A_967 = arith.constant 3 : i32
      %get3A_968 = arith.index_cast %get3A_967 : i32 to index
      %get3A_969 = arith.constant 0 : index
      %get3A_970 = tpu.vector_load %arg5[%get3A_968, %get3A_969] {strides = array<i32>} : memref<8x128xi32, #tpu.memory_space<vmem>>, vector<1x16xi32>,
      %get3A_971 = vector.shape_cast %get3A_970 : vector<1x16xi32> to vector<16xi32>
      %shift_right_logical3A_972 = arith.constant 5 : i32
      %shift_right_logical3A_973 = vector.broadcast %shift_right_logical3A_972 : i32 to vector<16xi32>
      %shift_right_logical3A_974 = arith.shrui %get3A_971, %shift_right_logical3A_973 : vector<16xi32>
      %mul3A_975 = arith.constant 33555 : i32
      %mul3A_976 = vector.broadcast %mul3A_975 : i32 to vector<16xi32>
      %mul3A_977 = arith.muli %shift_right_logical3A_974, %mul3A_976 : vector<16xi32>
      %shift_right_logical3A_978 = arith.constant 22 : i32
      %shift_right_logical3A_979 = vector.broadcast %shift_right_logical3A_978 : i32 to vector<16xi32>
      %shift_right_logical3A_980 = arith.shrui %mul3A_977, %shift_right_logical3A_979 : vector<16xi32>
      %shift_right_logical3A_981 = arith.constant 1 : i32
      %shift_right_logical3A_982 = vector.broadcast %shift_right_logical3A_981 : i32 to vector<16xi32>
      %shift_right_logical3A_983 = arith.shrui %shift_right_logical3A_980, %shift_right_logical3A_982 : vector<16xi32>
      %mul3A_984 = arith.constant 4000 : i32
      %mul3A_985 = vector.broadcast %mul3A_984 : i32 to vector<16xi32>
      %mul3A_986 = arith.muli %shift_right_logical3A_983, %mul3A_985 : vector<16xi32>
      %mul3A_987 = arith.constant 4000 : i32
      %mul3A_988 = vector.broadcast %mul3A_987 : i32 to vector<16xi32>
      %mul3A_989 = arith.muli %shift_right_logical3A_980, %mul3A_988 : vector<16xi32>
      %sub3A_990 = arith.subi %get3A_971, %mul3A_989 : vector<16xi32>
      %add3A_991 = arith.addi %mul3A_986, %sub3A_990 : vector<16xi32>
      %swap3A_992 = arith.constant 3 : i32
      %swap3A_993 = arith.index_cast %swap3A_992 : i32 to index
      %swap3A_994 = arith.constant 0 : index
      %swap3A_995 = tpu.vector_load %arg6[%swap3A_993, %swap3A_994] {strides = array<i32>} : memref<8x128xi32, #tpu.memory_space<vmem>>, vector<1x16xi32>,
      %swap3A_996 = vector.shape_cast %swap3A_995 : vector<1x16xi32> to vector<16xi32>
      %swap3A_997 = vector.shape_cast %add3A_991 : vector<16xi32> to vector<1x16xi32>
      tpu.vector_store %arg6[%swap3A_993, %swap3A_994], %swap3A_997 {strides = array<i32>} : memref<8x128xi32, #tpu.memory_space<vmem>>, vector<1x16xi32>,
      %and3A_998 = arith.constant 1 : i32
      %and3A_999 = vector.broadcast %and3A_998 : i32 to vector<16xi32>
      %and3A_1000 = arith.andi %shift_right_logical3A_980, %and3A_999 : vector<16xi32>
      %swap3A_1001 = arith.constant 3 : i32
      %swap3A_1002 = arith.index_cast %swap3A_1001 : i32 to index
      %swap3A_1003 = arith.constant 0 : index
      %swap3A_1004 = tpu.vector_load %arg5[%swap3A_1002, %swap3A_1003] {strides = array<i32>} : memref<8x128xi32, #tpu.memory_space<vmem>>, vector<1x16xi32>,
      %swap3A_1005 = vector.shape_cast %swap3A_1004 : vector<1x16xi32> to vector<16xi32>
      %swap3A_1006 = vector.shape_cast %and3A_1000 : vector<16xi32> to vector<1x16xi32>
      tpu.vector_store %arg5[%swap3A_1002, %swap3A_1003], %swap3A_1006 {strides = array<i32>} : memref<8x128xi32, #tpu.memory_space<vmem>>, vector<1x16xi32>,
      %get3A_1007 = arith.constant 3 : i32
      %get3A_1008 = arith.index_cast %get3A_1007 : i32 to index
      %get3A_1009 = arith.constant 16 : index
      %get3A_1010 = tpu.vector_load %arg5[%get3A_1008, %get3A_1009] {strides = array<i32>} : memref<8x128xi32, #tpu.memory_space<vmem>>, vector<1x16xi32>,
      %get3A_1011 = vector.shape_cast %get3A_1010 : vector<1x16xi32> to vector<16xi32>
      %shift_right_logical3A_1012 = arith.constant 5 : i32
      %shift_right_logical3A_1013 = vector.broadcast %shift_right_logical3A_1012 : i32 to vector<16xi32>
      %shift_right_logical3A_1014 = arith.shrui %get3A_1011, %shift_right_logical3A_1013 : vector<16xi32>
      %mul3A_1015 = arith.constant 33555 : i32
      %mul3A_1016 = vector.broadcast %mul3A_1015 : i32 to vector<16xi32>
      %mul3A_1017 = arith.muli %shift_right_logical3A_1014, %mul3A_1016 : vector<16xi32>
      %shift_right_logical3A_1018 = arith.constant 22 : i32
      %shift_right_logical3A_1019 = vector.broadcast %shift_right_logical3A_1018 : i32 to vector<16xi32>
      %shift_right_logical3A_1020 = arith.shrui %mul3A_1017, %shift_right_logical3A_1019 : vector<16xi32>
      %shift_right_logical3A_1021 = arith.constant 1 : i32
      %shift_right_logical3A_1022 = vector.broadcast %shift_right_logical3A_1021 : i32 to vector<16xi32>
      %shift_right_logical3A_1023 = arith.shrui %shift_right_logical3A_1020, %shift_right_logical3A_1022 : vector<16xi32>
      %mul3A_1024 = arith.constant 4000 : i32
      %mul3A_1025 = vector.broadcast %mul3A_1024 : i32 to vector<16xi32>
      %mul3A_1026 = arith.muli %shift_right_logical3A_1023, %mul3A_1025 : vector<16xi32>
      %mul3A_1027 = arith.constant 4000 : i32
      %mul3A_1028 = vector.broadcast %mul3A_1027 : i32 to vector<16xi32>
      %mul3A_1029 = arith.muli %shift_right_logical3A_1020, %mul3A_1028 : vector<16xi32>
      %sub3A_1030 = arith.subi %get3A_1011, %mul3A_1029 : vector<16xi32>
      %add3A_1031 = arith.addi %mul3A_1026, %sub3A_1030 : vector<16xi32>
      %swap3A_1032 = arith.constant 3 : i32
      %swap3A_1033 = arith.index_cast %swap3A_1032 : i32 to index
      %swap3A_1034 = arith.constant 16 : index
      %swap3A_1035 = tpu.vector_load %arg6[%swap3A_1033, %swap3A_1034] {strides = array<i32>} : memref<8x128xi32, #tpu.memory_space<vmem>>, vector<1x16xi32>,
      %swap3A_1036 = vector.shape_cast %swap3A_1035 : vector<1x16xi32> to vector<16xi32>
      %swap3A_1037 = vector.shape_cast %add3A_1031 : vector<16xi32> to vector<1x16xi32>
      tpu.vector_store %arg6[%swap3A_1033, %swap3A_1034], %swap3A_1037 {strides = array<i32>} : memref<8x128xi32, #tpu.memory_space<vmem>>, vector<1x16xi32>,
      %and3A_1038 = arith.constant 1 : i32
      %and3A_1039 = vector.broadcast %and3A_1038 : i32 to vector<16xi32>
      %and3A_1040 = arith.andi %shift_right_logical3A_1020, %and3A_1039 : vector<16xi32>
      %swap3A_1041 = arith.constant 3 : i32
      %swap3A_1042 = arith.index_cast %swap3A_1041 : i32 to index
      %swap3A_1043 = arith.constant 16 : index
      %swap3A_1044 = tpu.vector_load %arg5[%swap3A_1042, %swap3A_1043] {strides = array<i32>} : memref<8x128xi32, #tpu.memory_space<vmem>>, vector<1x16xi32>,
      %swap3A_1045 = vector.shape_cast %swap3A_1044 : vector<1x16xi32> to vector<16xi32>
      %swap3A_1046 = vector.shape_cast %and3A_1040 : vector<16xi32> to vector<1x16xi32>
      tpu.vector_store %arg5[%swap3A_1042, %swap3A_1043], %swap3A_1046 {strides = array<i32>} : memref<8x128xi32, #tpu.memory_space<vmem>>, vector<1x16xi32>,
      %get3A_1047 = arith.constant 3 : i32
      %get3A_1048 = arith.index_cast %get3A_1047 : i32 to index
      %get3A_1049 = arith.constant 32 : index
      %get3A_1050 = tpu.vector_load %arg5[%get3A_1048, %get3A_1049] {strides = array<i32>} : memref<8x128xi32, #tpu.memory_space<vmem>>, vector<1x16xi32>,
      %get3A_1051 = vector.shape_cast %get3A_1050 : vector<1x16xi32> to vector<16xi32>
      %shift_right_logical3A_1052 = arith.constant 5 : i32
      %shift_right_logical3A_1053 = vector.broadcast %shift_right_logical3A_1052 : i32 to vector<16xi32>
      %shift_right_logical3A_1054 = arith.shrui %get3A_1051, %shift_right_logical3A_1053 : vector<16xi32>
      %mul3A_1055 = arith.constant 33555 : i32
      %mul3A_1056 = vector.broadcast %mul3A_1055 : i32 to vector<16xi32>
      %mul3A_1057 = arith.muli %shift_right_logical3A_1054, %mul3A_1056 : vector<16xi32>
      %shift_right_logical3A_1058 = arith.constant 22 : i32
      %shift_right_logical3A_1059 = vector.broadcast %shift_right_logical3A_1058 : i32 to vector<16xi32>
      %shift_right_logical3A_1060 = arith.shrui %mul3A_1057, %shift_right_logical3A_1059 : vector<16xi32>
      %shift_right_logical3A_1061 = arith.constant 1 : i32
      %shift_right_logical3A_1062 = vector.broadcast %shift_right_logical3A_1061 : i32 to vector<16xi32>
      %shift_right_logical3A_1063 = arith.shrui %shift_right_logical3A_1060, %shift_right_logical3A_1062 : vector<16xi32>
      %mul3A_1064 = arith.constant 4000 : i32
      %mul3A_1065 = vector.broadcast %mul3A_1064 : i32 to vector<16xi32>
      %mul3A_1066 = arith.muli %shift_right_logical3A_1063, %mul3A_1065 : vector<16xi32>
      %mul3A_1067 = arith.constant 4000 : i32
      %mul3A_1068 = vector.broadcast %mul3A_1067 : i32 to vector<16xi32>
      %mul3A_1069 = arith.muli %shift_right_logical3A_1060, %mul3A_1068 : vector<16xi32>
      %sub3A_1070 = arith.subi %get3A_1051, %mul3A_1069 : vector<16xi32>
      %add3A_1071 = arith.addi %mul3A_1066, %sub3A_1070 : vector<16xi32>
      %swap3A_1072 = arith.constant 3 : i32
      %swap3A_1073 = arith.index_cast %swap3A_1072 : i32 to index
      %swap3A_1074 = arith.constant 32 : index
      %swap3A_1075 = tpu.vector_load %arg6[%swap3A_1073, %swap3A_1074] {strides = array<i32>} : memref<8x128xi32, #tpu.memory_space<vmem>>, vector<1x16xi32>,
      %swap3A_1076 = vector.shape_cast %swap3A_1075 : vector<1x16xi32> to vector<16xi32>
      %swap3A_1077 = vector.shape_cast %add3A_1071 : vector<16xi32> to vector<1x16xi32>
      tpu.vector_store %arg6[%swap3A_1073, %swap3A_1074], %swap3A_1077 {strides = array<i32>} : memref<8x128xi32, #tpu.memory_space<vmem>>, vector<1x16xi32>,
      %and3A_1078 = arith.constant 1 : i32
      %and3A_1079 = vector.broadcast %and3A_1078 : i32 to vector<16xi32>
      %and3A_1080 = arith.andi %shift_right_logical3A_1060, %and3A_1079 : vector<16xi32>
      %swap3A_1081 = arith.constant 3 : i32
      %swap3A_1082 = arith.index_cast %swap3A_1081 : i32 to index
      %swap3A_1083 = arith.constant 32 : index
      %swap3A_1084 = tpu.vector_load %arg5[%swap3A_1082, %swap3A_1083] {strides = array<i32>} : memref<8x128xi32, #tpu.memory_space<vmem>>, vector<1x16xi32>,
      %swap3A_1085 = vector.shape_cast %swap3A_1084 : vector<1x16xi32> to vector<16xi32>
      %swap3A_1086 = vector.shape_cast %and3A_1080 : vector<16xi32> to vector<1x16xi32>
      tpu.vector_store %arg5[%swap3A_1082, %swap3A_1083], %swap3A_1086 {strides = array<i32>} : memref<8x128xi32, #tpu.memory_space<vmem>>, vector<1x16xi32>,
      %get3A_1087 = arith.constant 3 : i32
      %get3A_1088 = arith.index_cast %get3A_1087 : i32 to index
      %get3A_1089 = arith.constant 48 : index
      %get3A_1090 = tpu.vector_load %arg5[%get3A_1088, %get3A_1089] {strides = array<i32>} : memref<8x128xi32, #tpu.memory_space<vmem>>, vector<1x16xi32>,
      %get3A_1091 = vector.shape_cast %get3A_1090 : vector<1x16xi32> to vector<16xi32>
      %shift_right_logical3A_1092 = arith.constant 5 : i32
      %shift_right_logical3A_1093 = vector.broadcast %shift_right_logical3A_1092 : i32 to vector<16xi32>
      %shift_right_logical3A_1094 = arith.shrui %get3A_1091, %shift_right_logical3A_1093 : vector<16xi32>
      %mul3A_1095 = arith.constant 33555 : i32
      %mul3A_1096 = vector.broadcast %mul3A_1095 : i32 to vector<16xi32>
      %mul3A_1097 = arith.muli %shift_right_logical3A_1094, %mul3A_1096 : vector<16xi32>
      %shift_right_logical3A_1098 = arith.constant 22 : i32
      %shift_right_logical3A_1099 = vector.broadcast %shift_right_logical3A_1098 : i32 to vector<16xi32>
      %shift_right_logical3A_1100 = arith.shrui %mul3A_1097, %shift_right_logical3A_1099 : vector<16xi32>
      %shift_right_logical3A_1101 = arith.constant 1 : i32
      %shift_right_logical3A_1102 = vector.broadcast %shift_right_logical3A_1101 : i32 to vector<16xi32>
      %shift_right_logical3A_1103 = arith.shrui %shift_right_logical3A_1100, %shift_right_logical3A_1102 : vector<16xi32>
      %mul3A_1104 = arith.constant 4000 : i32
      %mul3A_1105 = vector.broadcast %mul3A_1104 : i32 to vector<16xi32>
      %mul3A_1106 = arith.muli %shift_right_logical3A_1103, %mul3A_1105 : vector<16xi32>
      %mul3A_1107 = arith.constant 4000 : i32
      %mul3A_1108 = vector.broadcast %mul3A_1107 : i32 to vector<16xi32>
      %mul3A_1109 = arith.muli %shift_right_logical3A_1100, %mul3A_1108 : vector<16xi32>
      %sub3A_1110 = arith.subi %get3A_1091, %mul3A_1109 : vector<16xi32>
      %add3A_1111 = arith.addi %mul3A_1106, %sub3A_1110 : vector<16xi32>
      %swap3A_1112 = arith.constant 3 : i32
      %swap3A_1113 = arith.index_cast %swap3A_1112 : i32 to index
      %swap3A_1114 = arith.constant 48 : index
      %swap3A_1115 = tpu.vector_load %arg6[%swap3A_1113, %swap3A_1114] {strides = array<i32>} : memref<8x128xi32, #tpu.memory_space<vmem>>, vector<1x16xi32>,
      %swap3A_1116 = vector.shape_cast %swap3A_1115 : vector<1x16xi32> to vector<16xi32>
      %swap3A_1117 = vector.shape_cast %add3A_1111 : vector<16xi32> to vector<1x16xi32>
      tpu.vector_store %arg6[%swap3A_1113, %swap3A_1114], %swap3A_1117 {strides = array<i32>} : memref<8x128xi32, #tpu.memory_space<vmem>>, vector<1x16xi32>,
      %and3A_1118 = arith.constant 1 : i32
      %and3A_1119 = vector.broadcast %and3A_1118 : i32 to vector<16xi32>
      %and3A_1120 = arith.andi %shift_right_logical3A_1100, %and3A_1119 : vector<16xi32>
      %swap3A_1121 = arith.constant 3 : i32
      %swap3A_1122 = arith.index_cast %swap3A_1121 : i32 to index
      %swap3A_1123 = arith.constant 48 : index
      %swap3A_1124 = tpu.vector_load %arg5[%swap3A_1122, %swap3A_1123] {strides = array<i32>} : memref<8x128xi32, #tpu.memory_space<vmem>>, vector<1x16xi32>,
      %swap3A_1125 = vector.shape_cast %swap3A_1124 : vector<1x16xi32> to vector<16xi32>
      %swap3A_1126 = vector.shape_cast %and3A_1120 : vector<16xi32> to vector<1x16xi32>
      tpu.vector_store %arg5[%swap3A_1122, %swap3A_1123], %swap3A_1126 {strides = array<i32>} : memref<8x128xi32, #tpu.memory_space<vmem>>, vector<1x16xi32>,
      %get3A_1127 = arith.constant 3 : i32
      %get3A_1128 = arith.index_cast %get3A_1127 : i32 to index
      %get3A_1129 = arith.constant 64 : index
      %get3A_1130 = tpu.vector_load %arg5[%get3A_1128, %get3A_1129] {strides = array<i32>} : memref<8x128xi32, #tpu.memory_space<vmem>>, vector<1x16xi32>,
      %get3A_1131 = vector.shape_cast %get3A_1130 : vector<1x16xi32> to vector<16xi32>
      %shift_right_logical3A_1132 = arith.constant 5 : i32
      %shift_right_logical3A_1133 = vector.broadcast %shift_right_logical3A_1132 : i32 to vector<16xi32>
      %shift_right_logical3A_1134 = arith.shrui %get3A_1131, %shift_right_logical3A_1133 : vector<16xi32>
      %mul3A_1135 = arith.constant 33555 : i32
      %mul3A_1136 = vector.broadcast %mul3A_1135 : i32 to vector<16xi32>
      %mul3A_1137 = arith.muli %shift_right_logical3A_1134, %mul3A_1136 : vector<16xi32>
      %shift_right_logical3A_1138 = arith.constant 22 : i32
      %shift_right_logical3A_1139 = vector.broadcast %shift_right_logical3A_1138 : i32 to vector<16xi32>
      %shift_right_logical3A_1140 = arith.shrui %mul3A_1137, %shift_right_logical3A_1139 : vector<16xi32>
      %shift_right_logical3A_1141 = arith.constant 1 : i32
      %shift_right_logical3A_1142 = vector.broadcast %shift_right_logical3A_1141 : i32 to vector<16xi32>
      %shift_right_logical3A_1143 = arith.shrui %shift_right_logical3A_1140, %shift_right_logical3A_1142 : vector<16xi32>
      %mul3A_1144 = arith.constant 4000 : i32
      %mul3A_1145 = vector.broadcast %mul3A_1144 : i32 to vector<16xi32>
      %mul3A_1146 = arith.muli %shift_right_logical3A_1143, %mul3A_1145 : vector<16xi32>
      %mul3A_1147 = arith.constant 4000 : i32
      %mul3A_1148 = vector.broadcast %mul3A_1147 : i32 to vector<16xi32>
      %mul3A_1149 = arith.muli %shift_right_logical3A_1140, %mul3A_1148 : vector<16xi32>
      %sub3A_1150 = arith.subi %get3A_1131, %mul3A_1149 : vector<16xi32>
      %add3A_1151 = arith.addi %mul3A_1146, %sub3A_1150 : vector<16xi32>
      %swap3A_1152 = arith.constant 3 : i32
      %swap3A_1153 = arith.index_cast %swap3A_1152 : i32 to index
      %swap3A_1154 = arith.constant 64 : index
      %swap3A_1155 = tpu.vector_load %arg6[%swap3A_1153, %swap3A_1154] {strides = array<i32>} : memref<8x128xi32, #tpu.memory_space<vmem>>, vector<1x16xi32>,
      %swap3A_1156 = vector.shape_cast %swap3A_1155 : vector<1x16xi32> to vector<16xi32>
      %swap3A_1157 = vector.shape_cast %add3A_1151 : vector<16xi32> to vector<1x16xi32>
      tpu.vector_store %arg6[%swap3A_1153, %swap3A_1154], %swap3A_1157 {strides = array<i32>} : memref<8x128xi32, #tpu.memory_space<vmem>>, vector<1x16xi32>,
      %and3A_1158 = arith.constant 1 : i32
      %and3A_1159 = vector.broadcast %and3A_1158 : i32 to vector<16xi32>
      %and3A_1160 = arith.andi %shift_right_logical3A_1140, %and3A_1159 : vector<16xi32>
      %swap3A_1161 = arith.constant 3 : i32
      %swap3A_1162 = arith.index_cast %swap3A_1161 : i32 to index
      %swap3A_1163 = arith.constant 64 : index
      %swap3A_1164 = tpu.vector_load %arg5[%swap3A_1162, %swap3A_1163] {strides = array<i32>} : memref<8x128xi32, #tpu.memory_space<vmem>>, vector<1x16xi32>,
      %swap3A_1165 = vector.shape_cast %swap3A_1164 : vector<1x16xi32> to vector<16xi32>
      %swap3A_1166 = vector.shape_cast %and3A_1160 : vector<16xi32> to vector<1x16xi32>
      tpu.vector_store %arg5[%swap3A_1162, %swap3A_1163], %swap3A_1166 {strides = array<i32>} : memref<8x128xi32, #tpu.memory_space<vmem>>, vector<1x16xi32>,
      %get3A_1167 = arith.constant 3 : i32
      %get3A_1168 = arith.index_cast %get3A_1167 : i32 to index
      %get3A_1169 = arith.constant 80 : index
      %get3A_1170 = tpu.vector_load %arg5[%get3A_1168, %get3A_1169] {strides = array<i32>} : memref<8x128xi32, #tpu.memory_space<vmem>>, vector<1x16xi32>,
      %get3A_1171 = vector.shape_cast %get3A_1170 : vector<1x16xi32> to vector<16xi32>
      %shift_right_logical3A_1172 = arith.constant 5 : i32
      %shift_right_logical3A_1173 = vector.broadcast %shift_right_logical3A_1172 : i32 to vector<16xi32>
      %shift_right_logical3A_1174 = arith.shrui %get3A_1171, %shift_right_logical3A_1173 : vector<16xi32>
      %mul3A_1175 = arith.constant 33555 : i32
      %mul3A_1176 = vector.broadcast %mul3A_1175 : i32 to vector<16xi32>
      %mul3A_1177 = arith.muli %shift_right_logical3A_1174, %mul3A_1176 : vector<16xi32>
      %shift_right_logical3A_1178 = arith.constant 22 : i32
      %shift_right_logical3A_1179 = vector.broadcast %shift_right_logical3A_1178 : i32 to vector<16xi32>
      %shift_right_logical3A_1180 = arith.shrui %mul3A_1177, %shift_right_logical3A_1179 : vector<16xi32>
      %shift_right_logical3A_1181 = arith.constant 1 : i32
      %shift_right_logical3A_1182 = vector.broadcast %shift_right_logical3A_1181 : i32 to vector<16xi32>
      %shift_right_logical3A_1183 = arith.shrui %shift_right_logical3A_1180, %shift_right_logical3A_1182 : vector<16xi32>
      %mul3A_1184 = arith.constant 4000 : i32
      %mul3A_1185 = vector.broadcast %mul3A_1184 : i32 to vector<16xi32>
      %mul3A_1186 = arith.muli %shift_right_logical3A_1183, %mul3A_1185 : vector<16xi32>
      %mul3A_1187 = arith.constant 4000 : i32
      %mul3A_1188 = vector.broadcast %mul3A_1187 : i32 to vector<16xi32>
      %mul3A_1189 = arith.muli %shift_right_logical3A_1180, %mul3A_1188 : vector<16xi32>
      %sub3A_1190 = arith.subi %get3A_1171, %mul3A_1189 : vector<16xi32>
      %add3A_1191 = arith.addi %mul3A_1186, %sub3A_1190 : vector<16xi32>
      %swap3A_1192 = arith.constant 3 : i32
      %swap3A_1193 = arith.index_cast %swap3A_1192 : i32 to index
      %swap3A_1194 = arith.constant 80 : index
      %swap3A_1195 = tpu.vector_load %arg6[%swap3A_1193, %swap3A_1194] {strides = array<i32>} : memref<8x128xi32, #tpu.memory_space<vmem>>, vector<1x16xi32>,
      %swap3A_1196 = vector.shape_cast %swap3A_1195 : vector<1x16xi32> to vector<16xi32>
      %swap3A_1197 = vector.shape_cast %add3A_1191 : vector<16xi32> to vector<1x16xi32>
      tpu.vector_store %arg6[%swap3A_1193, %swap3A_1194], %swap3A_1197 {strides = array<i32>} : memref<8x128xi32, #tpu.memory_space<vmem>>, vector<1x16xi32>,
      %and3A_1198 = arith.constant 1 : i32
      %and3A_1199 = vector.broadcast %and3A_1198 : i32 to vector<16xi32>
      %and3A_1200 = arith.andi %shift_right_logical3A_1180, %and3A_1199 : vector<16xi32>
      %swap3A_1201 = arith.constant 3 : i32
      %swap3A_1202 = arith.index_cast %swap3A_1201 : i32 to index
      %swap3A_1203 = arith.constant 80 : index
      %swap3A_1204 = tpu.vector_load %arg5[%swap3A_1202, %swap3A_1203] {strides = array<i32>} : memref<8x128xi32, #tpu.memory_space<vmem>>, vector<1x16xi32>,
      %swap3A_1205 = vector.shape_cast %swap3A_1204 : vector<1x16xi32> to vector<16xi32>
      %swap3A_1206 = vector.shape_cast %and3A_1200 : vector<16xi32> to vector<1x16xi32>
      tpu.vector_store %arg5[%swap3A_1202, %swap3A_1203], %swap3A_1206 {strides = array<i32>} : memref<8x128xi32, #tpu.memory_space<vmem>>, vector<1x16xi32>,
      %get3A_1207 = arith.constant 3 : i32
      %get3A_1208 = arith.index_cast %get3A_1207 : i32 to index
      %get3A_1209 = arith.constant 96 : index
      %get3A_1210 = tpu.vector_load %arg5[%get3A_1208, %get3A_1209] {strides = array<i32>} : memref<8x128xi32, #tpu.memory_space<vmem>>, vector<1x16xi32>,
      %get3A_1211 = vector.shape_cast %get3A_1210 : vector<1x16xi32> to vector<16xi32>
      %shift_right_logical3A_1212 = arith.constant 5 : i32
      %shift_right_logical3A_1213 = vector.broadcast %shift_right_logical3A_1212 : i32 to vector<16xi32>
      %shift_right_logical3A_1214 = arith.shrui %get3A_1211, %shift_right_logical3A_1213 : vector<16xi32>
      %mul3A_1215 = arith.constant 33555 : i32
      %mul3A_1216 = vector.broadcast %mul3A_1215 : i32 to vector<16xi32>
      %mul3A_1217 = arith.muli %shift_right_logical3A_1214, %mul3A_1216 : vector<16xi32>
      %shift_right_logical3A_1218 = arith.constant 22 : i32
      %shift_right_logical3A_1219 = vector.broadcast %shift_right_logical3A_1218 : i32 to vector<16xi32>
      %shift_right_logical3A_1220 = arith.shrui %mul3A_1217, %shift_right_logical3A_1219 : vector<16xi32>
      %shift_right_logical3A_1221 = arith.constant 1 : i32
      %shift_right_logical3A_1222 = vector.broadcast %shift_right_logical3A_1221 : i32 to vector<16xi32>
      %shift_right_logical3A_1223 = arith.shrui %shift_right_logical3A_1220, %shift_right_logical3A_1222 : vector<16xi32>
      %mul3A_1224 = arith.constant 4000 : i32
      %mul3A_1225 = vector.broadcast %mul3A_1224 : i32 to vector<16xi32>
      %mul3A_1226 = arith.muli %shift_right_logical3A_1223, %mul3A_1225 : vector<16xi32>
      %mul3A_1227 = arith.constant 4000 : i32
      %mul3A_1228 = vector.broadcast %mul3A_1227 : i32 to vector<16xi32>
      %mul3A_1229 = arith.muli %shift_right_logical3A_1220, %mul3A_1228 : vector<16xi32>
      %sub3A_1230 = arith.subi %get3A_1211, %mul3A_1229 : vector<16xi32>
      %add3A_1231 = arith.addi %mul3A_1226, %sub3A_1230 : vector<16xi32>
      %swap3A_1232 = arith.constant 3 : i32
      %swap3A_1233 = arith.index_cast %swap3A_1232 : i32 to index
      %swap3A_1234 = arith.constant 96 : index
      %swap3A_1235 = tpu.vector_load %arg6[%swap3A_1233, %swap3A_1234] {strides = array<i32>} : memref<8x128xi32, #tpu.memory_space<vmem>>, vector<1x16xi32>,
      %swap3A_1236 = vector.shape_cast %swap3A_1235 : vector<1x16xi32> to vector<16xi32>
      %swap3A_1237 = vector.shape_cast %add3A_1231 : vector<16xi32> to vector<1x16xi32>
      tpu.vector_store %arg6[%swap3A_1233, %swap3A_1234], %swap3A_1237 {strides = array<i32>} : memref<8x128xi32, #tpu.memory_space<vmem>>, vector<1x16xi32>,
      %and3A_1238 = arith.constant 1 : i32
      %and3A_1239 = vector.broadcast %and3A_1238 : i32 to vector<16xi32>
      %and3A_1240 = arith.andi %shift_right_logical3A_1220, %and3A_1239 : vector<16xi32>
      %swap3A_1241 = arith.constant 3 : i32
      %swap3A_1242 = arith.index_cast %swap3A_1241 : i32 to index
      %swap3A_1243 = arith.constant 96 : index
      %swap3A_1244 = tpu.vector_load %arg5[%swap3A_1242, %swap3A_1243] {strides = array<i32>} : memref<8x128xi32, #tpu.memory_space<vmem>>, vector<1x16xi32>,
      %swap3A_1245 = vector.shape_cast %swap3A_1244 : vector<1x16xi32> to vector<16xi32>
      %swap3A_1246 = vector.shape_cast %and3A_1240 : vector<16xi32> to vector<1x16xi32>
      tpu.vector_store %arg5[%swap3A_1242, %swap3A_1243], %swap3A_1246 {strides = array<i32>} : memref<8x128xi32, #tpu.memory_space<vmem>>, vector<1x16xi32>,
      %get3A_1247 = arith.constant 3 : i32
      %get3A_1248 = arith.index_cast %get3A_1247 : i32 to index
      %get3A_1249 = arith.constant 112 : index
      %get3A_1250 = tpu.vector_load %arg5[%get3A_1248, %get3A_1249] {strides = array<i32>} : memref<8x128xi32, #tpu.memory_space<vmem>>, vector<1x16xi32>,
      %get3A_1251 = vector.shape_cast %get3A_1250 : vector<1x16xi32> to vector<16xi32>
      %shift_right_logical3A_1252 = arith.constant 5 : i32
      %shift_right_logical3A_1253 = vector.broadcast %shift_right_logical3A_1252 : i32 to vector<16xi32>
      %shift_right_logical3A_1254 = arith.shrui %get3A_1251, %shift_right_logical3A_1253 : vector<16xi32>
      %mul3A_1255 = arith.constant 33555 : i32
      %mul3A_1256 = vector.broadcast %mul3A_1255 : i32 to vector<16xi32>
      %mul3A_1257 = arith.muli %shift_right_logical3A_1254, %mul3A_1256 : vector<16xi32>
      %shift_right_logical3A_1258 = arith.constant 22 : i32
      %shift_right_logical3A_1259 = vector.broadcast %shift_right_logical3A_1258 : i32 to vector<16xi32>
      %shift_right_logical3A_1260 = arith.shrui %mul3A_1257, %shift_right_logical3A_1259 : vector<16xi32>
      %shift_right_logical3A_1261 = arith.constant 1 : i32
      %shift_right_logical3A_1262 = vector.broadcast %shift_right_logical3A_1261 : i32 to vector<16xi32>
      %shift_right_logical3A_1263 = arith.shrui %shift_right_logical3A_1260, %shift_right_logical3A_1262 : vector<16xi32>
      %mul3A_1264 = arith.constant 4000 : i32
      %mul3A_1265 = vector.broadcast %mul3A_1264 : i32 to vector<16xi32>
      %mul3A_1266 = arith.muli %shift_right_logical3A_1263, %mul3A_1265 : vector<16xi32>
      %mul3A_1267 = arith.constant 4000 : i32
      %mul3A_1268 = vector.broadcast %mul3A_1267 : i32 to vector<16xi32>
      %mul3A_1269 = arith.muli %shift_right_logical3A_1260, %mul3A_1268 : vector<16xi32>
      %sub3A_1270 = arith.subi %get3A_1251, %mul3A_1269 : vector<16xi32>
      %add3A_1271 = arith.addi %mul3A_1266, %sub3A_1270 : vector<16xi32>
      %swap3A_1272 = arith.constant 3 : i32
      %swap3A_1273 = arith.index_cast %swap3A_1272 : i32 to index
      %swap3A_1274 = arith.constant 112 : index
      %swap3A_1275 = tpu.vector_load %arg6[%swap3A_1273, %swap3A_1274] {strides = array<i32>} : memref<8x128xi32, #tpu.memory_space<vmem>>, vector<1x16xi32>,
      %swap3A_1276 = vector.shape_cast %swap3A_1275 : vector<1x16xi32> to vector<16xi32>
      %swap3A_1277 = vector.shape_cast %add3A_1271 : vector<16xi32> to vector<1x16xi32>
      tpu.vector_store %arg6[%swap3A_1273, %swap3A_1274], %swap3A_1277 {strides = array<i32>} : memref<8x128xi32, #tpu.memory_space<vmem>>, vector<1x16xi32>,
      %and3A_1278 = arith.constant 1 : i32
      %and3A_1279 = vector.broadcast %and3A_1278 : i32 to vector<16xi32>
      %and3A_1280 = arith.andi %shift_right_logical3A_1260, %and3A_1279 : vector<16xi32>
      %swap3A_1281 = arith.constant 3 : i32
      %swap3A_1282 = arith.index_cast %swap3A_1281 : i32 to index
      %swap3A_1283 = arith.constant 112 : index
      %swap3A_1284 = tpu.vector_load %arg5[%swap3A_1282, %swap3A_1283] {strides = array<i32>} : memref<8x128xi32, #tpu.memory_space<vmem>>, vector<1x16xi32>,
      %swap3A_1285 = vector.shape_cast %swap3A_1284 : vector<1x16xi32> to vector<16xi32>
      %swap3A_1286 = vector.shape_cast %and3A_1280 : vector<16xi32> to vector<1x16xi32>
      tpu.vector_store %arg5[%swap3A_1282, %swap3A_1283], %swap3A_1286 {strides = array<i32>} : memref<8x128xi32, #tpu.memory_space<vmem>>, vector<1x16xi32>,
      %get3A_1287 = arith.constant 4 : i32
      %get3A_1288 = arith.index_cast %get3A_1287 : i32 to index
      %get3A_1289 = arith.constant 0 : index
      %get3A_1290 = tpu.vector_load %arg5[%get3A_1288, %get3A_1289] {strides = array<i32>} : memref<8x128xi32, #tpu.memory_space<vmem>>, vector<1x16xi32>,
      %get3A_1291 = vector.shape_cast %get3A_1290 : vector<1x16xi32> to vector<16xi32>
      %shift_right_logical3A_1292 = arith.constant 5 : i32
      %shift_right_logical3A_1293 = vector.broadcast %shift_right_logical3A_1292 : i32 to vector<16xi32>
      %shift_right_logical3A_1294 = arith.shrui %get3A_1291, %shift_right_logical3A_1293 : vector<16xi32>
      %mul3A_1295 = arith.constant 33555 : i32
      %mul3A_1296 = vector.broadcast %mul3A_1295 : i32 to vector<16xi32>
      %mul3A_1297 = arith.muli %shift_right_logical3A_1294, %mul3A_1296 : vector<16xi32>
      %shift_right_logical3A_1298 = arith.constant 22 : i32
      %shift_right_logical3A_1299 = vector.broadcast %shift_right_logical3A_1298 : i32 to vector<16xi32>
      %shift_right_logical3A_1300 = arith.shrui %mul3A_1297, %shift_right_logical3A_1299 : vector<16xi32>
      %shift_right_logical3A_1301 = arith.constant 1 : i32
      %shift_right_logical3A_1302 = vector.broadcast %shift_right_logical3A_1301 : i32 to vector<16xi32>
      %shift_right_logical3A_1303 = arith.shrui %shift_right_logical3A_1300, %shift_right_logical3A_1302 : vector<16xi32>
      %mul3A_1304 = arith.constant 4000 : i32
      %mul3A_1305 = vector.broadcast %mul3A_1304 : i32 to vector<16xi32>
      %mul3A_1306 = arith.muli %shift_right_logical3A_1303, %mul3A_1305 : vector<16xi32>
      %mul3A_1307 = arith.constant 4000 : i32
      %mul3A_1308 = vector.broadcast %mul3A_1307 : i32 to vector<16xi32>
      %mul3A_1309 = arith.muli %shift_right_logical3A_1300, %mul3A_1308 : vector<16xi32>
      %sub3A_1310 = arith.subi %get3A_1291, %mul3A_1309 : vector<16xi32>
      %add3A_1311 = arith.addi %mul3A_1306, %sub3A_1310 : vector<16xi32>
      %swap3A_1312 = arith.constant 4 : i32
      %swap3A_1313 = arith.index_cast %swap3A_1312 : i32 to index
      %swap3A_1314 = arith.constant 0 : index
      %swap3A_1315 = tpu.vector_load %arg6[%swap3A_1313, %swap3A_1314] {strides = array<i32>} : memref<8x128xi32, #tpu.memory_space<vmem>>, vector<1x16xi32>,
      %swap3A_1316 = vector.shape_cast %swap3A_1315 : vector<1x16xi32> to vector<16xi32>
      %swap3A_1317 = vector.shape_cast %add3A_1311 : vector<16xi32> to vector<1x16xi32>
      tpu.vector_store %arg6[%swap3A_1313, %swap3A_1314], %swap3A_1317 {strides = array<i32>} : memref<8x128xi32, #tpu.memory_space<vmem>>, vector<1x16xi32>,
      %and3A_1318 = arith.constant 1 : i32
      %and3A_1319 = vector.broadcast %and3A_1318 : i32 to vector<16xi32>
      %and3A_1320 = arith.andi %shift_right_logical3A_1300, %and3A_1319 : vector<16xi32>
      %swap3A_1321 = arith.constant 4 : i32
      %swap3A_1322 = arith.index_cast %swap3A_1321 : i32 to index
      %swap3A_1323 = arith.constant 0 : index
      %swap3A_1324 = tpu.vector_load %arg5[%swap3A_1322, %swap3A_1323] {strides = array<i32>} : memref<8x128xi32, #tpu.memory_space<vmem>>, vector<1x16xi32>,
      %swap3A_1325 = vector.shape_cast %swap3A_1324 : vector<1x16xi32> to vector<16xi32>
      %swap3A_1326 = vector.shape_cast %and3A_1320 : vector<16xi32> to vector<1x16xi32>
      tpu.vector_store %arg5[%swap3A_1322, %swap3A_1323], %swap3A_1326 {strides = array<i32>} : memref<8x128xi32, #tpu.memory_space<vmem>>, vector<1x16xi32>,
      %get3A_1327 = arith.constant 4 : i32
      %get3A_1328 = arith.index_cast %get3A_1327 : i32 to index
      %get3A_1329 = arith.constant 16 : index
      %get3A_1330 = tpu.vector_load %arg5[%get3A_1328, %get3A_1329] {strides = array<i32>} : memref<8x128xi32, #tpu.memory_space<vmem>>, vector<1x16xi32>,
      %get3A_1331 = vector.shape_cast %get3A_1330 : vector<1x16xi32> to vector<16xi32>
      %shift_right_logical3A_1332 = arith.constant 5 : i32
      %shift_right_logical3A_1333 = vector.broadcast %shift_right_logical3A_1332 : i32 to vector<16xi32>
      %shift_right_logical3A_1334 = arith.shrui %get3A_1331, %shift_right_logical3A_1333 : vector<16xi32>
      %mul3A_1335 = arith.constant 33555 : i32
      %mul3A_1336 = vector.broadcast %mul3A_1335 : i32 to vector<16xi32>
      %mul3A_1337 = arith.muli %shift_right_logical3A_1334, %mul3A_1336 : vector<16xi32>
      %shift_right_logical3A_1338 = arith.constant 22 : i32
      %shift_right_logical3A_1339 = vector.broadcast %shift_right_logical3A_1338 : i32 to vector<16xi32>
      %shift_right_logical3A_1340 = arith.shrui %mul3A_1337, %shift_right_logical3A_1339 : vector<16xi32>
      %shift_right_logical3A_1341 = arith.constant 1 : i32
      %shift_right_logical3A_1342 = vector.broadcast %shift_right_logical3A_1341 : i32 to vector<16xi32>
      %shift_right_logical3A_1343 = arith.shrui %shift_right_logical3A_1340, %shift_right_logical3A_1342 : vector<16xi32>
      %mul3A_1344 = arith.constant 4000 : i32
      %mul3A_1345 = vector.broadcast %mul3A_1344 : i32 to vector<16xi32>
      %mul3A_1346 = arith.muli %shift_right_logical3A_1343, %mul3A_1345 : vector<16xi32>
      %mul3A_1347 = arith.constant 4000 : i32
      %mul3A_1348 = vector.broadcast %mul3A_1347 : i32 to vector<16xi32>
      %mul3A_1349 = arith.muli %shift_right_logical3A_1340, %mul3A_1348 : vector<16xi32>
      %sub3A_1350 = arith.subi %get3A_1331, %mul3A_1349 : vector<16xi32>
      %add3A_1351 = arith.addi %mul3A_1346, %sub3A_1350 : vector<16xi32>
      %swap3A_1352 = arith.constant 4 : i32
      %swap3A_1353 = arith.index_cast %swap3A_1352 : i32 to index
      %swap3A_1354 = arith.constant 16 : index
      %swap3A_1355 = tpu.vector_load %arg6[%swap3A_1353, %swap3A_1354] {strides = array<i32>} : memref<8x128xi32, #tpu.memory_space<vmem>>, vector<1x16xi32>,
      %swap3A_1356 = vector.shape_cast %swap3A_1355 : vector<1x16xi32> to vector<16xi32>
      %swap3A_1357 = vector.shape_cast %add3A_1351 : vector<16xi32> to vector<1x16xi32>
      tpu.vector_store %arg6[%swap3A_1353, %swap3A_1354], %swap3A_1357 {strides = array<i32>} : memref<8x128xi32, #tpu.memory_space<vmem>>, vector<1x16xi32>,
      %and3A_1358 = arith.constant 1 : i32
      %and3A_1359 = vector.broadcast %and3A_1358 : i32 to vector<16xi32>
      %and3A_1360 = arith.andi %shift_right_logical3A_1340, %and3A_1359 : vector<16xi32>
      %swap3A_1361 = arith.constant 4 : i32
      %swap3A_1362 = arith.index_cast %swap3A_1361 : i32 to index
      %swap3A_1363 = arith.constant 16 : index
      %swap3A_1364 = tpu.vector_load %arg5[%swap3A_1362, %swap3A_1363] {strides = array<i32>} : memref<8x128xi32, #tpu.memory_space<vmem>>, vector<1x16xi32>,
      %swap3A_1365 = vector.shape_cast %swap3A_1364 : vector<1x16xi32> to vector<16xi32>
      %swap3A_1366 = vector.shape_cast %and3A_1360 : vector<16xi32> to vector<1x16xi32>
      tpu.vector_store %arg5[%swap3A_1362, %swap3A_1363], %swap3A_1366 {strides = array<i32>} : memref<8x128xi32, #tpu.memory_space<vmem>>, vector<1x16xi32>,
      %get3A_1367 = arith.constant 4 : i32
      %get3A_1368 = arith.index_cast %get3A_1367 : i32 to index
      %get3A_1369 = arith.constant 32 : index
      %get3A_1370 = tpu.vector_load %arg5[%get3A_1368, %get3A_1369] {strides = array<i32>} : memref<8x128xi32, #tpu.memory_space<vmem>>, vector<1x16xi32>,
      %get3A_1371 = vector.shape_cast %get3A_1370 : vector<1x16xi32> to vector<16xi32>
      %shift_right_logical3A_1372 = arith.constant 5 : i32
      %shift_right_logical3A_1373 = vector.broadcast %shift_right_logical3A_1372 : i32 to vector<16xi32>
      %shift_right_logical3A_1374 = arith.shrui %get3A_1371, %shift_right_logical3A_1373 : vector<16xi32>
      %mul3A_1375 = arith.constant 33555 : i32
      %mul3A_1376 = vector.broadcast %mul3A_1375 : i32 to vector<16xi32>
      %mul3A_1377 = arith.muli %shift_right_logical3A_1374, %mul3A_1376 : vector<16xi32>
      %shift_right_logical3A_1378 = arith.constant 22 : i32
      %shift_right_logical3A_1379 = vector.broadcast %shift_right_logical3A_1378 : i32 to vector<16xi32>
      %shift_right_logical3A_1380 = arith.shrui %mul3A_1377, %shift_right_logical3A_1379 : vector<16xi32>
      %shift_right_logical3A_1381 = arith.constant 1 : i32
      %shift_right_logical3A_1382 = vector.broadcast %shift_right_logical3A_1381 : i32 to vector<16xi32>
      %shift_right_logical3A_1383 = arith.shrui %shift_right_logical3A_1380, %shift_right_logical3A_1382 : vector<16xi32>
      %mul3A_1384 = arith.constant 4000 : i32
      %mul3A_1385 = vector.broadcast %mul3A_1384 : i32 to vector<16xi32>
      %mul3A_1386 = arith.muli %shift_right_logical3A_1383, %mul3A_1385 : vector<16xi32>
      %mul3A_1387 = arith.constant 4000 : i32
      %mul3A_1388 = vector.broadcast %mul3A_1387 : i32 to vector<16xi32>
      %mul3A_1389 = arith.muli %shift_right_logical3A_1380, %mul3A_1388 : vector<16xi32>
      %sub3A_1390 = arith.subi %get3A_1371, %mul3A_1389 : vector<16xi32>
      %add3A_1391 = arith.addi %mul3A_1386, %sub3A_1390 : vector<16xi32>
      %swap3A_1392 = arith.constant 4 : i32
      %swap3A_1393 = arith.index_cast %swap3A_1392 : i32 to index
      %swap3A_1394 = arith.constant 32 : index
      %swap3A_1395 = tpu.vector_load %arg6[%swap3A_1393, %swap3A_1394] {strides = array<i32>} : memref<8x128xi32, #tpu.memory_space<vmem>>, vector<1x16xi32>,
      %swap3A_1396 = vector.shape_cast %swap3A_1395 : vector<1x16xi32> to vector<16xi32>
      %swap3A_1397 = vector.shape_cast %add3A_1391 : vector<16xi32> to vector<1x16xi32>
      tpu.vector_store %arg6[%swap3A_1393, %swap3A_1394], %swap3A_1397 {strides = array<i32>} : memref<8x128xi32, #tpu.memory_space<vmem>>, vector<1x16xi32>,
      %and3A_1398 = arith.constant 1 : i32
      %and3A_1399 = vector.broadcast %and3A_1398 : i32 to vector<16xi32>
      %and3A_1400 = arith.andi %shift_right_logical3A_1380, %and3A_1399 : vector<16xi32>
      %swap3A_1401 = arith.constant 4 : i32
      %swap3A_1402 = arith.index_cast %swap3A_1401 : i32 to index
      %swap3A_1403 = arith.constant 32 : index
      %swap3A_1404 = tpu.vector_load %arg5[%swap3A_1402, %swap3A_1403] {strides = array<i32>} : memref<8x128xi32, #tpu.memory_space<vmem>>, vector<1x16xi32>,
      %swap3A_1405 = vector.shape_cast %swap3A_1404 : vector<1x16xi32> to vector<16xi32>
      %swap3A_1406 = vector.shape_cast %and3A_1400 : vector<16xi32> to vector<1x16xi32>
      tpu.vector_store %arg5[%swap3A_1402, %swap3A_1403], %swap3A_1406 {strides = array<i32>} : memref<8x128xi32, #tpu.memory_space<vmem>>, vector<1x16xi32>,
      %get3A_1407 = arith.constant 4 : i32
      %get3A_1408 = arith.index_cast %get3A_1407 : i32 to index
      %get3A_1409 = arith.constant 48 : index
      %get3A_1410 = tpu.vector_load %arg5[%get3A_1408, %get3A_1409] {strides = array<i32>} : memref<8x128xi32, #tpu.memory_space<vmem>>, vector<1x16xi32>,
      %get3A_1411 = vector.shape_cast %get3A_1410 : vector<1x16xi32> to vector<16xi32>
      %shift_right_logical3A_1412 = arith.constant 5 : i32
      %shift_right_logical3A_1413 = vector.broadcast %shift_right_logical3A_1412 : i32 to vector<16xi32>
      %shift_right_logical3A_1414 = arith.shrui %get3A_1411, %shift_right_logical3A_1413 : vector<16xi32>
      %mul3A_1415 = arith.constant 33555 : i32
      %mul3A_1416 = vector.broadcast %mul3A_1415 : i32 to vector<16xi32>
      %mul3A_1417 = arith.muli %shift_right_logical3A_1414, %mul3A_1416 : vector<16xi32>
      %shift_right_logical3A_1418 = arith.constant 22 : i32
      %shift_right_logical3A_1419 = vector.broadcast %shift_right_logical3A_1418 : i32 to vector<16xi32>
      %shift_right_logical3A_1420 = arith.shrui %mul3A_1417, %shift_right_logical3A_1419 : vector<16xi32>
      %shift_right_logical3A_1421 = arith.constant 1 : i32
      %shift_right_logical3A_1422 = vector.broadcast %shift_right_logical3A_1421 : i32 to vector<16xi32>
      %shift_right_logical3A_1423 = arith.shrui %shift_right_logical3A_1420, %shift_right_logical3A_1422 : vector<16xi32>
      %mul3A_1424 = arith.constant 4000 : i32
      %mul3A_1425 = vector.broadcast %mul3A_1424 : i32 to vector<16xi32>
      %mul3A_1426 = arith.muli %shift_right_logical3A_1423, %mul3A_1425 : vector<16xi32>
      %mul3A_1427 = arith.constant 4000 : i32
      %mul3A_1428 = vector.broadcast %mul3A_1427 : i32 to vector<16xi32>
      %mul3A_1429 = arith.muli %shift_right_logical3A_1420, %mul3A_1428 : vector<16xi32>
      %sub3A_1430 = arith.subi %get3A_1411, %mul3A_1429 : vector<16xi32>
      %add3A_1431 = arith.addi %mul3A_1426, %sub3A_1430 : vector<16xi32>
      %swap3A_1432 = arith.constant 4 : i32
      %swap3A_1433 = arith.index_cast %swap3A_1432 : i32 to index
      %swap3A_1434 = arith.constant 48 : index
      %swap3A_1435 = tpu.vector_load %arg6[%swap3A_1433, %swap3A_1434] {strides = array<i32>} : memref<8x128xi32, #tpu.memory_space<vmem>>, vector<1x16xi32>,
      %swap3A_1436 = vector.shape_cast %swap3A_1435 : vector<1x16xi32> to vector<16xi32>
      %swap3A_1437 = vector.shape_cast %add3A_1431 : vector<16xi32> to vector<1x16xi32>
      tpu.vector_store %arg6[%swap3A_1433, %swap3A_1434], %swap3A_1437 {strides = array<i32>} : memref<8x128xi32, #tpu.memory_space<vmem>>, vector<1x16xi32>,
      %and3A_1438 = arith.constant 1 : i32
      %and3A_1439 = vector.broadcast %and3A_1438 : i32 to vector<16xi32>
      %and3A_1440 = arith.andi %shift_right_logical3A_1420, %and3A_1439 : vector<16xi32>
      %swap3A_1441 = arith.constant 4 : i32
      %swap3A_1442 = arith.index_cast %swap3A_1441 : i32 to index
      %swap3A_1443 = arith.constant 48 : index
      %swap3A_1444 = tpu.vector_load %arg5[%swap3A_1442, %swap3A_1443] {strides = array<i32>} : memref<8x128xi32, #tpu.memory_space<vmem>>, vector<1x16xi32>,
      %swap3A_1445 = vector.shape_cast %swap3A_1444 : vector<1x16xi32> to vector<16xi32>
      %swap3A_1446 = vector.shape_cast %and3A_1440 : vector<16xi32> to vector<1x16xi32>
      tpu.vector_store %arg5[%swap3A_1442, %swap3A_1443], %swap3A_1446 {strides = array<i32>} : memref<8x128xi32, #tpu.memory_space<vmem>>, vector<1x16xi32>,
      %get3A_1447 = arith.constant 4 : i32
      %get3A_1448 = arith.index_cast %get3A_1447 : i32 to index
      %get3A_1449 = arith.constant 64 : index
      %get3A_1450 = tpu.vector_load %arg5[%get3A_1448, %get3A_1449] {strides = array<i32>} : memref<8x128xi32, #tpu.memory_space<vmem>>, vector<1x16xi32>,
      %get3A_1451 = vector.shape_cast %get3A_1450 : vector<1x16xi32> to vector<16xi32>
      %shift_right_logical3A_1452 = arith.constant 5 : i32
      %shift_right_logical3A_1453 = vector.broadcast %shift_right_logical3A_1452 : i32 to vector<16xi32>
      %shift_right_logical3A_1454 = arith.shrui %get3A_1451, %shift_right_logical3A_1453 : vector<16xi32>
      %mul3A_1455 = arith.constant 33555 : i32
      %mul3A_1456 = vector.broadcast %mul3A_1455 : i32 to vector<16xi32>
      %mul3A_1457 = arith.muli %shift_right_logical3A_1454, %mul3A_1456 : vector<16xi32>
      %shift_right_logical3A_1458 = arith.constant 22 : i32
      %shift_right_logical3A_1459 = vector.broadcast %shift_right_logical3A_1458 : i32 to vector<16xi32>
      %shift_right_logical3A_1460 = arith.shrui %mul3A_1457, %shift_right_logical3A_1459 : vector<16xi32>
      %shift_right_logical3A_1461 = arith.constant 1 : i32
      %shift_right_logical3A_1462 = vector.broadcast %shift_right_logical3A_1461 : i32 to vector<16xi32>
      %shift_right_logical3A_1463 = arith.shrui %shift_right_logical3A_1460, %shift_right_logical3A_1462 : vector<16xi32>
      %mul3A_1464 = arith.constant 4000 : i32
      %mul3A_1465 = vector.broadcast %mul3A_1464 : i32 to vector<16xi32>
      %mul3A_1466 = arith.muli %shift_right_logical3A_1463, %mul3A_1465 : vector<16xi32>
      %mul3A_1467 = arith.constant 4000 : i32
      %mul3A_1468 = vector.broadcast %mul3A_1467 : i32 to vector<16xi32>
      %mul3A_1469 = arith.muli %shift_right_logical3A_1460, %mul3A_1468 : vector<16xi32>
      %sub3A_1470 = arith.subi %get3A_1451, %mul3A_1469 : vector<16xi32>
      %add3A_1471 = arith.addi %mul3A_1466, %sub3A_1470 : vector<16xi32>
      %swap3A_1472 = arith.constant 4 : i32
      %swap3A_1473 = arith.index_cast %swap3A_1472 : i32 to index
      %swap3A_1474 = arith.constant 64 : index
      %swap3A_1475 = tpu.vector_load %arg6[%swap3A_1473, %swap3A_1474] {strides = array<i32>} : memref<8x128xi32, #tpu.memory_space<vmem>>, vector<1x16xi32>,
      %swap3A_1476 = vector.shape_cast %swap3A_1475 : vector<1x16xi32> to vector<16xi32>
      %swap3A_1477 = vector.shape_cast %add3A_1471 : vector<16xi32> to vector<1x16xi32>
      tpu.vector_store %arg6[%swap3A_1473, %swap3A_1474], %swap3A_1477 {strides = array<i32>} : memref<8x128xi32, #tpu.memory_space<vmem>>, vector<1x16xi32>,
      %and3A_1478 = arith.constant 1 : i32
      %and3A_1479 = vector.broadcast %and3A_1478 : i32 to vector<16xi32>
      %and3A_1480 = arith.andi %shift_right_logical3A_1460, %and3A_1479 : vector<16xi32>
      %swap3A_1481 = arith.constant 4 : i32
      %swap3A_1482 = arith.index_cast %swap3A_1481 : i32 to index
      %swap3A_1483 = arith.constant 64 : index
      %swap3A_1484 = tpu.vector_load %arg5[%swap3A_1482, %swap3A_1483] {strides = array<i32>} : memref<8x128xi32, #tpu.memory_space<vmem>>, vector<1x16xi32>,
      %swap3A_1485 = vector.shape_cast %swap3A_1484 : vector<1x16xi32> to vector<16xi32>
      %swap3A_1486 = vector.shape_cast %and3A_1480 : vector<16xi32> to vector<1x16xi32>
      tpu.vector_store %arg5[%swap3A_1482, %swap3A_1483], %swap3A_1486 {strides = array<i32>} : memref<8x128xi32, #tpu.memory_space<vmem>>, vector<1x16xi32>,
      %get3A_1487 = arith.constant 4 : i32
      %get3A_1488 = arith.index_cast %get3A_1487 : i32 to index
      %get3A_1489 = arith.constant 80 : index
      %get3A_1490 = tpu.vector_load %arg5[%get3A_1488, %get3A_1489] {strides = array<i32>} : memref<8x128xi32, #tpu.memory_space<vmem>>, vector<1x16xi32>,
      %get3A_1491 = vector.shape_cast %get3A_1490 : vector<1x16xi32> to vector<16xi32>
      %shift_right_logical3A_1492 = arith.constant 5 : i32
      %shift_right_logical3A_1493 = vector.broadcast %shift_right_logical3A_1492 : i32 to vector<16xi32>
      %shift_right_logical3A_1494 = arith.shrui %get3A_1491, %shift_right_logical3A_1493 : vector<16xi32>
      %mul3A_1495 = arith.constant 33555 : i32
      %mul3A_1496 = vector.broadcast %mul3A_1495 : i32 to vector<16xi32>
      %mul3A_1497 = arith.muli %shift_right_logical3A_1494, %mul3A_1496 : vector<16xi32>
      %shift_right_logical3A_1498 = arith.constant 22 : i32
      %shift_right_logical3A_1499 = vector.broadcast %shift_right_logical3A_1498 : i32 to vector<16xi32>
      %shift_right_logical3A_1500 = arith.shrui %mul3A_1497, %shift_right_logical3A_1499 : vector<16xi32>
      %shift_right_logical3A_1501 = arith.constant 1 : i32
      %shift_right_logical3A_1502 = vector.broadcast %shift_right_logical3A_1501 : i32 to vector<16xi32>
      %shift_right_logical3A_1503 = arith.shrui %shift_right_logical3A_1500, %shift_right_logical3A_1502 : vector<16xi32>
      %mul3A_1504 = arith.constant 4000 : i32
      %mul3A_1505 = vector.broadcast %mul3A_1504 : i32 to vector<16xi32>
      %mul3A_1506 = arith.muli %shift_right_logical3A_1503, %mul3A_1505 : vector<16xi32>
      %mul3A_1507 = arith.constant 4000 : i32
      %mul3A_1508 = vector.broadcast %mul3A_1507 : i32 to vector<16xi32>
      %mul3A_1509 = arith.muli %shift_right_logical3A_1500, %mul3A_1508 : vector<16xi32>
      %sub3A_1510 = arith.subi %get3A_1491, %mul3A_1509 : vector<16xi32>
      %add3A_1511 = arith.addi %mul3A_1506, %sub3A_1510 : vector<16xi32>
      %swap3A_1512 = arith.constant 4 : i32
      %swap3A_1513 = arith.index_cast %swap3A_1512 : i32 to index
      %swap3A_1514 = arith.constant 80 : index
      %swap3A_1515 = tpu.vector_load %arg6[%swap3A_1513, %swap3A_1514] {strides = array<i32>} : memref<8x128xi32, #tpu.memory_space<vmem>>, vector<1x16xi32>,
      %swap3A_1516 = vector.shape_cast %swap3A_1515 : vector<1x16xi32> to vector<16xi32>
      %swap3A_1517 = vector.shape_cast %add3A_1511 : vector<16xi32> to vector<1x16xi32>
      tpu.vector_store %arg6[%swap3A_1513, %swap3A_1514], %swap3A_1517 {strides = array<i32>} : memref<8x128xi32, #tpu.memory_space<vmem>>, vector<1x16xi32>,
      %and3A_1518 = arith.constant 1 : i32
      %and3A_1519 = vector.broadcast %and3A_1518 : i32 to vector<16xi32>
      %and3A_1520 = arith.andi %shift_right_logical3A_1500, %and3A_1519 : vector<16xi32>
      %swap3A_1521 = arith.constant 4 : i32
      %swap3A_1522 = arith.index_cast %swap3A_1521 : i32 to index
      %swap3A_1523 = arith.constant 80 : index
      %swap3A_1524 = tpu.vector_load %arg5[%swap3A_1522, %swap3A_1523] {strides = array<i32>} : memref<8x128xi32, #tpu.memory_space<vmem>>, vector<1x16xi32>,
      %swap3A_1525 = vector.shape_cast %swap3A_1524 : vector<1x16xi32> to vector<16xi32>
      %swap3A_1526 = vector.shape_cast %and3A_1520 : vector<16xi32> to vector<1x16xi32>
      tpu.vector_store %arg5[%swap3A_1522, %swap3A_1523], %swap3A_1526 {strides = array<i32>} : memref<8x128xi32, #tpu.memory_space<vmem>>, vector<1x16xi32>,
      %get3A_1527 = arith.constant 4 : i32
      %get3A_1528 = arith.index_cast %get3A_1527 : i32 to index
      %get3A_1529 = arith.constant 96 : index
      %get3A_1530 = tpu.vector_load %arg5[%get3A_1528, %get3A_1529] {strides = array<i32>} : memref<8x128xi32, #tpu.memory_space<vmem>>, vector<1x16xi32>,
      %get3A_1531 = vector.shape_cast %get3A_1530 : vector<1x16xi32> to vector<16xi32>
      %shift_right_logical3A_1532 = arith.constant 5 : i32
      %shift_right_logical3A_1533 = vector.broadcast %shift_right_logical3A_1532 : i32 to vector<16xi32>
      %shift_right_logical3A_1534 = arith.shrui %get3A_1531, %shift_right_logical3A_1533 : vector<16xi32>
      %mul3A_1535 = arith.constant 33555 : i32
      %mul3A_1536 = vector.broadcast %mul3A_1535 : i32 to vector<16xi32>
      %mul3A_1537 = arith.muli %shift_right_logical3A_1534, %mul3A_1536 : vector<16xi32>
      %shift_right_logical3A_1538 = arith.constant 22 : i32
      %shift_right_logical3A_1539 = vector.broadcast %shift_right_logical3A_1538 : i32 to vector<16xi32>
      %shift_right_logical3A_1540 = arith.shrui %mul3A_1537, %shift_right_logical3A_1539 : vector<16xi32>
      %shift_right_logical3A_1541 = arith.constant 1 : i32
      %shift_right_logical3A_1542 = vector.broadcast %shift_right_logical3A_1541 : i32 to vector<16xi32>
      %shift_right_logical3A_1543 = arith.shrui %shift_right_logical3A_1540, %shift_right_logical3A_1542 : vector<16xi32>
      %mul3A_1544 = arith.constant 4000 : i32
      %mul3A_1545 = vector.broadcast %mul3A_1544 : i32 to vector<16xi32>
      %mul3A_1546 = arith.muli %shift_right_logical3A_1543, %mul3A_1545 : vector<16xi32>
      %mul3A_1547 = arith.constant 4000 : i32
      %mul3A_1548 = vector.broadcast %mul3A_1547 : i32 to vector<16xi32>
      %mul3A_1549 = arith.muli %shift_right_logical3A_1540, %mul3A_1548 : vector<16xi32>
      %sub3A_1550 = arith.subi %get3A_1531, %mul3A_1549 : vector<16xi32>
      %add3A_1551 = arith.addi %mul3A_1546, %sub3A_1550 : vector<16xi32>
      %swap3A_1552 = arith.constant 4 : i32
      %swap3A_1553 = arith.index_cast %swap3A_1552 : i32 to index
      %swap3A_1554 = arith.constant 96 : index
      %swap3A_1555 = tpu.vector_load %arg6[%swap3A_1553, %swap3A_1554] {strides = array<i32>} : memref<8x128xi32, #tpu.memory_space<vmem>>, vector<1x16xi32>,
      %swap3A_1556 = vector.shape_cast %swap3A_1555 : vector<1x16xi32> to vector<16xi32>
      %swap3A_1557 = vector.shape_cast %add3A_1551 : vector<16xi32> to vector<1x16xi32>
      tpu.vector_store %arg6[%swap3A_1553, %swap3A_1554], %swap3A_1557 {strides = array<i32>} : memref<8x128xi32, #tpu.memory_space<vmem>>, vector<1x16xi32>,
      %and3A_1558 = arith.constant 1 : i32
      %and3A_1559 = vector.broadcast %and3A_1558 : i32 to vector<16xi32>
      %and3A_1560 = arith.andi %shift_right_logical3A_1540, %and3A_1559 : vector<16xi32>
      %swap3A_1561 = arith.constant 4 : i32
      %swap3A_1562 = arith.index_cast %swap3A_1561 : i32 to index
      %swap3A_1563 = arith.constant 96 : index
      %swap3A_1564 = tpu.vector_load %arg5[%swap3A_1562, %swap3A_1563] {strides = array<i32>} : memref<8x128xi32, #tpu.memory_space<vmem>>, vector<1x16xi32>,
      %swap3A_1565 = vector.shape_cast %swap3A_1564 : vector<1x16xi32> to vector<16xi32>
      %swap3A_1566 = vector.shape_cast %and3A_1560 : vector<16xi32> to vector<1x16xi32>
      tpu.vector_store %arg5[%swap3A_1562, %swap3A_1563], %swap3A_1566 {strides = array<i32>} : memref<8x128xi32, #tpu.memory_space<vmem>>, vector<1x16xi32>,
      %get3A_1567 = arith.constant 4 : i32
      %get3A_1568 = arith.index_cast %get3A_1567 : i32 to index
      %get3A_1569 = arith.constant 112 : index
      %get3A_1570 = tpu.vector_load %arg5[%get3A_1568, %get3A_1569] {strides = array<i32>} : memref<8x128xi32, #tpu.memory_space<vmem>>, vector<1x16xi32>,
      %get3A_1571 = vector.shape_cast %get3A_1570 : vector<1x16xi32> to vector<16xi32>
      %shift_right_logical3A_1572 = arith.constant 5 : i32
      %shift_right_logical3A_1573 = vector.broadcast %shift_right_logical3A_1572 : i32 to vector<16xi32>
      %shift_right_logical3A_1574 = arith.shrui %get3A_1571, %shift_right_logical3A_1573 : vector<16xi32>
      %mul3A_1575 = arith.constant 33555 : i32
      %mul3A_1576 = vector.broadcast %mul3A_1575 : i32 to vector<16xi32>
      %mul3A_1577 = arith.muli %shift_right_logical3A_1574, %mul3A_1576 : vector<16xi32>
      %shift_right_logical3A_1578 = arith.constant 22 : i32
      %shift_right_logical3A_1579 = vector.broadcast %shift_right_logical3A_1578 : i32 to vector<16xi32>
      %shift_right_logical3A_1580 = arith.shrui %mul3A_1577, %shift_right_logical3A_1579 : vector<16xi32>
      %shift_right_logical3A_1581 = arith.constant 1 : i32
      %shift_right_logical3A_1582 = vector.broadcast %shift_right_logical3A_1581 : i32 to vector<16xi32>
      %shift_right_logical3A_1583 = arith.shrui %shift_right_logical3A_1580, %shift_right_logical3A_1582 : vector<16xi32>
      %mul3A_1584 = arith.constant 4000 : i32
      %mul3A_1585 = vector.broadcast %mul3A_1584 : i32 to vector<16xi32>
      %mul3A_1586 = arith.muli %shift_right_logical3A_1583, %mul3A_1585 : vector<16xi32>
      %mul3A_1587 = arith.constant 4000 : i32
      %mul3A_1588 = vector.broadcast %mul3A_1587 : i32 to vector<16xi32>
      %mul3A_1589 = arith.muli %shift_right_logical3A_1580, %mul3A_1588 : vector<16xi32>
      %sub3A_1590 = arith.subi %get3A_1571, %mul3A_1589 : vector<16xi32>
      %add3A_1591 = arith.addi %mul3A_1586, %sub3A_1590 : vector<16xi32>
      %swap3A_1592 = arith.constant 4 : i32
      %swap3A_1593 = arith.index_cast %swap3A_1592 : i32 to index
      %swap3A_1594 = arith.constant 112 : index
      %swap3A_1595 = tpu.vector_load %arg6[%swap3A_1593, %swap3A_1594] {strides = array<i32>} : memref<8x128xi32, #tpu.memory_space<vmem>>, vector<1x16xi32>,
      %swap3A_1596 = vector.shape_cast %swap3A_1595 : vector<1x16xi32> to vector<16xi32>
      %swap3A_1597 = vector.shape_cast %add3A_1591 : vector<16xi32> to vector<1x16xi32>
      tpu.vector_store %arg6[%swap3A_1593, %swap3A_1594], %swap3A_1597 {strides = array<i32>} : memref<8x128xi32, #tpu.memory_space<vmem>>, vector<1x16xi32>,
      %and3A_1598 = arith.constant 1 : i32
      %and3A_1599 = vector.broadcast %and3A_1598 : i32 to vector<16xi32>
      %and3A_1600 = arith.andi %shift_right_logical3A_1580, %and3A_1599 : vector<16xi32>
      %swap3A_1601 = arith.constant 4 : i32
      %swap3A_1602 = arith.index_cast %swap3A_1601 : i32 to index
      %swap3A_1603 = arith.constant 112 : index
      %swap3A_1604 = tpu.vector_load %arg5[%swap3A_1602, %swap3A_1603] {strides = array<i32>} : memref<8x128xi32, #tpu.memory_space<vmem>>, vector<1x16xi32>,
      %swap3A_1605 = vector.shape_cast %swap3A_1604 : vector<1x16xi32> to vector<16xi32>
      %swap3A_1606 = vector.shape_cast %and3A_1600 : vector<16xi32> to vector<1x16xi32>
      tpu.vector_store %arg5[%swap3A_1602, %swap3A_1603], %swap3A_1606 {strides = array<i32>} : memref<8x128xi32, #tpu.memory_space<vmem>>, vector<1x16xi32>,
      %get3A_1607 = arith.constant 5 : i32
      %get3A_1608 = arith.index_cast %get3A_1607 : i32 to index
      %get3A_1609 = arith.constant 0 : index
      %get3A_1610 = tpu.vector_load %arg5[%get3A_1608, %get3A_1609] {strides = array<i32>} : memref<8x128xi32, #tpu.memory_space<vmem>>, vector<1x16xi32>,
      %get3A_1611 = vector.shape_cast %get3A_1610 : vector<1x16xi32> to vector<16xi32>
      %shift_right_logical3A_1612 = arith.constant 5 : i32
      %shift_right_logical3A_1613 = vector.broadcast %shift_right_logical3A_1612 : i32 to vector<16xi32>
      %shift_right_logical3A_1614 = arith.shrui %get3A_1611, %shift_right_logical3A_1613 : vector<16xi32>
      %mul3A_1615 = arith.constant 33555 : i32
      %mul3A_1616 = vector.broadcast %mul3A_1615 : i32 to vector<16xi32>
      %mul3A_1617 = arith.muli %shift_right_logical3A_1614, %mul3A_1616 : vector<16xi32>
      %shift_right_logical3A_1618 = arith.constant 22 : i32
      %shift_right_logical3A_1619 = vector.broadcast %shift_right_logical3A_1618 : i32 to vector<16xi32>
      %shift_right_logical3A_1620 = arith.shrui %mul3A_1617, %shift_right_logical3A_1619 : vector<16xi32>
      %shift_right_logical3A_1621 = arith.constant 1 : i32
      %shift_right_logical3A_1622 = vector.broadcast %shift_right_logical3A_1621 : i32 to vector<16xi32>
      %shift_right_logical3A_1623 = arith.shrui %shift_right_logical3A_1620, %shift_right_logical3A_1622 : vector<16xi32>
      %mul3A_1624 = arith.constant 4000 : i32
      %mul3A_1625 = vector.broadcast %mul3A_1624 : i32 to vector<16xi32>
      %mul3A_1626 = arith.muli %shift_right_logical3A_1623, %mul3A_1625 : vector<16xi32>
      %mul3A_1627 = arith.constant 4000 : i32
      %mul3A_1628 = vector.broadcast %mul3A_1627 : i32 to vector<16xi32>
      %mul3A_1629 = arith.muli %shift_right_logical3A_1620, %mul3A_1628 : vector<16xi32>
      %sub3A_1630 = arith.subi %get3A_1611, %mul3A_1629 : vector<16xi32>
      %add3A_1631 = arith.addi %mul3A_1626, %sub3A_1630 : vector<16xi32>
      %swap3A_1632 = arith.constant 5 : i32
      %swap3A_1633 = arith.index_cast %swap3A_1632 : i32 to index
      %swap3A_1634 = arith.constant 0 : index
      %swap3A_1635 = tpu.vector_load %arg6[%swap3A_1633, %swap3A_1634] {strides = array<i32>} : memref<8x128xi32, #tpu.memory_space<vmem>>, vector<1x16xi32>,
      %swap3A_1636 = vector.shape_cast %swap3A_1635 : vector<1x16xi32> to vector<16xi32>
      %swap3A_1637 = vector.shape_cast %add3A_1631 : vector<16xi32> to vector<1x16xi32>
      tpu.vector_store %arg6[%swap3A_1633, %swap3A_1634], %swap3A_1637 {strides = array<i32>} : memref<8x128xi32, #tpu.memory_space<vmem>>, vector<1x16xi32>,
      %and3A_1638 = arith.constant 1 : i32
      %and3A_1639 = vector.broadcast %and3A_1638 : i32 to vector<16xi32>
      %and3A_1640 = arith.andi %shift_right_logical3A_1620, %and3A_1639 : vector<16xi32>
      %swap3A_1641 = arith.constant 5 : i32
      %swap3A_1642 = arith.index_cast %swap3A_1641 : i32 to index
      %swap3A_1643 = arith.constant 0 : index
      %swap3A_1644 = tpu.vector_load %arg5[%swap3A_1642, %swap3A_1643] {strides = array<i32>} : memref<8x128xi32, #tpu.memory_space<vmem>>, vector<1x16xi32>,
      %swap3A_1645 = vector.shape_cast %swap3A_1644 : vector<1x16xi32> to vector<16xi32>
      %swap3A_1646 = vector.shape_cast %and3A_1640 : vector<16xi32> to vector<1x16xi32>
      tpu.vector_store %arg5[%swap3A_1642, %swap3A_1643], %swap3A_1646 {strides = array<i32>} : memref<8x128xi32, #tpu.memory_space<vmem>>, vector<1x16xi32>,
      %get3A_1647 = arith.constant 5 : i32
      %get3A_1648 = arith.index_cast %get3A_1647 : i32 to index
      %get3A_1649 = arith.constant 16 : index
      %get3A_1650 = tpu.vector_load %arg5[%get3A_1648, %get3A_1649] {strides = array<i32>} : memref<8x128xi32, #tpu.memory_space<vmem>>, vector<1x16xi32>,
      %get3A_1651 = vector.shape_cast %get3A_1650 : vector<1x16xi32> to vector<16xi32>
      %shift_right_logical3A_1652 = arith.constant 5 : i32
      %shift_right_logical3A_1653 = vector.broadcast %shift_right_logical3A_1652 : i32 to vector<16xi32>
      %shift_right_logical3A_1654 = arith.shrui %get3A_1651, %shift_right_logical3A_1653 : vector<16xi32>
      %mul3A_1655 = arith.constant 33555 : i32
      %mul3A_1656 = vector.broadcast %mul3A_1655 : i32 to vector<16xi32>
      %mul3A_1657 = arith.muli %shift_right_logical3A_1654, %mul3A_1656 : vector<16xi32>
      %shift_right_logical3A_1658 = arith.constant 22 : i32
      %shift_right_logical3A_1659 = vector.broadcast %shift_right_logical3A_1658 : i32 to vector<16xi32>
      %shift_right_logical3A_1660 = arith.shrui %mul3A_1657, %shift_right_logical3A_1659 : vector<16xi32>
      %shift_right_logical3A_1661 = arith.constant 1 : i32
      %shift_right_logical3A_1662 = vector.broadcast %shift_right_logical3A_1661 : i32 to vector<16xi32>
      %shift_right_logical3A_1663 = arith.shrui %shift_right_logical3A_1660, %shift_right_logical3A_1662 : vector<16xi32>
      %mul3A_1664 = arith.constant 4000 : i32
      %mul3A_1665 = vector.broadcast %mul3A_1664 : i32 to vector<16xi32>
      %mul3A_1666 = arith.muli %shift_right_logical3A_1663, %mul3A_1665 : vector<16xi32>
      %mul3A_1667 = arith.constant 4000 : i32
      %mul3A_1668 = vector.broadcast %mul3A_1667 : i32 to vector<16xi32>
      %mul3A_1669 = arith.muli %shift_right_logical3A_1660, %mul3A_1668 : vector<16xi32>
      %sub3A_1670 = arith.subi %get3A_1651, %mul3A_1669 : vector<16xi32>
      %add3A_1671 = arith.addi %mul3A_1666, %sub3A_1670 : vector<16xi32>
      %swap3A_1672 = arith.constant 5 : i32
      %swap3A_1673 = arith.index_cast %swap3A_1672 : i32 to index
      %swap3A_1674 = arith.constant 16 : index
      %swap3A_1675 = tpu.vector_load %arg6[%swap3A_1673, %swap3A_1674] {strides = array<i32>} : memref<8x128xi32, #tpu.memory_space<vmem>>, vector<1x16xi32>,
      %swap3A_1676 = vector.shape_cast %swap3A_1675 : vector<1x16xi32> to vector<16xi32>
      %swap3A_1677 = vector.shape_cast %add3A_1671 : vector<16xi32> to vector<1x16xi32>
      tpu.vector_store %arg6[%swap3A_1673, %swap3A_1674], %swap3A_1677 {strides = array<i32>} : memref<8x128xi32, #tpu.memory_space<vmem>>, vector<1x16xi32>,
      %and3A_1678 = arith.constant 1 : i32
      %and3A_1679 = vector.broadcast %and3A_1678 : i32 to vector<16xi32>
      %and3A_1680 = arith.andi %shift_right_logical3A_1660, %and3A_1679 : vector<16xi32>
      %swap3A_1681 = arith.constant 5 : i32
      %swap3A_1682 = arith.index_cast %swap3A_1681 : i32 to index
      %swap3A_1683 = arith.constant 16 : index
      %swap3A_1684 = tpu.vector_load %arg5[%swap3A_1682, %swap3A_1683] {strides = array<i32>} : memref<8x128xi32, #tpu.memory_space<vmem>>, vector<1x16xi32>,
      %swap3A_1685 = vector.shape_cast %swap3A_1684 : vector<1x16xi32> to vector<16xi32>
      %swap3A_1686 = vector.shape_cast %and3A_1680 : vector<16xi32> to vector<1x16xi32>
      tpu.vector_store %arg5[%swap3A_1682, %swap3A_1683], %swap3A_1686 {strides = array<i32>} : memref<8x128xi32, #tpu.memory_space<vmem>>, vector<1x16xi32>,
      %get3A_1687 = arith.constant 5 : i32
      %get3A_1688 = arith.index_cast %get3A_1687 : i32 to index
      %get3A_1689 = arith.constant 32 : index
      %get3A_1690 = tpu.vector_load %arg5[%get3A_1688, %get3A_1689] {strides = array<i32>} : memref<8x128xi32, #tpu.memory_space<vmem>>, vector<1x16xi32>,
      %get3A_1691 = vector.shape_cast %get3A_1690 : vector<1x16xi32> to vector<16xi32>
      %shift_right_logical3A_1692 = arith.constant 5 : i32
      %shift_right_logical3A_1693 = vector.broadcast %shift_right_logical3A_1692 : i32 to vector<16xi32>
      %shift_right_logical3A_1694 = arith.shrui %get3A_1691, %shift_right_logical3A_1693 : vector<16xi32>
      %mul3A_1695 = arith.constant 33555 : i32
      %mul3A_1696 = vector.broadcast %mul3A_1695 : i32 to vector<16xi32>
      %mul3A_1697 = arith.muli %shift_right_logical3A_1694, %mul3A_1696 : vector<16xi32>
      %shift_right_logical3A_1698 = arith.constant 22 : i32
      %shift_right_logical3A_1699 = vector.broadcast %shift_right_logical3A_1698 : i32 to vector<16xi32>
      %shift_right_logical3A_1700 = arith.shrui %mul3A_1697, %shift_right_logical3A_1699 : vector<16xi32>
      %shift_right_logical3A_1701 = arith.constant 1 : i32
      %shift_right_logical3A_1702 = vector.broadcast %shift_right_logical3A_1701 : i32 to vector<16xi32>
      %shift_right_logical3A_1703 = arith.shrui %shift_right_logical3A_1700, %shift_right_logical3A_1702 : vector<16xi32>
      %mul3A_1704 = arith.constant 4000 : i32
      %mul3A_1705 = vector.broadcast %mul3A_1704 : i32 to vector<16xi32>
      %mul3A_1706 = arith.muli %shift_right_logical3A_1703, %mul3A_1705 : vector<16xi32>
      %mul3A_1707 = arith.constant 4000 : i32
      %mul3A_1708 = vector.broadcast %mul3A_1707 : i32 to vector<16xi32>
      %mul3A_1709 = arith.muli %shift_right_logical3A_1700, %mul3A_1708 : vector<16xi32>
      %sub3A_1710 = arith.subi %get3A_1691, %mul3A_1709 : vector<16xi32>
      %add3A_1711 = arith.addi %mul3A_1706, %sub3A_1710 : vector<16xi32>
      %swap3A_1712 = arith.constant 5 : i32
      %swap3A_1713 = arith.index_cast %swap3A_1712 : i32 to index
      %swap3A_1714 = arith.constant 32 : index
      %swap3A_1715 = tpu.vector_load %arg6[%swap3A_1713, %swap3A_1714] {strides = array<i32>} : memref<8x128xi32, #tpu.memory_space<vmem>>, vector<1x16xi32>,
      %swap3A_1716 = vector.shape_cast %swap3A_1715 : vector<1x16xi32> to vector<16xi32>
      %swap3A_1717 = vector.shape_cast %add3A_1711 : vector<16xi32> to vector<1x16xi32>
      tpu.vector_store %arg6[%swap3A_1713, %swap3A_1714], %swap3A_1717 {strides = array<i32>} : memref<8x128xi32, #tpu.memory_space<vmem>>, vector<1x16xi32>,
      %and3A_1718 = arith.constant 1 : i32
      %and3A_1719 = vector.broadcast %and3A_1718 : i32 to vector<16xi32>
      %and3A_1720 = arith.andi %shift_right_logical3A_1700, %and3A_1719 : vector<16xi32>
      %swap3A_1721 = arith.constant 5 : i32
      %swap3A_1722 = arith.index_cast %swap3A_1721 : i32 to index
      %swap3A_1723 = arith.constant 32 : index
      %swap3A_1724 = tpu.vector_load %arg5[%swap3A_1722, %swap3A_1723] {strides = array<i32>} : memref<8x128xi32, #tpu.memory_space<vmem>>, vector<1x16xi32>,
      %swap3A_1725 = vector.shape_cast %swap3A_1724 : vector<1x16xi32> to vector<16xi32>
      %swap3A_1726 = vector.shape_cast %and3A_1720 : vector<16xi32> to vector<1x16xi32>
      tpu.vector_store %arg5[%swap3A_1722, %swap3A_1723], %swap3A_1726 {strides = array<i32>} : memref<8x128xi32, #tpu.memory_space<vmem>>, vector<1x16xi32>,
      %get3A_1727 = arith.constant 5 : i32
      %get3A_1728 = arith.index_cast %get3A_1727 : i32 to index
      %get3A_1729 = arith.constant 48 : index
      %get3A_1730 = tpu.vector_load %arg5[%get3A_1728, %get3A_1729] {strides = array<i32>} : memref<8x128xi32, #tpu.memory_space<vmem>>, vector<1x16xi32>,
      %get3A_1731 = vector.shape_cast %get3A_1730 : vector<1x16xi32> to vector<16xi32>
      %shift_right_logical3A_1732 = arith.constant 5 : i32
      %shift_right_logical3A_1733 = vector.broadcast %shift_right_logical3A_1732 : i32 to vector<16xi32>
      %shift_right_logical3A_1734 = arith.shrui %get3A_1731, %shift_right_logical3A_1733 : vector<16xi32>
      %mul3A_1735 = arith.constant 33555 : i32
      %mul3A_1736 = vector.broadcast %mul3A_1735 : i32 to vector<16xi32>
      %mul3A_1737 = arith.muli %shift_right_logical3A_1734, %mul3A_1736 : vector<16xi32>
      %shift_right_logical3A_1738 = arith.constant 22 : i32
      %shift_right_logical3A_1739 = vector.broadcast %shift_right_logical3A_1738 : i32 to vector<16xi32>
      %shift_right_logical3A_1740 = arith.shrui %mul3A_1737, %shift_right_logical3A_1739 : vector<16xi32>
      %shift_right_logical3A_1741 = arith.constant 1 : i32
      %shift_right_logical3A_1742 = vector.broadcast %shift_right_logical3A_1741 : i32 to vector<16xi32>
      %shift_right_logical3A_1743 = arith.shrui %shift_right_logical3A_1740, %shift_right_logical3A_1742 : vector<16xi32>
      %mul3A_1744 = arith.constant 4000 : i32
      %mul3A_1745 = vector.broadcast %mul3A_1744 : i32 to vector<16xi32>
      %mul3A_1746 = arith.muli %shift_right_logical3A_1743, %mul3A_1745 : vector<16xi32>
      %mul3A_1747 = arith.constant 4000 : i32
      %mul3A_1748 = vector.broadcast %mul3A_1747 : i32 to vector<16xi32>
      %mul3A_1749 = arith.muli %shift_right_logical3A_1740, %mul3A_1748 : vector<16xi32>
      %sub3A_1750 = arith.subi %get3A_1731, %mul3A_1749 : vector<16xi32>
      %add3A_1751 = arith.addi %mul3A_1746, %sub3A_1750 : vector<16xi32>
      %swap3A_1752 = arith.constant 5 : i32
      %swap3A_1753 = arith.index_cast %swap3A_1752 : i32 to index
      %swap3A_1754 = arith.constant 48 : index
      %swap3A_1755 = tpu.vector_load %arg6[%swap3A_1753, %swap3A_1754] {strides = array<i32>} : memref<8x128xi32, #tpu.memory_space<vmem>>, vector<1x16xi32>,
      %swap3A_1756 = vector.shape_cast %swap3A_1755 : vector<1x16xi32> to vector<16xi32>
      %swap3A_1757 = vector.shape_cast %add3A_1751 : vector<16xi32> to vector<1x16xi32>
      tpu.vector_store %arg6[%swap3A_1753, %swap3A_1754], %swap3A_1757 {strides = array<i32>} : memref<8x128xi32, #tpu.memory_space<vmem>>, vector<1x16xi32>,
      %and3A_1758 = arith.constant 1 : i32
      %and3A_1759 = vector.broadcast %and3A_1758 : i32 to vector<16xi32>
      %and3A_1760 = arith.andi %shift_right_logical3A_1740, %and3A_1759 : vector<16xi32>
      %swap3A_1761 = arith.constant 5 : i32
      %swap3A_1762 = arith.index_cast %swap3A_1761 : i32 to index
      %swap3A_1763 = arith.constant 48 : index
      %swap3A_1764 = tpu.vector_load %arg5[%swap3A_1762, %swap3A_1763] {strides = array<i32>} : memref<8x128xi32, #tpu.memory_space<vmem>>, vector<1x16xi32>,
      %swap3A_1765 = vector.shape_cast %swap3A_1764 : vector<1x16xi32> to vector<16xi32>
      %swap3A_1766 = vector.shape_cast %and3A_1760 : vector<16xi32> to vector<1x16xi32>
      tpu.vector_store %arg5[%swap3A_1762, %swap3A_1763], %swap3A_1766 {strides = array<i32>} : memref<8x128xi32, #tpu.memory_space<vmem>>, vector<1x16xi32>,
      %get3A_1767 = arith.constant 5 : i32
      %get3A_1768 = arith.index_cast %get3A_1767 : i32 to index
      %get3A_1769 = arith.constant 64 : index
      %get3A_1770 = tpu.vector_load %arg5[%get3A_1768, %get3A_1769] {strides = array<i32>} : memref<8x128xi32, #tpu.memory_space<vmem>>, vector<1x16xi32>,
      %get3A_1771 = vector.shape_cast %get3A_1770 : vector<1x16xi32> to vector<16xi32>
      %shift_right_logical3A_1772 = arith.constant 5 : i32
      %shift_right_logical3A_1773 = vector.broadcast %shift_right_logical3A_1772 : i32 to vector<16xi32>
      %shift_right_logical3A_1774 = arith.shrui %get3A_1771, %shift_right_logical3A_1773 : vector<16xi32>
      %mul3A_1775 = arith.constant 33555 : i32
      %mul3A_1776 = vector.broadcast %mul3A_1775 : i32 to vector<16xi32>
      %mul3A_1777 = arith.muli %shift_right_logical3A_1774, %mul3A_1776 : vector<16xi32>
      %shift_right_logical3A_1778 = arith.constant 22 : i32
      %shift_right_logical3A_1779 = vector.broadcast %shift_right_logical3A_1778 : i32 to vector<16xi32>
      %shift_right_logical3A_1780 = arith.shrui %mul3A_1777, %shift_right_logical3A_1779 : vector<16xi32>
      %shift_right_logical3A_1781 = arith.constant 1 : i32
      %shift_right_logical3A_1782 = vector.broadcast %shift_right_logical3A_1781 : i32 to vector<16xi32>
      %shift_right_logical3A_1783 = arith.shrui %shift_right_logical3A_1780, %shift_right_logical3A_1782 : vector<16xi32>
      %mul3A_1784 = arith.constant 4000 : i32
      %mul3A_1785 = vector.broadcast %mul3A_1784 : i32 to vector<16xi32>
      %mul3A_1786 = arith.muli %shift_right_logical3A_1783, %mul3A_1785 : vector<16xi32>
      %mul3A_1787 = arith.constant 4000 : i32
      %mul3A_1788 = vector.broadcast %mul3A_1787 : i32 to vector<16xi32>
      %mul3A_1789 = arith.muli %shift_right_logical3A_1780, %mul3A_1788 : vector<16xi32>
      %sub3A_1790 = arith.subi %get3A_1771, %mul3A_1789 : vector<16xi32>
      %add3A_1791 = arith.addi %mul3A_1786, %sub3A_1790 : vector<16xi32>
      %swap3A_1792 = arith.constant 5 : i32
      %swap3A_1793 = arith.index_cast %swap3A_1792 : i32 to index
      %swap3A_1794 = arith.constant 64 : index
      %swap3A_1795 = tpu.vector_load %arg6[%swap3A_1793, %swap3A_1794] {strides = array<i32>} : memref<8x128xi32, #tpu.memory_space<vmem>>, vector<1x16xi32>,
      %swap3A_1796 = vector.shape_cast %swap3A_1795 : vector<1x16xi32> to vector<16xi32>
      %swap3A_1797 = vector.shape_cast %add3A_1791 : vector<16xi32> to vector<1x16xi32>
      tpu.vector_store %arg6[%swap3A_1793, %swap3A_1794], %swap3A_1797 {strides = array<i32>} : memref<8x128xi32, #tpu.memory_space<vmem>>, vector<1x16xi32>,
      %and3A_1798 = arith.constant 1 : i32
      %and3A_1799 = vector.broadcast %and3A_1798 : i32 to vector<16xi32>
      %and3A_1800 = arith.andi %shift_right_logical3A_1780, %and3A_1799 : vector<16xi32>
      %swap3A_1801 = arith.constant 5 : i32
      %swap3A_1802 = arith.index_cast %swap3A_1801 : i32 to index
      %swap3A_1803 = arith.constant 64 : index
      %swap3A_1804 = tpu.vector_load %arg5[%swap3A_1802, %swap3A_1803] {strides = array<i32>} : memref<8x128xi32, #tpu.memory_space<vmem>>, vector<1x16xi32>,
      %swap3A_1805 = vector.shape_cast %swap3A_1804 : vector<1x16xi32> to vector<16xi32>
      %swap3A_1806 = vector.shape_cast %and3A_1800 : vector<16xi32> to vector<1x16xi32>
      tpu.vector_store %arg5[%swap3A_1802, %swap3A_1803], %swap3A_1806 {strides = array<i32>} : memref<8x128xi32, #tpu.memory_space<vmem>>, vector<1x16xi32>,
      %get3A_1807 = arith.constant 5 : i32
      %get3A_1808 = arith.index_cast %get3A_1807 : i32 to index
      %get3A_1809 = arith.constant 80 : index
      %get3A_1810 = tpu.vector_load %arg5[%get3A_1808, %get3A_1809] {strides = array<i32>} : memref<8x128xi32, #tpu.memory_space<vmem>>, vector<1x16xi32>,
      %get3A_1811 = vector.shape_cast %get3A_1810 : vector<1x16xi32> to vector<16xi32>
      %shift_right_logical3A_1812 = arith.constant 5 : i32
      %shift_right_logical3A_1813 = vector.broadcast %shift_right_logical3A_1812 : i32 to vector<16xi32>
      %shift_right_logical3A_1814 = arith.shrui %get3A_1811, %shift_right_logical3A_1813 : vector<16xi32>
      %mul3A_1815 = arith.constant 33555 : i32
      %mul3A_1816 = vector.broadcast %mul3A_1815 : i32 to vector<16xi32>
      %mul3A_1817 = arith.muli %shift_right_logical3A_1814, %mul3A_1816 : vector<16xi32>
      %shift_right_logical3A_1818 = arith.constant 22 : i32
      %shift_right_logical3A_1819 = vector.broadcast %shift_right_logical3A_1818 : i32 to vector<16xi32>
      %shift_right_logical3A_1820 = arith.shrui %mul3A_1817, %shift_right_logical3A_1819 : vector<16xi32>
      %shift_right_logical3A_1821 = arith.constant 1 : i32
      %shift_right_logical3A_1822 = vector.broadcast %shift_right_logical3A_1821 : i32 to vector<16xi32>
      %shift_right_logical3A_1823 = arith.shrui %shift_right_logical3A_1820, %shift_right_logical3A_1822 : vector<16xi32>
      %mul3A_1824 = arith.constant 4000 : i32
      %mul3A_1825 = vector.broadcast %mul3A_1824 : i32 to vector<16xi32>
      %mul3A_1826 = arith.muli %shift_right_logical3A_1823, %mul3A_1825 : vector<16xi32>
      %mul3A_1827 = arith.constant 4000 : i32
      %mul3A_1828 = vector.broadcast %mul3A_1827 : i32 to vector<16xi32>
      %mul3A_1829 = arith.muli %shift_right_logical3A_1820, %mul3A_1828 : vector<16xi32>
      %sub3A_1830 = arith.subi %get3A_1811, %mul3A_1829 : vector<16xi32>
      %add3A_1831 = arith.addi %mul3A_1826, %sub3A_1830 : vector<16xi32>
      %swap3A_1832 = arith.constant 5 : i32
      %swap3A_1833 = arith.index_cast %swap3A_1832 : i32 to index
      %swap3A_1834 = arith.constant 80 : index
      %swap3A_1835 = tpu.vector_load %arg6[%swap3A_1833, %swap3A_1834] {strides = array<i32>} : memref<8x128xi32, #tpu.memory_space<vmem>>, vector<1x16xi32>,
      %swap3A_1836 = vector.shape_cast %swap3A_1835 : vector<1x16xi32> to vector<16xi32>
      %swap3A_1837 = vector.shape_cast %add3A_1831 : vector<16xi32> to vector<1x16xi32>
      tpu.vector_store %arg6[%swap3A_1833, %swap3A_1834], %swap3A_1837 {strides = array<i32>} : memref<8x128xi32, #tpu.memory_space<vmem>>, vector<1x16xi32>,
      %and3A_1838 = arith.constant 1 : i32
      %and3A_1839 = vector.broadcast %and3A_1838 : i32 to vector<16xi32>
      %and3A_1840 = arith.andi %shift_right_logical3A_1820, %and3A_1839 : vector<16xi32>
      %swap3A_1841 = arith.constant 5 : i32
      %swap3A_1842 = arith.index_cast %swap3A_1841 : i32 to index
      %swap3A_1843 = arith.constant 80 : index
      %swap3A_1844 = tpu.vector_load %arg5[%swap3A_1842, %swap3A_1843] {strides = array<i32>} : memref<8x128xi32, #tpu.memory_space<vmem>>, vector<1x16xi32>,
      %swap3A_1845 = vector.shape_cast %swap3A_1844 : vector<1x16xi32> to vector<16xi32>
      %swap3A_1846 = vector.shape_cast %and3A_1840 : vector<16xi32> to vector<1x16xi32>
      tpu.vector_store %arg5[%swap3A_1842, %swap3A_1843], %swap3A_1846 {strides = array<i32>} : memref<8x128xi32, #tpu.memory_space<vmem>>, vector<1x16xi32>,
      %get3A_1847 = arith.constant 5 : i32
      %get3A_1848 = arith.index_cast %get3A_1847 : i32 to index
      %get3A_1849 = arith.constant 96 : index
      %get3A_1850 = tpu.vector_load %arg5[%get3A_1848, %get3A_1849] {strides = array<i32>} : memref<8x128xi32, #tpu.memory_space<vmem>>, vector<1x16xi32>,
      %get3A_1851 = vector.shape_cast %get3A_1850 : vector<1x16xi32> to vector<16xi32>
      %shift_right_logical3A_1852 = arith.constant 5 : i32
      %shift_right_logical3A_1853 = vector.broadcast %shift_right_logical3A_1852 : i32 to vector<16xi32>
      %shift_right_logical3A_1854 = arith.shrui %get3A_1851, %shift_right_logical3A_1853 : vector<16xi32>
      %mul3A_1855 = arith.constant 33555 : i32
      %mul3A_1856 = vector.broadcast %mul3A_1855 : i32 to vector<16xi32>
      %mul3A_1857 = arith.muli %shift_right_logical3A_1854, %mul3A_1856 : vector<16xi32>
      %shift_right_logical3A_1858 = arith.constant 22 : i32
      %shift_right_logical3A_1859 = vector.broadcast %shift_right_logical3A_1858 : i32 to vector<16xi32>
      %shift_right_logical3A_1860 = arith.shrui %mul3A_1857, %shift_right_logical3A_1859 : vector<16xi32>
      %shift_right_logical3A_1861 = arith.constant 1 : i32
      %shift_right_logical3A_1862 = vector.broadcast %shift_right_logical3A_1861 : i32 to vector<16xi32>
      %shift_right_logical3A_1863 = arith.shrui %shift_right_logical3A_1860, %shift_right_logical3A_1862 : vector<16xi32>
      %mul3A_1864 = arith.constant 4000 : i32
      %mul3A_1865 = vector.broadcast %mul3A_1864 : i32 to vector<16xi32>
      %mul3A_1866 = arith.muli %shift_right_logical3A_1863, %mul3A_1865 : vector<16xi32>
      %mul3A_1867 = arith.constant 4000 : i32
      %mul3A_1868 = vector.broadcast %mul3A_1867 : i32 to vector<16xi32>
      %mul3A_1869 = arith.muli %shift_right_logical3A_1860, %mul3A_1868 : vector<16xi32>
      %sub3A_1870 = arith.subi %get3A_1851, %mul3A_1869 : vector<16xi32>
      %add3A_1871 = arith.addi %mul3A_1866, %sub3A_1870 : vector<16xi32>
      %swap3A_1872 = arith.constant 5 : i32
      %swap3A_1873 = arith.index_cast %swap3A_1872 : i32 to index
      %swap3A_1874 = arith.constant 96 : index
      %swap3A_1875 = tpu.vector_load %arg6[%swap3A_1873, %swap3A_1874] {strides = array<i32>} : memref<8x128xi32, #tpu.memory_space<vmem>>, vector<1x16xi32>,
      %swap3A_1876 = vector.shape_cast %swap3A_1875 : vector<1x16xi32> to vector<16xi32>
      %swap3A_1877 = vector.shape_cast %add3A_1871 : vector<16xi32> to vector<1x16xi32>
      tpu.vector_store %arg6[%swap3A_1873, %swap3A_1874], %swap3A_1877 {strides = array<i32>} : memref<8x128xi32, #tpu.memory_space<vmem>>, vector<1x16xi32>,
      %and3A_1878 = arith.constant 1 : i32
      %and3A_1879 = vector.broadcast %and3A_1878 : i32 to vector<16xi32>
      %and3A_1880 = arith.andi %shift_right_logical3A_1860, %and3A_1879 : vector<16xi32>
      %swap3A_1881 = arith.constant 5 : i32
      %swap3A_1882 = arith.index_cast %swap3A_1881 : i32 to index
      %swap3A_1883 = arith.constant 96 : index
      %swap3A_1884 = tpu.vector_load %arg5[%swap3A_1882, %swap3A_1883] {strides = array<i32>} : memref<8x128xi32, #tpu.memory_space<vmem>>, vector<1x16xi32>,
      %swap3A_1885 = vector.shape_cast %swap3A_1884 : vector<1x16xi32> to vector<16xi32>
      %swap3A_1886 = vector.shape_cast %and3A_1880 : vector<16xi32> to vector<1x16xi32>
      tpu.vector_store %arg5[%swap3A_1882, %swap3A_1883], %swap3A_1886 {strides = array<i32>} : memref<8x128xi32, #tpu.memory_space<vmem>>, vector<1x16xi32>,
      %get3A_1887 = arith.constant 5 : i32
      %get3A_1888 = arith.index_cast %get3A_1887 : i32 to index
      %get3A_1889 = arith.constant 112 : index
      %get3A_1890 = tpu.vector_load %arg5[%get3A_1888, %get3A_1889] {strides = array<i32>} : memref<8x128xi32, #tpu.memory_space<vmem>>, vector<1x16xi32>,
      %get3A_1891 = vector.shape_cast %get3A_1890 : vector<1x16xi32> to vector<16xi32>
      %shift_right_logical3A_1892 = arith.constant 5 : i32
      %shift_right_logical3A_1893 = vector.broadcast %shift_right_logical3A_1892 : i32 to vector<16xi32>
      %shift_right_logical3A_1894 = arith.shrui %get3A_1891, %shift_right_logical3A_1893 : vector<16xi32>
      %mul3A_1895 = arith.constant 33555 : i32
      %mul3A_1896 = vector.broadcast %mul3A_1895 : i32 to vector<16xi32>
      %mul3A_1897 = arith.muli %shift_right_logical3A_1894, %mul3A_1896 : vector<16xi32>
      %shift_right_logical3A_1898 = arith.constant 22 : i32
      %shift_right_logical3A_1899 = vector.broadcast %shift_right_logical3A_1898 : i32 to vector<16xi32>
      %shift_right_logical3A_1900 = arith.shrui %mul3A_1897, %shift_right_logical3A_1899 : vector<16xi32>
      %shift_right_logical3A_1901 = arith.constant 1 : i32
      %shift_right_logical3A_1902 = vector.broadcast %shift_right_logical3A_1901 : i32 to vector<16xi32>
      %shift_right_logical3A_1903 = arith.shrui %shift_right_logical3A_1900, %shift_right_logical3A_1902 : vector<16xi32>
      %mul3A_1904 = arith.constant 4000 : i32
      %mul3A_1905 = vector.broadcast %mul3A_1904 : i32 to vector<16xi32>
      %mul3A_1906 = arith.muli %shift_right_logical3A_1903, %mul3A_1905 : vector<16xi32>
      %mul3A_1907 = arith.constant 4000 : i32
      %mul3A_1908 = vector.broadcast %mul3A_1907 : i32 to vector<16xi32>
      %mul3A_1909 = arith.muli %shift_right_logical3A_1900, %mul3A_1908 : vector<16xi32>
      %sub3A_1910 = arith.subi %get3A_1891, %mul3A_1909 : vector<16xi32>
      %add3A_1911 = arith.addi %mul3A_1906, %sub3A_1910 : vector<16xi32>
      %swap3A_1912 = arith.constant 5 : i32
      %swap3A_1913 = arith.index_cast %swap3A_1912 : i32 to index
      %swap3A_1914 = arith.constant 112 : index
      %swap3A_1915 = tpu.vector_load %arg6[%swap3A_1913, %swap3A_1914] {strides = array<i32>} : memref<8x128xi32, #tpu.memory_space<vmem>>, vector<1x16xi32>,
      %swap3A_1916 = vector.shape_cast %swap3A_1915 : vector<1x16xi32> to vector<16xi32>
      %swap3A_1917 = vector.shape_cast %add3A_1911 : vector<16xi32> to vector<1x16xi32>
      tpu.vector_store %arg6[%swap3A_1913, %swap3A_1914], %swap3A_1917 {strides = array<i32>} : memref<8x128xi32, #tpu.memory_space<vmem>>, vector<1x16xi32>,
      %and3A_1918 = arith.constant 1 : i32
      %and3A_1919 = vector.broadcast %and3A_1918 : i32 to vector<16xi32>
      %and3A_1920 = arith.andi %shift_right_logical3A_1900, %and3A_1919 : vector<16xi32>
      %swap3A_1921 = arith.constant 5 : i32
      %swap3A_1922 = arith.index_cast %swap3A_1921 : i32 to index
      %swap3A_1923 = arith.constant 112 : index
      %swap3A_1924 = tpu.vector_load %arg5[%swap3A_1922, %swap3A_1923] {strides = array<i32>} : memref<8x128xi32, #tpu.memory_space<vmem>>, vector<1x16xi32>,
      %swap3A_1925 = vector.shape_cast %swap3A_1924 : vector<1x16xi32> to vector<16xi32>
      %swap3A_1926 = vector.shape_cast %and3A_1920 : vector<16xi32> to vector<1x16xi32>
      tpu.vector_store %arg5[%swap3A_1922, %swap3A_1923], %swap3A_1926 {strides = array<i32>} : memref<8x128xi32, #tpu.memory_space<vmem>>, vector<1x16xi32>,
      %get3A_1927 = arith.constant 6 : i32
      %get3A_1928 = arith.index_cast %get3A_1927 : i32 to index
      %get3A_1929 = arith.constant 0 : index
      %get3A_1930 = tpu.vector_load %arg5[%get3A_1928, %get3A_1929] {strides = array<i32>} : memref<8x128xi32, #tpu.memory_space<vmem>>, vector<1x16xi32>,
      %get3A_1931 = vector.shape_cast %get3A_1930 : vector<1x16xi32> to vector<16xi32>
      %shift_right_logical3A_1932 = arith.constant 5 : i32
      %shift_right_logical3A_1933 = vector.broadcast %shift_right_logical3A_1932 : i32 to vector<16xi32>
      %shift_right_logical3A_1934 = arith.shrui %get3A_1931, %shift_right_logical3A_1933 : vector<16xi32>
      %mul3A_1935 = arith.constant 33555 : i32
      %mul3A_1936 = vector.broadcast %mul3A_1935 : i32 to vector<16xi32>
      %mul3A_1937 = arith.muli %shift_right_logical3A_1934, %mul3A_1936 : vector<16xi32>
      %shift_right_logical3A_1938 = arith.constant 22 : i32
      %shift_right_logical3A_1939 = vector.broadcast %shift_right_logical3A_1938 : i32 to vector<16xi32>
      %shift_right_logical3A_1940 = arith.shrui %mul3A_1937, %shift_right_logical3A_1939 : vector<16xi32>
      %shift_right_logical3A_1941 = arith.constant 1 : i32
      %shift_right_logical3A_1942 = vector.broadcast %shift_right_logical3A_1941 : i32 to vector<16xi32>
      %shift_right_logical3A_1943 = arith.shrui %shift_right_logical3A_1940, %shift_right_logical3A_1942 : vector<16xi32>
      %mul3A_1944 = arith.constant 4000 : i32
      %mul3A_1945 = vector.broadcast %mul3A_1944 : i32 to vector<16xi32>
      %mul3A_1946 = arith.muli %shift_right_logical3A_1943, %mul3A_1945 : vector<16xi32>
      %mul3A_1947 = arith.constant 4000 : i32
      %mul3A_1948 = vector.broadcast %mul3A_1947 : i32 to vector<16xi32>
      %mul3A_1949 = arith.muli %shift_right_logical3A_1940, %mul3A_1948 : vector<16xi32>
      %sub3A_1950 = arith.subi %get3A_1931, %mul3A_1949 : vector<16xi32>
      %add3A_1951 = arith.addi %mul3A_1946, %sub3A_1950 : vector<16xi32>
      %swap3A_1952 = arith.constant 6 : i32
      %swap3A_1953 = arith.index_cast %swap3A_1952 : i32 to index
      %swap3A_1954 = arith.constant 0 : index
      %swap3A_1955 = tpu.vector_load %arg6[%swap3A_1953, %swap3A_1954] {strides = array<i32>} : memref<8x128xi32, #tpu.memory_space<vmem>>, vector<1x16xi32>,
      %swap3A_1956 = vector.shape_cast %swap3A_1955 : vector<1x16xi32> to vector<16xi32>
      %swap3A_1957 = vector.shape_cast %add3A_1951 : vector<16xi32> to vector<1x16xi32>
      tpu.vector_store %arg6[%swap3A_1953, %swap3A_1954], %swap3A_1957 {strides = array<i32>} : memref<8x128xi32, #tpu.memory_space<vmem>>, vector<1x16xi32>,
      %and3A_1958 = arith.constant 1 : i32
      %and3A_1959 = vector.broadcast %and3A_1958 : i32 to vector<16xi32>
      %and3A_1960 = arith.andi %shift_right_logical3A_1940, %and3A_1959 : vector<16xi32>
      %swap3A_1961 = arith.constant 6 : i32
      %swap3A_1962 = arith.index_cast %swap3A_1961 : i32 to index
      %swap3A_1963 = arith.constant 0 : index
      %swap3A_1964 = tpu.vector_load %arg5[%swap3A_1962, %swap3A_1963] {strides = array<i32>} : memref<8x128xi32, #tpu.memory_space<vmem>>, vector<1x16xi32>,
      %swap3A_1965 = vector.shape_cast %swap3A_1964 : vector<1x16xi32> to vector<16xi32>
      %swap3A_1966 = vector.shape_cast %and3A_1960 : vector<16xi32> to vector<1x16xi32>
      tpu.vector_store %arg5[%swap3A_1962, %swap3A_1963], %swap3A_1966 {strides = array<i32>} : memref<8x128xi32, #tpu.memory_space<vmem>>, vector<1x16xi32>,
      %get3A_1967 = arith.constant 6 : i32
      %get3A_1968 = arith.index_cast %get3A_1967 : i32 to index
      %get3A_1969 = arith.constant 16 : index
      %get3A_1970 = tpu.vector_load %arg5[%get3A_1968, %get3A_1969] {strides = array<i32>} : memref<8x128xi32, #tpu.memory_space<vmem>>, vector<1x16xi32>,
      %get3A_1971 = vector.shape_cast %get3A_1970 : vector<1x16xi32> to vector<16xi32>
      %shift_right_logical3A_1972 = arith.constant 5 : i32
      %shift_right_logical3A_1973 = vector.broadcast %shift_right_logical3A_1972 : i32 to vector<16xi32>
      %shift_right_logical3A_1974 = arith.shrui %get3A_1971, %shift_right_logical3A_1973 : vector<16xi32>
      %mul3A_1975 = arith.constant 33555 : i32
      %mul3A_1976 = vector.broadcast %mul3A_1975 : i32 to vector<16xi32>
      %mul3A_1977 = arith.muli %shift_right_logical3A_1974, %mul3A_1976 : vector<16xi32>
      %shift_right_logical3A_1978 = arith.constant 22 : i32
      %shift_right_logical3A_1979 = vector.broadcast %shift_right_logical3A_1978 : i32 to vector<16xi32>
      %shift_right_logical3A_1980 = arith.shrui %mul3A_1977, %shift_right_logical3A_1979 : vector<16xi32>
      %shift_right_logical3A_1981 = arith.constant 1 : i32
      %shift_right_logical3A_1982 = vector.broadcast %shift_right_logical3A_1981 : i32 to vector<16xi32>
      %shift_right_logical3A_1983 = arith.shrui %shift_right_logical3A_1980, %shift_right_logical3A_1982 : vector<16xi32>
      %mul3A_1984 = arith.constant 4000 : i32
      %mul3A_1985 = vector.broadcast %mul3A_1984 : i32 to vector<16xi32>
      %mul3A_1986 = arith.muli %shift_right_logical3A_1983, %mul3A_1985 : vector<16xi32>
      %mul3A_1987 = arith.constant 4000 : i32
      %mul3A_1988 = vector.broadcast %mul3A_1987 : i32 to vector<16xi32>
      %mul3A_1989 = arith.muli %shift_right_logical3A_1980, %mul3A_1988 : vector<16xi32>
      %sub3A_1990 = arith.subi %get3A_1971, %mul3A_1989 : vector<16xi32>
      %add3A_1991 = arith.addi %mul3A_1986, %sub3A_1990 : vector<16xi32>
      %swap3A_1992 = arith.constant 6 : i32
      %swap3A_1993 = arith.index_cast %swap3A_1992 : i32 to index
      %swap3A_1994 = arith.constant 16 : index
      %swap3A_1995 = tpu.vector_load %arg6[%swap3A_1993, %swap3A_1994] {strides = array<i32>} : memref<8x128xi32, #tpu.memory_space<vmem>>, vector<1x16xi32>,
      %swap3A_1996 = vector.shape_cast %swap3A_1995 : vector<1x16xi32> to vector<16xi32>
      %swap3A_1997 = vector.shape_cast %add3A_1991 : vector<16xi32> to vector<1x16xi32>
      tpu.vector_store %arg6[%swap3A_1993, %swap3A_1994], %swap3A_1997 {strides = array<i32>} : memref<8x128xi32, #tpu.memory_space<vmem>>, vector<1x16xi32>,
      %and3A_1998 = arith.constant 1 : i32
      %and3A_1999 = vector.broadcast %and3A_1998 : i32 to vector<16xi32>
      %and3A_2000 = arith.andi %shift_right_logical3A_1980, %and3A_1999 : vector<16xi32>
      %swap3A_2001 = arith.constant 6 : i32
      %swap3A_2002 = arith.index_cast %swap3A_2001 : i32 to index
      %swap3A_2003 = arith.constant 16 : index
      %swap3A_2004 = tpu.vector_load %arg5[%swap3A_2002, %swap3A_2003] {strides = array<i32>} : memref<8x128xi32, #tpu.memory_space<vmem>>, vector<1x16xi32>,
      %swap3A_2005 = vector.shape_cast %swap3A_2004 : vector<1x16xi32> to vector<16xi32>
      %swap3A_2006 = vector.shape_cast %and3A_2000 : vector<16xi32> to vector<1x16xi32>
      tpu.vector_store %arg5[%swap3A_2002, %swap3A_2003], %swap3A_2006 {strides = array<i32>} : memref<8x128xi32, #tpu.memory_space<vmem>>, vector<1x16xi32>,
      %get3A_2007 = arith.constant 6 : i32
      %get3A_2008 = arith.index_cast %get3A_2007 : i32 to index
      %get3A_2009 = arith.constant 32 : index
      %get3A_2010 = tpu.vector_load %arg5[%get3A_2008, %get3A_2009] {strides = array<i32>} : memref<8x128xi32, #tpu.memory_space<vmem>>, vector<1x16xi32>,
      %get3A_2011 = vector.shape_cast %get3A_2010 : vector<1x16xi32> to vector<16xi32>
      %shift_right_logical3A_2012 = arith.constant 5 : i32
      %shift_right_logical3A_2013 = vector.broadcast %shift_right_logical3A_2012 : i32 to vector<16xi32>
      %shift_right_logical3A_2014 = arith.shrui %get3A_2011, %shift_right_logical3A_2013 : vector<16xi32>
      %mul3A_2015 = arith.constant 33555 : i32
      %mul3A_2016 = vector.broadcast %mul3A_2015 : i32 to vector<16xi32>
      %mul3A_2017 = arith.muli %shift_right_logical3A_2014, %mul3A_2016 : vector<16xi32>
      %shift_right_logical3A_2018 = arith.constant 22 : i32
      %shift_right_logical3A_2019 = vector.broadcast %shift_right_logical3A_2018 : i32 to vector<16xi32>
      %shift_right_logical3A_2020 = arith.shrui %mul3A_2017, %shift_right_logical3A_2019 : vector<16xi32>
      %shift_right_logical3A_2021 = arith.constant 1 : i32
      %shift_right_logical3A_2022 = vector.broadcast %shift_right_logical3A_2021 : i32 to vector<16xi32>
      %shift_right_logical3A_2023 = arith.shrui %shift_right_logical3A_2020, %shift_right_logical3A_2022 : vector<16xi32>
      %mul3A_2024 = arith.constant 4000 : i32
      %mul3A_2025 = vector.broadcast %mul3A_2024 : i32 to vector<16xi32>
      %mul3A_2026 = arith.muli %shift_right_logical3A_2023, %mul3A_2025 : vector<16xi32>
      %mul3A_2027 = arith.constant 4000 : i32
      %mul3A_2028 = vector.broadcast %mul3A_2027 : i32 to vector<16xi32>
      %mul3A_2029 = arith.muli %shift_right_logical3A_2020, %mul3A_2028 : vector<16xi32>
      %sub3A_2030 = arith.subi %get3A_2011, %mul3A_2029 : vector<16xi32>
      %add3A_2031 = arith.addi %mul3A_2026, %sub3A_2030 : vector<16xi32>
      %swap3A_2032 = arith.constant 6 : i32
      %swap3A_2033 = arith.index_cast %swap3A_2032 : i32 to index
      %swap3A_2034 = arith.constant 32 : index
      %swap3A_2035 = tpu.vector_load %arg6[%swap3A_2033, %swap3A_2034] {strides = array<i32>} : memref<8x128xi32, #tpu.memory_space<vmem>>, vector<1x16xi32>,
      %swap3A_2036 = vector.shape_cast %swap3A_2035 : vector<1x16xi32> to vector<16xi32>
      %swap3A_2037 = vector.shape_cast %add3A_2031 : vector<16xi32> to vector<1x16xi32>
      tpu.vector_store %arg6[%swap3A_2033, %swap3A_2034], %swap3A_2037 {strides = array<i32>} : memref<8x128xi32, #tpu.memory_space<vmem>>, vector<1x16xi32>,
      %and3A_2038 = arith.constant 1 : i32
      %and3A_2039 = vector.broadcast %and3A_2038 : i32 to vector<16xi32>
      %and3A_2040 = arith.andi %shift_right_logical3A_2020, %and3A_2039 : vector<16xi32>
      %swap3A_2041 = arith.constant 6 : i32
      %swap3A_2042 = arith.index_cast %swap3A_2041 : i32 to index
      %swap3A_2043 = arith.constant 32 : index
      %swap3A_2044 = tpu.vector_load %arg5[%swap3A_2042, %swap3A_2043] {strides = array<i32>} : memref<8x128xi32, #tpu.memory_space<vmem>>, vector<1x16xi32>,
      %swap3A_2045 = vector.shape_cast %swap3A_2044 : vector<1x16xi32> to vector<16xi32>
      %swap3A_2046 = vector.shape_cast %and3A_2040 : vector<16xi32> to vector<1x16xi32>
      tpu.vector_store %arg5[%swap3A_2042, %swap3A_2043], %swap3A_2046 {strides = array<i32>} : memref<8x128xi32, #tpu.memory_space<vmem>>, vector<1x16xi32>,
      %get3A_2047 = arith.constant 6 : i32
      %get3A_2048 = arith.index_cast %get3A_2047 : i32 to index
      %get3A_2049 = arith.constant 48 : index
      %get3A_2050 = tpu.vector_load %arg5[%get3A_2048, %get3A_2049] {strides = array<i32>} : memref<8x128xi32, #tpu.memory_space<vmem>>, vector<1x16xi32>,
      %get3A_2051 = vector.shape_cast %get3A_2050 : vector<1x16xi32> to vector<16xi32>
      %shift_right_logical3A_2052 = arith.constant 5 : i32
      %shift_right_logical3A_2053 = vector.broadcast %shift_right_logical3A_2052 : i32 to vector<16xi32>
      %shift_right_logical3A_2054 = arith.shrui %get3A_2051, %shift_right_logical3A_2053 : vector<16xi32>
      %mul3A_2055 = arith.constant 33555 : i32
      %mul3A_2056 = vector.broadcast %mul3A_2055 : i32 to vector<16xi32>
      %mul3A_2057 = arith.muli %shift_right_logical3A_2054, %mul3A_2056 : vector<16xi32>
      %shift_right_logical3A_2058 = arith.constant 22 : i32
      %shift_right_logical3A_2059 = vector.broadcast %shift_right_logical3A_2058 : i32 to vector<16xi32>
      %shift_right_logical3A_2060 = arith.shrui %mul3A_2057, %shift_right_logical3A_2059 : vector<16xi32>
      %shift_right_logical3A_2061 = arith.constant 1 : i32
      %shift_right_logical3A_2062 = vector.broadcast %shift_right_logical3A_2061 : i32 to vector<16xi32>
      %shift_right_logical3A_2063 = arith.shrui %shift_right_logical3A_2060, %shift_right_logical3A_2062 : vector<16xi32>
      %mul3A_2064 = arith.constant 4000 : i32
      %mul3A_2065 = vector.broadcast %mul3A_2064 : i32 to vector<16xi32>
      %mul3A_2066 = arith.muli %shift_right_logical3A_2063, %mul3A_2065 : vector<16xi32>
      %mul3A_2067 = arith.constant 4000 : i32
      %mul3A_2068 = vector.broadcast %mul3A_2067 : i32 to vector<16xi32>
      %mul3A_2069 = arith.muli %shift_right_logical3A_2060, %mul3A_2068 : vector<16xi32>
      %sub3A_2070 = arith.subi %get3A_2051, %mul3A_2069 : vector<16xi32>
      %add3A_2071 = arith.addi %mul3A_2066, %sub3A_2070 : vector<16xi32>
      %swap3A_2072 = arith.constant 6 : i32
      %swap3A_2073 = arith.index_cast %swap3A_2072 : i32 to index
      %swap3A_2074 = arith.constant 48 : index
      %swap3A_2075 = tpu.vector_load %arg6[%swap3A_2073, %swap3A_2074] {strides = array<i32>} : memref<8x128xi32, #tpu.memory_space<vmem>>, vector<1x16xi32>,
      %swap3A_2076 = vector.shape_cast %swap3A_2075 : vector<1x16xi32> to vector<16xi32>
      %swap3A_2077 = vector.shape_cast %add3A_2071 : vector<16xi32> to vector<1x16xi32>
      tpu.vector_store %arg6[%swap3A_2073, %swap3A_2074], %swap3A_2077 {strides = array<i32>} : memref<8x128xi32, #tpu.memory_space<vmem>>, vector<1x16xi32>,
      %and3A_2078 = arith.constant 1 : i32
      %and3A_2079 = vector.broadcast %and3A_2078 : i32 to vector<16xi32>
      %and3A_2080 = arith.andi %shift_right_logical3A_2060, %and3A_2079 : vector<16xi32>
      %swap3A_2081 = arith.constant 6 : i32
      %swap3A_2082 = arith.index_cast %swap3A_2081 : i32 to index
      %swap3A_2083 = arith.constant 48 : index
      %swap3A_2084 = tpu.vector_load %arg5[%swap3A_2082, %swap3A_2083] {strides = array<i32>} : memref<8x128xi32, #tpu.memory_space<vmem>>, vector<1x16xi32>,
      %swap3A_2085 = vector.shape_cast %swap3A_2084 : vector<1x16xi32> to vector<16xi32>
      %swap3A_2086 = vector.shape_cast %and3A_2080 : vector<16xi32> to vector<1x16xi32>
      tpu.vector_store %arg5[%swap3A_2082, %swap3A_2083], %swap3A_2086 {strides = array<i32>} : memref<8x128xi32, #tpu.memory_space<vmem>>, vector<1x16xi32>,
      %get3A_2087 = arith.constant 6 : i32
      %get3A_2088 = arith.index_cast %get3A_2087 : i32 to index
      %get3A_2089 = arith.constant 64 : index
      %get3A_2090 = tpu.vector_load %arg5[%get3A_2088, %get3A_2089] {strides = array<i32>} : memref<8x128xi32, #tpu.memory_space<vmem>>, vector<1x16xi32>,
      %get3A_2091 = vector.shape_cast %get3A_2090 : vector<1x16xi32> to vector<16xi32>
      %shift_right_logical3A_2092 = arith.constant 5 : i32
      %shift_right_logical3A_2093 = vector.broadcast %shift_right_logical3A_2092 : i32 to vector<16xi32>
      %shift_right_logical3A_2094 = arith.shrui %get3A_2091, %shift_right_logical3A_2093 : vector<16xi32>
      %mul3A_2095 = arith.constant 33555 : i32
      %mul3A_2096 = vector.broadcast %mul3A_2095 : i32 to vector<16xi32>
      %mul3A_2097 = arith.muli %shift_right_logical3A_2094, %mul3A_2096 : vector<16xi32>
      %shift_right_logical3A_2098 = arith.constant 22 : i32
      %shift_right_logical3A_2099 = vector.broadcast %shift_right_logical3A_2098 : i32 to vector<16xi32>
      %shift_right_logical3A_2100 = arith.shrui %mul3A_2097, %shift_right_logical3A_2099 : vector<16xi32>
      %shift_right_logical3A_2101 = arith.constant 1 : i32
      %shift_right_logical3A_2102 = vector.broadcast %shift_right_logical3A_2101 : i32 to vector<16xi32>
      %shift_right_logical3A_2103 = arith.shrui %shift_right_logical3A_2100, %shift_right_logical3A_2102 : vector<16xi32>
      %mul3A_2104 = arith.constant 4000 : i32
      %mul3A_2105 = vector.broadcast %mul3A_2104 : i32 to vector<16xi32>
      %mul3A_2106 = arith.muli %shift_right_logical3A_2103, %mul3A_2105 : vector<16xi32>
      %mul3A_2107 = arith.constant 4000 : i32
      %mul3A_2108 = vector.broadcast %mul3A_2107 : i32 to vector<16xi32>
      %mul3A_2109 = arith.muli %shift_right_logical3A_2100, %mul3A_2108 : vector<16xi32>
      %sub3A_2110 = arith.subi %get3A_2091, %mul3A_2109 : vector<16xi32>
      %add3A_2111 = arith.addi %mul3A_2106, %sub3A_2110 : vector<16xi32>
      %swap3A_2112 = arith.constant 6 : i32
      %swap3A_2113 = arith.index_cast %swap3A_2112 : i32 to index
      %swap3A_2114 = arith.constant 64 : index
      %swap3A_2115 = tpu.vector_load %arg6[%swap3A_2113, %swap3A_2114] {strides = array<i32>} : memref<8x128xi32, #tpu.memory_space<vmem>>, vector<1x16xi32>,
      %swap3A_2116 = vector.shape_cast %swap3A_2115 : vector<1x16xi32> to vector<16xi32>
      %swap3A_2117 = vector.shape_cast %add3A_2111 : vector<16xi32> to vector<1x16xi32>
      tpu.vector_store %arg6[%swap3A_2113, %swap3A_2114], %swap3A_2117 {strides = array<i32>} : memref<8x128xi32, #tpu.memory_space<vmem>>, vector<1x16xi32>,
      %and3A_2118 = arith.constant 1 : i32
      %and3A_2119 = vector.broadcast %and3A_2118 : i32 to vector<16xi32>
      %and3A_2120 = arith.andi %shift_right_logical3A_2100, %and3A_2119 : vector<16xi32>
      %swap3A_2121 = arith.constant 6 : i32
      %swap3A_2122 = arith.index_cast %swap3A_2121 : i32 to index
      %swap3A_2123 = arith.constant 64 : index
      %swap3A_2124 = tpu.vector_load %arg5[%swap3A_2122, %swap3A_2123] {strides = array<i32>} : memref<8x128xi32, #tpu.memory_space<vmem>>, vector<1x16xi32>,
      %swap3A_2125 = vector.shape_cast %swap3A_2124 : vector<1x16xi32> to vector<16xi32>
      %swap3A_2126 = vector.shape_cast %and3A_2120 : vector<16xi32> to vector<1x16xi32>
      tpu.vector_store %arg5[%swap3A_2122, %swap3A_2123], %swap3A_2126 {strides = array<i32>} : memref<8x128xi32, #tpu.memory_space<vmem>>, vector<1x16xi32>,
      %get3A_2127 = arith.constant 6 : i32
      %get3A_2128 = arith.index_cast %get3A_2127 : i32 to index
      %get3A_2129 = arith.constant 80 : index
      %get3A_2130 = tpu.vector_load %arg5[%get3A_2128, %get3A_2129] {strides = array<i32>} : memref<8x128xi32, #tpu.memory_space<vmem>>, vector<1x16xi32>,
      %get3A_2131 = vector.shape_cast %get3A_2130 : vector<1x16xi32> to vector<16xi32>
      %shift_right_logical3A_2132 = arith.constant 5 : i32
      %shift_right_logical3A_2133 = vector.broadcast %shift_right_logical3A_2132 : i32 to vector<16xi32>
      %shift_right_logical3A_2134 = arith.shrui %get3A_2131, %shift_right_logical3A_2133 : vector<16xi32>
      %mul3A_2135 = arith.constant 33555 : i32
      %mul3A_2136 = vector.broadcast %mul3A_2135 : i32 to vector<16xi32>
      %mul3A_2137 = arith.muli %shift_right_logical3A_2134, %mul3A_2136 : vector<16xi32>
      %shift_right_logical3A_2138 = arith.constant 22 : i32
      %shift_right_logical3A_2139 = vector.broadcast %shift_right_logical3A_2138 : i32 to vector<16xi32>
      %shift_right_logical3A_2140 = arith.shrui %mul3A_2137, %shift_right_logical3A_2139 : vector<16xi32>
      %shift_right_logical3A_2141 = arith.constant 1 : i32
      %shift_right_logical3A_2142 = vector.broadcast %shift_right_logical3A_2141 : i32 to vector<16xi32>
      %shift_right_logical3A_2143 = arith.shrui %shift_right_logical3A_2140, %shift_right_logical3A_2142 : vector<16xi32>
      %mul3A_2144 = arith.constant 4000 : i32
      %mul3A_2145 = vector.broadcast %mul3A_2144 : i32 to vector<16xi32>
      %mul3A_2146 = arith.muli %shift_right_logical3A_2143, %mul3A_2145 : vector<16xi32>
      %mul3A_2147 = arith.constant 4000 : i32
      %mul3A_2148 = vector.broadcast %mul3A_2147 : i32 to vector<16xi32>
      %mul3A_2149 = arith.muli %shift_right_logical3A_2140, %mul3A_2148 : vector<16xi32>
      %sub3A_2150 = arith.subi %get3A_2131, %mul3A_2149 : vector<16xi32>
      %add3A_2151 = arith.addi %mul3A_2146, %sub3A_2150 : vector<16xi32>
      %swap3A_2152 = arith.constant 6 : i32
      %swap3A_2153 = arith.index_cast %swap3A_2152 : i32 to index
      %swap3A_2154 = arith.constant 80 : index
      %swap3A_2155 = tpu.vector_load %arg6[%swap3A_2153, %swap3A_2154] {strides = array<i32>} : memref<8x128xi32, #tpu.memory_space<vmem>>, vector<1x16xi32>,
      %swap3A_2156 = vector.shape_cast %swap3A_2155 : vector<1x16xi32> to vector<16xi32>
      %swap3A_2157 = vector.shape_cast %add3A_2151 : vector<16xi32> to vector<1x16xi32>
      tpu.vector_store %arg6[%swap3A_2153, %swap3A_2154], %swap3A_2157 {strides = array<i32>} : memref<8x128xi32, #tpu.memory_space<vmem>>, vector<1x16xi32>,
      %and3A_2158 = arith.constant 1 : i32
      %and3A_2159 = vector.broadcast %and3A_2158 : i32 to vector<16xi32>
      %and3A_2160 = arith.andi %shift_right_logical3A_2140, %and3A_2159 : vector<16xi32>
      %swap3A_2161 = arith.constant 6 : i32
      %swap3A_2162 = arith.index_cast %swap3A_2161 : i32 to index
      %swap3A_2163 = arith.constant 80 : index
      %swap3A_2164 = tpu.vector_load %arg5[%swap3A_2162, %swap3A_2163] {strides = array<i32>} : memref<8x128xi32, #tpu.memory_space<vmem>>, vector<1x16xi32>,
      %swap3A_2165 = vector.shape_cast %swap3A_2164 : vector<1x16xi32> to vector<16xi32>
      %swap3A_2166 = vector.shape_cast %and3A_2160 : vector<16xi32> to vector<1x16xi32>
      tpu.vector_store %arg5[%swap3A_2162, %swap3A_2163], %swap3A_2166 {strides = array<i32>} : memref<8x128xi32, #tpu.memory_space<vmem>>, vector<1x16xi32>,
      %get3A_2167 = arith.constant 6 : i32
      %get3A_2168 = arith.index_cast %get3A_2167 : i32 to index
      %get3A_2169 = arith.constant 96 : index
      %get3A_2170 = tpu.vector_load %arg5[%get3A_2168, %get3A_2169] {strides = array<i32>} : memref<8x128xi32, #tpu.memory_space<vmem>>, vector<1x16xi32>,
      %get3A_2171 = vector.shape_cast %get3A_2170 : vector<1x16xi32> to vector<16xi32>
      %shift_right_logical3A_2172 = arith.constant 5 : i32
      %shift_right_logical3A_2173 = vector.broadcast %shift_right_logical3A_2172 : i32 to vector<16xi32>
      %shift_right_logical3A_2174 = arith.shrui %get3A_2171, %shift_right_logical3A_2173 : vector<16xi32>
      %mul3A_2175 = arith.constant 33555 : i32
      %mul3A_2176 = vector.broadcast %mul3A_2175 : i32 to vector<16xi32>
      %mul3A_2177 = arith.muli %shift_right_logical3A_2174, %mul3A_2176 : vector<16xi32>
      %shift_right_logical3A_2178 = arith.constant 22 : i32
      %shift_right_logical3A_2179 = vector.broadcast %shift_right_logical3A_2178 : i32 to vector<16xi32>
      %shift_right_logical3A_2180 = arith.shrui %mul3A_2177, %shift_right_logical3A_2179 : vector<16xi32>
      %shift_right_logical3A_2181 = arith.constant 1 : i32
      %shift_right_logical3A_2182 = vector.broadcast %shift_right_logical3A_2181 : i32 to vector<16xi32>
      %shift_right_logical3A_2183 = arith.shrui %shift_right_logical3A_2180, %shift_right_logical3A_2182 : vector<16xi32>
      %mul3A_2184 = arith.constant 4000 : i32
      %mul3A_2185 = vector.broadcast %mul3A_2184 : i32 to vector<16xi32>
      %mul3A_2186 = arith.muli %shift_right_logical3A_2183, %mul3A_2185 : vector<16xi32>
      %mul3A_2187 = arith.constant 4000 : i32
      %mul3A_2188 = vector.broadcast %mul3A_2187 : i32 to vector<16xi32>
      %mul3A_2189 = arith.muli %shift_right_logical3A_2180, %mul3A_2188 : vector<16xi32>
      %sub3A_2190 = arith.subi %get3A_2171, %mul3A_2189 : vector<16xi32>
      %add3A_2191 = arith.addi %mul3A_2186, %sub3A_2190 : vector<16xi32>
      %swap3A_2192 = arith.constant 6 : i32
      %swap3A_2193 = arith.index_cast %swap3A_2192 : i32 to index
      %swap3A_2194 = arith.constant 96 : index
      %swap3A_2195 = tpu.vector_load %arg6[%swap3A_2193, %swap3A_2194] {strides = array<i32>} : memref<8x128xi32, #tpu.memory_space<vmem>>, vector<1x16xi32>,
      %swap3A_2196 = vector.shape_cast %swap3A_2195 : vector<1x16xi32> to vector<16xi32>
      %swap3A_2197 = vector.shape_cast %add3A_2191 : vector<16xi32> to vector<1x16xi32>
      tpu.vector_store %arg6[%swap3A_2193, %swap3A_2194], %swap3A_2197 {strides = array<i32>} : memref<8x128xi32, #tpu.memory_space<vmem>>, vector<1x16xi32>,
      %and3A_2198 = arith.constant 1 : i32
      %and3A_2199 = vector.broadcast %and3A_2198 : i32 to vector<16xi32>
      %and3A_2200 = arith.andi %shift_right_logical3A_2180, %and3A_2199 : vector<16xi32>
      %swap3A_2201 = arith.constant 6 : i32
      %swap3A_2202 = arith.index_cast %swap3A_2201 : i32 to index
      %swap3A_2203 = arith.constant 96 : index
      %swap3A_2204 = tpu.vector_load %arg5[%swap3A_2202, %swap3A_2203] {strides = array<i32>} : memref<8x128xi32, #tpu.memory_space<vmem>>, vector<1x16xi32>,
      %swap3A_2205 = vector.shape_cast %swap3A_2204 : vector<1x16xi32> to vector<16xi32>
      %swap3A_2206 = vector.shape_cast %and3A_2200 : vector<16xi32> to vector<1x16xi32>
      tpu.vector_store %arg5[%swap3A_2202, %swap3A_2203], %swap3A_2206 {strides = array<i32>} : memref<8x128xi32, #tpu.memory_space<vmem>>, vector<1x16xi32>,
      %get3A_2207 = arith.constant 6 : i32
      %get3A_2208 = arith.index_cast %get3A_2207 : i32 to index
      %get3A_2209 = arith.constant 112 : index
      %get3A_2210 = tpu.vector_load %arg5[%get3A_2208, %get3A_2209] {strides = array<i32>} : memref<8x128xi32, #tpu.memory_space<vmem>>, vector<1x16xi32>,
      %get3A_2211 = vector.shape_cast %get3A_2210 : vector<1x16xi32> to vector<16xi32>
      %shift_right_logical3A_2212 = arith.constant 5 : i32
      %shift_right_logical3A_2213 = vector.broadcast %shift_right_logical3A_2212 : i32 to vector<16xi32>
      %shift_right_logical3A_2214 = arith.shrui %get3A_2211, %shift_right_logical3A_2213 : vector<16xi32>
      %mul3A_2215 = arith.constant 33555 : i32
      %mul3A_2216 = vector.broadcast %mul3A_2215 : i32 to vector<16xi32>
      %mul3A_2217 = arith.muli %shift_right_logical3A_2214, %mul3A_2216 : vector<16xi32>
      %shift_right_logical3A_2218 = arith.constant 22 : i32
      %shift_right_logical3A_2219 = vector.broadcast %shift_right_logical3A_2218 : i32 to vector<16xi32>
      %shift_right_logical3A_2220 = arith.shrui %mul3A_2217, %shift_right_logical3A_2219 : vector<16xi32>
      %shift_right_logical3A_2221 = arith.constant 1 : i32
      %shift_right_logical3A_2222 = vector.broadcast %shift_right_logical3A_2221 : i32 to vector<16xi32>
      %shift_right_logical3A_2223 = arith.shrui %shift_right_logical3A_2220, %shift_right_logical3A_2222 : vector<16xi32>
      %mul3A_2224 = arith.constant 4000 : i32
      %mul3A_2225 = vector.broadcast %mul3A_2224 : i32 to vector<16xi32>
      %mul3A_2226 = arith.muli %shift_right_logical3A_2223, %mul3A_2225 : vector<16xi32>
      %mul3A_2227 = arith.constant 4000 : i32
      %mul3A_2228 = vector.broadcast %mul3A_2227 : i32 to vector<16xi32>
      %mul3A_2229 = arith.muli %shift_right_logical3A_2220, %mul3A_2228 : vector<16xi32>
      %sub3A_2230 = arith.subi %get3A_2211, %mul3A_2229 : vector<16xi32>
      %add3A_2231 = arith.addi %mul3A_2226, %sub3A_2230 : vector<16xi32>
      %swap3A_2232 = arith.constant 6 : i32
      %swap3A_2233 = arith.index_cast %swap3A_2232 : i32 to index
      %swap3A_2234 = arith.constant 112 : index
      %swap3A_2235 = tpu.vector_load %arg6[%swap3A_2233, %swap3A_2234] {strides = array<i32>} : memref<8x128xi32, #tpu.memory_space<vmem>>, vector<1x16xi32>,
      %swap3A_2236 = vector.shape_cast %swap3A_2235 : vector<1x16xi32> to vector<16xi32>
      %swap3A_2237 = vector.shape_cast %add3A_2231 : vector<16xi32> to vector<1x16xi32>
      tpu.vector_store %arg6[%swap3A_2233, %swap3A_2234], %swap3A_2237 {strides = array<i32>} : memref<8x128xi32, #tpu.memory_space<vmem>>, vector<1x16xi32>,
      %and3A_2238 = arith.constant 1 : i32
      %and3A_2239 = vector.broadcast %and3A_2238 : i32 to vector<16xi32>
      %and3A_2240 = arith.andi %shift_right_logical3A_2220, %and3A_2239 : vector<16xi32>
      %swap3A_2241 = arith.constant 6 : i32
      %swap3A_2242 = arith.index_cast %swap3A_2241 : i32 to index
      %swap3A_2243 = arith.constant 112 : index
      %swap3A_2244 = tpu.vector_load %arg5[%swap3A_2242, %swap3A_2243] {strides = array<i32>} : memref<8x128xi32, #tpu.memory_space<vmem>>, vector<1x16xi32>,
      %swap3A_2245 = vector.shape_cast %swap3A_2244 : vector<1x16xi32> to vector<16xi32>
      %swap3A_2246 = vector.shape_cast %and3A_2240 : vector<16xi32> to vector<1x16xi32>
      tpu.vector_store %arg5[%swap3A_2242, %swap3A_2243], %swap3A_2246 {strides = array<i32>} : memref<8x128xi32, #tpu.memory_space<vmem>>, vector<1x16xi32>,
      %get3A_2247 = arith.constant 7 : i32
      %get3A_2248 = arith.index_cast %get3A_2247 : i32 to index
      %get3A_2249 = arith.constant 0 : index
      %get3A_2250 = tpu.vector_load %arg5[%get3A_2248, %get3A_2249] {strides = array<i32>} : memref<8x128xi32, #tpu.memory_space<vmem>>, vector<1x16xi32>,
      %get3A_2251 = vector.shape_cast %get3A_2250 : vector<1x16xi32> to vector<16xi32>
      %shift_right_logical3A_2252 = arith.constant 5 : i32
      %shift_right_logical3A_2253 = vector.broadcast %shift_right_logical3A_2252 : i32 to vector<16xi32>
      %shift_right_logical3A_2254 = arith.shrui %get3A_2251, %shift_right_logical3A_2253 : vector<16xi32>
      %mul3A_2255 = arith.constant 33555 : i32
      %mul3A_2256 = vector.broadcast %mul3A_2255 : i32 to vector<16xi32>
      %mul3A_2257 = arith.muli %shift_right_logical3A_2254, %mul3A_2256 : vector<16xi32>
      %shift_right_logical3A_2258 = arith.constant 22 : i32
      %shift_right_logical3A_2259 = vector.broadcast %shift_right_logical3A_2258 : i32 to vector<16xi32>
      %shift_right_logical3A_2260 = arith.shrui %mul3A_2257, %shift_right_logical3A_2259 : vector<16xi32>
      %shift_right_logical3A_2261 = arith.constant 1 : i32
      %shift_right_logical3A_2262 = vector.broadcast %shift_right_logical3A_2261 : i32 to vector<16xi32>
      %shift_right_logical3A_2263 = arith.shrui %shift_right_logical3A_2260, %shift_right_logical3A_2262 : vector<16xi32>
      %mul3A_2264 = arith.constant 4000 : i32
      %mul3A_2265 = vector.broadcast %mul3A_2264 : i32 to vector<16xi32>
      %mul3A_2266 = arith.muli %shift_right_logical3A_2263, %mul3A_2265 : vector<16xi32>
      %mul3A_2267 = arith.constant 4000 : i32
      %mul3A_2268 = vector.broadcast %mul3A_2267 : i32 to vector<16xi32>
      %mul3A_2269 = arith.muli %shift_right_logical3A_2260, %mul3A_2268 : vector<16xi32>
      %sub3A_2270 = arith.subi %get3A_2251, %mul3A_2269 : vector<16xi32>
      %add3A_2271 = arith.addi %mul3A_2266, %sub3A_2270 : vector<16xi32>
      %swap3A_2272 = arith.constant 7 : i32
      %swap3A_2273 = arith.index_cast %swap3A_2272 : i32 to index
      %swap3A_2274 = arith.constant 0 : index
      %swap3A_2275 = tpu.vector_load %arg6[%swap3A_2273, %swap3A_2274] {strides = array<i32>} : memref<8x128xi32, #tpu.memory_space<vmem>>, vector<1x16xi32>,
      %swap3A_2276 = vector.shape_cast %swap3A_2275 : vector<1x16xi32> to vector<16xi32>
      %swap3A_2277 = vector.shape_cast %add3A_2271 : vector<16xi32> to vector<1x16xi32>
      tpu.vector_store %arg6[%swap3A_2273, %swap3A_2274], %swap3A_2277 {strides = array<i32>} : memref<8x128xi32, #tpu.memory_space<vmem>>, vector<1x16xi32>,
      %and3A_2278 = arith.constant 1 : i32
      %and3A_2279 = vector.broadcast %and3A_2278 : i32 to vector<16xi32>
      %and3A_2280 = arith.andi %shift_right_logical3A_2260, %and3A_2279 : vector<16xi32>
      %swap3A_2281 = arith.constant 7 : i32
      %swap3A_2282 = arith.index_cast %swap3A_2281 : i32 to index
      %swap3A_2283 = arith.constant 0 : index
      %swap3A_2284 = tpu.vector_load %arg5[%swap3A_2282, %swap3A_2283] {strides = array<i32>} : memref<8x128xi32, #tpu.memory_space<vmem>>, vector<1x16xi32>,
      %swap3A_2285 = vector.shape_cast %swap3A_2284 : vector<1x16xi32> to vector<16xi32>
      %swap3A_2286 = vector.shape_cast %and3A_2280 : vector<16xi32> to vector<1x16xi32>
      tpu.vector_store %arg5[%swap3A_2282, %swap3A_2283], %swap3A_2286 {strides = array<i32>} : memref<8x128xi32, #tpu.memory_space<vmem>>, vector<1x16xi32>,
      %get3A_2287 = arith.constant 7 : i32
      %get3A_2288 = arith.index_cast %get3A_2287 : i32 to index
      %get3A_2289 = arith.constant 16 : index
      %get3A_2290 = tpu.vector_load %arg5[%get3A_2288, %get3A_2289] {strides = array<i32>} : memref<8x128xi32, #tpu.memory_space<vmem>>, vector<1x16xi32>,
      %get3A_2291 = vector.shape_cast %get3A_2290 : vector<1x16xi32> to vector<16xi32>
      %shift_right_logical3A_2292 = arith.constant 5 : i32
      %shift_right_logical3A_2293 = vector.broadcast %shift_right_logical3A_2292 : i32 to vector<16xi32>
      %shift_right_logical3A_2294 = arith.shrui %get3A_2291, %shift_right_logical3A_2293 : vector<16xi32>
      %mul3A_2295 = arith.constant 33555 : i32
      %mul3A_2296 = vector.broadcast %mul3A_2295 : i32 to vector<16xi32>
      %mul3A_2297 = arith.muli %shift_right_logical3A_2294, %mul3A_2296 : vector<16xi32>
      %shift_right_logical3A_2298 = arith.constant 22 : i32
      %shift_right_logical3A_2299 = vector.broadcast %shift_right_logical3A_2298 : i32 to vector<16xi32>
      %shift_right_logical3A_2300 = arith.shrui %mul3A_2297, %shift_right_logical3A_2299 : vector<16xi32>
      %shift_right_logical3A_2301 = arith.constant 1 : i32
      %shift_right_logical3A_2302 = vector.broadcast %shift_right_logical3A_2301 : i32 to vector<16xi32>
      %shift_right_logical3A_2303 = arith.shrui %shift_right_logical3A_2300, %shift_right_logical3A_2302 : vector<16xi32>
      %mul3A_2304 = arith.constant 4000 : i32
      %mul3A_2305 = vector.broadcast %mul3A_2304 : i32 to vector<16xi32>
      %mul3A_2306 = arith.muli %shift_right_logical3A_2303, %mul3A_2305 : vector<16xi32>
      %mul3A_2307 = arith.constant 4000 : i32
      %mul3A_2308 = vector.broadcast %mul3A_2307 : i32 to vector<16xi32>
      %mul3A_2309 = arith.muli %shift_right_logical3A_2300, %mul3A_2308 : vector<16xi32>
      %sub3A_2310 = arith.subi %get3A_2291, %mul3A_2309 : vector<16xi32>
      %add3A_2311 = arith.addi %mul3A_2306, %sub3A_2310 : vector<16xi32>
      %swap3A_2312 = arith.constant 7 : i32
      %swap3A_2313 = arith.index_cast %swap3A_2312 : i32 to index
      %swap3A_2314 = arith.constant 16 : index
      %swap3A_2315 = tpu.vector_load %arg6[%swap3A_2313, %swap3A_2314] {strides = array<i32>} : memref<8x128xi32, #tpu.memory_space<vmem>>, vector<1x16xi32>,
      %swap3A_2316 = vector.shape_cast %swap3A_2315 : vector<1x16xi32> to vector<16xi32>
      %swap3A_2317 = vector.shape_cast %add3A_2311 : vector<16xi32> to vector<1x16xi32>
      tpu.vector_store %arg6[%swap3A_2313, %swap3A_2314], %swap3A_2317 {strides = array<i32>} : memref<8x128xi32, #tpu.memory_space<vmem>>, vector<1x16xi32>,
      %and3A_2318 = arith.constant 1 : i32
      %and3A_2319 = vector.broadcast %and3A_2318 : i32 to vector<16xi32>
      %and3A_2320 = arith.andi %shift_right_logical3A_2300, %and3A_2319 : vector<16xi32>
      %swap3A_2321 = arith.constant 7 : i32
      %swap3A_2322 = arith.index_cast %swap3A_2321 : i32 to index
      %swap3A_2323 = arith.constant 16 : index
      %swap3A_2324 = tpu.vector_load %arg5[%swap3A_2322, %swap3A_2323] {strides = array<i32>} : memref<8x128xi32, #tpu.memory_space<vmem>>, vector<1x16xi32>,
      %swap3A_2325 = vector.shape_cast %swap3A_2324 : vector<1x16xi32> to vector<16xi32>
      %swap3A_2326 = vector.shape_cast %and3A_2320 : vector<16xi32> to vector<1x16xi32>
      tpu.vector_store %arg5[%swap3A_2322, %swap3A_2323], %swap3A_2326 {strides = array<i32>} : memref<8x128xi32, #tpu.memory_space<vmem>>, vector<1x16xi32>,
      %get3A_2327 = arith.constant 7 : i32
      %get3A_2328 = arith.index_cast %get3A_2327 : i32 to index
      %get3A_2329 = arith.constant 32 : index
      %get3A_2330 = tpu.vector_load %arg5[%get3A_2328, %get3A_2329] {strides = array<i32>} : memref<8x128xi32, #tpu.memory_space<vmem>>, vector<1x16xi32>,
      %get3A_2331 = vector.shape_cast %get3A_2330 : vector<1x16xi32> to vector<16xi32>
      %shift_right_logical3A_2332 = arith.constant 5 : i32
      %shift_right_logical3A_2333 = vector.broadcast %shift_right_logical3A_2332 : i32 to vector<16xi32>
      %shift_right_logical3A_2334 = arith.shrui %get3A_2331, %shift_right_logical3A_2333 : vector<16xi32>
      %mul3A_2335 = arith.constant 33555 : i32
      %mul3A_2336 = vector.broadcast %mul3A_2335 : i32 to vector<16xi32>
      %mul3A_2337 = arith.muli %shift_right_logical3A_2334, %mul3A_2336 : vector<16xi32>
      %shift_right_logical3A_2338 = arith.constant 22 : i32
      %shift_right_logical3A_2339 = vector.broadcast %shift_right_logical3A_2338 : i32 to vector<16xi32>
      %shift_right_logical3A_2340 = arith.shrui %mul3A_2337, %shift_right_logical3A_2339 : vector<16xi32>
      %shift_right_logical3A_2341 = arith.constant 1 : i32
      %shift_right_logical3A_2342 = vector.broadcast %shift_right_logical3A_2341 : i32 to vector<16xi32>
      %shift_right_logical3A_2343 = arith.shrui %shift_right_logical3A_2340, %shift_right_logical3A_2342 : vector<16xi32>
      %mul3A_2344 = arith.constant 4000 : i32
      %mul3A_2345 = vector.broadcast %mul3A_2344 : i32 to vector<16xi32>
      %mul3A_2346 = arith.muli %shift_right_logical3A_2343, %mul3A_2345 : vector<16xi32>
      %mul3A_2347 = arith.constant 4000 : i32
      %mul3A_2348 = vector.broadcast %mul3A_2347 : i32 to vector<16xi32>
      %mul3A_2349 = arith.muli %shift_right_logical3A_2340, %mul3A_2348 : vector<16xi32>
      %sub3A_2350 = arith.subi %get3A_2331, %mul3A_2349 : vector<16xi32>
      %add3A_2351 = arith.addi %mul3A_2346, %sub3A_2350 : vector<16xi32>
      %swap3A_2352 = arith.constant 7 : i32
      %swap3A_2353 = arith.index_cast %swap3A_2352 : i32 to index
      %swap3A_2354 = arith.constant 32 : index
      %swap3A_2355 = tpu.vector_load %arg6[%swap3A_2353, %swap3A_2354] {strides = array<i32>} : memref<8x128xi32, #tpu.memory_space<vmem>>, vector<1x16xi32>,
      %swap3A_2356 = vector.shape_cast %swap3A_2355 : vector<1x16xi32> to vector<16xi32>
      %swap3A_2357 = vector.shape_cast %add3A_2351 : vector<16xi32> to vector<1x16xi32>
      tpu.vector_store %arg6[%swap3A_2353, %swap3A_2354], %swap3A_2357 {strides = array<i32>} : memref<8x128xi32, #tpu.memory_space<vmem>>, vector<1x16xi32>,
      %and3A_2358 = arith.constant 1 : i32
      %and3A_2359 = vector.broadcast %and3A_2358 : i32 to vector<16xi32>
      %and3A_2360 = arith.andi %shift_right_logical3A_2340, %and3A_2359 : vector<16xi32>
      %swap3A_2361 = arith.constant 7 : i32
      %swap3A_2362 = arith.index_cast %swap3A_2361 : i32 to index
      %swap3A_2363 = arith.constant 32 : index
      %swap3A_2364 = tpu.vector_load %arg5[%swap3A_2362, %swap3A_2363] {strides = array<i32>} : memref<8x128xi32, #tpu.memory_space<vmem>>, vector<1x16xi32>,
      %swap3A_2365 = vector.shape_cast %swap3A_2364 : vector<1x16xi32> to vector<16xi32>
      %swap3A_2366 = vector.shape_cast %and3A_2360 : vector<16xi32> to vector<1x16xi32>
      tpu.vector_store %arg5[%swap3A_2362, %swap3A_2363], %swap3A_2366 {strides = array<i32>} : memref<8x128xi32, #tpu.memory_space<vmem>>, vector<1x16xi32>,
      %get3A_2367 = arith.constant 7 : i32
      %get3A_2368 = arith.index_cast %get3A_2367 : i32 to index
      %get3A_2369 = arith.constant 48 : index
      %get3A_2370 = tpu.vector_load %arg5[%get3A_2368, %get3A_2369] {strides = array<i32>} : memref<8x128xi32, #tpu.memory_space<vmem>>, vector<1x16xi32>,
      %get3A_2371 = vector.shape_cast %get3A_2370 : vector<1x16xi32> to vector<16xi32>
      %shift_right_logical3A_2372 = arith.constant 5 : i32
      %shift_right_logical3A_2373 = vector.broadcast %shift_right_logical3A_2372 : i32 to vector<16xi32>
      %shift_right_logical3A_2374 = arith.shrui %get3A_2371, %shift_right_logical3A_2373 : vector<16xi32>
      %mul3A_2375 = arith.constant 33555 : i32
      %mul3A_2376 = vector.broadcast %mul3A_2375 : i32 to vector<16xi32>
      %mul3A_2377 = arith.muli %shift_right_logical3A_2374, %mul3A_2376 : vector<16xi32>
      %shift_right_logical3A_2378 = arith.constant 22 : i32
      %shift_right_logical3A_2379 = vector.broadcast %shift_right_logical3A_2378 : i32 to vector<16xi32>
      %shift_right_logical3A_2380 = arith.shrui %mul3A_2377, %shift_right_logical3A_2379 : vector<16xi32>
      %shift_right_logical3A_2381 = arith.constant 1 : i32
      %shift_right_logical3A_2382 = vector.broadcast %shift_right_logical3A_2381 : i32 to vector<16xi32>
      %shift_right_logical3A_2383 = arith.shrui %shift_right_logical3A_2380, %shift_right_logical3A_2382 : vector<16xi32>
      %mul3A_2384 = arith.constant 4000 : i32
      %mul3A_2385 = vector.broadcast %mul3A_2384 : i32 to vector<16xi32>
      %mul3A_2386 = arith.muli %shift_right_logical3A_2383, %mul3A_2385 : vector<16xi32>
      %mul3A_2387 = arith.constant 4000 : i32
      %mul3A_2388 = vector.broadcast %mul3A_2387 : i32 to vector<16xi32>
      %mul3A_2389 = arith.muli %shift_right_logical3A_2380, %mul3A_2388 : vector<16xi32>
      %sub3A_2390 = arith.subi %get3A_2371, %mul3A_2389 : vector<16xi32>
      %add3A_2391 = arith.addi %mul3A_2386, %sub3A_2390 : vector<16xi32>
      %swap3A_2392 = arith.constant 7 : i32
      %swap3A_2393 = arith.index_cast %swap3A_2392 : i32 to index
      %swap3A_2394 = arith.constant 48 : index
      %swap3A_2395 = tpu.vector_load %arg6[%swap3A_2393, %swap3A_2394] {strides = array<i32>} : memref<8x128xi32, #tpu.memory_space<vmem>>, vector<1x16xi32>,
      %swap3A_2396 = vector.shape_cast %swap3A_2395 : vector<1x16xi32> to vector<16xi32>
      %swap3A_2397 = vector.shape_cast %add3A_2391 : vector<16xi32> to vector<1x16xi32>
      tpu.vector_store %arg6[%swap3A_2393, %swap3A_2394], %swap3A_2397 {strides = array<i32>} : memref<8x128xi32, #tpu.memory_space<vmem>>, vector<1x16xi32>,
      %and3A_2398 = arith.constant 1 : i32
      %and3A_2399 = vector.broadcast %and3A_2398 : i32 to vector<16xi32>
      %and3A_2400 = arith.andi %shift_right_logical3A_2380, %and3A_2399 : vector<16xi32>
      %swap3A_2401 = arith.constant 7 : i32
      %swap3A_2402 = arith.index_cast %swap3A_2401 : i32 to index
      %swap3A_2403 = arith.constant 48 : index
      %swap3A_2404 = tpu.vector_load %arg5[%swap3A_2402, %swap3A_2403] {strides = array<i32>} : memref<8x128xi32, #tpu.memory_space<vmem>>, vector<1x16xi32>,
      %swap3A_2405 = vector.shape_cast %swap3A_2404 : vector<1x16xi32> to vector<16xi32>
      %swap3A_2406 = vector.shape_cast %and3A_2400 : vector<16xi32> to vector<1x16xi32>
      tpu.vector_store %arg5[%swap3A_2402, %swap3A_2403], %swap3A_2406 {strides = array<i32>} : memref<8x128xi32, #tpu.memory_space<vmem>>, vector<1x16xi32>,
      %get3A_2407 = arith.constant 7 : i32
      %get3A_2408 = arith.index_cast %get3A_2407 : i32 to index
      %get3A_2409 = arith.constant 64 : index
      %get3A_2410 = tpu.vector_load %arg5[%get3A_2408, %get3A_2409] {strides = array<i32>} : memref<8x128xi32, #tpu.memory_space<vmem>>, vector<1x16xi32>,
      %get3A_2411 = vector.shape_cast %get3A_2410 : vector<1x16xi32> to vector<16xi32>
      %shift_right_logical3A_2412 = arith.constant 5 : i32
      %shift_right_logical3A_2413 = vector.broadcast %shift_right_logical3A_2412 : i32 to vector<16xi32>
      %shift_right_logical3A_2414 = arith.shrui %get3A_2411, %shift_right_logical3A_2413 : vector<16xi32>
      %mul3A_2415 = arith.constant 33555 : i32
      %mul3A_2416 = vector.broadcast %mul3A_2415 : i32 to vector<16xi32>
      %mul3A_2417 = arith.muli %shift_right_logical3A_2414, %mul3A_2416 : vector<16xi32>
      %shift_right_logical3A_2418 = arith.constant 22 : i32
      %shift_right_logical3A_2419 = vector.broadcast %shift_right_logical3A_2418 : i32 to vector<16xi32>
      %shift_right_logical3A_2420 = arith.shrui %mul3A_2417, %shift_right_logical3A_2419 : vector<16xi32>
      %shift_right_logical3A_2421 = arith.constant 1 : i32
      %shift_right_logical3A_2422 = vector.broadcast %shift_right_logical3A_2421 : i32 to vector<16xi32>
      %shift_right_logical3A_2423 = arith.shrui %shift_right_logical3A_2420, %shift_right_logical3A_2422 : vector<16xi32>
      %mul3A_2424 = arith.constant 4000 : i32
      %mul3A_2425 = vector.broadcast %mul3A_2424 : i32 to vector<16xi32>
      %mul3A_2426 = arith.muli %shift_right_logical3A_2423, %mul3A_2425 : vector<16xi32>
      %mul3A_2427 = arith.constant 4000 : i32
      %mul3A_2428 = vector.broadcast %mul3A_2427 : i32 to vector<16xi32>
      %mul3A_2429 = arith.muli %shift_right_logical3A_2420, %mul3A_2428 : vector<16xi32>
      %sub3A_2430 = arith.subi %get3A_2411, %mul3A_2429 : vector<16xi32>
      %add3A_2431 = arith.addi %mul3A_2426, %sub3A_2430 : vector<16xi32>
      %swap3A_2432 = arith.constant 7 : i32
      %swap3A_2433 = arith.index_cast %swap3A_2432 : i32 to index
      %swap3A_2434 = arith.constant 64 : index
      %swap3A_2435 = tpu.vector_load %arg6[%swap3A_2433, %swap3A_2434] {strides = array<i32>} : memref<8x128xi32, #tpu.memory_space<vmem>>, vector<1x16xi32>,
      %swap3A_2436 = vector.shape_cast %swap3A_2435 : vector<1x16xi32> to vector<16xi32>
      %swap3A_2437 = vector.shape_cast %add3A_2431 : vector<16xi32> to vector<1x16xi32>
      tpu.vector_store %arg6[%swap3A_2433, %swap3A_2434], %swap3A_2437 {strides = array<i32>} : memref<8x128xi32, #tpu.memory_space<vmem>>, vector<1x16xi32>,
      %and3A_2438 = arith.constant 1 : i32
      %and3A_2439 = vector.broadcast %and3A_2438 : i32 to vector<16xi32>
      %and3A_2440 = arith.andi %shift_right_logical3A_2420, %and3A_2439 : vector<16xi32>
      %swap3A_2441 = arith.constant 7 : i32
      %swap3A_2442 = arith.index_cast %swap3A_2441 : i32 to index
      %swap3A_2443 = arith.constant 64 : index
      %swap3A_2444 = tpu.vector_load %arg5[%swap3A_2442, %swap3A_2443] {strides = array<i32>} : memref<8x128xi32, #tpu.memory_space<vmem>>, vector<1x16xi32>,
      %swap3A_2445 = vector.shape_cast %swap3A_2444 : vector<1x16xi32> to vector<16xi32>
      %swap3A_2446 = vector.shape_cast %and3A_2440 : vector<16xi32> to vector<1x16xi32>
      tpu.vector_store %arg5[%swap3A_2442, %swap3A_2443], %swap3A_2446 {strides = array<i32>} : memref<8x128xi32, #tpu.memory_space<vmem>>, vector<1x16xi32>,
      %get3A_2447 = arith.constant 7 : i32
      %get3A_2448 = arith.index_cast %get3A_2447 : i32 to index
      %get3A_2449 = arith.constant 80 : index
      %get3A_2450 = tpu.vector_load %arg5[%get3A_2448, %get3A_2449] {strides = array<i32>} : memref<8x128xi32, #tpu.memory_space<vmem>>, vector<1x16xi32>,
      %get3A_2451 = vector.shape_cast %get3A_2450 : vector<1x16xi32> to vector<16xi32>
      %shift_right_logical3A_2452 = arith.constant 5 : i32
      %shift_right_logical3A_2453 = vector.broadcast %shift_right_logical3A_2452 : i32 to vector<16xi32>
      %shift_right_logical3A_2454 = arith.shrui %get3A_2451, %shift_right_logical3A_2453 : vector<16xi32>
      %mul3A_2455 = arith.constant 33555 : i32
      %mul3A_2456 = vector.broadcast %mul3A_2455 : i32 to vector<16xi32>
      %mul3A_2457 = arith.muli %shift_right_logical3A_2454, %mul3A_2456 : vector<16xi32>
      %shift_right_logical3A_2458 = arith.constant 22 : i32
      %shift_right_logical3A_2459 = vector.broadcast %shift_right_logical3A_2458 : i32 to vector<16xi32>
      %shift_right_logical3A_2460 = arith.shrui %mul3A_2457, %shift_right_logical3A_2459 : vector<16xi32>
      %shift_right_logical3A_2461 = arith.constant 1 : i32
      %shift_right_logical3A_2462 = vector.broadcast %shift_right_logical3A_2461 : i32 to vector<16xi32>
      %shift_right_logical3A_2463 = arith.shrui %shift_right_logical3A_2460, %shift_right_logical3A_2462 : vector<16xi32>
      %mul3A_2464 = arith.constant 4000 : i32
      %mul3A_2465 = vector.broadcast %mul3A_2464 : i32 to vector<16xi32>
      %mul3A_2466 = arith.muli %shift_right_logical3A_2463, %mul3A_2465 : vector<16xi32>
      %mul3A_2467 = arith.constant 4000 : i32
      %mul3A_2468 = vector.broadcast %mul3A_2467 : i32 to vector<16xi32>
      %mul3A_2469 = arith.muli %shift_right_logical3A_2460, %mul3A_2468 : vector<16xi32>
      %sub3A_2470 = arith.subi %get3A_2451, %mul3A_2469 : vector<16xi32>
      %add3A_2471 = arith.addi %mul3A_2466, %sub3A_2470 : vector<16xi32>
      %swap3A_2472 = arith.constant 7 : i32
      %swap3A_2473 = arith.index_cast %swap3A_2472 : i32 to index
      %swap3A_2474 = arith.constant 80 : index
      %swap3A_2475 = tpu.vector_load %arg6[%swap3A_2473, %swap3A_2474] {strides = array<i32>} : memref<8x128xi32, #tpu.memory_space<vmem>>, vector<1x16xi32>,
      %swap3A_2476 = vector.shape_cast %swap3A_2475 : vector<1x16xi32> to vector<16xi32>
      %swap3A_2477 = vector.shape_cast %add3A_2471 : vector<16xi32> to vector<1x16xi32>
      tpu.vector_store %arg6[%swap3A_2473, %swap3A_2474], %swap3A_2477 {strides = array<i32>} : memref<8x128xi32, #tpu.memory_space<vmem>>, vector<1x16xi32>,
      %and3A_2478 = arith.constant 1 : i32
      %and3A_2479 = vector.broadcast %and3A_2478 : i32 to vector<16xi32>
      %and3A_2480 = arith.andi %shift_right_logical3A_2460, %and3A_2479 : vector<16xi32>
      %swap3A_2481 = arith.constant 7 : i32
      %swap3A_2482 = arith.index_cast %swap3A_2481 : i32 to index
      %swap3A_2483 = arith.constant 80 : index
      %swap3A_2484 = tpu.vector_load %arg5[%swap3A_2482, %swap3A_2483] {strides = array<i32>} : memref<8x128xi32, #tpu.memory_space<vmem>>, vector<1x16xi32>,
      %swap3A_2485 = vector.shape_cast %swap3A_2484 : vector<1x16xi32> to vector<16xi32>
      %swap3A_2486 = vector.shape_cast %and3A_2480 : vector<16xi32> to vector<1x16xi32>
      tpu.vector_store %arg5[%swap3A_2482, %swap3A_2483], %swap3A_2486 {strides = array<i32>} : memref<8x128xi32, #tpu.memory_space<vmem>>, vector<1x16xi32>,
      %get3A_2487 = arith.constant 7 : i32
      %get3A_2488 = arith.index_cast %get3A_2487 : i32 to index
      %get3A_2489 = arith.constant 96 : index
      %get3A_2490 = tpu.vector_load %arg5[%get3A_2488, %get3A_2489] {strides = array<i32>} : memref<8x128xi32, #tpu.memory_space<vmem>>, vector<1x16xi32>,
      %get3A_2491 = vector.shape_cast %get3A_2490 : vector<1x16xi32> to vector<16xi32>
      %shift_right_logical3A_2492 = arith.constant 5 : i32
      %shift_right_logical3A_2493 = vector.broadcast %shift_right_logical3A_2492 : i32 to vector<16xi32>
      %shift_right_logical3A_2494 = arith.shrui %get3A_2491, %shift_right_logical3A_2493 : vector<16xi32>
      %mul3A_2495 = arith.constant 33555 : i32
      %mul3A_2496 = vector.broadcast %mul3A_2495 : i32 to vector<16xi32>
      %mul3A_2497 = arith.muli %shift_right_logical3A_2494, %mul3A_2496 : vector<16xi32>
      %shift_right_logical3A_2498 = arith.constant 22 : i32
      %shift_right_logical3A_2499 = vector.broadcast %shift_right_logical3A_2498 : i32 to vector<16xi32>
      %shift_right_logical3A_2500 = arith.shrui %mul3A_2497, %shift_right_logical3A_2499 : vector<16xi32>
      %shift_right_logical3A_2501 = arith.constant 1 : i32
      %shift_right_logical3A_2502 = vector.broadcast %shift_right_logical3A_2501 : i32 to vector<16xi32>
      %shift_right_logical3A_2503 = arith.shrui %shift_right_logical3A_2500, %shift_right_logical3A_2502 : vector<16xi32>
      %mul3A_2504 = arith.constant 4000 : i32
      %mul3A_2505 = vector.broadcast %mul3A_2504 : i32 to vector<16xi32>
      %mul3A_2506 = arith.muli %shift_right_logical3A_2503, %mul3A_2505 : vector<16xi32>
      %mul3A_2507 = arith.constant 4000 : i32
      %mul3A_2508 = vector.broadcast %mul3A_2507 : i32 to vector<16xi32>
      %mul3A_2509 = arith.muli %shift_right_logical3A_2500, %mul3A_2508 : vector<16xi32>
      %sub3A_2510 = arith.subi %get3A_2491, %mul3A_2509 : vector<16xi32>
      %add3A_2511 = arith.addi %mul3A_2506, %sub3A_2510 : vector<16xi32>
      %swap3A_2512 = arith.constant 7 : i32
      %swap3A_2513 = arith.index_cast %swap3A_2512 : i32 to index
      %swap3A_2514 = arith.constant 96 : index
      %swap3A_2515 = tpu.vector_load %arg6[%swap3A_2513, %swap3A_2514] {strides = array<i32>} : memref<8x128xi32, #tpu.memory_space<vmem>>, vector<1x16xi32>,
      %swap3A_2516 = vector.shape_cast %swap3A_2515 : vector<1x16xi32> to vector<16xi32>
      %swap3A_2517 = vector.shape_cast %add3A_2511 : vector<16xi32> to vector<1x16xi32>
      tpu.vector_store %arg6[%swap3A_2513, %swap3A_2514], %swap3A_2517 {strides = array<i32>} : memref<8x128xi32, #tpu.memory_space<vmem>>, vector<1x16xi32>,
      %and3A_2518 = arith.constant 1 : i32
      %and3A_2519 = vector.broadcast %and3A_2518 : i32 to vector<16xi32>
      %and3A_2520 = arith.andi %shift_right_logical3A_2500, %and3A_2519 : vector<16xi32>
      %swap3A_2521 = arith.constant 7 : i32
      %swap3A_2522 = arith.index_cast %swap3A_2521 : i32 to index
      %swap3A_2523 = arith.constant 96 : index
      %swap3A_2524 = tpu.vector_load %arg5[%swap3A_2522, %swap3A_2523] {strides = array<i32>} : memref<8x128xi32, #tpu.memory_space<vmem>>, vector<1x16xi32>,
      %swap3A_2525 = vector.shape_cast %swap3A_2524 : vector<1x16xi32> to vector<16xi32>
      %swap3A_2526 = vector.shape_cast %and3A_2520 : vector<16xi32> to vector<1x16xi32>
      tpu.vector_store %arg5[%swap3A_2522, %swap3A_2523], %swap3A_2526 {strides = array<i32>} : memref<8x128xi32, #tpu.memory_space<vmem>>, vector<1x16xi32>,
      %get3A_2527 = arith.constant 7 : i32
      %get3A_2528 = arith.index_cast %get3A_2527 : i32 to index
      %get3A_2529 = arith.constant 112 : index
      %get3A_2530 = tpu.vector_load %arg5[%get3A_2528, %get3A_2529] {strides = array<i32>} : memref<8x128xi32, #tpu.memory_space<vmem>>, vector<1x16xi32>,
      %get3A_2531 = vector.shape_cast %get3A_2530 : vector<1x16xi32> to vector<16xi32>
      %shift_right_logical3A_2532 = arith.constant 5 : i32
      %shift_right_logical3A_2533 = vector.broadcast %shift_right_logical3A_2532 : i32 to vector<16xi32>
      %shift_right_logical3A_2534 = arith.shrui %get3A_2531, %shift_right_logical3A_2533 : vector<16xi32>
      %mul3A_2535 = arith.constant 33555 : i32
      %mul3A_2536 = vector.broadcast %mul3A_2535 : i32 to vector<16xi32>
      %mul3A_2537 = arith.muli %shift_right_logical3A_2534, %mul3A_2536 : vector<16xi32>
      %shift_right_logical3A_2538 = arith.constant 22 : i32
      %shift_right_logical3A_2539 = vector.broadcast %shift_right_logical3A_2538 : i32 to vector<16xi32>
      %shift_right_logical3A_2540 = arith.shrui %mul3A_2537, %shift_right_logical3A_2539 : vector<16xi32>
      %shift_right_logical3A_2541 = arith.constant 1 : i32
      %shift_right_logical3A_2542 = vector.broadcast %shift_right_logical3A_2541 : i32 to vector<16xi32>
      %shift_right_logical3A_2543 = arith.shrui %shift_right_logical3A_2540, %shift_right_logical3A_2542 : vector<16xi32>
      %mul3A_2544 = arith.constant 4000 : i32
      %mul3A_2545 = vector.broadcast %mul3A_2544 : i32 to vector<16xi32>
      %mul3A_2546 = arith.muli %shift_right_logical3A_2543, %mul3A_2545 : vector<16xi32>
      %mul3A_2547 = arith.constant 4000 : i32
      %mul3A_2548 = vector.broadcast %mul3A_2547 : i32 to vector<16xi32>
      %mul3A_2549 = arith.muli %shift_right_logical3A_2540, %mul3A_2548 : vector<16xi32>
      %sub3A_2550 = arith.subi %get3A_2531, %mul3A_2549 : vector<16xi32>
      %add3A_2551 = arith.addi %mul3A_2546, %sub3A_2550 : vector<16xi32>
      %swap3A_2552 = arith.constant 7 : i32
      %swap3A_2553 = arith.index_cast %swap3A_2552 : i32 to index
      %swap3A_2554 = arith.constant 112 : index
      %swap3A_2555 = tpu.vector_load %arg6[%swap3A_2553, %swap3A_2554] {strides = array<i32>} : memref<8x128xi32, #tpu.memory_space<vmem>>, vector<1x16xi32>,
      %swap3A_2556 = vector.shape_cast %swap3A_2555 : vector<1x16xi32> to vector<16xi32>
      %swap3A_2557 = vector.shape_cast %add3A_2551 : vector<16xi32> to vector<1x16xi32>
      tpu.vector_store %arg6[%swap3A_2553, %swap3A_2554], %swap3A_2557 {strides = array<i32>} : memref<8x128xi32, #tpu.memory_space<vmem>>, vector<1x16xi32>,
      %and3A_2558 = arith.constant 1 : i32
      %and3A_2559 = vector.broadcast %and3A_2558 : i32 to vector<16xi32>
      %and3A_2560 = arith.andi %shift_right_logical3A_2540, %and3A_2559 : vector<16xi32>
      %swap3A_2561 = arith.constant 7 : i32
      %swap3A_2562 = arith.index_cast %swap3A_2561 : i32 to index
      %swap3A_2563 = arith.constant 112 : index
      %swap3A_2564 = tpu.vector_load %arg5[%swap3A_2562, %swap3A_2563] {strides = array<i32>} : memref<8x128xi32, #tpu.memory_space<vmem>>, vector<1x16xi32>,
      %swap3A_2565 = vector.shape_cast %swap3A_2564 : vector<1x16xi32> to vector<16xi32>
      %swap3A_2566 = vector.shape_cast %and3A_2560 : vector<16xi32> to vector<1x16xi32>
      tpu.vector_store %arg5[%swap3A_2562, %swap3A_2563], %swap3A_2566 {strides = array<i32>} : memref<8x128xi32, #tpu.memory_space<vmem>>, vector<1x16xi32>,
      %dma_start3A = arith.constant 0 : i32
      %dma_start3A_2567 = arith.constant 0 : i32
      %dma_start3A_2568 = tpu.memref_slice %arg6[%dma_start3A, %dma_start3A_2567] : memref<8x128xi32, #tpu.memory_space<vmem>> -> memref<1x50xi32, #tpu.memory_space<vmem>>
      %dma_start3A_2569 = tpu.memref_squeeze %dma_start3A_2568 : memref<1x50xi32, #tpu.memory_space<vmem>> -> memref<50xi32, #tpu.memory_space<vmem>>
      %dma_start3A_2570 = arith.constant 0 : i32
      %dma_start3A_2571 = arith.constant 0 : i32
      %dma_start3A_2572 = tpu.memref_slice %arg2[%dma_start3A_2570, %dma_start3A_2571] : memref<500000x128xf32, #tpu.memory_space<hbm>> -> memref<500000x128xf32, #tpu.memory_space<hbm>>
      tpu.enqueue_indirect_dma source(%dma_start3A_2572 : memref<500000x128xf32, #tpu.memory_space<hbm>>) target(%arg7 : memref<50x128xf32, #tpu.memory_space<vmem>>) offsets(%dma_start3A_2569 : memref<50xi32, #tpu.memory_space<vmem>>) semaphore(%arg16 : memref<!tpu.dma_semaphore, #tpu.memory_space<semaphore_mem>>)
      %dma_start3A_2573 = arith.constant 1 : i32
      %dma_start3A_2574 = arith.constant 0 : i32
      %dma_start3A_2575 = tpu.memref_slice %arg6[%dma_start3A_2573, %dma_start3A_2574] : memref<8x128xi32, #tpu.memory_space<vmem>> -> memref<1x50xi32, #tpu.memory_space<vmem>>
      %dma_start3A_2576 = tpu.memref_squeeze %dma_start3A_2575 : memref<1x50xi32, #tpu.memory_space<vmem>> -> memref<50xi32, #tpu.memory_space<vmem>>
      %dma_start3A_2577 = arith.constant 0 : i32
      %dma_start3A_2578 = arith.constant 0 : i32
      %dma_start3A_2579 = tpu.memref_slice %arg2[%dma_start3A_2577, %dma_start3A_2578] : memref<500000x128xf32, #tpu.memory_space<hbm>> -> memref<500000x128xf32, #tpu.memory_space<hbm>>
      tpu.enqueue_indirect_dma source(%dma_start3A_2579 : memref<500000x128xf32, #tpu.memory_space<hbm>>) target(%arg8 : memref<50x128xf32, #tpu.memory_space<vmem>>) offsets(%dma_start3A_2576 : memref<50xi32, #tpu.memory_space<vmem>>) semaphore(%arg16 : memref<!tpu.dma_semaphore, #tpu.memory_space<semaphore_mem>>)
      %dma_start3A_2580 = arith.constant 2 : i32
      %dma_start3A_2581 = arith.constant 0 : i32
      %dma_start3A_2582 = tpu.memref_slice %arg6[%dma_start3A_2580, %dma_start3A_2581] : memref<8x128xi32, #tpu.memory_space<vmem>> -> memref<1x50xi32, #tpu.memory_space<vmem>>
      %dma_start3A_2583 = tpu.memref_squeeze %dma_start3A_2582 : memref<1x50xi32, #tpu.memory_space<vmem>> -> memref<50xi32, #tpu.memory_space<vmem>>
      %dma_start3A_2584 = arith.constant 0 : i32
      %dma_start3A_2585 = arith.constant 0 : i32
      %dma_start3A_2586 = tpu.memref_slice %arg2[%dma_start3A_2584, %dma_start3A_2585] : memref<500000x128xf32, #tpu.memory_space<hbm>> -> memref<500000x128xf32, #tpu.memory_space<hbm>>
      tpu.enqueue_indirect_dma source(%dma_start3A_2586 : memref<500000x128xf32, #tpu.memory_space<hbm>>) target(%arg9 : memref<50x128xf32, #tpu.memory_space<vmem>>) offsets(%dma_start3A_2583 : memref<50xi32, #tpu.memory_space<vmem>>) semaphore(%arg16 : memref<!tpu.dma_semaphore, #tpu.memory_space<semaphore_mem>>)
      %dma_start3A_2587 = arith.constant 3 : i32
      %dma_start3A_2588 = arith.constant 0 : i32
      %dma_start3A_2589 = tpu.memref_slice %arg6[%dma_start3A_2587, %dma_start3A_2588] : memref<8x128xi32, #tpu.memory_space<vmem>> -> memref<1x50xi32, #tpu.memory_space<vmem>>
      %dma_start3A_2590 = tpu.memref_squeeze %dma_start3A_2589 : memref<1x50xi32, #tpu.memory_space<vmem>> -> memref<50xi32, #tpu.memory_space<vmem>>
      %dma_start3A_2591 = arith.constant 0 : i32
      %dma_start3A_2592 = arith.constant 0 : i32
      %dma_start3A_2593 = tpu.memref_slice %arg2[%dma_start3A_2591, %dma_start3A_2592] : memref<500000x128xf32, #tpu.memory_space<hbm>> -> memref<500000x128xf32, #tpu.memory_space<hbm>>
      tpu.enqueue_indirect_dma source(%dma_start3A_2593 : memref<500000x128xf32, #tpu.memory_space<hbm>>) target(%arg10 : memref<50x128xf32, #tpu.memory_space<vmem>>) offsets(%dma_start3A_2590 : memref<50xi32, #tpu.memory_space<vmem>>) semaphore(%arg16 : memref<!tpu.dma_semaphore, #tpu.memory_space<semaphore_mem>>)
      %dma_start3A_2594 = arith.constant 4 : i32
      %dma_start3A_2595 = arith.constant 0 : i32
      %dma_start3A_2596 = tpu.memref_slice %arg6[%dma_start3A_2594, %dma_start3A_2595] : memref<8x128xi32, #tpu.memory_space<vmem>> -> memref<1x50xi32, #tpu.memory_space<vmem>>
      %dma_start3A_2597 = tpu.memref_squeeze %dma_start3A_2596 : memref<1x50xi32, #tpu.memory_space<vmem>> -> memref<50xi32, #tpu.memory_space<vmem>>
      %dma_start3A_2598 = arith.constant 0 : i32
      %dma_start3A_2599 = arith.constant 0 : i32
      %dma_start3A_2600 = tpu.memref_slice %arg2[%dma_start3A_2598, %dma_start3A_2599] : memref<500000x128xf32, #tpu.memory_space<hbm>> -> memref<500000x128xf32, #tpu.memory_space<hbm>>
      tpu.enqueue_indirect_dma source(%dma_start3A_2600 : memref<500000x128xf32, #tpu.memory_space<hbm>>) target(%arg11 : memref<50x128xf32, #tpu.memory_space<vmem>>) offsets(%dma_start3A_2597 : memref<50xi32, #tpu.memory_space<vmem>>) semaphore(%arg16 : memref<!tpu.dma_semaphore, #tpu.memory_space<semaphore_mem>>)
      %dma_start3A_2601 = arith.constant 5 : i32
      %dma_start3A_2602 = arith.constant 0 : i32
      %dma_start3A_2603 = tpu.memref_slice %arg6[%dma_start3A_2601, %dma_start3A_2602] : memref<8x128xi32, #tpu.memory_space<vmem>> -> memref<1x50xi32, #tpu.memory_space<vmem>>
      %dma_start3A_2604 = tpu.memref_squeeze %dma_start3A_2603 : memref<1x50xi32, #tpu.memory_space<vmem>> -> memref<50xi32, #tpu.memory_space<vmem>>
      %dma_start3A_2605 = arith.constant 0 : i32
      %dma_start3A_2606 = arith.constant 0 : i32
      %dma_start3A_2607 = tpu.memref_slice %arg2[%dma_start3A_2605, %dma_start3A_2606] : memref<500000x128xf32, #tpu.memory_space<hbm>> -> memref<500000x128xf32, #tpu.memory_space<hbm>>
      tpu.enqueue_indirect_dma source(%dma_start3A_2607 : memref<500000x128xf32, #tpu.memory_space<hbm>>) target(%arg12 : memref<50x128xf32, #tpu.memory_space<vmem>>) offsets(%dma_start3A_2604 : memref<50xi32, #tpu.memory_space<vmem>>) semaphore(%arg16 : memref<!tpu.dma_semaphore, #tpu.memory_space<semaphore_mem>>)
      %dma_start3A_2608 = arith.constant 6 : i32
      %dma_start3A_2609 = arith.constant 0 : i32
      %dma_start3A_2610 = tpu.memref_slice %arg6[%dma_start3A_2608, %dma_start3A_2609] : memref<8x128xi32, #tpu.memory_space<vmem>> -> memref<1x50xi32, #tpu.memory_space<vmem>>
      %dma_start3A_2611 = tpu.memref_squeeze %dma_start3A_2610 : memref<1x50xi32, #tpu.memory_space<vmem>> -> memref<50xi32, #tpu.memory_space<vmem>>
      %dma_start3A_2612 = arith.constant 0 : i32
      %dma_start3A_2613 = arith.constant 0 : i32
      %dma_start3A_2614 = tpu.memref_slice %arg2[%dma_start3A_2612, %dma_start3A_2613] : memref<500000x128xf32, #tpu.memory_space<hbm>> -> memref<500000x128xf32, #tpu.memory_space<hbm>>
      tpu.enqueue_indirect_dma source(%dma_start3A_2614 : memref<500000x128xf32, #tpu.memory_space<hbm>>) target(%arg13 : memref<50x128xf32, #tpu.memory_space<vmem>>) offsets(%dma_start3A_2611 : memref<50xi32, #tpu.memory_space<vmem>>) semaphore(%arg16 : memref<!tpu.dma_semaphore, #tpu.memory_space<semaphore_mem>>)
      %dma_start3A_2615 = arith.constant 7 : i32
      %dma_start3A_2616 = arith.constant 0 : i32
      %dma_start3A_2617 = tpu.memref_slice %arg6[%dma_start3A_2615, %dma_start3A_2616] : memref<8x128xi32, #tpu.memory_space<vmem>> -> memref<1x50xi32, #tpu.memory_space<vmem>>
      %dma_start3A_2618 = tpu.memref_squeeze %dma_start3A_2617 : memref<1x50xi32, #tpu.memory_space<vmem>> -> memref<50xi32, #tpu.memory_space<vmem>>
      %dma_start3A_2619 = arith.constant 0 : i32
      %dma_start3A_2620 = arith.constant 0 : i32
      %dma_start3A_2621 = tpu.memref_slice %arg2[%dma_start3A_2619, %dma_start3A_2620] : memref<500000x128xf32, #tpu.memory_space<hbm>> -> memref<500000x128xf32, #tpu.memory_space<hbm>>
      tpu.enqueue_indirect_dma source(%dma_start3A_2621 : memref<500000x128xf32, #tpu.memory_space<hbm>>) target(%arg14 : memref<50x128xf32, #tpu.memory_space<vmem>>) offsets(%dma_start3A_2618 : memref<50xi32, #tpu.memory_space<vmem>>) semaphore(%arg16 : memref<!tpu.dma_semaphore, #tpu.memory_space<semaphore_mem>>)
      %dma_wait3A = arith.constant 0 : i32
      %dma_wait3A_2622 = arith.constant 0 : i32
      %dma_wait3A_2623 = tpu.memref_slice %arg6[%dma_wait3A, %dma_wait3A_2622] : memref<8x128xi32, #tpu.memory_space<vmem>> -> memref<1x50xi32, #tpu.memory_space<vmem>>
      %dma_wait3A_2624 = tpu.memref_squeeze %dma_wait3A_2623 : memref<1x50xi32, #tpu.memory_space<vmem>> -> memref<50xi32, #tpu.memory_space<vmem>>
      %dma_wait3A_2625 = arith.constant 0 : i32
      %dma_wait3A_2626 = arith.constant 0 : i32
      %dma_wait3A_2627 = tpu.memref_slice %arg2[%dma_wait3A_2625, %dma_wait3A_2626] : memref<500000x128xf32, #tpu.memory_space<hbm>> -> memref<500000x128xf32, #tpu.memory_space<hbm>>
      tpu.wait_indirect_dma semaphore(%arg16 : memref<!tpu.dma_semaphore, #tpu.memory_space<semaphore_mem>>) src(%dma_wait3A_2627 : memref<500000x128xf32, #tpu.memory_space<hbm>>) dst(%arg7 : memref<50x128xf32, #tpu.memory_space<vmem>>)
      %broadcast_in_dim3A = arith.constant 0 : i32
      %broadcast_in_dim3A_2628 = vector.broadcast %broadcast_in_dim3A : i32 to vector<16x1xi32>
      %scan3A_2629 = arith.constant 0 : i32
      %scan3A_2630 = arith.constant 0 : i32
      %scan3A_2631 = arith.constant 50 : i32
      %scan3A_2632 = arith.addi %scan3A_2630, %scan3A_2631 : i32
      %scan3A_2633 = arith.constant 1 : i32
      scf.for %scan3A_2740 = %scan3A_2630 to %scan3A_2632 step %scan3A_2633  : i32 {
        %get3A_2741 = arith.constant 0 : i32
        %get3A_2742 = arith.index_cast %get3A_2741 : i32 to index
        %get3A_2743 = arith.index_cast %scan3A_2740 : i32 to index
        %get3A_2744 = tpu.vector_load %arg5[%get3A_2742, %get3A_2743] {strides = array<i32>} : memref<8x128xi32, #tpu.memory_space<vmem>>, vector<1x16xi32>,
        %get3A_2745 = vector.shape_cast %get3A_2744 : vector<1x16xi32> to vector<16xi32>
        %gather3A = vector.shape_cast %broadcast_in_dim3A_2628 : vector<16x1xi32> to vector<16xi32>
        %gather3A_2746 = tpu.dynamic_gather %get3A_2745[%gather3A] in [0] : vector<16xi32>, vector<16xi32> -> vector<16xi32>
        %convert_element_type3A = arith.sitofp %gather3A_2746 : vector<16xi32> to vector<16xf32>
        %get3A_2747 = arith.index_cast %scan3A_2740 : i32 to index
        %get3A_2748 = arith.constant 0 : index
        %get3A_2749 = tpu.vector_load %arg7[%get3A_2747, %get3A_2748] {strides = array<i32>} : memref<50x128xf32, #tpu.memory_space<vmem>>, vector<1x16xf32>,
        %get3A_2750 = vector.shape_cast %get3A_2749 : vector<1x16xf32> to vector<16xf32>
        %get3A_2751 = arith.index_cast %scan3A_2740 : i32 to index
        %get3A_2752 = arith.constant 64 : index
        %get3A_2753 = tpu.vector_load %arg7[%get3A_2751, %get3A_2752] {strides = array<i32>} : memref<50x128xf32, #tpu.memory_space<vmem>>, vector<1x16xf32>,
        %get3A_2754 = vector.shape_cast %get3A_2753 : vector<1x16xf32> to vector<16xf32>
        %sub3A_2755 = arith.subf %get3A_2754, %get3A_2750 : vector<16xf32>
        %mul3A_2756 = arith.mulf %convert_element_type3A, %sub3A_2755 : vector<16xf32>
        %add3A_2757 = arith.addf %get3A_2750, %mul3A_2756 : vector<16xf32>
        %swap3A_2758 = arith.constant 0 : i32
        %swap3A_2759 = arith.index_cast %swap3A_2758 : i32 to index
        %swap3A_2760 = arith.index_cast %scan3A_2740 : i32 to index
        %swap3A_2761 = arith.constant 0 : index
        %swap3A_2762 = tpu.vector_load %arg15[%swap3A_2759, %swap3A_2760, %swap3A_2761] {strides = array<i32>} : memref<8x50x64xf32, #tpu.memory_space<vmem>>, vector<1x1x16xf32>,
        %swap3A_2763 = vector.shape_cast %swap3A_2762 : vector<1x1x16xf32> to vector<16xf32>
        %swap3A_2764 = vector.shape_cast %add3A_2757 : vector<16xf32> to vector<1x1x16xf32>
        tpu.vector_store %arg15[%swap3A_2759, %swap3A_2760, %swap3A_2761], %swap3A_2764 {strides = array<i32>} : memref<8x50x64xf32, #tpu.memory_space<vmem>>, vector<1x1x16xf32>,
        %get3A_2765 = arith.index_cast %scan3A_2740 : i32 to index
        %get3A_2766 = arith.constant 16 : index
        %get3A_2767 = tpu.vector_load %arg7[%get3A_2765, %get3A_2766] {strides = array<i32>} : memref<50x128xf32, #tpu.memory_space<vmem>>, vector<1x16xf32>,
        %get3A_2768 = vector.shape_cast %get3A_2767 : vector<1x16xf32> to vector<16xf32>
        %get3A_2769 = arith.index_cast %scan3A_2740 : i32 to index
        %get3A_2770 = arith.constant 80 : index
        %get3A_2771 = tpu.vector_load %arg7[%get3A_2769, %get3A_2770] {strides = array<i32>} : memref<50x128xf32, #tpu.memory_space<vmem>>, vector<1x16xf32>,
        %get3A_2772 = vector.shape_cast %get3A_2771 : vector<1x16xf32> to vector<16xf32>
        %sub3A_2773 = arith.subf %get3A_2772, %get3A_2768 : vector<16xf32>
        %mul3A_2774 = arith.mulf %convert_element_type3A, %sub3A_2773 : vector<16xf32>
        %add3A_2775 = arith.addf %get3A_2768, %mul3A_2774 : vector<16xf32>
        %swap3A_2776 = arith.constant 0 : i32
        %swap3A_2777 = arith.index_cast %swap3A_2776 : i32 to index
        %swap3A_2778 = arith.index_cast %scan3A_2740 : i32 to index
        %swap3A_2779 = arith.constant 16 : index
        %swap3A_2780 = tpu.vector_load %arg15[%swap3A_2777, %swap3A_2778, %swap3A_2779] {strides = array<i32>} : memref<8x50x64xf32, #tpu.memory_space<vmem>>, vector<1x1x16xf32>,
        %swap3A_2781 = vector.shape_cast %swap3A_2780 : vector<1x1x16xf32> to vector<16xf32>
        %swap3A_2782 = vector.shape_cast %add3A_2775 : vector<16xf32> to vector<1x1x16xf32>
        tpu.vector_store %arg15[%swap3A_2777, %swap3A_2778, %swap3A_2779], %swap3A_2782 {strides = array<i32>} : memref<8x50x64xf32, #tpu.memory_space<vmem>>, vector<1x1x16xf32>,
        %get3A_2783 = arith.index_cast %scan3A_2740 : i32 to index
        %get3A_2784 = arith.constant 32 : index
        %get3A_2785 = tpu.vector_load %arg7[%get3A_2783, %get3A_2784] {strides = array<i32>} : memref<50x128xf32, #tpu.memory_space<vmem>>, vector<1x16xf32>,
        %get3A_2786 = vector.shape_cast %get3A_2785 : vector<1x16xf32> to vector<16xf32>
        %get3A_2787 = arith.index_cast %scan3A_2740 : i32 to index
        %get3A_2788 = arith.constant 96 : index
        %get3A_2789 = tpu.vector_load %arg7[%get3A_2787, %get3A_2788] {strides = array<i32>} : memref<50x128xf32, #tpu.memory_space<vmem>>, vector<1x16xf32>,
        %get3A_2790 = vector.shape_cast %get3A_2789 : vector<1x16xf32> to vector<16xf32>
        %sub3A_2791 = arith.subf %get3A_2790, %get3A_2786 : vector<16xf32>
        %mul3A_2792 = arith.mulf %convert_element_type3A, %sub3A_2791 : vector<16xf32>
        %add3A_2793 = arith.addf %get3A_2786, %mul3A_2792 : vector<16xf32>
        %swap3A_2794 = arith.constant 0 : i32
        %swap3A_2795 = arith.index_cast %swap3A_2794 : i32 to index
        %swap3A_2796 = arith.index_cast %scan3A_2740 : i32 to index
        %swap3A_2797 = arith.constant 32 : index
        %swap3A_2798 = tpu.vector_load %arg15[%swap3A_2795, %swap3A_2796, %swap3A_2797] {strides = array<i32>} : memref<8x50x64xf32, #tpu.memory_space<vmem>>, vector<1x1x16xf32>,
        %swap3A_2799 = vector.shape_cast %swap3A_2798 : vector<1x1x16xf32> to vector<16xf32>
        %swap3A_2800 = vector.shape_cast %add3A_2793 : vector<16xf32> to vector<1x1x16xf32>
        tpu.vector_store %arg15[%swap3A_2795, %swap3A_2796, %swap3A_2797], %swap3A_2800 {strides = array<i32>} : memref<8x50x64xf32, #tpu.memory_space<vmem>>, vector<1x1x16xf32>,
        %get3A_2801 = arith.index_cast %scan3A_2740 : i32 to index
        %get3A_2802 = arith.constant 48 : index
        %get3A_2803 = tpu.vector_load %arg7[%get3A_2801, %get3A_2802] {strides = array<i32>} : memref<50x128xf32, #tpu.memory_space<vmem>>, vector<1x16xf32>,
        %get3A_2804 = vector.shape_cast %get3A_2803 : vector<1x16xf32> to vector<16xf32>
        %get3A_2805 = arith.index_cast %scan3A_2740 : i32 to index
        %get3A_2806 = arith.constant 112 : index
        %get3A_2807 = tpu.vector_load %arg7[%get3A_2805, %get3A_2806] {strides = array<i32>} : memref<50x128xf32, #tpu.memory_space<vmem>>, vector<1x16xf32>,
        %get3A_2808 = vector.shape_cast %get3A_2807 : vector<1x16xf32> to vector<16xf32>
        %sub3A_2809 = arith.subf %get3A_2808, %get3A_2804 : vector<16xf32>
        %mul3A_2810 = arith.mulf %convert_element_type3A, %sub3A_2809 : vector<16xf32>
        %add3A_2811 = arith.addf %get3A_2804, %mul3A_2810 : vector<16xf32>
        %swap3A_2812 = arith.constant 0 : i32
        %swap3A_2813 = arith.index_cast %swap3A_2812 : i32 to index
        %swap3A_2814 = arith.index_cast %scan3A_2740 : i32 to index
        %swap3A_2815 = arith.constant 48 : index
        %swap3A_2816 = tpu.vector_load %arg15[%swap3A_2813, %swap3A_2814, %swap3A_2815] {strides = array<i32>} : memref<8x50x64xf32, #tpu.memory_space<vmem>>, vector<1x1x16xf32>,
        %swap3A_2817 = vector.shape_cast %swap3A_2816 : vector<1x1x16xf32> to vector<16xf32>
        %swap3A_2818 = vector.shape_cast %add3A_2811 : vector<16xf32> to vector<1x1x16xf32>
        tpu.vector_store %arg15[%swap3A_2813, %swap3A_2814, %swap3A_2815], %swap3A_2818 {strides = array<i32>} : memref<8x50x64xf32, #tpu.memory_space<vmem>>, vector<1x1x16xf32>,
      }
      %scan3A_2634 = arith.constant 50 : i32
      %dma_wait3A_2635 = arith.constant 1 : i32
      %dma_wait3A_2636 = arith.constant 0 : i32
      %dma_wait3A_2637 = tpu.memref_slice %arg6[%dma_wait3A_2635, %dma_wait3A_2636] : memref<8x128xi32, #tpu.memory_space<vmem>> -> memref<1x50xi32, #tpu.memory_space<vmem>>
      %dma_wait3A_2638 = tpu.memref_squeeze %dma_wait3A_2637 : memref<1x50xi32, #tpu.memory_space<vmem>> -> memref<50xi32, #tpu.memory_space<vmem>>
      %dma_wait3A_2639 = arith.constant 0 : i32
      %dma_wait3A_2640 = arith.constant 0 : i32
      %dma_wait3A_2641 = tpu.memref_slice %arg2[%dma_wait3A_2639, %dma_wait3A_2640] : memref<500000x128xf32, #tpu.memory_space<hbm>> -> memref<500000x128xf32, #tpu.memory_space<hbm>>
      tpu.wait_indirect_dma semaphore(%arg16 : memref<!tpu.dma_semaphore, #tpu.memory_space<semaphore_mem>>) src(%dma_wait3A_2641 : memref<500000x128xf32, #tpu.memory_space<hbm>>) dst(%arg8 : memref<50x128xf32, #tpu.memory_space<vmem>>)
      %broadcast_in_dim3A_2642 = arith.constant 0 : i32
      %broadcast_in_dim3A_2643 = vector.broadcast %broadcast_in_dim3A_2642 : i32 to vector<16x1xi32>
      %scan3A_2644 = arith.constant 0 : i32
      %scan3A_2645 = arith.constant 0 : i32
      %scan3A_2646 = arith.constant 50 : i32
      %scan3A_2647 = arith.addi %scan3A_2645, %scan3A_2646 : i32
      %scan3A_2648 = arith.constant 1 : i32
      scf.for %scan3A_2740 = %scan3A_2645 to %scan3A_2647 step %scan3A_2648  : i32 {
        %get3A_2741 = arith.constant 1 : i32
        %get3A_2742 = arith.index_cast %get3A_2741 : i32 to index
        %get3A_2743 = arith.index_cast %scan3A_2740 : i32 to index
        %get3A_2744 = tpu.vector_load %arg5[%get3A_2742, %get3A_2743] {strides = array<i32>} : memref<8x128xi32, #tpu.memory_space<vmem>>, vector<1x16xi32>,
        %get3A_2745 = vector.shape_cast %get3A_2744 : vector<1x16xi32> to vector<16xi32>
        %gather3A = vector.shape_cast %broadcast_in_dim3A_2643 : vector<16x1xi32> to vector<16xi32>
        %gather3A_2746 = tpu.dynamic_gather %get3A_2745[%gather3A] in [0] : vector<16xi32>, vector<16xi32> -> vector<16xi32>
        %convert_element_type3A = arith.sitofp %gather3A_2746 : vector<16xi32> to vector<16xf32>
        %get3A_2747 = arith.index_cast %scan3A_2740 : i32 to index
        %get3A_2748 = arith.constant 0 : index
        %get3A_2749 = tpu.vector_load %arg8[%get3A_2747, %get3A_2748] {strides = array<i32>} : memref<50x128xf32, #tpu.memory_space<vmem>>, vector<1x16xf32>,
        %get3A_2750 = vector.shape_cast %get3A_2749 : vector<1x16xf32> to vector<16xf32>
        %get3A_2751 = arith.index_cast %scan3A_2740 : i32 to index
        %get3A_2752 = arith.constant 64 : index
        %get3A_2753 = tpu.vector_load %arg8[%get3A_2751, %get3A_2752] {strides = array<i32>} : memref<50x128xf32, #tpu.memory_space<vmem>>, vector<1x16xf32>,
        %get3A_2754 = vector.shape_cast %get3A_2753 : vector<1x16xf32> to vector<16xf32>
        %sub3A_2755 = arith.subf %get3A_2754, %get3A_2750 : vector<16xf32>
        %mul3A_2756 = arith.mulf %convert_element_type3A, %sub3A_2755 : vector<16xf32>
        %add3A_2757 = arith.addf %get3A_2750, %mul3A_2756 : vector<16xf32>
        %swap3A_2758 = arith.constant 1 : i32
        %swap3A_2759 = arith.index_cast %swap3A_2758 : i32 to index
        %swap3A_2760 = arith.index_cast %scan3A_2740 : i32 to index
        %swap3A_2761 = arith.constant 0 : index
        %swap3A_2762 = tpu.vector_load %arg15[%swap3A_2759, %swap3A_2760, %swap3A_2761] {strides = array<i32>} : memref<8x50x64xf32, #tpu.memory_space<vmem>>, vector<1x1x16xf32>,
        %swap3A_2763 = vector.shape_cast %swap3A_2762 : vector<1x1x16xf32> to vector<16xf32>
        %swap3A_2764 = vector.shape_cast %add3A_2757 : vector<16xf32> to vector<1x1x16xf32>
        tpu.vector_store %arg15[%swap3A_2759, %swap3A_2760, %swap3A_2761], %swap3A_2764 {strides = array<i32>} : memref<8x50x64xf32, #tpu.memory_space<vmem>>, vector<1x1x16xf32>,
        %get3A_2765 = arith.index_cast %scan3A_2740 : i32 to index
        %get3A_2766 = arith.constant 16 : index
        %get3A_2767 = tpu.vector_load %arg8[%get3A_2765, %get3A_2766] {strides = array<i32>} : memref<50x128xf32, #tpu.memory_space<vmem>>, vector<1x16xf32>,
        %get3A_2768 = vector.shape_cast %get3A_2767 : vector<1x16xf32> to vector<16xf32>
        %get3A_2769 = arith.index_cast %scan3A_2740 : i32 to index
        %get3A_2770 = arith.constant 80 : index
        %get3A_2771 = tpu.vector_load %arg8[%get3A_2769, %get3A_2770] {strides = array<i32>} : memref<50x128xf32, #tpu.memory_space<vmem>>, vector<1x16xf32>,
        %get3A_2772 = vector.shape_cast %get3A_2771 : vector<1x16xf32> to vector<16xf32>
        %sub3A_2773 = arith.subf %get3A_2772, %get3A_2768 : vector<16xf32>
        %mul3A_2774 = arith.mulf %convert_element_type3A, %sub3A_2773 : vector<16xf32>
        %add3A_2775 = arith.addf %get3A_2768, %mul3A_2774 : vector<16xf32>
        %swap3A_2776 = arith.constant 1 : i32
        %swap3A_2777 = arith.index_cast %swap3A_2776 : i32 to index
        %swap3A_2778 = arith.index_cast %scan3A_2740 : i32 to index
        %swap3A_2779 = arith.constant 16 : index
        %swap3A_2780 = tpu.vector_load %arg15[%swap3A_2777, %swap3A_2778, %swap3A_2779] {strides = array<i32>} : memref<8x50x64xf32, #tpu.memory_space<vmem>>, vector<1x1x16xf32>,
        %swap3A_2781 = vector.shape_cast %swap3A_2780 : vector<1x1x16xf32> to vector<16xf32>
        %swap3A_2782 = vector.shape_cast %add3A_2775 : vector<16xf32> to vector<1x1x16xf32>
        tpu.vector_store %arg15[%swap3A_2777, %swap3A_2778, %swap3A_2779], %swap3A_2782 {strides = array<i32>} : memref<8x50x64xf32, #tpu.memory_space<vmem>>, vector<1x1x16xf32>,
        %get3A_2783 = arith.index_cast %scan3A_2740 : i32 to index
        %get3A_2784 = arith.constant 32 : index
        %get3A_2785 = tpu.vector_load %arg8[%get3A_2783, %get3A_2784] {strides = array<i32>} : memref<50x128xf32, #tpu.memory_space<vmem>>, vector<1x16xf32>,
        %get3A_2786 = vector.shape_cast %get3A_2785 : vector<1x16xf32> to vector<16xf32>
        %get3A_2787 = arith.index_cast %scan3A_2740 : i32 to index
        %get3A_2788 = arith.constant 96 : index
        %get3A_2789 = tpu.vector_load %arg8[%get3A_2787, %get3A_2788] {strides = array<i32>} : memref<50x128xf32, #tpu.memory_space<vmem>>, vector<1x16xf32>,
        %get3A_2790 = vector.shape_cast %get3A_2789 : vector<1x16xf32> to vector<16xf32>
        %sub3A_2791 = arith.subf %get3A_2790, %get3A_2786 : vector<16xf32>
        %mul3A_2792 = arith.mulf %convert_element_type3A, %sub3A_2791 : vector<16xf32>
        %add3A_2793 = arith.addf %get3A_2786, %mul3A_2792 : vector<16xf32>
        %swap3A_2794 = arith.constant 1 : i32
        %swap3A_2795 = arith.index_cast %swap3A_2794 : i32 to index
        %swap3A_2796 = arith.index_cast %scan3A_2740 : i32 to index
        %swap3A_2797 = arith.constant 32 : index
        %swap3A_2798 = tpu.vector_load %arg15[%swap3A_2795, %swap3A_2796, %swap3A_2797] {strides = array<i32>} : memref<8x50x64xf32, #tpu.memory_space<vmem>>, vector<1x1x16xf32>,
        %swap3A_2799 = vector.shape_cast %swap3A_2798 : vector<1x1x16xf32> to vector<16xf32>
        %swap3A_2800 = vector.shape_cast %add3A_2793 : vector<16xf32> to vector<1x1x16xf32>
        tpu.vector_store %arg15[%swap3A_2795, %swap3A_2796, %swap3A_2797], %swap3A_2800 {strides = array<i32>} : memref<8x50x64xf32, #tpu.memory_space<vmem>>, vector<1x1x16xf32>,
        %get3A_2801 = arith.index_cast %scan3A_2740 : i32 to index
        %get3A_2802 = arith.constant 48 : index
        %get3A_2803 = tpu.vector_load %arg8[%get3A_2801, %get3A_2802] {strides = array<i32>} : memref<50x128xf32, #tpu.memory_space<vmem>>, vector<1x16xf32>,
        %get3A_2804 = vector.shape_cast %get3A_2803 : vector<1x16xf32> to vector<16xf32>
        %get3A_2805 = arith.index_cast %scan3A_2740 : i32 to index
        %get3A_2806 = arith.constant 112 : index
        %get3A_2807 = tpu.vector_load %arg8[%get3A_2805, %get3A_2806] {strides = array<i32>} : memref<50x128xf32, #tpu.memory_space<vmem>>, vector<1x16xf32>,
        %get3A_2808 = vector.shape_cast %get3A_2807 : vector<1x16xf32> to vector<16xf32>
        %sub3A_2809 = arith.subf %get3A_2808, %get3A_2804 : vector<16xf32>
        %mul3A_2810 = arith.mulf %convert_element_type3A, %sub3A_2809 : vector<16xf32>
        %add3A_2811 = arith.addf %get3A_2804, %mul3A_2810 : vector<16xf32>
        %swap3A_2812 = arith.constant 1 : i32
        %swap3A_2813 = arith.index_cast %swap3A_2812 : i32 to index
        %swap3A_2814 = arith.index_cast %scan3A_2740 : i32 to index
        %swap3A_2815 = arith.constant 48 : index
        %swap3A_2816 = tpu.vector_load %arg15[%swap3A_2813, %swap3A_2814, %swap3A_2815] {strides = array<i32>} : memref<8x50x64xf32, #tpu.memory_space<vmem>>, vector<1x1x16xf32>,
        %swap3A_2817 = vector.shape_cast %swap3A_2816 : vector<1x1x16xf32> to vector<16xf32>
        %swap3A_2818 = vector.shape_cast %add3A_2811 : vector<16xf32> to vector<1x1x16xf32>
        tpu.vector_store %arg15[%swap3A_2813, %swap3A_2814, %swap3A_2815], %swap3A_2818 {strides = array<i32>} : memref<8x50x64xf32, #tpu.memory_space<vmem>>, vector<1x1x16xf32>,
      }
      %scan3A_2649 = arith.constant 50 : i32
      %dma_wait3A_2650 = arith.constant 2 : i32
      %dma_wait3A_2651 = arith.constant 0 : i32
      %dma_wait3A_2652 = tpu.memref_slice %arg6[%dma_wait3A_2650, %dma_wait3A_2651] : memref<8x128xi32, #tpu.memory_space<vmem>> -> memref<1x50xi32, #tpu.memory_space<vmem>>
      %dma_wait3A_2653 = tpu.memref_squeeze %dma_wait3A_2652 : memref<1x50xi32, #tpu.memory_space<vmem>> -> memref<50xi32, #tpu.memory_space<vmem>>
      %dma_wait3A_2654 = arith.constant 0 : i32
      %dma_wait3A_2655 = arith.constant 0 : i32
      %dma_wait3A_2656 = tpu.memref_slice %arg2[%dma_wait3A_2654, %dma_wait3A_2655] : memref<500000x128xf32, #tpu.memory_space<hbm>> -> memref<500000x128xf32, #tpu.memory_space<hbm>>
      tpu.wait_indirect_dma semaphore(%arg16 : memref<!tpu.dma_semaphore, #tpu.memory_space<semaphore_mem>>) src(%dma_wait3A_2656 : memref<500000x128xf32, #tpu.memory_space<hbm>>) dst(%arg9 : memref<50x128xf32, #tpu.memory_space<vmem>>)
      %broadcast_in_dim3A_2657 = arith.constant 0 : i32
      %broadcast_in_dim3A_2658 = vector.broadcast %broadcast_in_dim3A_2657 : i32 to vector<16x1xi32>
      %scan3A_2659 = arith.constant 0 : i32
      %scan3A_2660 = arith.constant 0 : i32
      %scan3A_2661 = arith.constant 50 : i32
      %scan3A_2662 = arith.addi %scan3A_2660, %scan3A_2661 : i32
      %scan3A_2663 = arith.constant 1 : i32
      scf.for %scan3A_2740 = %scan3A_2660 to %scan3A_2662 step %scan3A_2663  : i32 {
        %get3A_2741 = arith.constant 2 : i32
        %get3A_2742 = arith.index_cast %get3A_2741 : i32 to index
        %get3A_2743 = arith.index_cast %scan3A_2740 : i32 to index
        %get3A_2744 = tpu.vector_load %arg5[%get3A_2742, %get3A_2743] {strides = array<i32>} : memref<8x128xi32, #tpu.memory_space<vmem>>, vector<1x16xi32>,
        %get3A_2745 = vector.shape_cast %get3A_2744 : vector<1x16xi32> to vector<16xi32>
        %gather3A = vector.shape_cast %broadcast_in_dim3A_2658 : vector<16x1xi32> to vector<16xi32>
        %gather3A_2746 = tpu.dynamic_gather %get3A_2745[%gather3A] in [0] : vector<16xi32>, vector<16xi32> -> vector<16xi32>
        %convert_element_type3A = arith.sitofp %gather3A_2746 : vector<16xi32> to vector<16xf32>
        %get3A_2747 = arith.index_cast %scan3A_2740 : i32 to index
        %get3A_2748 = arith.constant 0 : index
        %get3A_2749 = tpu.vector_load %arg9[%get3A_2747, %get3A_2748] {strides = array<i32>} : memref<50x128xf32, #tpu.memory_space<vmem>>, vector<1x16xf32>,
        %get3A_2750 = vector.shape_cast %get3A_2749 : vector<1x16xf32> to vector<16xf32>
        %get3A_2751 = arith.index_cast %scan3A_2740 : i32 to index
        %get3A_2752 = arith.constant 64 : index
        %get3A_2753 = tpu.vector_load %arg9[%get3A_2751, %get3A_2752] {strides = array<i32>} : memref<50x128xf32, #tpu.memory_space<vmem>>, vector<1x16xf32>,
        %get3A_2754 = vector.shape_cast %get3A_2753 : vector<1x16xf32> to vector<16xf32>
        %sub3A_2755 = arith.subf %get3A_2754, %get3A_2750 : vector<16xf32>
        %mul3A_2756 = arith.mulf %convert_element_type3A, %sub3A_2755 : vector<16xf32>
        %add3A_2757 = arith.addf %get3A_2750, %mul3A_2756 : vector<16xf32>
        %swap3A_2758 = arith.constant 2 : i32
        %swap3A_2759 = arith.index_cast %swap3A_2758 : i32 to index
        %swap3A_2760 = arith.index_cast %scan3A_2740 : i32 to index
        %swap3A_2761 = arith.constant 0 : index
        %swap3A_2762 = tpu.vector_load %arg15[%swap3A_2759, %swap3A_2760, %swap3A_2761] {strides = array<i32>} : memref<8x50x64xf32, #tpu.memory_space<vmem>>, vector<1x1x16xf32>,
        %swap3A_2763 = vector.shape_cast %swap3A_2762 : vector<1x1x16xf32> to vector<16xf32>
        %swap3A_2764 = vector.shape_cast %add3A_2757 : vector<16xf32> to vector<1x1x16xf32>
        tpu.vector_store %arg15[%swap3A_2759, %swap3A_2760, %swap3A_2761], %swap3A_2764 {strides = array<i32>} : memref<8x50x64xf32, #tpu.memory_space<vmem>>, vector<1x1x16xf32>,
        %get3A_2765 = arith.index_cast %scan3A_2740 : i32 to index
        %get3A_2766 = arith.constant 16 : index
        %get3A_2767 = tpu.vector_load %arg9[%get3A_2765, %get3A_2766] {strides = array<i32>} : memref<50x128xf32, #tpu.memory_space<vmem>>, vector<1x16xf32>,
        %get3A_2768 = vector.shape_cast %get3A_2767 : vector<1x16xf32> to vector<16xf32>
        %get3A_2769 = arith.index_cast %scan3A_2740 : i32 to index
        %get3A_2770 = arith.constant 80 : index
        %get3A_2771 = tpu.vector_load %arg9[%get3A_2769, %get3A_2770] {strides = array<i32>} : memref<50x128xf32, #tpu.memory_space<vmem>>, vector<1x16xf32>,
        %get3A_2772 = vector.shape_cast %get3A_2771 : vector<1x16xf32> to vector<16xf32>
        %sub3A_2773 = arith.subf %get3A_2772, %get3A_2768 : vector<16xf32>
        %mul3A_2774 = arith.mulf %convert_element_type3A, %sub3A_2773 : vector<16xf32>
        %add3A_2775 = arith.addf %get3A_2768, %mul3A_2774 : vector<16xf32>
        %swap3A_2776 = arith.constant 2 : i32
        %swap3A_2777 = arith.index_cast %swap3A_2776 : i32 to index
        %swap3A_2778 = arith.index_cast %scan3A_2740 : i32 to index
        %swap3A_2779 = arith.constant 16 : index
        %swap3A_2780 = tpu.vector_load %arg15[%swap3A_2777, %swap3A_2778, %swap3A_2779] {strides = array<i32>} : memref<8x50x64xf32, #tpu.memory_space<vmem>>, vector<1x1x16xf32>,
        %swap3A_2781 = vector.shape_cast %swap3A_2780 : vector<1x1x16xf32> to vector<16xf32>
        %swap3A_2782 = vector.shape_cast %add3A_2775 : vector<16xf32> to vector<1x1x16xf32>
        tpu.vector_store %arg15[%swap3A_2777, %swap3A_2778, %swap3A_2779], %swap3A_2782 {strides = array<i32>} : memref<8x50x64xf32, #tpu.memory_space<vmem>>, vector<1x1x16xf32>,
        %get3A_2783 = arith.index_cast %scan3A_2740 : i32 to index
        %get3A_2784 = arith.constant 32 : index
        %get3A_2785 = tpu.vector_load %arg9[%get3A_2783, %get3A_2784] {strides = array<i32>} : memref<50x128xf32, #tpu.memory_space<vmem>>, vector<1x16xf32>,
        %get3A_2786 = vector.shape_cast %get3A_2785 : vector<1x16xf32> to vector<16xf32>
        %get3A_2787 = arith.index_cast %scan3A_2740 : i32 to index
        %get3A_2788 = arith.constant 96 : index
        %get3A_2789 = tpu.vector_load %arg9[%get3A_2787, %get3A_2788] {strides = array<i32>} : memref<50x128xf32, #tpu.memory_space<vmem>>, vector<1x16xf32>,
        %get3A_2790 = vector.shape_cast %get3A_2789 : vector<1x16xf32> to vector<16xf32>
        %sub3A_2791 = arith.subf %get3A_2790, %get3A_2786 : vector<16xf32>
        %mul3A_2792 = arith.mulf %convert_element_type3A, %sub3A_2791 : vector<16xf32>
        %add3A_2793 = arith.addf %get3A_2786, %mul3A_2792 : vector<16xf32>
        %swap3A_2794 = arith.constant 2 : i32
        %swap3A_2795 = arith.index_cast %swap3A_2794 : i32 to index
        %swap3A_2796 = arith.index_cast %scan3A_2740 : i32 to index
        %swap3A_2797 = arith.constant 32 : index
        %swap3A_2798 = tpu.vector_load %arg15[%swap3A_2795, %swap3A_2796, %swap3A_2797] {strides = array<i32>} : memref<8x50x64xf32, #tpu.memory_space<vmem>>, vector<1x1x16xf32>,
        %swap3A_2799 = vector.shape_cast %swap3A_2798 : vector<1x1x16xf32> to vector<16xf32>
        %swap3A_2800 = vector.shape_cast %add3A_2793 : vector<16xf32> to vector<1x1x16xf32>
        tpu.vector_store %arg15[%swap3A_2795, %swap3A_2796, %swap3A_2797], %swap3A_2800 {strides = array<i32>} : memref<8x50x64xf32, #tpu.memory_space<vmem>>, vector<1x1x16xf32>,
        %get3A_2801 = arith.index_cast %scan3A_2740 : i32 to index
        %get3A_2802 = arith.constant 48 : index
        %get3A_2803 = tpu.vector_load %arg9[%get3A_2801, %get3A_2802] {strides = array<i32>} : memref<50x128xf32, #tpu.memory_space<vmem>>, vector<1x16xf32>,
        %get3A_2804 = vector.shape_cast %get3A_2803 : vector<1x16xf32> to vector<16xf32>
        %get3A_2805 = arith.index_cast %scan3A_2740 : i32 to index
        %get3A_2806 = arith.constant 112 : index
        %get3A_2807 = tpu.vector_load %arg9[%get3A_2805, %get3A_2806] {strides = array<i32>} : memref<50x128xf32, #tpu.memory_space<vmem>>, vector<1x16xf32>,
        %get3A_2808 = vector.shape_cast %get3A_2807 : vector<1x16xf32> to vector<16xf32>
        %sub3A_2809 = arith.subf %get3A_2808, %get3A_2804 : vector<16xf32>
        %mul3A_2810 = arith.mulf %convert_element_type3A, %sub3A_2809 : vector<16xf32>
        %add3A_2811 = arith.addf %get3A_2804, %mul3A_2810 : vector<16xf32>
        %swap3A_2812 = arith.constant 2 : i32
        %swap3A_2813 = arith.index_cast %swap3A_2812 : i32 to index
        %swap3A_2814 = arith.index_cast %scan3A_2740 : i32 to index
        %swap3A_2815 = arith.constant 48 : index
        %swap3A_2816 = tpu.vector_load %arg15[%swap3A_2813, %swap3A_2814, %swap3A_2815] {strides = array<i32>} : memref<8x50x64xf32, #tpu.memory_space<vmem>>, vector<1x1x16xf32>,
        %swap3A_2817 = vector.shape_cast %swap3A_2816 : vector<1x1x16xf32> to vector<16xf32>
        %swap3A_2818 = vector.shape_cast %add3A_2811 : vector<16xf32> to vector<1x1x16xf32>
        tpu.vector_store %arg15[%swap3A_2813, %swap3A_2814, %swap3A_2815], %swap3A_2818 {strides = array<i32>} : memref<8x50x64xf32, #tpu.memory_space<vmem>>, vector<1x1x16xf32>,
      }
      %scan3A_2664 = arith.constant 50 : i32
      %dma_wait3A_2665 = arith.constant 3 : i32
      %dma_wait3A_2666 = arith.constant 0 : i32
      %dma_wait3A_2667 = tpu.memref_slice %arg6[%dma_wait3A_2665, %dma_wait3A_2666] : memref<8x128xi32, #tpu.memory_space<vmem>> -> memref<1x50xi32, #tpu.memory_space<vmem>>
      %dma_wait3A_2668 = tpu.memref_squeeze %dma_wait3A_2667 : memref<1x50xi32, #tpu.memory_space<vmem>> -> memref<50xi32, #tpu.memory_space<vmem>>
      %dma_wait3A_2669 = arith.constant 0 : i32
      %dma_wait3A_2670 = arith.constant 0 : i32
      %dma_wait3A_2671 = tpu.memref_slice %arg2[%dma_wait3A_2669, %dma_wait3A_2670] : memref<500000x128xf32, #tpu.memory_space<hbm>> -> memref<500000x128xf32, #tpu.memory_space<hbm>>
      tpu.wait_indirect_dma semaphore(%arg16 : memref<!tpu.dma_semaphore, #tpu.memory_space<semaphore_mem>>) src(%dma_wait3A_2671 : memref<500000x128xf32, #tpu.memory_space<hbm>>) dst(%arg10 : memref<50x128xf32, #tpu.memory_space<vmem>>)
      %broadcast_in_dim3A_2672 = arith.constant 0 : i32
      %broadcast_in_dim3A_2673 = vector.broadcast %broadcast_in_dim3A_2672 : i32 to vector<16x1xi32>
      %scan3A_2674 = arith.constant 0 : i32
      %scan3A_2675 = arith.constant 0 : i32
      %scan3A_2676 = arith.constant 50 : i32
      %scan3A_2677 = arith.addi %scan3A_2675, %scan3A_2676 : i32
      %scan3A_2678 = arith.constant 1 : i32
      scf.for %scan3A_2740 = %scan3A_2675 to %scan3A_2677 step %scan3A_2678  : i32 {
        %get3A_2741 = arith.constant 3 : i32
        %get3A_2742 = arith.index_cast %get3A_2741 : i32 to index
        %get3A_2743 = arith.index_cast %scan3A_2740 : i32 to index
        %get3A_2744 = tpu.vector_load %arg5[%get3A_2742, %get3A_2743] {strides = array<i32>} : memref<8x128xi32, #tpu.memory_space<vmem>>, vector<1x16xi32>,
        %get3A_2745 = vector.shape_cast %get3A_2744 : vector<1x16xi32> to vector<16xi32>
        %gather3A = vector.shape_cast %broadcast_in_dim3A_2673 : vector<16x1xi32> to vector<16xi32>
        %gather3A_2746 = tpu.dynamic_gather %get3A_2745[%gather3A] in [0] : vector<16xi32>, vector<16xi32> -> vector<16xi32>
        %convert_element_type3A = arith.sitofp %gather3A_2746 : vector<16xi32> to vector<16xf32>
        %get3A_2747 = arith.index_cast %scan3A_2740 : i32 to index
        %get3A_2748 = arith.constant 0 : index
        %get3A_2749 = tpu.vector_load %arg10[%get3A_2747, %get3A_2748] {strides = array<i32>} : memref<50x128xf32, #tpu.memory_space<vmem>>, vector<1x16xf32>,
        %get3A_2750 = vector.shape_cast %get3A_2749 : vector<1x16xf32> to vector<16xf32>
        %get3A_2751 = arith.index_cast %scan3A_2740 : i32 to index
        %get3A_2752 = arith.constant 64 : index
        %get3A_2753 = tpu.vector_load %arg10[%get3A_2751, %get3A_2752] {strides = array<i32>} : memref<50x128xf32, #tpu.memory_space<vmem>>, vector<1x16xf32>,
        %get3A_2754 = vector.shape_cast %get3A_2753 : vector<1x16xf32> to vector<16xf32>
        %sub3A_2755 = arith.subf %get3A_2754, %get3A_2750 : vector<16xf32>
        %mul3A_2756 = arith.mulf %convert_element_type3A, %sub3A_2755 : vector<16xf32>
        %add3A_2757 = arith.addf %get3A_2750, %mul3A_2756 : vector<16xf32>
        %swap3A_2758 = arith.constant 3 : i32
        %swap3A_2759 = arith.index_cast %swap3A_2758 : i32 to index
        %swap3A_2760 = arith.index_cast %scan3A_2740 : i32 to index
        %swap3A_2761 = arith.constant 0 : index
        %swap3A_2762 = tpu.vector_load %arg15[%swap3A_2759, %swap3A_2760, %swap3A_2761] {strides = array<i32>} : memref<8x50x64xf32, #tpu.memory_space<vmem>>, vector<1x1x16xf32>,
        %swap3A_2763 = vector.shape_cast %swap3A_2762 : vector<1x1x16xf32> to vector<16xf32>
        %swap3A_2764 = vector.shape_cast %add3A_2757 : vector<16xf32> to vector<1x1x16xf32>
        tpu.vector_store %arg15[%swap3A_2759, %swap3A_2760, %swap3A_2761], %swap3A_2764 {strides = array<i32>} : memref<8x50x64xf32, #tpu.memory_space<vmem>>, vector<1x1x16xf32>,
        %get3A_2765 = arith.index_cast %scan3A_2740 : i32 to index
        %get3A_2766 = arith.constant 16 : index
        %get3A_2767 = tpu.vector_load %arg10[%get3A_2765, %get3A_2766] {strides = array<i32>} : memref<50x128xf32, #tpu.memory_space<vmem>>, vector<1x16xf32>,
        %get3A_2768 = vector.shape_cast %get3A_2767 : vector<1x16xf32> to vector<16xf32>
        %get3A_2769 = arith.index_cast %scan3A_2740 : i32 to index
        %get3A_2770 = arith.constant 80 : index
        %get3A_2771 = tpu.vector_load %arg10[%get3A_2769, %get3A_2770] {strides = array<i32>} : memref<50x128xf32, #tpu.memory_space<vmem>>, vector<1x16xf32>,
        %get3A_2772 = vector.shape_cast %get3A_2771 : vector<1x16xf32> to vector<16xf32>
        %sub3A_2773 = arith.subf %get3A_2772, %get3A_2768 : vector<16xf32>
        %mul3A_2774 = arith.mulf %convert_element_type3A, %sub3A_2773 : vector<16xf32>
        %add3A_2775 = arith.addf %get3A_2768, %mul3A_2774 : vector<16xf32>
        %swap3A_2776 = arith.constant 3 : i32
        %swap3A_2777 = arith.index_cast %swap3A_2776 : i32 to index
        %swap3A_2778 = arith.index_cast %scan3A_2740 : i32 to index
        %swap3A_2779 = arith.constant 16 : index
        %swap3A_2780 = tpu.vector_load %arg15[%swap3A_2777, %swap3A_2778, %swap3A_2779] {strides = array<i32>} : memref<8x50x64xf32, #tpu.memory_space<vmem>>, vector<1x1x16xf32>,
        %swap3A_2781 = vector.shape_cast %swap3A_2780 : vector<1x1x16xf32> to vector<16xf32>
        %swap3A_2782 = vector.shape_cast %add3A_2775 : vector<16xf32> to vector<1x1x16xf32>
        tpu.vector_store %arg15[%swap3A_2777, %swap3A_2778, %swap3A_2779], %swap3A_2782 {strides = array<i32>} : memref<8x50x64xf32, #tpu.memory_space<vmem>>, vector<1x1x16xf32>,
        %get3A_2783 = arith.index_cast %scan3A_2740 : i32 to index
        %get3A_2784 = arith.constant 32 : index
        %get3A_2785 = tpu.vector_load %arg10[%get3A_2783, %get3A_2784] {strides = array<i32>} : memref<50x128xf32, #tpu.memory_space<vmem>>, vector<1x16xf32>,
        %get3A_2786 = vector.shape_cast %get3A_2785 : vector<1x16xf32> to vector<16xf32>
        %get3A_2787 = arith.index_cast %scan3A_2740 : i32 to index
        %get3A_2788 = arith.constant 96 : index
        %get3A_2789 = tpu.vector_load %arg10[%get3A_2787, %get3A_2788] {strides = array<i32>} : memref<50x128xf32, #tpu.memory_space<vmem>>, vector<1x16xf32>,
        %get3A_2790 = vector.shape_cast %get3A_2789 : vector<1x16xf32> to vector<16xf32>
        %sub3A_2791 = arith.subf %get3A_2790, %get3A_2786 : vector<16xf32>
        %mul3A_2792 = arith.mulf %convert_element_type3A, %sub3A_2791 : vector<16xf32>
        %add3A_2793 = arith.addf %get3A_2786, %mul3A_2792 : vector<16xf32>
        %swap3A_2794 = arith.constant 3 : i32
        %swap3A_2795 = arith.index_cast %swap3A_2794 : i32 to index
        %swap3A_2796 = arith.index_cast %scan3A_2740 : i32 to index
        %swap3A_2797 = arith.constant 32 : index
        %swap3A_2798 = tpu.vector_load %arg15[%swap3A_2795, %swap3A_2796, %swap3A_2797] {strides = array<i32>} : memref<8x50x64xf32, #tpu.memory_space<vmem>>, vector<1x1x16xf32>,
        %swap3A_2799 = vector.shape_cast %swap3A_2798 : vector<1x1x16xf32> to vector<16xf32>
        %swap3A_2800 = vector.shape_cast %add3A_2793 : vector<16xf32> to vector<1x1x16xf32>
        tpu.vector_store %arg15[%swap3A_2795, %swap3A_2796, %swap3A_2797], %swap3A_2800 {strides = array<i32>} : memref<8x50x64xf32, #tpu.memory_space<vmem>>, vector<1x1x16xf32>,
        %get3A_2801 = arith.index_cast %scan3A_2740 : i32 to index
        %get3A_2802 = arith.constant 48 : index
        %get3A_2803 = tpu.vector_load %arg10[%get3A_2801, %get3A_2802] {strides = array<i32>} : memref<50x128xf32, #tpu.memory_space<vmem>>, vector<1x16xf32>,
        %get3A_2804 = vector.shape_cast %get3A_2803 : vector<1x16xf32> to vector<16xf32>
        %get3A_2805 = arith.index_cast %scan3A_2740 : i32 to index
        %get3A_2806 = arith.constant 112 : index
        %get3A_2807 = tpu.vector_load %arg10[%get3A_2805, %get3A_2806] {strides = array<i32>} : memref<50x128xf32, #tpu.memory_space<vmem>>, vector<1x16xf32>,
        %get3A_2808 = vector.shape_cast %get3A_2807 : vector<1x16xf32> to vector<16xf32>
        %sub3A_2809 = arith.subf %get3A_2808, %get3A_2804 : vector<16xf32>
        %mul3A_2810 = arith.mulf %convert_element_type3A, %sub3A_2809 : vector<16xf32>
        %add3A_2811 = arith.addf %get3A_2804, %mul3A_2810 : vector<16xf32>
        %swap3A_2812 = arith.constant 3 : i32
        %swap3A_2813 = arith.index_cast %swap3A_2812 : i32 to index
        %swap3A_2814 = arith.index_cast %scan3A_2740 : i32 to index
        %swap3A_2815 = arith.constant 48 : index
        %swap3A_2816 = tpu.vector_load %arg15[%swap3A_2813, %swap3A_2814, %swap3A_2815] {strides = array<i32>} : memref<8x50x64xf32, #tpu.memory_space<vmem>>, vector<1x1x16xf32>,
        %swap3A_2817 = vector.shape_cast %swap3A_2816 : vector<1x1x16xf32> to vector<16xf32>
        %swap3A_2818 = vector.shape_cast %add3A_2811 : vector<16xf32> to vector<1x1x16xf32>
        tpu.vector_store %arg15[%swap3A_2813, %swap3A_2814, %swap3A_2815], %swap3A_2818 {strides = array<i32>} : memref<8x50x64xf32, #tpu.memory_space<vmem>>, vector<1x1x16xf32>,
      }
      %scan3A_2679 = arith.constant 50 : i32
      %dma_wait3A_2680 = arith.constant 4 : i32
      %dma_wait3A_2681 = arith.constant 0 : i32
      %dma_wait3A_2682 = tpu.memref_slice %arg6[%dma_wait3A_2680, %dma_wait3A_2681] : memref<8x128xi32, #tpu.memory_space<vmem>> -> memref<1x50xi32, #tpu.memory_space<vmem>>
      %dma_wait3A_2683 = tpu.memref_squeeze %dma_wait3A_2682 : memref<1x50xi32, #tpu.memory_space<vmem>> -> memref<50xi32, #tpu.memory_space<vmem>>
      %dma_wait3A_2684 = arith.constant 0 : i32
      %dma_wait3A_2685 = arith.constant 0 : i32
      %dma_wait3A_2686 = tpu.memref_slice %arg2[%dma_wait3A_2684, %dma_wait3A_2685] : memref<500000x128xf32, #tpu.memory_space<hbm>> -> memref<500000x128xf32, #tpu.memory_space<hbm>>
      tpu.wait_indirect_dma semaphore(%arg16 : memref<!tpu.dma_semaphore, #tpu.memory_space<semaphore_mem>>) src(%dma_wait3A_2686 : memref<500000x128xf32, #tpu.memory_space<hbm>>) dst(%arg11 : memref<50x128xf32, #tpu.memory_space<vmem>>)
      %broadcast_in_dim3A_2687 = arith.constant 0 : i32
      %broadcast_in_dim3A_2688 = vector.broadcast %broadcast_in_dim3A_2687 : i32 to vector<16x1xi32>
      %scan3A_2689 = arith.constant 0 : i32
      %scan3A_2690 = arith.constant 0 : i32
      %scan3A_2691 = arith.constant 50 : i32
      %scan3A_2692 = arith.addi %scan3A_2690, %scan3A_2691 : i32
      %scan3A_2693 = arith.constant 1 : i32
      scf.for %scan3A_2740 = %scan3A_2690 to %scan3A_2692 step %scan3A_2693  : i32 {
        %get3A_2741 = arith.constant 4 : i32
        %get3A_2742 = arith.index_cast %get3A_2741 : i32 to index
        %get3A_2743 = arith.index_cast %scan3A_2740 : i32 to index
        %get3A_2744 = tpu.vector_load %arg5[%get3A_2742, %get3A_2743] {strides = array<i32>} : memref<8x128xi32, #tpu.memory_space<vmem>>, vector<1x16xi32>,
        %get3A_2745 = vector.shape_cast %get3A_2744 : vector<1x16xi32> to vector<16xi32>
        %gather3A = vector.shape_cast %broadcast_in_dim3A_2688 : vector<16x1xi32> to vector<16xi32>
        %gather3A_2746 = tpu.dynamic_gather %get3A_2745[%gather3A] in [0] : vector<16xi32>, vector<16xi32> -> vector<16xi32>
        %convert_element_type3A = arith.sitofp %gather3A_2746 : vector<16xi32> to vector<16xf32>
        %get3A_2747 = arith.index_cast %scan3A_2740 : i32 to index
        %get3A_2748 = arith.constant 0 : index
        %get3A_2749 = tpu.vector_load %arg11[%get3A_2747, %get3A_2748] {strides = array<i32>} : memref<50x128xf32, #tpu.memory_space<vmem>>, vector<1x16xf32>,
        %get3A_2750 = vector.shape_cast %get3A_2749 : vector<1x16xf32> to vector<16xf32>
        %get3A_2751 = arith.index_cast %scan3A_2740 : i32 to index
        %get3A_2752 = arith.constant 64 : index
        %get3A_2753 = tpu.vector_load %arg11[%get3A_2751, %get3A_2752] {strides = array<i32>} : memref<50x128xf32, #tpu.memory_space<vmem>>, vector<1x16xf32>,
        %get3A_2754 = vector.shape_cast %get3A_2753 : vector<1x16xf32> to vector<16xf32>
        %sub3A_2755 = arith.subf %get3A_2754, %get3A_2750 : vector<16xf32>
        %mul3A_2756 = arith.mulf %convert_element_type3A, %sub3A_2755 : vector<16xf32>
        %add3A_2757 = arith.addf %get3A_2750, %mul3A_2756 : vector<16xf32>
        %swap3A_2758 = arith.constant 4 : i32
        %swap3A_2759 = arith.index_cast %swap3A_2758 : i32 to index
        %swap3A_2760 = arith.index_cast %scan3A_2740 : i32 to index
        %swap3A_2761 = arith.constant 0 : index
        %swap3A_2762 = tpu.vector_load %arg15[%swap3A_2759, %swap3A_2760, %swap3A_2761] {strides = array<i32>} : memref<8x50x64xf32, #tpu.memory_space<vmem>>, vector<1x1x16xf32>,
        %swap3A_2763 = vector.shape_cast %swap3A_2762 : vector<1x1x16xf32> to vector<16xf32>
        %swap3A_2764 = vector.shape_cast %add3A_2757 : vector<16xf32> to vector<1x1x16xf32>
        tpu.vector_store %arg15[%swap3A_2759, %swap3A_2760, %swap3A_2761], %swap3A_2764 {strides = array<i32>} : memref<8x50x64xf32, #tpu.memory_space<vmem>>, vector<1x1x16xf32>,
        %get3A_2765 = arith.index_cast %scan3A_2740 : i32 to index
        %get3A_2766 = arith.constant 16 : index
        %get3A_2767 = tpu.vector_load %arg11[%get3A_2765, %get3A_2766] {strides = array<i32>} : memref<50x128xf32, #tpu.memory_space<vmem>>, vector<1x16xf32>,
        %get3A_2768 = vector.shape_cast %get3A_2767 : vector<1x16xf32> to vector<16xf32>
        %get3A_2769 = arith.index_cast %scan3A_2740 : i32 to index
        %get3A_2770 = arith.constant 80 : index
        %get3A_2771 = tpu.vector_load %arg11[%get3A_2769, %get3A_2770] {strides = array<i32>} : memref<50x128xf32, #tpu.memory_space<vmem>>, vector<1x16xf32>,
        %get3A_2772 = vector.shape_cast %get3A_2771 : vector<1x16xf32> to vector<16xf32>
        %sub3A_2773 = arith.subf %get3A_2772, %get3A_2768 : vector<16xf32>
        %mul3A_2774 = arith.mulf %convert_element_type3A, %sub3A_2773 : vector<16xf32>
        %add3A_2775 = arith.addf %get3A_2768, %mul3A_2774 : vector<16xf32>
        %swap3A_2776 = arith.constant 4 : i32
        %swap3A_2777 = arith.index_cast %swap3A_2776 : i32 to index
        %swap3A_2778 = arith.index_cast %scan3A_2740 : i32 to index
        %swap3A_2779 = arith.constant 16 : index
        %swap3A_2780 = tpu.vector_load %arg15[%swap3A_2777, %swap3A_2778, %swap3A_2779] {strides = array<i32>} : memref<8x50x64xf32, #tpu.memory_space<vmem>>, vector<1x1x16xf32>,
        %swap3A_2781 = vector.shape_cast %swap3A_2780 : vector<1x1x16xf32> to vector<16xf32>
        %swap3A_2782 = vector.shape_cast %add3A_2775 : vector<16xf32> to vector<1x1x16xf32>
        tpu.vector_store %arg15[%swap3A_2777, %swap3A_2778, %swap3A_2779], %swap3A_2782 {strides = array<i32>} : memref<8x50x64xf32, #tpu.memory_space<vmem>>, vector<1x1x16xf32>,
        %get3A_2783 = arith.index_cast %scan3A_2740 : i32 to index
        %get3A_2784 = arith.constant 32 : index
        %get3A_2785 = tpu.vector_load %arg11[%get3A_2783, %get3A_2784] {strides = array<i32>} : memref<50x128xf32, #tpu.memory_space<vmem>>, vector<1x16xf32>,
        %get3A_2786 = vector.shape_cast %get3A_2785 : vector<1x16xf32> to vector<16xf32>
        %get3A_2787 = arith.index_cast %scan3A_2740 : i32 to index
        %get3A_2788 = arith.constant 96 : index
        %get3A_2789 = tpu.vector_load %arg11[%get3A_2787, %get3A_2788] {strides = array<i32>} : memref<50x128xf32, #tpu.memory_space<vmem>>, vector<1x16xf32>,
        %get3A_2790 = vector.shape_cast %get3A_2789 : vector<1x16xf32> to vector<16xf32>
        %sub3A_2791 = arith.subf %get3A_2790, %get3A_2786 : vector<16xf32>
        %mul3A_2792 = arith.mulf %convert_element_type3A, %sub3A_2791 : vector<16xf32>
        %add3A_2793 = arith.addf %get3A_2786, %mul3A_2792 : vector<16xf32>
        %swap3A_2794 = arith.constant 4 : i32
        %swap3A_2795 = arith.index_cast %swap3A_2794 : i32 to index
        %swap3A_2796 = arith.index_cast %scan3A_2740 : i32 to index
        %swap3A_2797 = arith.constant 32 : index
        %swap3A_2798 = tpu.vector_load %arg15[%swap3A_2795, %swap3A_2796, %swap3A_2797] {strides = array<i32>} : memref<8x50x64xf32, #tpu.memory_space<vmem>>, vector<1x1x16xf32>,
        %swap3A_2799 = vector.shape_cast %swap3A_2798 : vector<1x1x16xf32> to vector<16xf32>
        %swap3A_2800 = vector.shape_cast %add3A_2793 : vector<16xf32> to vector<1x1x16xf32>
        tpu.vector_store %arg15[%swap3A_2795, %swap3A_2796, %swap3A_2797], %swap3A_2800 {strides = array<i32>} : memref<8x50x64xf32, #tpu.memory_space<vmem>>, vector<1x1x16xf32>,
        %get3A_2801 = arith.index_cast %scan3A_2740 : i32 to index
        %get3A_2802 = arith.constant 48 : index
        %get3A_2803 = tpu.vector_load %arg11[%get3A_2801, %get3A_2802] {strides = array<i32>} : memref<50x128xf32, #tpu.memory_space<vmem>>, vector<1x16xf32>,
        %get3A_2804 = vector.shape_cast %get3A_2803 : vector<1x16xf32> to vector<16xf32>
        %get3A_2805 = arith.index_cast %scan3A_2740 : i32 to index
        %get3A_2806 = arith.constant 112 : index
        %get3A_2807 = tpu.vector_load %arg11[%get3A_2805, %get3A_2806] {strides = array<i32>} : memref<50x128xf32, #tpu.memory_space<vmem>>, vector<1x16xf32>,
        %get3A_2808 = vector.shape_cast %get3A_2807 : vector<1x16xf32> to vector<16xf32>
        %sub3A_2809 = arith.subf %get3A_2808, %get3A_2804 : vector<16xf32>
        %mul3A_2810 = arith.mulf %convert_element_type3A, %sub3A_2809 : vector<16xf32>
        %add3A_2811 = arith.addf %get3A_2804, %mul3A_2810 : vector<16xf32>
        %swap3A_2812 = arith.constant 4 : i32
        %swap3A_2813 = arith.index_cast %swap3A_2812 : i32 to index
        %swap3A_2814 = arith.index_cast %scan3A_2740 : i32 to index
        %swap3A_2815 = arith.constant 48 : index
        %swap3A_2816 = tpu.vector_load %arg15[%swap3A_2813, %swap3A_2814, %swap3A_2815] {strides = array<i32>} : memref<8x50x64xf32, #tpu.memory_space<vmem>>, vector<1x1x16xf32>,
        %swap3A_2817 = vector.shape_cast %swap3A_2816 : vector<1x1x16xf32> to vector<16xf32>
        %swap3A_2818 = vector.shape_cast %add3A_2811 : vector<16xf32> to vector<1x1x16xf32>
        tpu.vector_store %arg15[%swap3A_2813, %swap3A_2814, %swap3A_2815], %swap3A_2818 {strides = array<i32>} : memref<8x50x64xf32, #tpu.memory_space<vmem>>, vector<1x1x16xf32>,
      }
      %scan3A_2694 = arith.constant 50 : i32
      %dma_wait3A_2695 = arith.constant 5 : i32
      %dma_wait3A_2696 = arith.constant 0 : i32
      %dma_wait3A_2697 = tpu.memref_slice %arg6[%dma_wait3A_2695, %dma_wait3A_2696] : memref<8x128xi32, #tpu.memory_space<vmem>> -> memref<1x50xi32, #tpu.memory_space<vmem>>
      %dma_wait3A_2698 = tpu.memref_squeeze %dma_wait3A_2697 : memref<1x50xi32, #tpu.memory_space<vmem>> -> memref<50xi32, #tpu.memory_space<vmem>>
      %dma_wait3A_2699 = arith.constant 0 : i32
      %dma_wait3A_2700 = arith.constant 0 : i32
      %dma_wait3A_2701 = tpu.memref_slice %arg2[%dma_wait3A_2699, %dma_wait3A_2700] : memref<500000x128xf32, #tpu.memory_space<hbm>> -> memref<500000x128xf32, #tpu.memory_space<hbm>>
      tpu.wait_indirect_dma semaphore(%arg16 : memref<!tpu.dma_semaphore, #tpu.memory_space<semaphore_mem>>) src(%dma_wait3A_2701 : memref<500000x128xf32, #tpu.memory_space<hbm>>) dst(%arg12 : memref<50x128xf32, #tpu.memory_space<vmem>>)
      %broadcast_in_dim3A_2702 = arith.constant 0 : i32
      %broadcast_in_dim3A_2703 = vector.broadcast %broadcast_in_dim3A_2702 : i32 to vector<16x1xi32>
      %scan3A_2704 = arith.constant 0 : i32
      %scan3A_2705 = arith.constant 0 : i32
      %scan3A_2706 = arith.constant 50 : i32
      %scan3A_2707 = arith.addi %scan3A_2705, %scan3A_2706 : i32
      %scan3A_2708 = arith.constant 1 : i32
      scf.for %scan3A_2740 = %scan3A_2705 to %scan3A_2707 step %scan3A_2708  : i32 {
        %get3A_2741 = arith.constant 5 : i32
        %get3A_2742 = arith.index_cast %get3A_2741 : i32 to index
        %get3A_2743 = arith.index_cast %scan3A_2740 : i32 to index
        %get3A_2744 = tpu.vector_load %arg5[%get3A_2742, %get3A_2743] {strides = array<i32>} : memref<8x128xi32, #tpu.memory_space<vmem>>, vector<1x16xi32>,
        %get3A_2745 = vector.shape_cast %get3A_2744 : vector<1x16xi32> to vector<16xi32>
        %gather3A = vector.shape_cast %broadcast_in_dim3A_2703 : vector<16x1xi32> to vector<16xi32>
        %gather3A_2746 = tpu.dynamic_gather %get3A_2745[%gather3A] in [0] : vector<16xi32>, vector<16xi32> -> vector<16xi32>
        %convert_element_type3A = arith.sitofp %gather3A_2746 : vector<16xi32> to vector<16xf32>
        %get3A_2747 = arith.index_cast %scan3A_2740 : i32 to index
        %get3A_2748 = arith.constant 0 : index
        %get3A_2749 = tpu.vector_load %arg12[%get3A_2747, %get3A_2748] {strides = array<i32>} : memref<50x128xf32, #tpu.memory_space<vmem>>, vector<1x16xf32>,
        %get3A_2750 = vector.shape_cast %get3A_2749 : vector<1x16xf32> to vector<16xf32>
        %get3A_2751 = arith.index_cast %scan3A_2740 : i32 to index
        %get3A_2752 = arith.constant 64 : index
        %get3A_2753 = tpu.vector_load %arg12[%get3A_2751, %get3A_2752] {strides = array<i32>} : memref<50x128xf32, #tpu.memory_space<vmem>>, vector<1x16xf32>,
        %get3A_2754 = vector.shape_cast %get3A_2753 : vector<1x16xf32> to vector<16xf32>
        %sub3A_2755 = arith.subf %get3A_2754, %get3A_2750 : vector<16xf32>
        %mul3A_2756 = arith.mulf %convert_element_type3A, %sub3A_2755 : vector<16xf32>
        %add3A_2757 = arith.addf %get3A_2750, %mul3A_2756 : vector<16xf32>
        %swap3A_2758 = arith.constant 5 : i32
        %swap3A_2759 = arith.index_cast %swap3A_2758 : i32 to index
        %swap3A_2760 = arith.index_cast %scan3A_2740 : i32 to index
        %swap3A_2761 = arith.constant 0 : index
        %swap3A_2762 = tpu.vector_load %arg15[%swap3A_2759, %swap3A_2760, %swap3A_2761] {strides = array<i32>} : memref<8x50x64xf32, #tpu.memory_space<vmem>>, vector<1x1x16xf32>,
        %swap3A_2763 = vector.shape_cast %swap3A_2762 : vector<1x1x16xf32> to vector<16xf32>
        %swap3A_2764 = vector.shape_cast %add3A_2757 : vector<16xf32> to vector<1x1x16xf32>
        tpu.vector_store %arg15[%swap3A_2759, %swap3A_2760, %swap3A_2761], %swap3A_2764 {strides = array<i32>} : memref<8x50x64xf32, #tpu.memory_space<vmem>>, vector<1x1x16xf32>,
        %get3A_2765 = arith.index_cast %scan3A_2740 : i32 to index
        %get3A_2766 = arith.constant 16 : index
        %get3A_2767 = tpu.vector_load %arg12[%get3A_2765, %get3A_2766] {strides = array<i32>} : memref<50x128xf32, #tpu.memory_space<vmem>>, vector<1x16xf32>,
        %get3A_2768 = vector.shape_cast %get3A_2767 : vector<1x16xf32> to vector<16xf32>
        %get3A_2769 = arith.index_cast %scan3A_2740 : i32 to index
        %get3A_2770 = arith.constant 80 : index
        %get3A_2771 = tpu.vector_load %arg12[%get3A_2769, %get3A_2770] {strides = array<i32>} : memref<50x128xf32, #tpu.memory_space<vmem>>, vector<1x16xf32>,
        %get3A_2772 = vector.shape_cast %get3A_2771 : vector<1x16xf32> to vector<16xf32>
        %sub3A_2773 = arith.subf %get3A_2772, %get3A_2768 : vector<16xf32>
        %mul3A_2774 = arith.mulf %convert_element_type3A, %sub3A_2773 : vector<16xf32>
        %add3A_2775 = arith.addf %get3A_2768, %mul3A_2774 : vector<16xf32>
        %swap3A_2776 = arith.constant 5 : i32
        %swap3A_2777 = arith.index_cast %swap3A_2776 : i32 to index
        %swap3A_2778 = arith.index_cast %scan3A_2740 : i32 to index
        %swap3A_2779 = arith.constant 16 : index
        %swap3A_2780 = tpu.vector_load %arg15[%swap3A_2777, %swap3A_2778, %swap3A_2779] {strides = array<i32>} : memref<8x50x64xf32, #tpu.memory_space<vmem>>, vector<1x1x16xf32>,
        %swap3A_2781 = vector.shape_cast %swap3A_2780 : vector<1x1x16xf32> to vector<16xf32>
        %swap3A_2782 = vector.shape_cast %add3A_2775 : vector<16xf32> to vector<1x1x16xf32>
        tpu.vector_store %arg15[%swap3A_2777, %swap3A_2778, %swap3A_2779], %swap3A_2782 {strides = array<i32>} : memref<8x50x64xf32, #tpu.memory_space<vmem>>, vector<1x1x16xf32>,
        %get3A_2783 = arith.index_cast %scan3A_2740 : i32 to index
        %get3A_2784 = arith.constant 32 : index
        %get3A_2785 = tpu.vector_load %arg12[%get3A_2783, %get3A_2784] {strides = array<i32>} : memref<50x128xf32, #tpu.memory_space<vmem>>, vector<1x16xf32>,
        %get3A_2786 = vector.shape_cast %get3A_2785 : vector<1x16xf32> to vector<16xf32>
        %get3A_2787 = arith.index_cast %scan3A_2740 : i32 to index
        %get3A_2788 = arith.constant 96 : index
        %get3A_2789 = tpu.vector_load %arg12[%get3A_2787, %get3A_2788] {strides = array<i32>} : memref<50x128xf32, #tpu.memory_space<vmem>>, vector<1x16xf32>,
        %get3A_2790 = vector.shape_cast %get3A_2789 : vector<1x16xf32> to vector<16xf32>
        %sub3A_2791 = arith.subf %get3A_2790, %get3A_2786 : vector<16xf32>
        %mul3A_2792 = arith.mulf %convert_element_type3A, %sub3A_2791 : vector<16xf32>
        %add3A_2793 = arith.addf %get3A_2786, %mul3A_2792 : vector<16xf32>
        %swap3A_2794 = arith.constant 5 : i32
        %swap3A_2795 = arith.index_cast %swap3A_2794 : i32 to index
        %swap3A_2796 = arith.index_cast %scan3A_2740 : i32 to index
        %swap3A_2797 = arith.constant 32 : index
        %swap3A_2798 = tpu.vector_load %arg15[%swap3A_2795, %swap3A_2796, %swap3A_2797] {strides = array<i32>} : memref<8x50x64xf32, #tpu.memory_space<vmem>>, vector<1x1x16xf32>,
        %swap3A_2799 = vector.shape_cast %swap3A_2798 : vector<1x1x16xf32> to vector<16xf32>
        %swap3A_2800 = vector.shape_cast %add3A_2793 : vector<16xf32> to vector<1x1x16xf32>
        tpu.vector_store %arg15[%swap3A_2795, %swap3A_2796, %swap3A_2797], %swap3A_2800 {strides = array<i32>} : memref<8x50x64xf32, #tpu.memory_space<vmem>>, vector<1x1x16xf32>,
        %get3A_2801 = arith.index_cast %scan3A_2740 : i32 to index
        %get3A_2802 = arith.constant 48 : index
        %get3A_2803 = tpu.vector_load %arg12[%get3A_2801, %get3A_2802] {strides = array<i32>} : memref<50x128xf32, #tpu.memory_space<vmem>>, vector<1x16xf32>,
        %get3A_2804 = vector.shape_cast %get3A_2803 : vector<1x16xf32> to vector<16xf32>
        %get3A_2805 = arith.index_cast %scan3A_2740 : i32 to index
        %get3A_2806 = arith.constant 112 : index
        %get3A_2807 = tpu.vector_load %arg12[%get3A_2805, %get3A_2806] {strides = array<i32>} : memref<50x128xf32, #tpu.memory_space<vmem>>, vector<1x16xf32>,
        %get3A_2808 = vector.shape_cast %get3A_2807 : vector<1x16xf32> to vector<16xf32>
        %sub3A_2809 = arith.subf %get3A_2808, %get3A_2804 : vector<16xf32>
        %mul3A_2810 = arith.mulf %convert_element_type3A, %sub3A_2809 : vector<16xf32>
        %add3A_2811 = arith.addf %get3A_2804, %mul3A_2810 : vector<16xf32>
        %swap3A_2812 = arith.constant 5 : i32
        %swap3A_2813 = arith.index_cast %swap3A_2812 : i32 to index
        %swap3A_2814 = arith.index_cast %scan3A_2740 : i32 to index
        %swap3A_2815 = arith.constant 48 : index
        %swap3A_2816 = tpu.vector_load %arg15[%swap3A_2813, %swap3A_2814, %swap3A_2815] {strides = array<i32>} : memref<8x50x64xf32, #tpu.memory_space<vmem>>, vector<1x1x16xf32>,
        %swap3A_2817 = vector.shape_cast %swap3A_2816 : vector<1x1x16xf32> to vector<16xf32>
        %swap3A_2818 = vector.shape_cast %add3A_2811 : vector<16xf32> to vector<1x1x16xf32>
        tpu.vector_store %arg15[%swap3A_2813, %swap3A_2814, %swap3A_2815], %swap3A_2818 {strides = array<i32>} : memref<8x50x64xf32, #tpu.memory_space<vmem>>, vector<1x1x16xf32>,
      }
      %scan3A_2709 = arith.constant 50 : i32
      %dma_wait3A_2710 = arith.constant 6 : i32
      %dma_wait3A_2711 = arith.constant 0 : i32
      %dma_wait3A_2712 = tpu.memref_slice %arg6[%dma_wait3A_2710, %dma_wait3A_2711] : memref<8x128xi32, #tpu.memory_space<vmem>> -> memref<1x50xi32, #tpu.memory_space<vmem>>
      %dma_wait3A_2713 = tpu.memref_squeeze %dma_wait3A_2712 : memref<1x50xi32, #tpu.memory_space<vmem>> -> memref<50xi32, #tpu.memory_space<vmem>>
      %dma_wait3A_2714 = arith.constant 0 : i32
      %dma_wait3A_2715 = arith.constant 0 : i32
      %dma_wait3A_2716 = tpu.memref_slice %arg2[%dma_wait3A_2714, %dma_wait3A_2715] : memref<500000x128xf32, #tpu.memory_space<hbm>> -> memref<500000x128xf32, #tpu.memory_space<hbm>>
      tpu.wait_indirect_dma semaphore(%arg16 : memref<!tpu.dma_semaphore, #tpu.memory_space<semaphore_mem>>) src(%dma_wait3A_2716 : memref<500000x128xf32, #tpu.memory_space<hbm>>) dst(%arg13 : memref<50x128xf32, #tpu.memory_space<vmem>>)
      %broadcast_in_dim3A_2717 = arith.constant 0 : i32
      %broadcast_in_dim3A_2718 = vector.broadcast %broadcast_in_dim3A_2717 : i32 to vector<16x1xi32>
      %scan3A_2719 = arith.constant 0 : i32
      %scan3A_2720 = arith.constant 0 : i32
      %scan3A_2721 = arith.constant 50 : i32
      %scan3A_2722 = arith.addi %scan3A_2720, %scan3A_2721 : i32
      %scan3A_2723 = arith.constant 1 : i32
      scf.for %scan3A_2740 = %scan3A_2720 to %scan3A_2722 step %scan3A_2723  : i32 {
        %get3A_2741 = arith.constant 6 : i32
        %get3A_2742 = arith.index_cast %get3A_2741 : i32 to index
        %get3A_2743 = arith.index_cast %scan3A_2740 : i32 to index
        %get3A_2744 = tpu.vector_load %arg5[%get3A_2742, %get3A_2743] {strides = array<i32>} : memref<8x128xi32, #tpu.memory_space<vmem>>, vector<1x16xi32>,
        %get3A_2745 = vector.shape_cast %get3A_2744 : vector<1x16xi32> to vector<16xi32>
        %gather3A = vector.shape_cast %broadcast_in_dim3A_2718 : vector<16x1xi32> to vector<16xi32>
        %gather3A_2746 = tpu.dynamic_gather %get3A_2745[%gather3A] in [0] : vector<16xi32>, vector<16xi32> -> vector<16xi32>
        %convert_element_type3A = arith.sitofp %gather3A_2746 : vector<16xi32> to vector<16xf32>
        %get3A_2747 = arith.index_cast %scan3A_2740 : i32 to index
        %get3A_2748 = arith.constant 0 : index
        %get3A_2749 = tpu.vector_load %arg13[%get3A_2747, %get3A_2748] {strides = array<i32>} : memref<50x128xf32, #tpu.memory_space<vmem>>, vector<1x16xf32>,
        %get3A_2750 = vector.shape_cast %get3A_2749 : vector<1x16xf32> to vector<16xf32>
        %get3A_2751 = arith.index_cast %scan3A_2740 : i32 to index
        %get3A_2752 = arith.constant 64 : index
        %get3A_2753 = tpu.vector_load %arg13[%get3A_2751, %get3A_2752] {strides = array<i32>} : memref<50x128xf32, #tpu.memory_space<vmem>>, vector<1x16xf32>,
        %get3A_2754 = vector.shape_cast %get3A_2753 : vector<1x16xf32> to vector<16xf32>
        %sub3A_2755 = arith.subf %get3A_2754, %get3A_2750 : vector<16xf32>
        %mul3A_2756 = arith.mulf %convert_element_type3A, %sub3A_2755 : vector<16xf32>
        %add3A_2757 = arith.addf %get3A_2750, %mul3A_2756 : vector<16xf32>
        %swap3A_2758 = arith.constant 6 : i32
        %swap3A_2759 = arith.index_cast %swap3A_2758 : i32 to index
        %swap3A_2760 = arith.index_cast %scan3A_2740 : i32 to index
        %swap3A_2761 = arith.constant 0 : index
        %swap3A_2762 = tpu.vector_load %arg15[%swap3A_2759, %swap3A_2760, %swap3A_2761] {strides = array<i32>} : memref<8x50x64xf32, #tpu.memory_space<vmem>>, vector<1x1x16xf32>,
        %swap3A_2763 = vector.shape_cast %swap3A_2762 : vector<1x1x16xf32> to vector<16xf32>
        %swap3A_2764 = vector.shape_cast %add3A_2757 : vector<16xf32> to vector<1x1x16xf32>
        tpu.vector_store %arg15[%swap3A_2759, %swap3A_2760, %swap3A_2761], %swap3A_2764 {strides = array<i32>} : memref<8x50x64xf32, #tpu.memory_space<vmem>>, vector<1x1x16xf32>,
        %get3A_2765 = arith.index_cast %scan3A_2740 : i32 to index
        %get3A_2766 = arith.constant 16 : index
        %get3A_2767 = tpu.vector_load %arg13[%get3A_2765, %get3A_2766] {strides = array<i32>} : memref<50x128xf32, #tpu.memory_space<vmem>>, vector<1x16xf32>,
        %get3A_2768 = vector.shape_cast %get3A_2767 : vector<1x16xf32> to vector<16xf32>
        %get3A_2769 = arith.index_cast %scan3A_2740 : i32 to index
        %get3A_2770 = arith.constant 80 : index
        %get3A_2771 = tpu.vector_load %arg13[%get3A_2769, %get3A_2770] {strides = array<i32>} : memref<50x128xf32, #tpu.memory_space<vmem>>, vector<1x16xf32>,
        %get3A_2772 = vector.shape_cast %get3A_2771 : vector<1x16xf32> to vector<16xf32>
        %sub3A_2773 = arith.subf %get3A_2772, %get3A_2768 : vector<16xf32>
        %mul3A_2774 = arith.mulf %convert_element_type3A, %sub3A_2773 : vector<16xf32>
        %add3A_2775 = arith.addf %get3A_2768, %mul3A_2774 : vector<16xf32>
        %swap3A_2776 = arith.constant 6 : i32
        %swap3A_2777 = arith.index_cast %swap3A_2776 : i32 to index
        %swap3A_2778 = arith.index_cast %scan3A_2740 : i32 to index
        %swap3A_2779 = arith.constant 16 : index
        %swap3A_2780 = tpu.vector_load %arg15[%swap3A_2777, %swap3A_2778, %swap3A_2779] {strides = array<i32>} : memref<8x50x64xf32, #tpu.memory_space<vmem>>, vector<1x1x16xf32>,
        %swap3A_2781 = vector.shape_cast %swap3A_2780 : vector<1x1x16xf32> to vector<16xf32>
        %swap3A_2782 = vector.shape_cast %add3A_2775 : vector<16xf32> to vector<1x1x16xf32>
        tpu.vector_store %arg15[%swap3A_2777, %swap3A_2778, %swap3A_2779], %swap3A_2782 {strides = array<i32>} : memref<8x50x64xf32, #tpu.memory_space<vmem>>, vector<1x1x16xf32>,
        %get3A_2783 = arith.index_cast %scan3A_2740 : i32 to index
        %get3A_2784 = arith.constant 32 : index
        %get3A_2785 = tpu.vector_load %arg13[%get3A_2783, %get3A_2784] {strides = array<i32>} : memref<50x128xf32, #tpu.memory_space<vmem>>, vector<1x16xf32>,
        %get3A_2786 = vector.shape_cast %get3A_2785 : vector<1x16xf32> to vector<16xf32>
        %get3A_2787 = arith.index_cast %scan3A_2740 : i32 to index
        %get3A_2788 = arith.constant 96 : index
        %get3A_2789 = tpu.vector_load %arg13[%get3A_2787, %get3A_2788] {strides = array<i32>} : memref<50x128xf32, #tpu.memory_space<vmem>>, vector<1x16xf32>,
        %get3A_2790 = vector.shape_cast %get3A_2789 : vector<1x16xf32> to vector<16xf32>
        %sub3A_2791 = arith.subf %get3A_2790, %get3A_2786 : vector<16xf32>
        %mul3A_2792 = arith.mulf %convert_element_type3A, %sub3A_2791 : vector<16xf32>
        %add3A_2793 = arith.addf %get3A_2786, %mul3A_2792 : vector<16xf32>
        %swap3A_2794 = arith.constant 6 : i32
        %swap3A_2795 = arith.index_cast %swap3A_2794 : i32 to index
        %swap3A_2796 = arith.index_cast %scan3A_2740 : i32 to index
        %swap3A_2797 = arith.constant 32 : index
        %swap3A_2798 = tpu.vector_load %arg15[%swap3A_2795, %swap3A_2796, %swap3A_2797] {strides = array<i32>} : memref<8x50x64xf32, #tpu.memory_space<vmem>>, vector<1x1x16xf32>,
        %swap3A_2799 = vector.shape_cast %swap3A_2798 : vector<1x1x16xf32> to vector<16xf32>
        %swap3A_2800 = vector.shape_cast %add3A_2793 : vector<16xf32> to vector<1x1x16xf32>
        tpu.vector_store %arg15[%swap3A_2795, %swap3A_2796, %swap3A_2797], %swap3A_2800 {strides = array<i32>} : memref<8x50x64xf32, #tpu.memory_space<vmem>>, vector<1x1x16xf32>,
        %get3A_2801 = arith.index_cast %scan3A_2740 : i32 to index
        %get3A_2802 = arith.constant 48 : index
        %get3A_2803 = tpu.vector_load %arg13[%get3A_2801, %get3A_2802] {strides = array<i32>} : memref<50x128xf32, #tpu.memory_space<vmem>>, vector<1x16xf32>,
        %get3A_2804 = vector.shape_cast %get3A_2803 : vector<1x16xf32> to vector<16xf32>
        %get3A_2805 = arith.index_cast %scan3A_2740 : i32 to index
        %get3A_2806 = arith.constant 112 : index
        %get3A_2807 = tpu.vector_load %arg13[%get3A_2805, %get3A_2806] {strides = array<i32>} : memref<50x128xf32, #tpu.memory_space<vmem>>, vector<1x16xf32>,
        %get3A_2808 = vector.shape_cast %get3A_2807 : vector<1x16xf32> to vector<16xf32>
        %sub3A_2809 = arith.subf %get3A_2808, %get3A_2804 : vector<16xf32>
        %mul3A_2810 = arith.mulf %convert_element_type3A, %sub3A_2809 : vector<16xf32>
        %add3A_2811 = arith.addf %get3A_2804, %mul3A_2810 : vector<16xf32>
        %swap3A_2812 = arith.constant 6 : i32
        %swap3A_2813 = arith.index_cast %swap3A_2812 : i32 to index
        %swap3A_2814 = arith.index_cast %scan3A_2740 : i32 to index
        %swap3A_2815 = arith.constant 48 : index
        %swap3A_2816 = tpu.vector_load %arg15[%swap3A_2813, %swap3A_2814, %swap3A_2815] {strides = array<i32>} : memref<8x50x64xf32, #tpu.memory_space<vmem>>, vector<1x1x16xf32>,
        %swap3A_2817 = vector.shape_cast %swap3A_2816 : vector<1x1x16xf32> to vector<16xf32>
        %swap3A_2818 = vector.shape_cast %add3A_2811 : vector<16xf32> to vector<1x1x16xf32>
        tpu.vector_store %arg15[%swap3A_2813, %swap3A_2814, %swap3A_2815], %swap3A_2818 {strides = array<i32>} : memref<8x50x64xf32, #tpu.memory_space<vmem>>, vector<1x1x16xf32>,
      }
      %scan3A_2724 = arith.constant 50 : i32
      %dma_wait3A_2725 = arith.constant 7 : i32
      %dma_wait3A_2726 = arith.constant 0 : i32
      %dma_wait3A_2727 = tpu.memref_slice %arg6[%dma_wait3A_2725, %dma_wait3A_2726] : memref<8x128xi32, #tpu.memory_space<vmem>> -> memref<1x50xi32, #tpu.memory_space<vmem>>
      %dma_wait3A_2728 = tpu.memref_squeeze %dma_wait3A_2727 : memref<1x50xi32, #tpu.memory_space<vmem>> -> memref<50xi32, #tpu.memory_space<vmem>>
      %dma_wait3A_2729 = arith.constant 0 : i32
      %dma_wait3A_2730 = arith.constant 0 : i32
      %dma_wait3A_2731 = tpu.memref_slice %arg2[%dma_wait3A_2729, %dma_wait3A_2730] : memref<500000x128xf32, #tpu.memory_space<hbm>> -> memref<500000x128xf32, #tpu.memory_space<hbm>>
      tpu.wait_indirect_dma semaphore(%arg16 : memref<!tpu.dma_semaphore, #tpu.memory_space<semaphore_mem>>) src(%dma_wait3A_2731 : memref<500000x128xf32, #tpu.memory_space<hbm>>) dst(%arg14 : memref<50x128xf32, #tpu.memory_space<vmem>>)
      %broadcast_in_dim3A_2732 = arith.constant 0 : i32
      %broadcast_in_dim3A_2733 = vector.broadcast %broadcast_in_dim3A_2732 : i32 to vector<16x1xi32>
      %scan3A_2734 = arith.constant 0 : i32
      %scan3A_2735 = arith.constant 0 : i32
      %scan3A_2736 = arith.constant 50 : i32
      %scan3A_2737 = arith.addi %scan3A_2735, %scan3A_2736 : i32
      %scan3A_2738 = arith.constant 1 : i32
      scf.for %scan3A_2740 = %scan3A_2735 to %scan3A_2737 step %scan3A_2738  : i32 {
        %get3A_2741 = arith.constant 7 : i32
        %get3A_2742 = arith.index_cast %get3A_2741 : i32 to index
        %get3A_2743 = arith.index_cast %scan3A_2740 : i32 to index
        %get3A_2744 = tpu.vector_load %arg5[%get3A_2742, %get3A_2743] {strides = array<i32>} : memref<8x128xi32, #tpu.memory_space<vmem>>, vector<1x16xi32>,
        %get3A_2745 = vector.shape_cast %get3A_2744 : vector<1x16xi32> to vector<16xi32>
        %gather3A = vector.shape_cast %broadcast_in_dim3A_2733 : vector<16x1xi32> to vector<16xi32>
        %gather3A_2746 = tpu.dynamic_gather %get3A_2745[%gather3A] in [0] : vector<16xi32>, vector<16xi32> -> vector<16xi32>
        %convert_element_type3A = arith.sitofp %gather3A_2746 : vector<16xi32> to vector<16xf32>
        %get3A_2747 = arith.index_cast %scan3A_2740 : i32 to index
        %get3A_2748 = arith.constant 0 : index
        %get3A_2749 = tpu.vector_load %arg14[%get3A_2747, %get3A_2748] {strides = array<i32>} : memref<50x128xf32, #tpu.memory_space<vmem>>, vector<1x16xf32>,
        %get3A_2750 = vector.shape_cast %get3A_2749 : vector<1x16xf32> to vector<16xf32>
        %get3A_2751 = arith.index_cast %scan3A_2740 : i32 to index
        %get3A_2752 = arith.constant 64 : index
        %get3A_2753 = tpu.vector_load %arg14[%get3A_2751, %get3A_2752] {strides = array<i32>} : memref<50x128xf32, #tpu.memory_space<vmem>>, vector<1x16xf32>,
        %get3A_2754 = vector.shape_cast %get3A_2753 : vector<1x16xf32> to vector<16xf32>
        %sub3A_2755 = arith.subf %get3A_2754, %get3A_2750 : vector<16xf32>
        %mul3A_2756 = arith.mulf %convert_element_type3A, %sub3A_2755 : vector<16xf32>
        %add3A_2757 = arith.addf %get3A_2750, %mul3A_2756 : vector<16xf32>
        %swap3A_2758 = arith.constant 7 : i32
        %swap3A_2759 = arith.index_cast %swap3A_2758 : i32 to index
        %swap3A_2760 = arith.index_cast %scan3A_2740 : i32 to index
        %swap3A_2761 = arith.constant 0 : index
        %swap3A_2762 = tpu.vector_load %arg15[%swap3A_2759, %swap3A_2760, %swap3A_2761] {strides = array<i32>} : memref<8x50x64xf32, #tpu.memory_space<vmem>>, vector<1x1x16xf32>,
        %swap3A_2763 = vector.shape_cast %swap3A_2762 : vector<1x1x16xf32> to vector<16xf32>
        %swap3A_2764 = vector.shape_cast %add3A_2757 : vector<16xf32> to vector<1x1x16xf32>
        tpu.vector_store %arg15[%swap3A_2759, %swap3A_2760, %swap3A_2761], %swap3A_2764 {strides = array<i32>} : memref<8x50x64xf32, #tpu.memory_space<vmem>>, vector<1x1x16xf32>,
        %get3A_2765 = arith.index_cast %scan3A_2740 : i32 to index
        %get3A_2766 = arith.constant 16 : index
        %get3A_2767 = tpu.vector_load %arg14[%get3A_2765, %get3A_2766] {strides = array<i32>} : memref<50x128xf32, #tpu.memory_space<vmem>>, vector<1x16xf32>,
        %get3A_2768 = vector.shape_cast %get3A_2767 : vector<1x16xf32> to vector<16xf32>
        %get3A_2769 = arith.index_cast %scan3A_2740 : i32 to index
        %get3A_2770 = arith.constant 80 : index
        %get3A_2771 = tpu.vector_load %arg14[%get3A_2769, %get3A_2770] {strides = array<i32>} : memref<50x128xf32, #tpu.memory_space<vmem>>, vector<1x16xf32>,
        %get3A_2772 = vector.shape_cast %get3A_2771 : vector<1x16xf32> to vector<16xf32>
        %sub3A_2773 = arith.subf %get3A_2772, %get3A_2768 : vector<16xf32>
        %mul3A_2774 = arith.mulf %convert_element_type3A, %sub3A_2773 : vector<16xf32>
        %add3A_2775 = arith.addf %get3A_2768, %mul3A_2774 : vector<16xf32>
        %swap3A_2776 = arith.constant 7 : i32
        %swap3A_2777 = arith.index_cast %swap3A_2776 : i32 to index
        %swap3A_2778 = arith.index_cast %scan3A_2740 : i32 to index
        %swap3A_2779 = arith.constant 16 : index
        %swap3A_2780 = tpu.vector_load %arg15[%swap3A_2777, %swap3A_2778, %swap3A_2779] {strides = array<i32>} : memref<8x50x64xf32, #tpu.memory_space<vmem>>, vector<1x1x16xf32>,
        %swap3A_2781 = vector.shape_cast %swap3A_2780 : vector<1x1x16xf32> to vector<16xf32>
        %swap3A_2782 = vector.shape_cast %add3A_2775 : vector<16xf32> to vector<1x1x16xf32>
        tpu.vector_store %arg15[%swap3A_2777, %swap3A_2778, %swap3A_2779], %swap3A_2782 {strides = array<i32>} : memref<8x50x64xf32, #tpu.memory_space<vmem>>, vector<1x1x16xf32>,
        %get3A_2783 = arith.index_cast %scan3A_2740 : i32 to index
        %get3A_2784 = arith.constant 32 : index
        %get3A_2785 = tpu.vector_load %arg14[%get3A_2783, %get3A_2784] {strides = array<i32>} : memref<50x128xf32, #tpu.memory_space<vmem>>, vector<1x16xf32>,
        %get3A_2786 = vector.shape_cast %get3A_2785 : vector<1x16xf32> to vector<16xf32>
        %get3A_2787 = arith.index_cast %scan3A_2740 : i32 to index
        %get3A_2788 = arith.constant 96 : index
        %get3A_2789 = tpu.vector_load %arg14[%get3A_2787, %get3A_2788] {strides = array<i32>} : memref<50x128xf32, #tpu.memory_space<vmem>>, vector<1x16xf32>,
        %get3A_2790 = vector.shape_cast %get3A_2789 : vector<1x16xf32> to vector<16xf32>
        %sub3A_2791 = arith.subf %get3A_2790, %get3A_2786 : vector<16xf32>
        %mul3A_2792 = arith.mulf %convert_element_type3A, %sub3A_2791 : vector<16xf32>
        %add3A_2793 = arith.addf %get3A_2786, %mul3A_2792 : vector<16xf32>
        %swap3A_2794 = arith.constant 7 : i32
        %swap3A_2795 = arith.index_cast %swap3A_2794 : i32 to index
        %swap3A_2796 = arith.index_cast %scan3A_2740 : i32 to index
        %swap3A_2797 = arith.constant 32 : index
        %swap3A_2798 = tpu.vector_load %arg15[%swap3A_2795, %swap3A_2796, %swap3A_2797] {strides = array<i32>} : memref<8x50x64xf32, #tpu.memory_space<vmem>>, vector<1x1x16xf32>,
        %swap3A_2799 = vector.shape_cast %swap3A_2798 : vector<1x1x16xf32> to vector<16xf32>
        %swap3A_2800 = vector.shape_cast %add3A_2793 : vector<16xf32> to vector<1x1x16xf32>
        tpu.vector_store %arg15[%swap3A_2795, %swap3A_2796, %swap3A_2797], %swap3A_2800 {strides = array<i32>} : memref<8x50x64xf32, #tpu.memory_space<vmem>>, vector<1x1x16xf32>,
        %get3A_2801 = arith.index_cast %scan3A_2740 : i32 to index
        %get3A_2802 = arith.constant 48 : index
        %get3A_2803 = tpu.vector_load %arg14[%get3A_2801, %get3A_2802] {strides = array<i32>} : memref<50x128xf32, #tpu.memory_space<vmem>>, vector<1x16xf32>,
        %get3A_2804 = vector.shape_cast %get3A_2803 : vector<1x16xf32> to vector<16xf32>
        %get3A_2805 = arith.index_cast %scan3A_2740 : i32 to index
        %get3A_2806 = arith.constant 112 : index
        %get3A_2807 = tpu.vector_load %arg14[%get3A_2805, %get3A_2806] {strides = array<i32>} : memref<50x128xf32, #tpu.memory_space<vmem>>, vector<1x16xf32>,
        %get3A_2808 = vector.shape_cast %get3A_2807 : vector<1x16xf32> to vector<16xf32>
        %sub3A_2809 = arith.subf %get3A_2808, %get3A_2804 : vector<16xf32>
        %mul3A_2810 = arith.mulf %convert_element_type3A, %sub3A_2809 : vector<16xf32>
        %add3A_2811 = arith.addf %get3A_2804, %mul3A_2810 : vector<16xf32>
        %swap3A_2812 = arith.constant 7 : i32
        %swap3A_2813 = arith.index_cast %swap3A_2812 : i32 to index
        %swap3A_2814 = arith.index_cast %scan3A_2740 : i32 to index
        %swap3A_2815 = arith.constant 48 : index
        %swap3A_2816 = tpu.vector_load %arg15[%swap3A_2813, %swap3A_2814, %swap3A_2815] {strides = array<i32>} : memref<8x50x64xf32, #tpu.memory_space<vmem>>, vector<1x1x16xf32>,
        %swap3A_2817 = vector.shape_cast %swap3A_2816 : vector<1x1x16xf32> to vector<16xf32>
        %swap3A_2818 = vector.shape_cast %add3A_2811 : vector<16xf32> to vector<1x1x16xf32>
        tpu.vector_store %arg15[%swap3A_2813, %swap3A_2814, %swap3A_2815], %swap3A_2818 {strides = array<i32>} : memref<8x50x64xf32, #tpu.memory_space<vmem>>, vector<1x1x16xf32>,
      }
      %scan3A_2739 = arith.constant 50 : i32
      "tpu.region"() ({
        %run_scoped3A = tpu.sem_alloc : memref<!tpu.dma_semaphore, #tpu.memory_space<semaphore_mem>>
        %dma_start3A_2740 = arith.constant 0 : i32
        %dma_start3A_2741 = arith.constant 0 : i32
        %dma_start3A_2742 = tpu.memref_slice %arg4[%multiple_of3A, %dma_start3A_2740, %dma_start3A_2741] : memref<16384x50x64xf32, #tpu.memory_space<hbm>> -> memref<8x50x64xf32, #tpu.memory_space<hbm>>
        %dma_start3A_2743 = arith.constant 0 : i32
        %dma_start3A_2744 = arith.constant 0 : i32
        %dma_start3A_2745 = tpu.memref_slice %arg4[%multiple_of3A, %dma_start3A_2743, %dma_start3A_2744] : memref<16384x50x64xf32, #tpu.memory_space<hbm>> -> memref<8x50x64xf32, #tpu.memory_space<hbm>>
        tpu.enqueue_dma source(%arg15 : memref<8x50x64xf32, #tpu.memory_space<vmem>>) target(%dma_start3A_2745 : memref<8x50x64xf32, #tpu.memory_space<hbm>>) target_semaphore(%run_scoped3A : memref<!tpu.dma_semaphore, #tpu.memory_space<semaphore_mem>>)
        %dma_wait3A_2746 = arith.constant 0 : i32
        %dma_wait3A_2747 = arith.constant 0 : i32
        %dma_wait3A_2748 = tpu.memref_slice %arg4[%multiple_of3A, %dma_wait3A_2746, %dma_wait3A_2747] : memref<16384x50x64xf32, #tpu.memory_space<hbm>> -> memref<8x50x64xf32, #tpu.memory_space<hbm>>
        %dma_wait3A_2749 = arith.constant 0 : i32
        %dma_wait3A_2750 = arith.constant 0 : i32
        %dma_wait3A_2751 = tpu.memref_slice %arg4[%multiple_of3A, %dma_wait3A_2749, %dma_wait3A_2750] : memref<16384x50x64xf32, #tpu.memory_space<hbm>> -> memref<8x50x64xf32, #tpu.memory_space<hbm>>
        tpu.wait_dma2 semaphore(%run_scoped3A : memref<!tpu.dma_semaphore, #tpu.memory_space<semaphore_mem>>) src(%arg15 : memref<8x50x64xf32, #tpu.memory_space<vmem>>) dst(%dma_wait3A_2751 : memref<8x50x64xf32, #tpu.memory_space<hbm>>)
        tpu.yield
      }) : () -> ()
    }
    %scan3A_7 = arith.constant 64 : i32
    return
  }
}

module attributes {stable_mosaic.version = 14 : i64} {
  func.func @_matmul_body(%arg0: i32, %arg1: memref<8000x64xf32, #tpu.memory_space<vmem>>, %arg2: memref<64x64xf32, #tpu.memory_space<vmem>>, %arg3: memref<1x64xf32, #tpu.memory_space<vmem>>, %arg4: memref<4000x128xf32, #tpu.memory_space<vmem>>) attributes {dimension_semantics = [#tpu.dimension_semantics<arbitrary>], iteration_bounds = array<i64: 125>, scalar_prefetch = 0 : i64, scratch_operands = 0 : i64, tpu.core_type = #tpu.core_type<tc>, window_params = [{transform_indices = @transform_0, window_bounds = array<i64: 8000, 64>}, {pipeline_mode = #tpu.pipeline_mode<synchronous>, transform_indices = @transform_1, window_bounds = array<i64: 64, 64>}, {pipeline_mode = #tpu.pipeline_mode<synchronous>, transform_indices = @transform_2, window_bounds = array<i64: 1, 64>}, {transform_indices = @transform_3, window_bounds = array<i64: 4000, 128>}]} {
    %get3A = arith.constant 0 : index
    %get3A_0 = arith.constant 0 : index
    %get3A_1 = vector.load %arg1[%get3A, %get3A_0] : memref<8000x64xf32, #tpu.memory_space<vmem>>, vector<8000x64xf32>
    %get3A_2 = arith.constant 0 : index
    %get3A_3 = arith.constant 0 : index
    %get3A_4 = vector.load %arg2[%get3A_2, %get3A_3] : memref<64x64xf32, #tpu.memory_space<vmem>>, vector<64x64xf32>
    %dot_general3A = arith.constant dense<0.000000e+00> : vector<8000x64xf32>
    %dot_general3A_5 = tpu.matmul %get3A_1, %get3A_4, %dot_general3A {dimension_numbers = #tpu.dot_dimension_numbers<[1], [1], [0], [0], [0, 0, 1, 0], [], []>, transpose_lhs_hint = false} : vector<8000x64xf32>, vector<64x64xf32>, vector<8000x64xf32> -> vector<8000x64xf32>
    %get3A_6 = arith.constant 0 : index
    %get3A_7 = arith.constant 0 : index
    %get3A_8 = vector.load %arg3[%get3A_6, %get3A_7] : memref<1x64xf32, #tpu.memory_space<vmem>>, vector<1x64xf32>
    %add3A = vector.broadcast %get3A_8 : vector<1x64xf32> to vector<8000x64xf32>
    %add3A_9 = arith.addf %dot_general3A_5, %add3A : vector<8000x64xf32>
    %slice3A = vector.extract_strided_slice %add3A_9 {offsets = [0, 0], sizes = [4000, 64], strides = [1, 1]} : vector<8000x64xf32> to vector<4000x64xf32>
    %slice3A_10 = vector.extract_strided_slice %add3A_9 {offsets = [4000, 0], sizes = [4000, 64], strides = [1, 1]} : vector<8000x64xf32> to vector<4000x64xf32>
    %concatenate3A = tpu.concatenate %slice3A, %slice3A_10 in 1 : vector<4000x64xf32>, vector<4000x64xf32> -> vector<4000x128xf32>
    %swap3A = arith.constant 0 : index
    %swap3A_11 = arith.constant 0 : index
    %swap3A_12 = vector.load %arg4[%swap3A, %swap3A_11] : memref<4000x128xf32, #tpu.memory_space<vmem>>, vector<4000x128xf32>
    tpu.vector_store %arg4[%swap3A, %swap3A_11], %concatenate3A {strides = array<i32>} : memref<4000x128xf32, #tpu.memory_space<vmem>>, vector<4000x128xf32>,
    return
  }
  func.func @transform_0(%arg0: i32) -> (i32, i32) {
    %c0_i32 = arith.constant 0 : i32
    %c0_i32_0 = arith.constant 0 : i32
    return %arg0, %c0_i32 : i32, i32
  }
  func.func @transform_1(%arg0: i32) -> (i32, i32) {
    %c0_i32 = arith.constant 0 : i32
    %c0_i32_0 = arith.constant 0 : i32
    %c0_i32_1 = arith.constant 0 : i32
    return %c0_i32, %c0_i32_0 : i32, i32
  }
  func.func @transform_2(%arg0: i32) -> (i32, i32) {
    %c0_i32 = arith.constant 0 : i32
    %c0_i32_0 = arith.constant 0 : i32
    %c0_i32_1 = arith.constant 0 : i32
    return %c0_i32, %c0_i32_0 : i32, i32
  }
  func.func @transform_3(%arg0: i32) -> (i32, i32) {
    %c0_i32 = arith.constant 0 : i32
    %c0_i32_0 = arith.constant 0 : i32
    return %arg0, %c0_i32 : i32, i32
  }
}

</mosaic_0001>

<sc_bundles>
// kernel: kernel.4.cloned.1.call-start
scs
__scs_entry_jumppad:
0x0: {  	(pc) =	sbr.rel $0x88, $3  }
0x1: {  	(tag) =	ssettag $0x0;
	lr =	simm.s32 $0x1  }
0x2: {  	[smem:$0x3F9D] =	sst lr;
	_ =	strace $0xD0000000  }
0x3: {  	_ = 	snop  }
0x4: {  	_ = 	snop  }
0x5: {  	_ = 	snop  }
0x6: {  	_ = 	snop  }
0x7: {  	_ = 	snop  }
__scs_overlays_trampoline_lowered:
0x8: {  	[smem:$0x3FAC] =	sst s0  }
0x9: {  	[smem:$0x3FAD] =	sst s1  }
0xa: {  	[smem:$0x3FAE] =	sst s2  }
0xb: {  	[smem:$0x3FAF] =	sst s3  }
0xc: {  	[smem:$0x3FB0] =	sst s4  }
0xd: {  	[smem:$0x3FB1] =	sst s5  }
0xe: {  	[smem:$0x3FB2] =	sst s6  }
0xf: {  	[smem:$0x3FB3] =	sst s7  }
0x10: {  	[smem:$0x3FB4] =	sst s8  }
0x11: {  	[smem:$0x3FB5] =	sst s9;
	s0 =	simm.s32 @!p0 $0x0  }
0x12: {  	s1 =	sld [smem:$0x3F9B];
	s0 =	simm.s32 @p0 $0x1  }
0x13: {  	[smem:$0x3FB6] =	sst s0;
	s0 =	simm.s32 @!p1 $0x0  }
0x14: {  	s2 =	sld [smem:$0x3F9A];
	s0 =	simm.s32 @p1 $0x1  }
0x15: {  	[smem:$0x3FB7] =	sst s0;
	s0 =	simm.s32 @!p2 $0x0  }
0x16: {  	s3 =	sld [smem:$0x3FDB];
	s0 =	simm.s32 @p2 $0x1  }
0x17: {  	s4 =	simm.s32 $0x1BF5;
	[smem:$0x3FB9] =	sst s0  }
0x18: {  	s0 =	sld [smem:$0x3F9C];
	_ =	swait.ge [sflag:s4], $0x0  }
0x19: {  	s7 =	sld [smem:$0x3F9D]  }
0x1a: {  	s8 =	sadd.s32 $0xFFFFE003, lr  }
0x1b: {  	s9 =	sadd.s32 $0xFFFFFEF7, lr;
	s5 =	simm.s32 $0xFFFFFFFF;
	p2 =	slt.u32 s8, $0xFFFFF086  }
0x1c: {  	p1 =	slt.u32 s9, $0xF7A;
	s5 =	simm.s32 @!p2 $0x0  }
0x1d: {  	s5 =	simm.s32 @p1 $0x1;
	p0 =	seq.s32 s7, s2  }
0x1e: {  	s7 =	smul.u32 @!p0 $0xF7A, s2;
	p2 =	seq.s32 @!p0 s5, $0x0  }
0x1f: {  	s9 =	smul.u32 $0xF7A, s1;
	s8 =	simm.s32 @!p0 $0x1BF5;
	p2 =	por !p2, p0  }
0x20: {  	[sflag:s8] =	ssyncset.s32 @!p0 $0xFFFFF086;
	s6 =	sadd.s32 @!p0 s3, s7;
	s7 =	simm.s32 @!p0 $0x108  }
0x21: {  	s3 =	sadd.s32 s3, s9;
	s6 =	sadd.s32 @!p0 $0x88, s6;
	s7 =	simm.s32 @p2 $0x1082  }
0x22: {  	[simem:s7], [sflag:s8] =	dma.local @!p0 [hbm:s6], $0xF7A  }
0x23: {  	s9 =	sor.u32 $0xD0000000, s2;
	s6 =	simm.s32 $0x108;
	_ =	swait.ge @!p0 [sflag:s8], $0x0  }
0x24: {  	s3 =	sadd.s32 $0x88, s3;
	s6 =	simm.s32 @!p1 $0x1082;
	[sflag:s4] =	ssyncset.s32 $0xFFFFF086  }
0x25: {  	[simem:s6], [sflag:s4] =	dma.local [hbm:s3], $0xF7A  }
0x26: {  	[smem:$0x3F9D] =	sst s1;
	(tag) =	ssettag s2;
	_ =	strace s9  }
0x27: {  	s1 =	sld [smem:$0x3FAD]  }
0x28: {  	s2 =	sld [smem:$0x3FAE]  }
0x29: {  	s4 =	sld [smem:$0x3FB0]  }
0x2a: {  	p0 =	seq.s32 s5, $0x0;
	s5 =	sld [smem:$0x3FB1]  }
0x2b: {  	s6 =	sld [smem:$0x3FB2]  }
0x2c: {  	s7 =	sld [smem:$0x3FB3]  }
0x2d: {  	s3 =	simm.s32 $0x108;
	s8 =	sld [smem:$0x3FB4]  }
0x2e: {  	s3 =	simm.s32 @!p0 $0x1082;
	s9 =	sld [smem:$0x3FB5]  }
0x2f: {  	lr =	sadd.s32 s0, s3;
	s0 =	sld [smem:$0x3FAC]  }
0x30: {  	s3 =	sld [smem:$0x3FAF]  }
0x31: {  	[smem:$0x3FB8] =	sst s10  }
0x32: {  	s10 =	sld [smem:$0x3FB6];
	_ =	sdelay $0x3  }
0x33: {  	p0 =	seq.s32 s10, $0x1;
	s10 =	sld [smem:$0x3FB8];
	_ =	sdelay $0x3  }
0x34: {  	[smem:$0x3FB8] =	sst s10  }
0x35: {  	s10 =	sld [smem:$0x3FB7];
	_ =	sdelay $0x3  }
0x36: {  	p1 =	seq.s32 s10, $0x1;
	s10 =	sld [smem:$0x3FB8];
	_ =	sdelay $0x3  }
0x37: {  	[smem:$0x3FB8] =	sst s10  }
0x38: {  	s10 =	sld [smem:$0x3FB9]  }
0x39: {  	_ = 	snop;
	(pc) =	sbr.ind lr, $3  }
0x3a: {  	_ = 	snop  }
0x3b: {  	_ = 	snop  }
0x3c: {  	p2 =	seq.s32 s10, $0x1;
	s10 =	sld [smem:$0x3FB8]  }
0x3d: {  	_ =	shalt  }
0x3e: {  	_ =	shalt  }
0x3f: {  	_ =	shalt  }
0x40: {  	_ =	shalt  }
0x41: {  	_ =	shalt  }
0x42: {  	_ =	shalt  }
0x43: {  	_ =	shalt  }
0x44: {  	_ =	shalt  }
0x45: {  	_ =	shalt  }
0x46: {  	_ =	shalt  }
0x47: {  	_ =	shalt  }
0x48: {  	_ =	shalt  }
0x49: {  	_ =	shalt  }
0x4a: {  	_ =	shalt  }
0x4b: {  	_ =	shalt  }
0x4c: {  	_ =	shalt  }
0x4d: {  	_ =	shalt  }
0x4e: {  	_ =	shalt  }
0x4f: {  	_ =	shalt  }
0x50: {  	_ =	shalt  }
0x51: {  	_ =	shalt  }
0x52: {  	_ =	shalt  }
0x53: {  	_ =	shalt  }
0x54: {  	_ =	shalt  }
0x55: {  	_ =	shalt  }
0x56: {  	_ =	shalt  }
0x57: {  	_ =	shalt  }
0x58: {  	_ =	shalt  }
0x59: {  	_ =	shalt  }
0x5a: {  	_ =	shalt  }
0x5b: {  	_ =	shalt  }
0x5c: {  	_ =	shalt  }
0x5d: {  	_ =	shalt  }
0x5e: {  	_ =	shalt  }
0x5f: {  	_ =	shalt  }
0x60: {  	_ =	shalt  }
0x61: {  	_ =	shalt  }
0x62: {  	_ =	shalt  }
0x63: {  	_ =	shalt  }
0x64: {  	_ =	shalt  }
0x65: {  	_ =	shalt  }
0x66: {  	_ =	shalt  }
0x67: {  	_ =	shalt  }
0x68: {  	_ =	shalt  }
0x69: {  	_ =	shalt  }
0x6a: {  	_ =	shalt  }
0x6b: {  	_ =	shalt  }
0x6c: {  	_ =	shalt  }
0x6d: {  	_ =	shalt  }
0x6e: {  	_ =	shalt  }
0x6f: {  	_ =	shalt  }
0x70: {  	_ =	shalt  }
0x71: {  	_ =	shalt  }
0x72: {  	_ =	shalt  }
0x73: {  	_ =	shalt  }
0x74: {  	_ =	shalt  }
0x75: {  	_ =	shalt  }
0x76: {  	_ =	shalt  }
0x77: {  	_ =	shalt  }
0x78: {  	_ =	shalt  }
0x79: {  	_ =	shalt  }
0x7a: {  	_ =	shalt  }
0x7b: {  	_ =	shalt  }
0x7c: {  	_ =	shalt  }
0x7d: {  	_ =	shalt  }
0x7e: {  	_ =	shalt  }
0x7f: {  	_ =	shalt  }
0x80: {  	_ =	shalt  }
0x81: {  	_ =	shalt  }
0x82: {  	_ =	shalt  }
0x83: {  	_ =	shalt  }
0x84: {  	_ =	shalt  }
0x85: {  	_ =	shalt  }
0x86: {  	_ =	shalt  }
0x87: {  	_ =	shalt  }
.Lfunc_end0:
.L_simem_size_0:
called_computation_lowered:
.L_overlay_start_0:
0x88: {  	s2 =	sld [smem:$0x3FD9]  }
0x89: {  	s3 =	sld [smem:$0x3FFE];
	_ =	sdelay $0x1  }
0x8a: {  	s1 =	srdreg.scid  }
0x8b: {  	s0 =	sand.u32 $0x1, s1  }
0x8c: {  	s17 =	sshll.u32 s0, $0xA;
	s2 =	sadd.s32 s3, s2  }
0x8d: {  	s2 =	sadd.s32 s2, s17  }
0x8e: {  	[smem:$0x3FC4] =	sst s2  }
0x8f: {  	_ = 	snop  }
0x90: {  	s2 =	sld [smem:$0x3FD0];
	(tm) =	ssettm $0x1  }
0x91: {  	s18 =	sld [smem:$0x3FFB];
	_ =	sdelay $0x3  }
0x92: {  	_ =	strace s18  }
0x93: {  	s3 =	sld [smem:$0x3FFC];
	_ =	sdelay $0x3  }
0x94: {  	_ =	strace s3  }
0x95: {  	s3 =	sld [smem:$0x3FFD];
	_ =	sdelay $0x3  }
0x96: {  	_ =	strace s3  }
0x97: {  	_ =	strace $0x8FFFFFFF  }
0x98: {  	s19 =	sld [smem:$0x3FDB];
	_ =	sdelay $0x1  }
0x99: {  	s4 =	simm.s32 $_scs_section_size  }
0x9a: {  	s5 =	simm.s32 $_size__tile_overlayer_lowered;
	s6 =	simm.s32 $_tile_overlayer_lowered  }
0x9b: {  	s22 =	simm.s32 $0x1BFF;
	s21 =	sshll.u32 s6, $0x1;
	s3 =	sadd.s32 s4, s19  }
0x9c: {  	s7 =	simm.s32 $0x0;
	s20 =	sshll.u32 s5, $0x1;
	s5 =	sadd.s32 s21, s3  }
0x9d: {  	[timem:s7], [sflag:s22] =	dma.local [hbm:s5], s20  }
0x9e: {  	_ =	swait.ge [sflag:s22], s20  }
0x9f: {  	s4 =	ssub.s32 $0x0, s20;
	[sflag:s22] =	ssyncset.done $0x0  }
0xa0: {  	[sflag:s22] =	ssyncadd.s32 s4;
	_ =	sdelay $0x1  }
0xa1: {  	s23 =	simm.s32 $0x1B8B  }
0xa2: {  	_ =	swait.ge [sflag:s23], $0x1  }
0xa3: {  	[sflag:s23] =	ssyncset.done $0x0  }
0xa4: {  	s25 =	simm.s32 $0x1B8E;
	s24 =	sld [smem:$0x3FFE];
	[sflag:s23] =	ssyncadd.s32 $0xFFFFFFFF  }
0xa5: {  	s26 =	simm.s32 $execute0_lowered;
	[smem:$0x3FD2] =	sst s25  }
0xa6: {  	s5 =	sshll.u32 s26, $0x1;
	_ =	strace $0x80000046;
	[dreg:$0x1] =	wrdreg $0xFFFFFFFF  }
0xa7: {  	s28 =	simm.s32 $_size_execute0_lowered;
	s3 =	sadd.s32 s3, s5;
	[dreg:$0x0] =	wrdreg $0x0  }
0xa8: {  	s5 =	sshll.u32 s28, $0x1;
	[dreg:$0x2] =	wrdreg s3  }
0xa9: {  	[dreg:$0x3] =	wrdreg s5  }
0xaa: {  	[dreg:$0x4] =	wrdreg $0xC0  }
0xab: {  	_ =	task [dreg:s7], $0x5FFFF  }
0xac: {  	[dreg:$0x1] =	wrdreg $0xFFFFFFFF  }
0xad: {  	[dreg:$0x0] =	wrdreg $0x60  }
0xae: {  	[dreg:$0x2] =	wrdreg s24  }
0xaf: {  	[dreg:$0x3] =	wrdreg s2  }
0xb0: {  	[dreg:$0x4] =	wrdreg $0x9  }
0xb1: {  	_ =	task.clear_ibuf [dreg:s7], $0x5FFFF;
	_ =	strace $0x90000046  }
0xb2: {  	s29 =	simm.s32 $0x9;
	_ =	strace $0x80000048  }
0xb3: {  	_ =	swait.ge [sflag:s29], $0x1  }
0xb4: {  	[sflag:s29] =	ssyncadd.s32 $0xFFFFFFFF  }
0xb5: {  	_ =	strace $0x90000048  }
0xb6: {  	_ =	sfence  }
0xb7: {  	s30 =	sld [smem:$0x0];
	_ =	sdelay $0x2  }
0xb8: {  	s31 =	sshll.u32 s1, $0xD;
	s1 =	sshrl.u32 s1, $0x2  }
0xb9: {  	s3 =	sand.u32 $0x4000, s31;
	s1 =	sadd.s32 s1, s30  }
0xba: {  	s0 =	sor.u32 s3, s0;
	s1 =	sshll.u32 s1, $0x11  }
0xbb: {  	s0 =	sor.u32 s1, s0  }
0xbc: {  	s0 =	sadd.s32 $0x8F2B, s0  }
0xbd: {  	[sflag:s0] =	ssyncadd.remote.s32 $0x1  }
0xbe: {  	_ =	sfence.sel $0xFFFF  }
0xbf: {  	[dreg:$0x0] =	wrdreg $0xFFFFFFFF;
	(pc) =	sbr.abs _section_cstart, $3  }
0xc0: {  	[dreg:$0x1] =	wrdreg $0xFFFFFFFF  }
0xc1: {  	_ =	task.clear_ibuf [dreg:s7], $0x2FFFF;
	_ =	strace $0x9FFFFFFF  }
0xc2: {  	(tm) =	ssettm $0x7FFFFFFF  }
0xc3: {  	_ =	shalt  }
tec
execute0_lowered:
.L_overlay_start_1:
0x0: {  	(tag) =	ssettag $0x1  }
0x1: {  	s0 =	rddreg [dreg:$0x0];
	s2 =	simm.s32 $0x0;
	s1 =	srdreg.scid  }
0x2: {  	s6 =	stileid.u32;
	s8 =	simm.s32 $0x2;
	s9 =	simm.s32 $0x32  }
0x3: {  	s16 =	simm.s32 $0x580;
	s17 =	simm.s32 $0x5C00;
	s18 =	simm.s32 $0x600  }
0x4: {  	s19 =	simm.s32 $0x7800;
	s20 =	simm.s32 $0x680;
	s21 =	simm.s32 $0x9400  }
0x5: {  	s22 =	simm.s32 $0x700;
	s23 =	simm.s32 $0xB000;
	s24 =	simm.s32 $0x780  }
0x6: {  	s28 =	simm.s32 $0xE800;
	s29 =	simm.s32 $0x10400;
	s30 =	simm.s32 $0x12000  }
0x7: {  	s31 =	simm.s32 $0x13C00;
	s7 =	simm.s32 $0x19000;
	s11 =	simm.s32 $0x0  }
0x8: {  	[smem:$0x7FF] =	sst s2;
	s1 =	sand.u32 $0x1, s1;
	s4 =	sadd.s32 $0xF42E00, s0  }
0x9: {  	s5 =	sadd.s32 $0xA00, s0;
	s26 =	sshll.u32 s6, $0xA;
	s3 =	ssub.s32 $0x2, s1  }
0xa: {  	_ =	strace $0x80000047;
	s1 =	sshll.u32 s1, $0x9;
	s25 =	sshrl.u32 s3, $0x1  }
0xb: {  	s6 =	sor.u32 s1, s26;
	s26 =	simm.s32 $0x1;
	s0 =	ssub.s32 s3, s25  }
0xc: {  	s1 =	simm.s32 $0x1AC00;
	s25 =	simm.s32 $0xCC00;
	s0 =	smax.u32 s0, $0x1  }
0xd: {  	v0 =	vimm.s32 $0x0;
	s3 =	simm.s32 $0x17400;
	[dreg:$0x3] =	wrdreg s0;
	s0 =	simm.s32 $0x15800  }
.LBB2_1:
0xe: {  	[dreg:$0x4] =	wrdreg s11;
	s10 =	simm.s32 $0x0  }
.LBB2_2:
0xf: {  	s11 =	sshll.u32 s10, $0x3  }
0x10: {  	s11 =	sadd.s32 s6, s11  }
0x11: {  	s13 =	rddreg [dreg:$0x1];
	s12 =	sshll.u32 s11, $0x4  }
0x12: {  	s13 =	sadd.s32 s13, s12;
	s12 =	simm.s32 $0x0  }
0x13: {  	[tilespmem:s12], [sflag:$0x2] =	stream.linear.gather [hbm4b:s13+s12], $0x400, $0x38;
	[tilespmem:$0x1C800] =	vst v63  }
0x14: {  	_ =	swait.ge [sflag:s8], $0x400  }
0x15: {  	[sflag:s8] =	ssyncset.done $0x0  }
0x16: {  	[sflag:s8] =	ssyncadd.s32 $0xFFFFFC00  }
0x17: {  	v1 =	vld [tilespmem:$0x0]  }
0x18: {  	v3 =	vld [tilespmem:$0x10]  }
0x19: {  	v13 =	vld [tilespmem:$0x50]  }
0x1a: {  	v15 =	vld [tilespmem:$0x60]  }
0x1b: {  	v17 =	vld [tilespmem:$0x70]  }
0x1c: {  	v20 =	vld [tilespmem:$0x80]  }
0x1d: {  	v21 =	vld [tilespmem:$0x90];
	_ =	sdelay $0x2  }
0x1e: {  	v2 =	vshrl.u32 v1, $0x5;
	v7 =	vshrl.u32 v3, $0x5;
	v16 =	vshrl.u32 v13, $0x5  }
0x1f: {  	v63 =	vshrl.u32 v15, $0x5;
	v25 =	vshrl.u32 v17, $0x5;
	v2 =	vmul.u32 $0x8313, v2  }
0x20: {  	v5 =	vld [tilespmem:$0x20];
	v29 =	vshrl.u32 v20, $0x5;
	v34 =	vshrl.u32 v21, $0x5;
	v7 =	vmul.u32 $0x8313, v7  }
0x21: {  	v22 =	vmul.u32 $0x8313, v63;
	v28 =	vmul.u32 $0x8313, v25;
	v4 =	vshrl.u32 v2, $0x16  }
0x22: {  	v8 =	vld [tilespmem:$0x30];
	v2 =	vshrl.u32 v2, $0x17;
	v9 =	vshrl.u32 v7, $0x16;
	v6 =	vmul.u32 $0xFFFFF060, v4  }
0x23: {  	v24 =	vshrl.u32 v22, $0x16;
	v26 =	vshrl.u32 v22, $0x17;
	v22 =	vld [tilespmem:$0xA0];
	v2 =	vmul.u32 $0xFA0, v2  }
0x24: {  	v30 =	vshrl.u32 v28, $0x16;
	v1 =	vadd.s32 v1, v6;
	v6 =	vshrl.u32 v7, $0x17  }
0x25: {  	v7 =	vmul.u32 $0xFFFFF060, v9;
	v1 =	vadd.s32 v2, v1;
	v2 =	vshrl.u32 v5, $0x5  }
0x26: {  	v27 =	vmul.u32 $0xFFFFF060, v24;
	v10 =	vmul.u32 $0x8313, v2;
	v2 =	vand.u32 $0x1, v4  }
0x27: {  	v11 =	vld [tilespmem:$0x40];
	v4 =	vmul.u32 $0xFA0, v6;
	v6 =	vshrl.u32 v8, $0x5;
	v3 =	vadd.s32 v3, v7  }
0x28: {  	v25 =	vshrl.u32 v22, $0x5;
	v7 =	vmul.u32 $0x8313, v6;
	v12 =	vshrl.u32 v10, $0x16  }
0x29: {  	v6 =	vadd.s32 v4, v3;
	v3 =	vshrl.u32 v10, $0x17;
	v57 =	vmul.u32 $0xFFFFF060, v12  }
0x2a: {  	v36 =	vmul.u32 $0x8313, v25;
	v3 =	vmul.u32 $0xFA0, v3;
	v14 =	vshrl.u32 v7, $0x16  }
0x2b: {  	v58 =	vshrl.u32 v7, $0x17;
	v59 =	vmul.u32 $0xFFFFF060, v14;
	v5 =	vadd.s32 v5, v57  }
0x2c: {  	v7 =	vadd.s32 v3, v5;
	v3 =	vmul.u32 $0xFA0, v58;
	v5 =	vshrl.u32 v11, $0x5  }
0x2d: {  	v4 =	vand.u32 $0x1, v9;
	v8 =	vadd.s32 v8, v59;
	v60 =	vmul.u32 $0x8313, v5  }
0x2e: {  	v9 =	vand.u32 $0x1, v12;
	v5 =	vadd.s32 v3, v8;
	v8 =	vmul.u32 $0x8313, v16  }
0x2f: {  	v3 =	vand.u32 $0x1, v14;
	v14 =	vadd.s32 v15, v27;
	v61 =	vshrl.u32 v60, $0x16  }
0x30: {  	v35 =	vld [tilespmem:$0xB0];
	v10 =	vshrl.u32 v60, $0x17;
	v62 =	vmul.u32 $0xFFFFF060, v61;
	v18 =	vshrl.u32 v8, $0x16  }
0x31: {  	v10 =	vmul.u32 $0xFA0, v10;
	v8 =	vshrl.u32 v8, $0x17;
	v19 =	vmul.u32 $0xFFFFF060, v18  }
0x32: {  	v27 =	vshrl.u32 v36, $0x16;
	v8 =	vmul.u32 $0xFA0, v8;
	v11 =	vadd.s32 v11, v62  }
0x33: {  	v16 =	vadd.s32 v10, v11;
	v10 =	vand.u32 $0x1, v61;
	v23 =	vadd.s32 v13, v19  }
0x34: {  	v11 =	vand.u32 $0x1, v18;
	v13 =	vmul.u32 $0xFA0, v26;
	v18 =	vmul.u32 $0x8313, v29  }
0x35: {  	v19 =	vshrl.u32 v28, $0x17;
	v28 =	vmul.u32 $0xFFFFF060, v27;
	v29 =	vshrl.u32 v35, $0x5  }
0x36: {  	v8 =	vadd.s32 v8, v23;
	v23 =	vmul.u32 $0xFFFFF060, v30;
	v31 =	vmul.u32 $0xFA0, v19  }
0x37: {  	v19 =	vand.u32 $0x1, v30;
	v29 =	vmul.u32 $0x8313, v29;
	v14 =	vadd.s32 v13, v14  }
0x38: {  	v26 =	vld [tilespmem:$0xC0];
	v13 =	vand.u32 $0x1, v24;
	v24 =	vshrl.u32 v18, $0x16;
	v18 =	vshrl.u32 v18, $0x17  }
0x39: {  	v39 =	vadd.s32 v22, v28;
	v17 =	vadd.s32 v17, v23;
	v32 =	vmul.u32 $0xFFFFF060, v24  }
0x3a: {  	v33 =	vmul.u32 $0xFA0, v18;
	v18 =	vmul.u32 $0x8313, v34;
	v12 =	vand.u32 $0x1, v24  }
0x3b: {  	v30 =	vld [tilespmem:$0xD0];
	v40 =	vshrl.u32 v29, $0x16;
	v42 =	vshrl.u32 v29, $0x17;
	v17 =	vadd.s32 v31, v17  }
0x3c: {  	v43 =	vmul.u32 $0xFFFFF060, v40;
	v25 =	vmul.u32 $0xFA0, v42;
	v20 =	vadd.s32 v20, v32  }
0x3d: {  	v37 =	vshrl.u32 v18, $0x16;
	v18 =	vshrl.u32 v18, $0x17;
	v41 =	vshrl.u32 v26, $0x5  }
0x3e: {  	v15 =	vadd.s32 v33, v20;
	v18 =	vmul.u32 $0xFA0, v18;
	v38 =	vmul.u32 $0xFFFFF060, v37  }
0x3f: {  	v31 =	vld [tilespmem:$0xE0];
	v20 =	vshrl.u32 v36, $0x17;
	v44 =	vmul.u32 $0x8313, v41;
	v23 =	vadd.s32 v35, v43  }
0x40: {  	v51 =	vld [tilespmem:$0x100];
	v45 =	vshrl.u32 v30, $0x5;
	v20 =	vmul.u32 $0xFA0, v20;
	v25 =	vadd.s32 v25, v23  }
0x41: {  	v32 =	vld [tilespmem:$0xF0];
	v23 =	vand.u32 $0x1, v40;
	v21 =	vadd.s32 v21, v38;
	v46 =	vshrl.u32 v44, $0x16  }
0x42: {  	v29 =	vshrl.u32 v44, $0x17;
	v24 =	vadd.s32 v18, v21;
	v21 =	vand.u32 $0x1, v37  }
0x43: {  	v41 =	vld [tilespmem:$0x130];
	v18 =	vadd.s32 v20, v39;
	v20 =	vand.u32 $0x1, v27;
	v27 =	vmul.u32 $0x8313, v45  }
0x44: {  	v33 =	vmul.u32 $0xFFFFF060, v46;
	v47 =	vmul.u32 $0xFA0, v29;
	v50 =	vshrl.u32 v31, $0x5  }
0x45: {  	v29 =	vand.u32 $0x1, v46;
	v39 =	vshrl.u32 v51, $0x5;
	v35 =	vmul.u32 $0x8313, v50  }
0x46: {  	v40 =	vld [tilespmem:$0x120];
	v36 =	vshrl.u32 v32, $0x5;
	v39 =	vmul.u32 $0x8313, v39;
	v34 =	vshrl.u32 v27, $0x16  }
0x47: {  	v26 =	vadd.s32 v26, v33;
	v27 =	vshrl.u32 v27, $0x17;
	v52 =	vmul.u32 $0x8313, v36  }
0x48: {  	v43 =	vld [tilespmem:$0x140];
	v50 =	vshrl.u32 v41, $0x5;
	v48 =	vmul.u32 $0xFFFFF060, v34;
	v26 =	vadd.s32 v47, v26  }
0x49: {  	v37 =	vld [tilespmem:$0x110];
	v49 =	vmul.u32 $0xFA0, v27;
	v22 =	vand.u32 $0x1, v34;
	v53 =	vshrl.u32 v35, $0x16  }
0x4a: {  	v54 =	vshrl.u32 v35, $0x17;
	v57 =	vshrl.u32 v39, $0x16;
	v59 =	vshrl.u32 v39, $0x17  }
0x4b: {  	v62 =	vshrl.u32 v40, $0x5;
	v34 =	vmul.u32 $0xFA0, v54;
	v55 =	vmul.u32 $0xFFFFF060, v53  }
0x4c: {  	v36 =	vshrl.u32 v52, $0x16;
	v28 =	vshrl.u32 v52, $0x17;
	v60 =	vmul.u32 $0xFFFFF060, v57  }
0x4d: {  	v42 =	vmul.u32 $0x8313, v62;
	v52 =	vshrl.u32 v43, $0x5;
	v30 =	vadd.s32 v30, v48  }
0x4e: {  	v38 =	vmul.u32 $0xFFFFF060, v36;
	v28 =	vmul.u32 $0xFA0, v28;
	v58 =	vshrl.u32 v37, $0x5  }
0x4f: {  	v27 =	vadd.s32 v49, v30;
	v31 =	vadd.s32 v31, v55;
	v61 =	vmul.u32 $0x8313, v58  }
0x50: {  	v30 =	vand.u32 $0x1, v36;
	v33 =	vadd.s32 v51, v60;
	v48 =	vshrl.u32 v42, $0x16  }
0x51: {  	v42 =	vshrl.u32 v42, $0x17;
	v51 =	vmul.u32 $0x8313, v50;
	v35 =	vadd.s32 v34, v31  }
0x52: {  	v31 =	vand.u32 $0x1, v53;
	v56 =	vadd.s32 v32, v38;
	v34 =	vmul.u32 $0xFA0, v59  }
0x53: {  	v32 =	vand.u32 $0x1, v57;
	v44 =	vmul.u32 $0xFFFFF060, v48;
	v49 =	vmul.u32 $0xFA0, v42  }
0x54: {  	v50 =	vld [tilespmem:$0x170];
	v53 =	vmul.u32 $0x8313, v52;
	v28 =	vadd.s32 v28, v56;
	v63 =	vshrl.u32 v61, $0x16  }
0x55: {  	v45 =	vld [tilespmem:$0x150];
	v46 =	vshrl.u32 v61, $0x17;
	v54 =	vshrl.u32 v51, $0x17;
	v36 =	vadd.s32 v34, v33  }
0x56: {  	v47 =	vmul.u32 $0xFFFFF060, v63;
	v33 =	vmul.u32 $0xFA0, v46;
	v40 =	vadd.s32 v40, v44  }
0x57: {  	v38 =	vand.u32 $0x1, v63;
	v46 =	vshrl.u32 v51, $0x16;
	v39 =	vmul.u32 $0xFA0, v54  }
0x58: {  	v44 =	vld [tilespmem:$0x160];
	v55 =	vmul.u32 $0xFFFFF060, v46;
	v34 =	vadd.s32 v37, v47;
	v47 =	vshrl.u32 v53, $0x16  }
0x59: {  	v54 =	vld [tilespmem:$0x190];
	v60 =	vshrl.u32 v50, $0x5;
	v37 =	vadd.s32 v33, v34;
	v34 =	vadd.s32 v49, v40  }
0x5a: {  	v33 =	vand.u32 $0x1, v48;
	v48 =	vshrl.u32 v45, $0x5;
	v40 =	vshrl.u32 v53, $0x17  }
0x5b: {  	v49 =	vmul.u32 $0xFFFFF060, v47;
	v41 =	vadd.s32 v41, v55;
	v63 =	vmul.u32 $0x8313, v60  }
0x5c: {  	[tilespmem:$0x410] =	vst v6;
	v6 =	vand.u32 $0x1, v47;
	v48 =	vmul.u32 $0x8313, v48;
	v56 =	vmul.u32 $0xFA0, v40  }
0x5d: {  	v40 =	vadd.s32 v39, v41;
	v41 =	vand.u32 $0x1, v46;
	v43 =	vadd.s32 v43, v49  }
0x5e: {  	[tilespmem:$0x420] =	vst v7;
	v57 =	vshrl.u32 v44, $0x5;
	v7 =	vshrl.u32 v54, $0x5;
	v49 =	vshrl.u32 v48, $0x16  }
0x5f: {  	v48 =	vshrl.u32 v48, $0x17;
	v52 =	vmul.u32 $0x8313, v57;
	v39 =	vadd.s32 v56, v43  }
0x60: {  	v53 =	vld [tilespmem:$0x180];
	v43 =	vshrl.u32 v63, $0x16;
	v51 =	vmul.u32 $0xFFFFF060, v49;
	v58 =	vmul.u32 $0xFA0, v48  }
0x61: {  	[tilespmem:$0x50] =	vst v11;
	v60 =	vmul.u32 $0xFFFFF060, v43;
	v11 =	vand.u32 $0x1, v43;
	v61 =	vshrl.u32 v52, $0x17  }
0x62: {  	v59 =	vadd.s32 v45, v51;
	v45 =	vshrl.u32 v52, $0x16;
	v57 =	vmul.u32 $0xFA0, v61  }
0x63: {  	[tilespmem:$0x400] =	vst v1;
	v55 =	vld [tilespmem:$0x1B0];
	v61 =	vadd.s32 v50, v60;
	v52 =	vmul.u32 $0x8313, v7;
	v7 =	vand.u32 $0x1, v49  }
0x64: {  	[tilespmem:$0x10] =	vst v4;
	v51 =	vld [tilespmem:$0x1A0];
	v62 =	vmul.u32 $0xFFFFF060, v45;
	v1 =	vadd.s32 v58, v59;
	v59 =	vshrl.u32 v63, $0x17  }
0x65: {  	[tilespmem:$0x20] =	vst v9;
	v58 =	vshrl.u32 v53, $0x5;
	v9 =	vand.u32 $0x1, v45;
	v4 =	vmul.u32 $0xFA0, v59  }
0x66: {  	[tilespmem:$0x0] =	vst v2;
	v42 =	vshrl.u32 v52, $0x16;
	v2 =	vadd.s32 v44, v62;
	v44 =	vmul.u32 $0x8313, v58  }
0x67: {  	[tilespmem:$0x480] =	vst v15;
	v58 =	vmul.u32 $0xFFFFF060, v42;
	v15 =	vand.u32 $0x1, v42;
	v2 =	vadd.s32 v57, v2  }
0x68: {  	[tilespmem:$0x430] =	vst v5;
	v4 =	vadd.s32 v4, v61;
	v57 =	vshrl.u32 v52, $0x17;
	v61 =	vshrl.u32 v55, $0x5  }
0x69: {  	[tilespmem:$0x40] =	vst v10;
	v46 =	vshrl.u32 v44, $0x16;
	v62 =	vshrl.u32 v44, $0x17;
	v56 =	vshrl.u32 v51, $0x5  }
0x6a: {  	[tilespmem:$0x450] =	vst v8;
	v8 =	vadd.s32 v54, v58;
	v10 =	vmul.u32 $0x8313, v61;
	v63 =	vmul.u32 $0xFFFFF060, v46  }
0x6b: {  	[tilespmem:$0x60] =	vst v13;
	v47 =	vld [tilespmem:$0x1D0];
	v5 =	vmul.u32 $0xFA0, v62;
	v59 =	vmul.u32 $0x8313, v56;
	v13 =	vand.u32 $0x1, v46  }
0x6c: {  	[tilespmem:$0x30] =	vst v3;
	v60 =	vld [tilespmem:$0x1C0];
	v43 =	vshrl.u32 v10, $0x16;
	v10 =	vshrl.u32 v10, $0x17;
	v3 =	vadd.s32 v53, v63  }
0x6d: {  	[tilespmem:$0x440] =	vst v16;
	v44 =	vld [tilespmem:$0x1F0];
	v16 =	vshrl.u32 v59, $0x16;
	v62 =	vshrl.u32 v59, $0x17;
	v52 =	vmul.u32 $0xFFFFF060, v43  }
0x6e: {  	[tilespmem:$0x70] =	vst v19;
	v10 =	vmul.u32 $0xFA0, v10;
	v3 =	vadd.s32 v5, v3;
	v5 =	vmul.u32 $0xFA0, v57  }
0x6f: {  	[tilespmem:$0x470] =	vst v17;
	v19 =	vand.u32 $0x1, v43;
	v63 =	vmul.u32 $0xFFFFF060, v16;
	v17 =	vand.u32 $0x1, v16  }
0x70: {  	v54 =	vadd.s32 v55, v52;
	v55 =	vshrl.u32 v47, $0x5;
	v5 =	vadd.s32 v5, v8  }
0x71: {  	[tilespmem:$0x460] =	vst v14;
	v8 =	vmul.u32 $0xFA0, v62;
	v50 =	vadd.s32 v51, v63;
	v51 =	vshrl.u32 v60, $0x5  }
0x72: {  	[tilespmem:$0x80] =	vst v12;
	v52 =	vshrl.u32 v44, $0x5;
	v58 =	vmul.u32 $0x8313, v55;
	v53 =	vmul.u32 $0x8313, v51  }
0x73: {  	[tilespmem:$0x4A0] =	vst v18;
	v10 =	vadd.s32 v10, v54;
	v18 =	vmul.u32 $0x8313, v52;
	v54 =	vld [tilespmem:$0x210];
	v8 =	vadd.s32 v8, v50  }
0x74: {  	[tilespmem:$0x490] =	vst v24;
	v45 =	vld [tilespmem:$0x1E0];
	v24 =	vshrl.u32 v58, $0x16;
	v61 =	vshrl.u32 v58, $0x17;
	v46 =	vshrl.u32 v53, $0x16  }
0x75: {  	[tilespmem:$0x4B0] =	vst v25;
	v48 =	vld [tilespmem:$0x200];
	v56 =	vshrl.u32 v53, $0x17;
	v62 =	vmul.u32 $0xFFFFF060, v24;
	v49 =	vmul.u32 $0xFA0, v61  }
0x76: {  	[tilespmem:$0xB0] =	vst v23;
	v24 =	vand.u32 $0x1, v24;
	v57 =	vmul.u32 $0xFFFFF060, v46;
	v12 =	vmul.u32 $0xFA0, v56  }
0x77: {  	[tilespmem:$0x90] =	vst v21;
	v56 =	vshrl.u32 v18, $0x16;
	v18 =	vshrl.u32 v18, $0x17;
	v50 =	vadd.s32 v47, v62  }
0x78: {  	[tilespmem:$0xA0] =	vst v20;
	v58 =	vmul.u32 $0xFFFFF060, v56;
	v18 =	vmul.u32 $0xFA0, v18;
	v62 =	vshrl.u32 v54, $0x5  }
0x79: {  	[tilespmem:$0x4C0] =	vst v26;
	v26 =	vand.u32 $0x1, v56;
	v59 =	vadd.s32 v60, v57;
	v60 =	vshrl.u32 v45, $0x5  }
0x7a: {  	[tilespmem:$0x4D0] =	vst v27;
	v14 =	vadd.s32 v49, v50;
	v57 =	vshrl.u32 v48, $0x5;
	v27 =	vmul.u32 $0x8313, v62  }
0x7b: {  	[tilespmem:$0xC0] =	vst v29;
	v63 =	vmul.u32 $0x8313, v60;
	v12 =	vadd.s32 v12, v59;
	v61 =	vadd.s32 v44, v58  }
0x7c: {  	[tilespmem:$0xD0] =	vst v22;
	v59 =	vmul.u32 $0x8313, v57;
	v44 =	vld [tilespmem:$0x230];
	v18 =	vadd.s32 v18, v61;
	v47 =	vshrl.u32 v27, $0x16  }
0x7d: {  	[tilespmem:$0xF0] =	vst v30;
	v27 =	vshrl.u32 v27, $0x17;
	v51 =	vshrl.u32 v63, $0x16;
	v21 =	vshrl.u32 v63, $0x17  }
0x7e: {  	[tilespmem:$0x550] =	vst v1;
	v50 =	vld [tilespmem:$0x240];
	v29 =	vshrl.u32 v59, $0x17;
	v49 =	vmul.u32 $0xFFFFF060, v47;
	v1 =	vand.u32 $0x1, v47  }
0x7f: {  	[tilespmem:$0x4E0] =	vst v35;
	v53 =	vmul.u32 $0xFFFFF060, v51;
	v55 =	vmul.u32 $0xFA0, v21;
	v21 =	vand.u32 $0x1, v46  }
0x80: {  	[tilespmem:$0x100] =	vst v32;
	v60 =	vld [tilespmem:$0x220];
	v32 =	vand.u32 $0x1, v51;
	v51 =	vmul.u32 $0xFA0, v27;
	v25 =	vadd.s32 v54, v49  }
0x81: {  	[tilespmem:$0xE0] =	vst v31;
	v23 =	vadd.s32 v45, v53;
	v45 =	vmul.u32 $0xFA0, v29;
	v53 =	vshrl.u32 v44, $0x5  }
0x82: {  	[tilespmem:$0x4F0] =	vst v28;
	v43 =	vld [tilespmem:$0x270];
	v16 =	vadd.s32 v55, v23;
	v23 =	vshrl.u32 v59, $0x16;
	v28 =	vmul.u32 $0x8313, v53  }
0x83: {  	[tilespmem:$0x500] =	vst v36;
	v61 =	vld [tilespmem:$0x260];
	v22 =	vadd.s32 v51, v25;
	v59 =	vshrl.u32 v50, $0x5;
	v63 =	vmul.u32 $0xFFFFF060, v23  }
0x84: {  	[tilespmem:$0x120] =	vst v33;
	v55 =	vld [tilespmem:$0x250];
	v33 =	vmul.u32 $0x8313, v59;
	v23 =	vand.u32 $0x1, v23;
	v58 =	vshrl.u32 v28, $0x16  }
0x85: {  	[tilespmem:$0x110] =	vst v38;
	v28 =	vshrl.u32 v28, $0x17;
	v46 =	vadd.s32 v48, v63;
	v48 =	vshrl.u32 v60, $0x5  }
0x86: {  	[tilespmem:$0x140] =	vst v6;
	v28 =	vmul.u32 $0xFA0, v28;
	v63 =	vshrl.u32 v33, $0x16;
	v6 =	vshrl.u32 v33, $0x17  }
0x87: {  	[tilespmem:$0x580] =	vst v3;
	v3 =	vand.u32 $0x1, v58;
	v30 =	vmul.u32 $0x8313, v48;
	v20 =	vadd.s32 v45, v46  }
0x88: {  	[tilespmem:$0x130] =	vst v41;
	v42 =	vmul.u32 $0xFFFFF060, v63;
	v6 =	vmul.u32 $0xFA0, v6;
	v45 =	vshrl.u32 v61, $0x5  }
0x89: {  	[tilespmem:$0x190] =	vst v15;
	v48 =	vshrl.u32 v43, $0x5;
	v15 =	vand.u32 $0x1, v63;
	v41 =	vshrl.u32 v55, $0x5  }
0x8a: {  	[tilespmem:$0x150] =	vst v7;
	v27 =	vmul.u32 $0x8313, v48;
	v52 =	vshrl.u32 v30, $0x16;
	v30 =	vshrl.u32 v30, $0x17  }
0x8b: {  	[tilespmem:$0x160] =	vst v9;
	v47 =	vld [tilespmem:$0x280];
	v35 =	vmul.u32 $0x8313, v41;
	v7 =	vadd.s32 v50, v42;
	v54 =	vmul.u32 $0xFFFFF060, v52  }
0x8c: {  	[tilespmem:$0x560] =	vst v2;
	v51 =	vld [tilespmem:$0x290];
	v56 =	vmul.u32 $0xFA0, v30;
	v30 =	vmul.u32 $0x8313, v45;
	v9 =	vand.u32 $0x1, v52  }
0x8d: {  	[tilespmem:$0x590] =	vst v5;
	v6 =	vadd.s32 v6, v7;
	v53 =	vshrl.u32 v27, $0x16;
	v5 =	vshrl.u32 v27, $0x17  }
0x8e: {  	[tilespmem:$0x180] =	vst v13;
	v2 =	vshrl.u32 v35, $0x17;
	v5 =	vmul.u32 $0xFA0, v5;
	v13 =	vand.u32 $0x1, v53  }
0x8f: {  	[tilespmem:$0x510] =	vst v37;
	v57 =	vadd.s32 v60, v54;
	v60 =	vmul.u32 $0xFFFFF060, v58;
	v2 =	vmul.u32 $0xFA0, v2  }
0x90: {  	[tilespmem:$0x520] =	vst v34;
	v7 =	vshrl.u32 v30, $0x16;
	v49 =	vshrl.u32 v30, $0x17;
	v54 =	vshrl.u32 v47, $0x5  }
0x91: {  	[tilespmem:$0x530] =	vst v40;
	v58 =	vshrl.u32 v51, $0x5;
	v25 =	vadd.s32 v56, v57;
	v50 =	vmul.u32 $0xFFFFF060, v7  }
0x92: {  	[tilespmem:$0x540] =	vst v39;
	v30 =	vmul.u32 $0x8313, v54;
	v27 =	vmul.u32 $0x8313, v58;
	v62 =	vadd.s32 v44, v60  }
0x93: {  	[tilespmem:$0x170] =	vst v11;
	v7 =	vand.u32 $0x1, v7;
	v44 =	vshrl.u32 v35, $0x16;
	v28 =	vadd.s32 v28, v62  }
0x94: {  	[tilespmem:$0x570] =	vst v4;
	v56 =	vld [tilespmem:$0x2A0];
	v46 =	vmul.u32 $0xFFFFF060, v44;
	v52 =	vadd.s32 v61, v50;
	v57 =	vshrl.u32 v30, $0x16  }
0x95: {  	v38 =	vld [tilespmem:$0x2C0];
	[tilespmem:$0x5B0] =	vst v10;
	v59 =	vshrl.u32 v30, $0x17;
	v10 =	vand.u32 $0x1, v44;
	v63 =	vshrl.u32 v27, $0x16  }
0x96: {  	[tilespmem:$0x1B0] =	vst v19;
	v36 =	vshrl.u32 v27, $0x17;
	v60 =	vmul.u32 $0xFFFFF060, v57;
	v37 =	vmul.u32 $0xFFFFF060, v63  }
0x97: {  	[tilespmem:$0x5C0] =	vst v12;
	v61 =	vld [tilespmem:$0x2B0];
	v12 =	vmul.u32 $0xFA0, v36;
	v11 =	vand.u32 $0x1, v57;
	v4 =	vadd.s32 v55, v46  }
0x98: {  	[tilespmem:$0x1A0] =	vst v17;
	v50 =	vld [tilespmem:$0x2E0];
	v19 =	vand.u32 $0x1, v63;
	v55 =	vmul.u32 $0xFFFFF060, v53;
	v2 =	vadd.s32 v2, v4  }
0x99: {  	[tilespmem:$0x5A0] =	vst v8;
	v4 =	vmul.u32 $0xFA0, v49;
	v62 =	vadd.s32 v47, v60;
	v35 =	vshrl.u32 v56, $0x5  }
0x9a: {  	[tilespmem:$0x1D0] =	vst v24;
	v36 =	vld [tilespmem:$0x310];
	v39 =	vadd.s32 v51, v37;
	v47 =	vshrl.u32 v38, $0x5;
	v8 =	vadd.s32 v43, v55  }
0x9b: {  	[tilespmem:$0x1F0] =	vst v26;
	v29 =	vmul.u32 $0x8313, v35;
	v12 =	vadd.s32 v12, v39;
	v27 =	vmul.u32 $0x8313, v47  }
0x9c: {  	[tilespmem:$0x5D0] =	vst v14;
	v4 =	vadd.s32 v4, v52;
	v5 =	vadd.s32 v5, v8;
	v8 =	vmul.u32 $0xFA0, v59  }
0x9d: {  	[tilespmem:$0x5F0] =	vst v18;
	v40 =	vshrl.u32 v61, $0x5;
	v60 =	vshrl.u32 v50, $0x5;
	v17 =	vshrl.u32 v29, $0x16  }
0x9e: {  	[tilespmem:$0x1C0] =	vst v21;
	v41 =	vshrl.u32 v29, $0x17;
	v21 =	vmul.u32 $0x8313, v40;
	v53 =	vshrl.u32 v27, $0x16  }
0x9f: {  	[tilespmem:$0x200] =	vst v23;
	v43 =	vld [tilespmem:$0x2D0];
	v23 =	vmul.u32 $0x8313, v60;
	v47 =	vshrl.u32 v36, $0x5;
	v8 =	vadd.s32 v8, v62  }
0xa0: {  	v55 =	vld [tilespmem:$0x2F0];
	[tilespmem:$0x650] =	vst v2;
	v42 =	vmul.u32 $0xFFFFF060, v17;
	v44 =	vmul.u32 $0xFA0, v41;
	v57 =	vmul.u32 $0xFFFFF060, v53  }
0xa1: {  	[tilespmem:$0x670] =	vst v5;
	v2 =	vand.u32 $0x1, v17;
	v5 =	vand.u32 $0x1, v53;
	v46 =	vshrl.u32 v21, $0x16  }
0xa2: {  	[tilespmem:$0x210] =	vst v1;
	v48 =	vshrl.u32 v21, $0x17;
	v33 =	vshrl.u32 v23, $0x16;
	v34 =	vshrl.u32 v23, $0x17  }
0xa3: {  	[tilespmem:$0x1E0] =	vst v32;
	v45 =	vadd.s32 v56, v42;
	v49 =	vmul.u32 $0xFFFFF060, v46;
	v51 =	vmul.u32 $0xFA0, v48  }
0xa4: {  	[tilespmem:$0x610] =	vst v22;
	v60 =	vld [tilespmem:$0x350];
	v54 =	vshrl.u32 v43, $0x5;
	v56 =	vshrl.u32 v27, $0x17;
	v1 =	vadd.s32 v38, v57  }
0xa5: {  	[tilespmem:$0x640] =	vst v6;
	v30 =	vshrl.u32 v55, $0x5;
	v35 =	vmul.u32 $0xFFFFF060, v33;
	v6 =	vmul.u32 $0xFA0, v34  }
0xa6: {  	[tilespmem:$0x5E0] =	vst v16;
	v41 =	vand.u32 $0x1, v46;
	v48 =	vmul.u32 $0x8313, v47;
	v14 =	vadd.s32 v44, v45  }
0xa7: {  	[tilespmem:$0x230] =	vst v3;
	v21 =	vmul.u32 $0x8313, v54;
	v58 =	vmul.u32 $0xFA0, v56;
	v18 =	vmul.u32 $0x8313, v30  }
0xa8: {  	[tilespmem:$0x600] =	vst v20;
	v56 =	vand.u32 $0x1, v33;
	v52 =	vadd.s32 v61, v49;
	v39 =	vadd.s32 v50, v35  }
0xa9: {  	[tilespmem:$0x680] =	vst v8;
	v8 =	vshrl.u32 v48, $0x17;
	v30 =	vshrl.u32 v60, $0x5;
	v16 =	vadd.s32 v51, v52  }
0xaa: {  	[tilespmem:$0x240] =	vst v15;
	v59 =	vshrl.u32 v21, $0x16;
	v21 =	vshrl.u32 v21, $0x17;
	v1 =	vadd.s32 v58, v1  }
0xab: {  	[tilespmem:$0x220] =	vst v9;
	v45 =	vld [tilespmem:$0x320];
	v37 =	vshrl.u32 v18, $0x16;
	v6 =	vadd.s32 v6, v39;
	v42 =	vshrl.u32 v18, $0x17  }
0xac: {  	[tilespmem:$0x270] =	vst v13;
	v52 =	vshrl.u32 v48, $0x16;
	v8 =	vmul.u32 $0xFA0, v8;
	v62 =	vmul.u32 $0xFFFFF060, v59  }
0xad: {  	[tilespmem:$0x260] =	vst v7;
	v61 =	vld [tilespmem:$0x300];
	v63 =	vmul.u32 $0xFA0, v21;
	v40 =	vmul.u32 $0xFFFFF060, v37;
	v7 =	vmul.u32 $0xFA0, v42  }
0xae: {  	[tilespmem:$0x620] =	vst v25;
	v49 =	vand.u32 $0x1, v59;
	v53 =	vmul.u32 $0xFFFFF060, v52;
	v9 =	vand.u32 $0x1, v37  }
0xaf: {  	[tilespmem:$0x2A0] =	vst v2;
	v51 =	vld [tilespmem:$0x330];
	v2 =	vand.u32 $0x1, v52;
	v21 =	vmul.u32 $0x8313, v30;
	v32 =	vadd.s32 v43, v62  }
0xb0: {  	[tilespmem:$0x250] =	vst v10;
	v43 =	vadd.s32 v55, v40;
	v54 =	vshrl.u32 v45, $0x5;
	v10 =	vadd.s32 v36, v53  }
0xb1: {  	[tilespmem:$0x6E0] =	vst v6;
	v34 =	vshrl.u32 v21, $0x16;
	v6 =	vshrl.u32 v21, $0x17;
	v3 =	vadd.s32 v63, v32  }
0xb2: {  	[tilespmem:$0x630] =	vst v28;
	v38 =	vshrl.u32 v61, $0x5;
	v7 =	vadd.s32 v7, v43;
	v15 =	vmul.u32 $0x8313, v54  }
0xb3: {  	[tilespmem:$0x280] =	vst v11;
	v55 =	vld [tilespmem:$0x340];
	v8 =	vadd.s32 v8, v10;
	v35 =	vmul.u32 $0xFFFFF060, v34;
	v28 =	vmul.u32 $0x8313, v38  }
0xb4: {  	[tilespmem:$0x290] =	vst v19;
	v6 =	vmul.u32 $0xFA0, v6;
	v59 =	vshrl.u32 v51, $0x5;
	v58 =	vshrl.u32 v15, $0x16  }
0xb5: {  	[tilespmem:$0x660] =	vst v4;
	v32 =	vld [tilespmem:$0x370];
	v18 =	vmul.u32 $0x8313, v59;
	v40 =	vadd.s32 v60, v35;
	v44 =	vshrl.u32 v28, $0x16  }
0xb6: {  	[tilespmem:$0x6D0] =	vst v3;
	v4 =	vshrl.u32 v28, $0x17;
	v62 =	vmul.u32 $0xFFFFF060, v58;
	v3 =	vand.u32 $0x1, v58  }
0xb7: {  	[tilespmem:$0x690] =	vst v12;
	v37 =	vld [tilespmem:$0x380];
	v6 =	vadd.s32 v6, v40;
	v46 =	vmul.u32 $0xFFFFF060, v44;
	v4 =	vmul.u32 $0xFA0, v4  }
0xb8: {  	[tilespmem:$0x2E0] =	vst v56;
	v56 =	vld [tilespmem:$0x3C0];
	v57 =	vand.u32 $0x1, v44;
	v23 =	vshrl.u32 v55, $0x5;
	v25 =	vshrl.u32 v18, $0x16  }
0xb9: {  	[tilespmem:$0x6A0] =	vst v14;
	v43 =	vld [tilespmem:$0x390];
	v26 =	vshrl.u32 v18, $0x17;
	v14 =	vmul.u32 $0x8313, v23;
	v27 =	vmul.u32 $0xFFFFF060, v25  }
0xba: {  	[tilespmem:$0x6C0] =	vst v1;
	v1 =	vmul.u32 $0xFA0, v26;
	v38 =	vand.u32 $0x1, v25;
	v42 =	vshrl.u32 v32, $0x5  }
0xbb: {  	[tilespmem:$0x2C0] =	vst v5;
	v28 =	vld [tilespmem:$0x360];
	v50 =	vadd.s32 v61, v46;
	v61 =	vshrl.u32 v15, $0x17;
	v15 =	vadd.s32 v45, v62  }
0xbc: {  	[tilespmem:$0x2B0] =	vst v41;
	v45 =	vand.u32 $0x1, v34;
	v46 =	vshrl.u32 v37, $0x5;
	v4 =	vadd.s32 v4, v50  }
0xbd: {  	[tilespmem:$0x6B0] =	vst v16;
	v63 =	vmul.u32 $0xFA0, v61;
	v29 =	vshrl.u32 v14, $0x16;
	v5 =	vadd.s32 v51, v27  }
0xbe: {  	v48 =	vld [tilespmem:$0x3A0];
	[tilespmem:$0x2D0] =	vst v49;
	v17 =	vmul.u32 $0x8313, v46;
	v50 =	vshrl.u32 v43, $0x5;
	v61 =	vshrl.u32 v56, $0x5  }
0xbf: {  	[tilespmem:$0x2F0] =	vst v9;
	v31 =	vmul.u32 $0xFFFFF060, v29;
	v1 =	vadd.s32 v1, v5;
	v5 =	vshrl.u32 v14, $0x17  }
0xc0: {  	[tilespmem:$0x6F0] =	vst v7;
	v36 =	vshrl.u32 v28, $0x5;
	v7 =	vand.u32 $0x1, v29;
	v14 =	vmul.u32 $0x8313, v42  }
0xc1: {  	[tilespmem:$0x310] =	vst v2;
	v52 =	vmul.u32 $0x8313, v50;
	v13 =	vadd.s32 v63, v15;
	v5 =	vmul.u32 $0xFA0, v5  }
0xc2: {  	[tilespmem:$0x710] =	vst v8;
	v39 =	vmul.u32 $0x8313, v36;
	v49 =	vshrl.u32 v17, $0x16;
	v33 =	vadd.s32 v55, v31  }
0xc3: {  	[tilespmem:$0x750] =	vst v6;
	v47 =	vshrl.u32 v14, $0x16;
	v53 =	vshrl.u32 v52, $0x16;
	v55 =	vshrl.u32 v48, $0x5  }
0xc4: {  	v51 =	vld [tilespmem:$0x3B0];
	[tilespmem:$0x700] =	vst v4;
	v5 =	vadd.s32 v5, v33;
	v41 =	vshrl.u32 v39, $0x16;
	v4 =	vshrl.u32 v39, $0x17  }
0xc5: {  	[tilespmem:$0x340] =	vst v7;
	v54 =	vmul.u32 $0xFFFFF060, v53;
	v7 =	vmul.u32 $0x8313, v55;
	v44 =	vmul.u32 $0xFFFFF060, v41  }
0xc6: {  	v6 =	vand.u32 $0x1, v47;
	v4 =	vmul.u32 $0xFA0, v4;
	[tilespmem:$0x740] =	vst v5;
	v5 =	vshrl.u32 v52, $0x17  }
0xc7: {  	[tilespmem:$0x730] =	vst v1;
	v1 =	vand.u32 $0x1, v41;
	v5 =	vmul.u32 $0xFA0, v5;
	v8 =	vadd.s32 v28, v44  }
0xc8: {  	[tilespmem:$0x320] =	vst v3;
	v2 =	vadd.s32 v4, v8;
	v4 =	vshrl.u32 v14, $0x17;
	v8 =	vmul.u32 $0xFFFFF060, v47  }
0xc9: {  	[tilespmem:$0x300] =	vst v57;
	v57 =	vshrl.u32 v51, $0x5;
	v10 =	vadd.s32 v43, v54;
	v4 =	vmul.u32 $0xFA0, v4  }
0xca: {  	[tilespmem:$0x330] =	vst v38;
	v11 =	vmul.u32 $0x8313, v57;
	v5 =	vadd.s32 v5, v10;
	v3 =	vadd.s32 v32, v8  }
0xcb: {  	[tilespmem:$0x350] =	vst v45;
	v8 =	vmul.u32 $0xFFFFF060, v49;
	v3 =	vadd.s32 v4, v3;
	v4 =	vshrl.u32 v17, $0x17  }
0xcc: {  	[tilespmem:$0x360] =	vst v1;
	v58 =	vshrl.u32 v11, $0x16;
	v1 =	vshrl.u32 v11, $0x17;
	v4 =	vmul.u32 $0xFA0, v4  }
0xcd: {  	v59 =	vld [tilespmem:$0x3D0];
	[tilespmem:$0x760] =	vst v2;
	v2 =	vshrl.u32 v7, $0x17;
	v60 =	vmul.u32 $0xFFFFF060, v58;
	v8 =	vadd.s32 v37, v8  }
0xce: {  	[tilespmem:$0x770] =	vst v3;
	v3 =	vmul.u32 $0x8313, v61;
	v4 =	vadd.s32 v4, v8;
	v8 =	vshrl.u32 v7, $0x16  }
0xcf: {  	v1 =	vmul.u32 $0xFA0, v1;
	[tilespmem:$0x790] =	vst v5;
	v5 =	vand.u32 $0x1, v53;
	v7 =	vmul.u32 $0xFFFFF060, v8  }
0xd0: {  	v62 =	vld [tilespmem:$0x3E0];
	v2 =	vmul.u32 $0xFA0, v2;
	v11 =	vadd.s32 v51, v60;
	[tilespmem:$0x780] =	vst v4;
	v4 =	vshrl.u32 v3, $0x16  }
0xd1: {  	[tilespmem:$0x370] =	vst v6;
	v3 =	vshrl.u32 v3, $0x17;
	v6 =	vadd.s32 v48, v7;
	v7 =	vand.u32 $0x1, v49  }
0xd2: {  	v63 =	vld [tilespmem:$0x3F0];
	v2 =	vadd.s32 v2, v6;
	[tilespmem:$0x380] =	vst v7;
	v6 =	vmul.u32 $0xFFFFF060, v4;
	v7 =	vshrl.u32 v59, $0x5  }
0xd3: {  	[tilespmem:$0x390] =	vst v5;
	v1 =	vadd.s32 v1, v11;
	v3 =	vmul.u32 $0xFA0, v3;
	v7 =	vmul.u32 $0x8313, v7  }
0xd4: {  	[tilespmem:$0x7B0] =	vst v1;
	v1 =	vand.u32 $0x1, v4;
	v5 =	vadd.s32 v56, v6;
	v6 =	vand.u32 $0x1, v8  }
0xd5: {  	[tilespmem:$0x7A0] =	vst v2;
	v2 =	vadd.s32 v3, v5;
	v3 =	vshrl.u32 v7, $0x16;
	v5 =	vshrl.u32 v62, $0x5  }
0xd6: {  	[tilespmem:$0x3A0] =	vst v6;
	v6 =	vshrl.u32 v7, $0x17;
	v7 =	vmul.u32 $0xFFFFF060, v3;
	v5 =	vmul.u32 $0x8313, v5  }
0xd7: {  	[tilespmem:$0x720] =	vst v13;
	v8 =	vand.u32 $0x1, v58;
	v4 =	vmul.u32 $0xFA0, v6;
	v6 =	vshrl.u32 v63, $0x5  }
0xd8: {  	[tilespmem:$0x3B0] =	vst v8;
	v6 =	vmul.u32 $0x8313, v6;
	v7 =	vadd.s32 v59, v7;
	v8 =	vshrl.u32 v5, $0x16  }
0xd9: {  	[tilespmem:$0x7C0] =	vst v2;
	v2 =	vadd.s32 v4, v7;
	v4 =	vshrl.u32 v5, $0x17;
	v5 =	vmul.u32 $0xFFFFF060, v8  }
0xda: {  	[tilespmem:$0x3C0] =	vst v1;
	v1 =	vand.u32 $0x1, v3;
	v3 =	vmul.u32 $0xFA0, v4;
	v4 =	vshrl.u32 v6, $0x16  }
0xdb: {  	[tilespmem:$0x7D0] =	vst v2;
	v2 =	vadd.s32 v62, v5;
	v5 =	vshrl.u32 v6, $0x17;
	v6 =	vmul.u32 $0xFFFFF060, v4  }
0xdc: {  	[tilespmem:$0x3D0] =	vst v1;
	v1 =	vadd.s32 v3, v2;
	v2 =	vmul.u32 $0xFA0, v5  }
0xdd: {  	[tilespmem:$0x7E0] =	vst v1;
	v1 =	vand.u32 $0x1, v8;
	v3 =	vadd.s32 v63, v6  }
0xde: {  	[tilespmem:$0x3E0] =	vst v1;
	v1 =	vadd.s32 v2, v3  }
0xdf: {  	[tilespmem:$0x7F0] =	vst v1;
	v1 =	vand.u32 $0x1, v4  }
0xe0: {  	s15 =	simm.s32 $0x400;
	s14 =	simm.s32 $0x800;
	[tilespmem:$0x3F0] =	vst v1  }
0xe1: {  	[tilespmem:s14], [sflag:$0x1] =	stream.indirect.gather [hbm4b:s4+s9], $0x80, s15, s9, $0xb8;
	[tilespmem:$0x1C800] =	vst v63  }
0xe2: {  	s14 =	simm.s32 $0x480;
	s15 =	simm.s32 $0x2400  }
0xe3: {  	[tilespmem:s15], [sflag:$0x1] =	stream.indirect.gather [hbm4b:s4+s9], $0x80, s14, s9, $0xb8;
	[tilespmem:$0x1C800] =	vst v63  }
0xe4: {  	s14 =	simm.s32 $0x500;
	s15 =	simm.s32 $0x4000  }
0xe5: {  	[tilespmem:s15], [sflag:$0x1] =	stream.indirect.gather [hbm4b:s4+s9], $0x80, s14, s9, $0xb8;
	[tilespmem:$0x1C800] =	vst v63  }
0xe6: {  	_ = 	snop  }
0xe7: {  	[tilespmem:s17], [sflag:$0x1] =	stream.indirect.gather [hbm4b:s4+s9], $0x80, s16, s9, $0xb8;
	[tilespmem:$0x1C800] =	vst v63  }
0xe8: {  	_ = 	snop  }
0xe9: {  	[tilespmem:s19], [sflag:$0x1] =	stream.indirect.gather [hbm4b:s4+s9], $0x80, s18, s9, $0xb8;
	[tilespmem:$0x1C800] =	vst v63  }
0xea: {  	_ = 	snop  }
0xeb: {  	[tilespmem:s21], [sflag:$0x1] =	stream.indirect.gather [hbm4b:s4+s9], $0x80, s20, s9, $0xb8;
	[tilespmem:$0x1C800] =	vst v63  }
0xec: {  	_ = 	snop  }
0xed: {  	[tilespmem:s23], [sflag:$0x1] =	stream.indirect.gather [hbm4b:s4+s9], $0x80, s22, s9, $0xb8;
	[tilespmem:$0x1C800] =	vst v63  }
0xee: {  	_ = 	snop  }
0xef: {  	[tilespmem:s25], [sflag:$0x1] =	stream.indirect.gather [hbm4b:s4+s9], $0x80, s24, s9, $0xb8;
	[tilespmem:$0x1C800] =	vst v63  }
0xf0: {  	_ =	swait.ge [sflag:s26], $0x1900  }
0xf1: {  	[sflag:s26] =	ssyncset.done $0x0  }
0xf2: {  	s13 =	simm.s32 $0x0;
	[sflag:s26] =	ssyncadd.s32 $0xFFFFE700  }
0xf3: {  	v1 =	vld [tilespmem:s13+$0x800]  }
0xf4: {  	v4 =	vld [tilespmem:s13+$0x840]  }
0xf5: {  	v2 =	vld [tilespmem:s13+$0x810]  }
0xf6: {  	v5 =	vld [tilespmem:s13+$0x850]  }
0xf7: {  	v3 =	vld [tilespmem:s13+$0x820]  }
0xf8: {  	s14 =	simm.s32 $0x200;
	v6 =	vld [tilespmem:s12+$0x0]  }
.LBB2_3:
0xf9: {  	p0 =	sne.s32 s14, $0x6200;
	v7 =	vld [tilespmem:s13+$0x860]  }
0xfa: {  	v8 =	vld [tilespmem:s13+$0x830]  }
0xfb: {  	v9 =	vld [tilespmem:s13+$0x870];
	_ =	sdelay $0x1  }
0xfc: {  	v6 =	vperm.xlane v6, v0;
	_ =	sdelay $0x1  }
0xfd: {  	v4 =	vsub.f32 v4, v1;
	v5 =	vsub.f32 v5, v2;
	v6 =	vcvt.s32.f32 v6  }
0xfe: {  	v7 =	vsub.f32 v7, v3;
	v9 =	vsub.f32 v9, v8  }
0xff: {  	v4 =	vmul.f32 v6, v4;
	v5 =	vmul.f32 v6, v5  }
0x100: {  	v7 =	vmul.f32 v6, v7;
	v6 =	vmul.f32 v6, v9  }
0x101: {  	s15 =	sshra.s32 s14, $0x2;
	v9 =	vadd.f32 v4, v1;
	v5 =	vadd.f32 v5, v2  }
0x102: {  	v3 =	vadd.f32 v7, v3;
	v1 =	vld [tilespmem:s15+$0x800];
	v6 =	vadd.f32 v6, v8  }
.Ltmp0:
0x103: {  	v4 =	vld [tilespmem:s15+$0x840];
	[tilespmem:s13+$0xE800] =	vst v9;
	(pc) =	sbr.rel @p0 .LBB2_3-.Ltmp0, $4  }
0x104: {  	v2 =	vld [tilespmem:s15+$0x810];
	[tilespmem:s13+$0xE810] =	vst v5  }
0x105: {  	v5 =	vld [tilespmem:s15+$0x850];
	[tilespmem:s13+$0xE820] =	vst v3  }
0x106: {  	s12 =	sadd.s32 $0x1, s12;
	v3 =	vld [tilespmem:s15+$0x820];
	[tilespmem:s13+$0xE830] =	vst v6;
	s13 =	smov.u32 s15  }
0x107: {  	s14 =	sadd.s32 $0x200, s14;
	v6 =	vld [tilespmem:s12+$0x0]  }
0x108: {  	_ =	sdelay $0x1  }
0x109: {  	v7 =	vld [tilespmem:s13+$0x860]  }
0x10a: {  	v8 =	vld [tilespmem:s13+$0x830]  }
0x10b: {  	v9 =	vld [tilespmem:s13+$0x870];
	v6 =	vperm.xlane v6, v0;
	_ =	sdelay $0x1  }
0x10c: {  	v4 =	vsub.f32 v4, v1;
	v6 =	vcvt.s32.f32 v6  }
0x10d: {  	v5 =	vsub.f32 v5, v2  }
0x10e: {  	v7 =	vsub.f32 v7, v3;
	v4 =	vmul.f32 v6, v4  }
0x10f: {  	v9 =	vsub.f32 v9, v8;
	v5 =	vmul.f32 v6, v5  }
0x110: {  	v7 =	vmul.f32 v6, v7;
	v1 =	vadd.f32 v4, v1  }
0x111: {  	v4 =	vmul.f32 v6, v9;
	v2 =	vadd.f32 v5, v2  }
0x112: {  	v3 =	vadd.f32 v7, v3;
	[tilespmem:s13+$0xE800] =	vst v1  }
0x113: {  	v1 =	vadd.f32 v4, v8;
	[tilespmem:s13+$0xE810] =	vst v2  }
0x114: {  	[tilespmem:s13+$0xE820] =	vst v3  }
0x115: {  	[tilespmem:s13+$0xE830] =	vst v1  }
0x116: {  	_ =	swait.ge [sflag:s26], $0x1900  }
0x117: {  	[sflag:s26] =	ssyncset.done $0x0  }
0x118: {  	s12 =	simm.s32 $0x0;
	[sflag:s26] =	ssyncadd.s32 $0xFFFFE700  }
0x119: {  	v1 =	vld [tilespmem:s12+$0x2400]  }
0x11a: {  	v4 =	vld [tilespmem:s12+$0x2440]  }
0x11b: {  	v2 =	vld [tilespmem:s12+$0x2410]  }
0x11c: {  	v5 =	vld [tilespmem:s12+$0x2450]  }
0x11d: {  	s13 =	simm.s32 $0x80;
	v3 =	vld [tilespmem:s12+$0x2420]  }
0x11e: {  	s14 =	simm.s32 $0x200;
	v6 =	vld [tilespmem:s13+$0x0]  }
.LBB2_5:
0x11f: {  	p0 =	sne.s32 s14, $0x6200;
	v7 =	vld [tilespmem:s12+$0x2460]  }
0x120: {  	v8 =	vld [tilespmem:s12+$0x2430]  }
0x121: {  	v9 =	vld [tilespmem:s12+$0x2470];
	_ =	sdelay $0x1  }
0x122: {  	v6 =	vperm.xlane v6, v0;
	_ =	sdelay $0x1  }
0x123: {  	v4 =	vsub.f32 v4, v1;
	v5 =	vsub.f32 v5, v2;
	v6 =	vcvt.s32.f32 v6  }
0x124: {  	v7 =	vsub.f32 v7, v3;
	v9 =	vsub.f32 v9, v8  }
0x125: {  	v4 =	vmul.f32 v6, v4;
	v5 =	vmul.f32 v6, v5  }
0x126: {  	v7 =	vmul.f32 v6, v7;
	v6 =	vmul.f32 v6, v9  }
0x127: {  	s15 =	sshra.s32 s14, $0x2;
	v9 =	vadd.f32 v4, v1;
	v5 =	vadd.f32 v5, v2  }
0x128: {  	v3 =	vadd.f32 v7, v3;
	v1 =	vld [tilespmem:s15+$0x2400];
	v6 =	vadd.f32 v6, v8  }
.Ltmp1:
0x129: {  	v4 =	vld [tilespmem:s15+$0x2440];
	[tilespmem:s12+$0x10400] =	vst v9;
	(pc) =	sbr.rel @p0 .LBB2_5-.Ltmp1, $4  }
0x12a: {  	v2 =	vld [tilespmem:s15+$0x2410];
	[tilespmem:s12+$0x10410] =	vst v5  }
0x12b: {  	v5 =	vld [tilespmem:s15+$0x2450];
	[tilespmem:s12+$0x10420] =	vst v3  }
0x12c: {  	s13 =	sadd.s32 $0x1, s13;
	v3 =	vld [tilespmem:s15+$0x2420];
	[tilespmem:s12+$0x10430] =	vst v6;
	s12 =	smov.u32 s15  }
0x12d: {  	s14 =	sadd.s32 $0x200, s14;
	v6 =	vld [tilespmem:s13+$0x0]  }
0x12e: {  	_ =	sdelay $0x1  }
0x12f: {  	v7 =	vld [tilespmem:s12+$0x2460]  }
0x130: {  	v8 =	vld [tilespmem:s12+$0x2430]  }
0x131: {  	v9 =	vld [tilespmem:s12+$0x2470];
	v6 =	vperm.xlane v6, v0;
	_ =	sdelay $0x1  }
0x132: {  	v4 =	vsub.f32 v4, v1;
	v6 =	vcvt.s32.f32 v6  }
0x133: {  	v5 =	vsub.f32 v5, v2  }
0x134: {  	v7 =	vsub.f32 v7, v3;
	v4 =	vmul.f32 v6, v4  }
0x135: {  	v9 =	vsub.f32 v9, v8;
	v5 =	vmul.f32 v6, v5  }
0x136: {  	v7 =	vmul.f32 v6, v7;
	v1 =	vadd.f32 v4, v1  }
0x137: {  	v4 =	vmul.f32 v6, v9;
	v2 =	vadd.f32 v5, v2  }
0x138: {  	v3 =	vadd.f32 v7, v3;
	[tilespmem:s12+$0x10400] =	vst v1  }
0x139: {  	v1 =	vadd.f32 v4, v8;
	[tilespmem:s12+$0x10410] =	vst v2  }
0x13a: {  	[tilespmem:s12+$0x10420] =	vst v3  }
0x13b: {  	[tilespmem:s12+$0x10430] =	vst v1  }
0x13c: {  	_ =	swait.ge [sflag:s26], $0x1900  }
0x13d: {  	[sflag:s26] =	ssyncset.done $0x0  }
0x13e: {  	s12 =	simm.s32 $0x0;
	[sflag:s26] =	ssyncadd.s32 $0xFFFFE700  }
0x13f: {  	v1 =	vld [tilespmem:s12+$0x4000]  }
0x140: {  	v4 =	vld [tilespmem:s12+$0x4040]  }
0x141: {  	v2 =	vld [tilespmem:s12+$0x4010]  }
0x142: {  	v5 =	vld [tilespmem:s12+$0x4050]  }
0x143: {  	s13 =	simm.s32 $0x100;
	v3 =	vld [tilespmem:s12+$0x4020]  }
0x144: {  	s14 =	simm.s32 $0x200;
	v6 =	vld [tilespmem:s13+$0x0]  }
.LBB2_7:
0x145: {  	p0 =	sne.s32 s14, $0x6200;
	v7 =	vld [tilespmem:s12+$0x4060]  }
0x146: {  	v8 =	vld [tilespmem:s12+$0x4030]  }
0x147: {  	v9 =	vld [tilespmem:s12+$0x4070];
	_ =	sdelay $0x1  }
0x148: {  	v6 =	vperm.xlane v6, v0;
	_ =	sdelay $0x1  }
0x149: {  	v4 =	vsub.f32 v4, v1;
	v5 =	vsub.f32 v5, v2;
	v6 =	vcvt.s32.f32 v6  }
0x14a: {  	v7 =	vsub.f32 v7, v3;
	v9 =	vsub.f32 v9, v8  }
0x14b: {  	v4 =	vmul.f32 v6, v4;
	v5 =	vmul.f32 v6, v5  }
0x14c: {  	v7 =	vmul.f32 v6, v7;
	v6 =	vmul.f32 v6, v9  }
0x14d: {  	s15 =	sshra.s32 s14, $0x2;
	v9 =	vadd.f32 v4, v1;
	v5 =	vadd.f32 v5, v2  }
0x14e: {  	v3 =	vadd.f32 v7, v3;
	v1 =	vld [tilespmem:s15+$0x4000];
	v6 =	vadd.f32 v6, v8  }
.Ltmp2:
0x14f: {  	v4 =	vld [tilespmem:s15+$0x4040];
	[tilespmem:s12+$0x12000] =	vst v9;
	(pc) =	sbr.rel @p0 .LBB2_7-.Ltmp2, $4  }
0x150: {  	v2 =	vld [tilespmem:s15+$0x4010];
	[tilespmem:s12+$0x12010] =	vst v5  }
0x151: {  	v5 =	vld [tilespmem:s15+$0x4050];
	[tilespmem:s12+$0x12020] =	vst v3  }
0x152: {  	s13 =	sadd.s32 $0x1, s13;
	v3 =	vld [tilespmem:s15+$0x4020];
	[tilespmem:s12+$0x12030] =	vst v6;
	s12 =	smov.u32 s15  }
0x153: {  	s14 =	sadd.s32 $0x200, s14;
	v6 =	vld [tilespmem:s13+$0x0]  }
0x154: {  	_ =	sdelay $0x1  }
0x155: {  	v7 =	vld [tilespmem:s12+$0x4060]  }
0x156: {  	v8 =	vld [tilespmem:s12+$0x4030]  }
0x157: {  	v9 =	vld [tilespmem:s12+$0x4070];
	v6 =	vperm.xlane v6, v0;
	_ =	sdelay $0x1  }
0x158: {  	v4 =	vsub.f32 v4, v1;
	v6 =	vcvt.s32.f32 v6  }
0x159: {  	v5 =	vsub.f32 v5, v2  }
0x15a: {  	v7 =	vsub.f32 v7, v3;
	v4 =	vmul.f32 v6, v4  }
0x15b: {  	v9 =	vsub.f32 v9, v8;
	v5 =	vmul.f32 v6, v5  }
0x15c: {  	v7 =	vmul.f32 v6, v7;
	v1 =	vadd.f32 v4, v1  }
0x15d: {  	v4 =	vmul.f32 v6, v9;
	v2 =	vadd.f32 v5, v2  }
0x15e: {  	v3 =	vadd.f32 v7, v3;
	[tilespmem:s12+$0x12000] =	vst v1  }
0x15f: {  	v1 =	vadd.f32 v4, v8;
	[tilespmem:s12+$0x12010] =	vst v2  }
0x160: {  	[tilespmem:s12+$0x12020] =	vst v3  }
0x161: {  	[tilespmem:s12+$0x12030] =	vst v1  }
0x162: {  	_ =	swait.ge [sflag:s26], $0x1900  }
0x163: {  	[sflag:s26] =	ssyncset.done $0x0  }
0x164: {  	s12 =	simm.s32 $0x0;
	[sflag:s26] =	ssyncadd.s32 $0xFFFFE700  }
0x165: {  	v1 =	vld [tilespmem:s12+$0x5C00]  }
0x166: {  	v4 =	vld [tilespmem:s12+$0x5C40]  }
0x167: {  	v2 =	vld [tilespmem:s12+$0x5C10]  }
0x168: {  	v5 =	vld [tilespmem:s12+$0x5C50]  }
0x169: {  	s13 =	simm.s32 $0x180;
	v3 =	vld [tilespmem:s12+$0x5C20]  }
0x16a: {  	s14 =	simm.s32 $0x200;
	v6 =	vld [tilespmem:s13+$0x0]  }
.LBB2_9:
0x16b: {  	p0 =	sne.s32 s14, $0x6200;
	v7 =	vld [tilespmem:s12+$0x5C60]  }
0x16c: {  	v8 =	vld [tilespmem:s12+$0x5C30]  }
0x16d: {  	v9 =	vld [tilespmem:s12+$0x5C70];
	_ =	sdelay $0x1  }
0x16e: {  	v6 =	vperm.xlane v6, v0;
	_ =	sdelay $0x1  }
0x16f: {  	v4 =	vsub.f32 v4, v1;
	v5 =	vsub.f32 v5, v2;
	v6 =	vcvt.s32.f32 v6  }
0x170: {  	v7 =	vsub.f32 v7, v3;
	v9 =	vsub.f32 v9, v8  }
0x171: {  	v4 =	vmul.f32 v6, v4;
	v5 =	vmul.f32 v6, v5  }
0x172: {  	v7 =	vmul.f32 v6, v7;
	v6 =	vmul.f32 v6, v9  }
0x173: {  	s15 =	sshra.s32 s14, $0x2;
	v9 =	vadd.f32 v4, v1;
	v5 =	vadd.f32 v5, v2  }
0x174: {  	v3 =	vadd.f32 v7, v3;
	v1 =	vld [tilespmem:s15+$0x5C00];
	v6 =	vadd.f32 v6, v8  }
.Ltmp3:
0x175: {  	v4 =	vld [tilespmem:s15+$0x5C40];
	[tilespmem:s12+$0x13C00] =	vst v9;
	(pc) =	sbr.rel @p0 .LBB2_9-.Ltmp3, $4  }
0x176: {  	v2 =	vld [tilespmem:s15+$0x5C10];
	[tilespmem:s12+$0x13C10] =	vst v5  }
0x177: {  	v5 =	vld [tilespmem:s15+$0x5C50];
	[tilespmem:s12+$0x13C20] =	vst v3  }
0x178: {  	s13 =	sadd.s32 $0x1, s13;
	v3 =	vld [tilespmem:s15+$0x5C20];
	[tilespmem:s12+$0x13C30] =	vst v6;
	s12 =	smov.u32 s15  }
0x179: {  	s14 =	sadd.s32 $0x200, s14;
	v6 =	vld [tilespmem:s13+$0x0]  }
0x17a: {  	_ =	sdelay $0x1  }
0x17b: {  	v7 =	vld [tilespmem:s12+$0x5C60]  }
0x17c: {  	v8 =	vld [tilespmem:s12+$0x5C30]  }
0x17d: {  	v9 =	vld [tilespmem:s12+$0x5C70];
	v6 =	vperm.xlane v6, v0;
	_ =	sdelay $0x1  }
0x17e: {  	v4 =	vsub.f32 v4, v1;
	v6 =	vcvt.s32.f32 v6  }
0x17f: {  	v5 =	vsub.f32 v5, v2  }
0x180: {  	v7 =	vsub.f32 v7, v3;
	v4 =	vmul.f32 v6, v4  }
0x181: {  	v9 =	vsub.f32 v9, v8;
	v5 =	vmul.f32 v6, v5  }
0x182: {  	v7 =	vmul.f32 v6, v7;
	v1 =	vadd.f32 v4, v1  }
0x183: {  	v4 =	vmul.f32 v6, v9;
	v2 =	vadd.f32 v5, v2  }
0x184: {  	v3 =	vadd.f32 v7, v3;
	[tilespmem:s12+$0x13C00] =	vst v1  }
0x185: {  	v1 =	vadd.f32 v4, v8;
	[tilespmem:s12+$0x13C10] =	vst v2  }
0x186: {  	[tilespmem:s12+$0x13C20] =	vst v3  }
0x187: {  	[tilespmem:s12+$0x13C30] =	vst v1  }
0x188: {  	_ =	swait.ge [sflag:s26], $0x1900  }
0x189: {  	[sflag:s26] =	ssyncset.done $0x0  }
0x18a: {  	s12 =	simm.s32 $0x0;
	[sflag:s26] =	ssyncadd.s32 $0xFFFFE700  }
0x18b: {  	v1 =	vld [tilespmem:s12+$0x7800]  }
0x18c: {  	v4 =	vld [tilespmem:s12+$0x7840]  }
0x18d: {  	v2 =	vld [tilespmem:s12+$0x7810]  }
0x18e: {  	v5 =	vld [tilespmem:s12+$0x7850]  }
0x18f: {  	s13 =	simm.s32 $0x200;
	v3 =	vld [tilespmem:s12+$0x7820]  }
0x190: {  	s14 =	simm.s32 $0x200;
	v6 =	vld [tilespmem:s13+$0x0]  }
.LBB2_11:
0x191: {  	p0 =	sne.s32 s14, $0x6200;
	v7 =	vld [tilespmem:s12+$0x7860]  }
0x192: {  	v8 =	vld [tilespmem:s12+$0x7830]  }
0x193: {  	v9 =	vld [tilespmem:s12+$0x7870];
	_ =	sdelay $0x1  }
0x194: {  	v6 =	vperm.xlane v6, v0;
	_ =	sdelay $0x1  }
0x195: {  	v4 =	vsub.f32 v4, v1;
	v5 =	vsub.f32 v5, v2;
	v6 =	vcvt.s32.f32 v6  }
0x196: {  	v7 =	vsub.f32 v7, v3;
	v9 =	vsub.f32 v9, v8  }
0x197: {  	v4 =	vmul.f32 v6, v4;
	v5 =	vmul.f32 v6, v5  }
0x198: {  	v7 =	vmul.f32 v6, v7;
	v6 =	vmul.f32 v6, v9  }
0x199: {  	s15 =	sshra.s32 s14, $0x2;
	v9 =	vadd.f32 v4, v1;
	v5 =	vadd.f32 v5, v2  }
0x19a: {  	v3 =	vadd.f32 v7, v3;
	v1 =	vld [tilespmem:s15+$0x7800];
	v6 =	vadd.f32 v6, v8  }
.Ltmp4:
0x19b: {  	v4 =	vld [tilespmem:s15+$0x7840];
	[tilespmem:s12+$0x15800] =	vst v9;
	(pc) =	sbr.rel @p0 .LBB2_11-.Ltmp4, $4  }
0x19c: {  	v2 =	vld [tilespmem:s15+$0x7810];
	[tilespmem:s12+$0x15810] =	vst v5  }
0x19d: {  	v5 =	vld [tilespmem:s15+$0x7850];
	[tilespmem:s12+$0x15820] =	vst v3  }
0x19e: {  	s13 =	sadd.s32 $0x1, s13;
	v3 =	vld [tilespmem:s15+$0x7820];
	[tilespmem:s12+$0x15830] =	vst v6;
	s12 =	smov.u32 s15  }
0x19f: {  	s14 =	sadd.s32 $0x200, s14;
	v6 =	vld [tilespmem:s13+$0x0]  }
0x1a0: {  	_ =	sdelay $0x1  }
0x1a1: {  	v7 =	vld [tilespmem:s12+$0x7860]  }
0x1a2: {  	v8 =	vld [tilespmem:s12+$0x7830]  }
0x1a3: {  	v9 =	vld [tilespmem:s12+$0x7870];
	v6 =	vperm.xlane v6, v0;
	_ =	sdelay $0x1  }
0x1a4: {  	v4 =	vsub.f32 v4, v1;
	v6 =	vcvt.s32.f32 v6  }
0x1a5: {  	v5 =	vsub.f32 v5, v2  }
0x1a6: {  	v7 =	vsub.f32 v7, v3;
	v4 =	vmul.f32 v6, v4  }
0x1a7: {  	v9 =	vsub.f32 v9, v8;
	v5 =	vmul.f32 v6, v5  }
0x1a8: {  	v7 =	vmul.f32 v6, v7;
	v1 =	vadd.f32 v4, v1  }
0x1a9: {  	v4 =	vmul.f32 v6, v9;
	v2 =	vadd.f32 v5, v2  }
0x1aa: {  	v3 =	vadd.f32 v7, v3;
	[tilespmem:s12+$0x15800] =	vst v1  }
0x1ab: {  	v1 =	vadd.f32 v4, v8;
	[tilespmem:s12+$0x15810] =	vst v2  }
0x1ac: {  	[tilespmem:s12+$0x15820] =	vst v3  }
0x1ad: {  	[tilespmem:s12+$0x15830] =	vst v1  }
0x1ae: {  	_ =	swait.ge [sflag:s26], $0x1900  }
0x1af: {  	[sflag:s26] =	ssyncset.done $0x0  }
0x1b0: {  	s12 =	simm.s32 $0x0;
	[sflag:s26] =	ssyncadd.s32 $0xFFFFE700  }
0x1b1: {  	v1 =	vld [tilespmem:s12+$0x9400]  }
0x1b2: {  	v4 =	vld [tilespmem:s12+$0x9440]  }
0x1b3: {  	v2 =	vld [tilespmem:s12+$0x9410]  }
0x1b4: {  	v5 =	vld [tilespmem:s12+$0x9450]  }
0x1b5: {  	s13 =	simm.s32 $0x280;
	v3 =	vld [tilespmem:s12+$0x9420]  }
0x1b6: {  	s14 =	simm.s32 $0x200;
	v6 =	vld [tilespmem:s13+$0x0]  }
.LBB2_13:
0x1b7: {  	p0 =	sne.s32 s14, $0x6200;
	v7 =	vld [tilespmem:s12+$0x9460]  }
0x1b8: {  	v8 =	vld [tilespmem:s12+$0x9430]  }
0x1b9: {  	v9 =	vld [tilespmem:s12+$0x9470];
	_ =	sdelay $0x1  }
0x1ba: {  	v6 =	vperm.xlane v6, v0;
	_ =	sdelay $0x1  }
0x1bb: {  	v4 =	vsub.f32 v4, v1;
	v5 =	vsub.f32 v5, v2;
	v6 =	vcvt.s32.f32 v6  }
0x1bc: {  	v7 =	vsub.f32 v7, v3;
	v9 =	vsub.f32 v9, v8  }
0x1bd: {  	v4 =	vmul.f32 v6, v4;
	v5 =	vmul.f32 v6, v5  }
0x1be: {  	v7 =	vmul.f32 v6, v7;
	v6 =	vmul.f32 v6, v9  }
0x1bf: {  	s15 =	sshra.s32 s14, $0x2;
	v9 =	vadd.f32 v4, v1;
	v5 =	vadd.f32 v5, v2  }
0x1c0: {  	v3 =	vadd.f32 v7, v3;
	v1 =	vld [tilespmem:s15+$0x9400];
	v6 =	vadd.f32 v6, v8  }
.Ltmp5:
0x1c1: {  	v4 =	vld [tilespmem:s15+$0x9440];
	[tilespmem:s12+$0x17400] =	vst v9;
	(pc) =	sbr.rel @p0 .LBB2_13-.Ltmp5, $4  }
0x1c2: {  	v2 =	vld [tilespmem:s15+$0x9410];
	[tilespmem:s12+$0x17410] =	vst v5  }
0x1c3: {  	v5 =	vld [tilespmem:s15+$0x9450];
	[tilespmem:s12+$0x17420] =	vst v3  }
0x1c4: {  	s13 =	sadd.s32 $0x1, s13;
	v3 =	vld [tilespmem:s15+$0x9420];
	[tilespmem:s12+$0x17430] =	vst v6;
	s12 =	smov.u32 s15  }
0x1c5: {  	s14 =	sadd.s32 $0x200, s14;
	v6 =	vld [tilespmem:s13+$0x0]  }
0x1c6: {  	_ =	sdelay $0x1  }
0x1c7: {  	v7 =	vld [tilespmem:s12+$0x9460]  }
0x1c8: {  	v8 =	vld [tilespmem:s12+$0x9430]  }
0x1c9: {  	v9 =	vld [tilespmem:s12+$0x9470];
	v6 =	vperm.xlane v6, v0;
	_ =	sdelay $0x1  }
0x1ca: {  	v4 =	vsub.f32 v4, v1;
	v6 =	vcvt.s32.f32 v6  }
0x1cb: {  	v5 =	vsub.f32 v5, v2  }
0x1cc: {  	v7 =	vsub.f32 v7, v3;
	v4 =	vmul.f32 v6, v4  }
0x1cd: {  	v9 =	vsub.f32 v9, v8;
	v5 =	vmul.f32 v6, v5  }
0x1ce: {  	v7 =	vmul.f32 v6, v7;
	v1 =	vadd.f32 v4, v1  }
0x1cf: {  	v4 =	vmul.f32 v6, v9;
	v2 =	vadd.f32 v5, v2  }
0x1d0: {  	v3 =	vadd.f32 v7, v3;
	[tilespmem:s12+$0x17400] =	vst v1  }
0x1d1: {  	v1 =	vadd.f32 v4, v8;
	[tilespmem:s12+$0x17410] =	vst v2  }
0x1d2: {  	[tilespmem:s12+$0x17420] =	vst v3  }
0x1d3: {  	[tilespmem:s12+$0x17430] =	vst v1  }
0x1d4: {  	_ =	swait.ge [sflag:s26], $0x1900  }
0x1d5: {  	[sflag:s26] =	ssyncset.done $0x0  }
0x1d6: {  	s12 =	simm.s32 $0x0;
	[sflag:s26] =	ssyncadd.s32 $0xFFFFE700  }
0x1d7: {  	v1 =	vld [tilespmem:s12+$0xB000]  }
0x1d8: {  	v4 =	vld [tilespmem:s12+$0xB040]  }
0x1d9: {  	v2 =	vld [tilespmem:s12+$0xB010]  }
0x1da: {  	v5 =	vld [tilespmem:s12+$0xB050]  }
0x1db: {  	s13 =	simm.s32 $0x300;
	v3 =	vld [tilespmem:s12+$0xB020]  }
0x1dc: {  	s14 =	simm.s32 $0x200;
	v6 =	vld [tilespmem:s13+$0x0]  }
.LBB2_15:
0x1dd: {  	p0 =	sne.s32 s14, $0x6200;
	v7 =	vld [tilespmem:s12+$0xB060]  }
0x1de: {  	v8 =	vld [tilespmem:s12+$0xB030]  }
0x1df: {  	v9 =	vld [tilespmem:s12+$0xB070];
	_ =	sdelay $0x1  }
0x1e0: {  	v6 =	vperm.xlane v6, v0;
	_ =	sdelay $0x1  }
0x1e1: {  	v4 =	vsub.f32 v4, v1;
	v5 =	vsub.f32 v5, v2;
	v6 =	vcvt.s32.f32 v6  }
0x1e2: {  	v7 =	vsub.f32 v7, v3;
	v9 =	vsub.f32 v9, v8  }
0x1e3: {  	v4 =	vmul.f32 v6, v4;
	v5 =	vmul.f32 v6, v5  }
0x1e4: {  	v7 =	vmul.f32 v6, v7;
	v6 =	vmul.f32 v6, v9  }
0x1e5: {  	s15 =	sshra.s32 s14, $0x2;
	v9 =	vadd.f32 v4, v1;
	v5 =	vadd.f32 v5, v2  }
0x1e6: {  	v3 =	vadd.f32 v7, v3;
	v1 =	vld [tilespmem:s15+$0xB000];
	v6 =	vadd.f32 v6, v8  }
.Ltmp6:
0x1e7: {  	v4 =	vld [tilespmem:s15+$0xB040];
	[tilespmem:s12+$0x19000] =	vst v9;
	(pc) =	sbr.rel @p0 .LBB2_15-.Ltmp6, $4  }
0x1e8: {  	v2 =	vld [tilespmem:s15+$0xB010];
	[tilespmem:s12+$0x19010] =	vst v5  }
0x1e9: {  	v5 =	vld [tilespmem:s15+$0xB050];
	[tilespmem:s12+$0x19020] =	vst v3  }
0x1ea: {  	s13 =	sadd.s32 $0x1, s13;
	v3 =	vld [tilespmem:s15+$0xB020];
	[tilespmem:s12+$0x19030] =	vst v6;
	s12 =	smov.u32 s15  }
0x1eb: {  	s14 =	sadd.s32 $0x200, s14;
	v6 =	vld [tilespmem:s13+$0x0]  }
0x1ec: {  	_ =	sdelay $0x1  }
0x1ed: {  	v7 =	vld [tilespmem:s12+$0xB060]  }
0x1ee: {  	v8 =	vld [tilespmem:s12+$0xB030]  }
0x1ef: {  	v9 =	vld [tilespmem:s12+$0xB070];
	v6 =	vperm.xlane v6, v0;
	_ =	sdelay $0x1  }
0x1f0: {  	v4 =	vsub.f32 v4, v1;
	v6 =	vcvt.s32.f32 v6  }
0x1f1: {  	v5 =	vsub.f32 v5, v2  }
0x1f2: {  	v7 =	vsub.f32 v7, v3;
	v4 =	vmul.f32 v6, v4  }
0x1f3: {  	v9 =	vsub.f32 v9, v8;
	v5 =	vmul.f32 v6, v5  }
0x1f4: {  	v7 =	vmul.f32 v6, v7;
	v1 =	vadd.f32 v4, v1  }
0x1f5: {  	v4 =	vmul.f32 v6, v9;
	v2 =	vadd.f32 v5, v2  }
0x1f6: {  	v3 =	vadd.f32 v7, v3;
	[tilespmem:s12+$0x19000] =	vst v1  }
0x1f7: {  	v1 =	vadd.f32 v4, v8;
	[tilespmem:s12+$0x19010] =	vst v2  }
0x1f8: {  	[tilespmem:s12+$0x19020] =	vst v3  }
0x1f9: {  	[tilespmem:s12+$0x19030] =	vst v1  }
0x1fa: {  	_ =	swait.ge [sflag:s26], $0x1900  }
0x1fb: {  	[sflag:s26] =	ssyncset.done $0x0  }
0x1fc: {  	s12 =	simm.s32 $0x0;
	[sflag:s26] =	ssyncadd.s32 $0xFFFFE700  }
0x1fd: {  	v1 =	vld [tilespmem:s12+$0xCC00]  }
0x1fe: {  	v4 =	vld [tilespmem:s12+$0xCC40]  }
0x1ff: {  	v2 =	vld [tilespmem:s12+$0xCC10]  }
0x200: {  	v5 =	vld [tilespmem:s12+$0xCC50]  }
0x201: {  	s13 =	simm.s32 $0x380;
	v3 =	vld [tilespmem:s12+$0xCC20]  }
0x202: {  	s14 =	simm.s32 $0x200;
	v6 =	vld [tilespmem:s13+$0x0]  }
.LBB2_17:
0x203: {  	p0 =	sne.s32 s14, $0x6200;
	v7 =	vld [tilespmem:s12+$0xCC60]  }
0x204: {  	v8 =	vld [tilespmem:s12+$0xCC30]  }
0x205: {  	v9 =	vld [tilespmem:s12+$0xCC70];
	_ =	sdelay $0x1  }
0x206: {  	v6 =	vperm.xlane v6, v0;
	_ =	sdelay $0x1  }
0x207: {  	v4 =	vsub.f32 v4, v1;
	v5 =	vsub.f32 v5, v2;
	v6 =	vcvt.s32.f32 v6  }
0x208: {  	v7 =	vsub.f32 v7, v3;
	v9 =	vsub.f32 v9, v8  }
0x209: {  	v4 =	vmul.f32 v6, v4;
	v5 =	vmul.f32 v6, v5  }
0x20a: {  	v7 =	vmul.f32 v6, v7;
	v6 =	vmul.f32 v6, v9  }
0x20b: {  	s15 =	sshra.s32 s14, $0x2;
	v9 =	vadd.f32 v4, v1;
	v5 =	vadd.f32 v5, v2  }
0x20c: {  	v3 =	vadd.f32 v7, v3;
	v1 =	vld [tilespmem:s15+$0xCC00];
	v6 =	vadd.f32 v6, v8  }
.Ltmp7:
0x20d: {  	v4 =	vld [tilespmem:s15+$0xCC40];
	[tilespmem:s12+$0x1AC00] =	vst v9;
	(pc) =	sbr.rel @p0 .LBB2_17-.Ltmp7, $4  }
0x20e: {  	v2 =	vld [tilespmem:s15+$0xCC10];
	[tilespmem:s12+$0x1AC10] =	vst v5  }
0x20f: {  	v5 =	vld [tilespmem:s15+$0xCC50];
	[tilespmem:s12+$0x1AC20] =	vst v3  }
0x210: {  	s13 =	sadd.s32 $0x1, s13;
	v3 =	vld [tilespmem:s15+$0xCC20];
	[tilespmem:s12+$0x1AC30] =	vst v6;
	s12 =	smov.u32 s15  }
0x211: {  	s14 =	sadd.s32 $0x200, s14;
	v6 =	vld [tilespmem:s13+$0x0]  }
0x212: {  	_ =	sdelay $0x1  }
0x213: {  	v7 =	vld [tilespmem:s12+$0xCC60]  }
0x214: {  	v8 =	vld [tilespmem:s12+$0xCC30]  }
0x215: {  	v9 =	vld [tilespmem:s12+$0xCC70];
	v6 =	vperm.xlane v6, v0;
	_ =	sdelay $0x1  }
0x216: {  	v4 =	vsub.f32 v4, v1;
	v6 =	vcvt.s32.f32 v6  }
0x217: {  	v5 =	vsub.f32 v5, v2  }
0x218: {  	v7 =	vsub.f32 v7, v3;
	v4 =	vmul.f32 v6, v4  }
0x219: {  	v9 =	vsub.f32 v9, v8;
	v5 =	vmul.f32 v6, v5  }
0x21a: {  	v7 =	vmul.f32 v6, v7;
	v1 =	vadd.f32 v4, v1  }
0x21b: {  	v63 =	vmul.f32 v6, v9;
	v2 =	vadd.f32 v5, v2  }
0x21c: {  	v3 =	vadd.f32 v7, v3;
	[tilespmem:s12+$0x1AC00] =	vst v1  }
0x21d: {  	s11 =	smul.u32 $0x380, s11;
	v1 =	vadd.f32 v63, v8;
	[tilespmem:s12+$0x1AC10] =	vst v2  }
0x21e: {  	[tilespmem:s12+$0x1AC20] =	vst v3  }
0x21f: {  	s11 =	sadd.s32 s5, s11;
	[tilespmem:s12+$0x1AC30] =	vst v1  }
0x220: {  	[hbm4b:s11+s2] =	stream.linear.scatter [tilespmem:s28], [sflag:$0x2], $0x1900, $0x38;
	[tilespmem:$0x1C800] =	vst v63  }
0x221: {  	s13 =	sadd.s32 $0x380, s11  }
0x222: {  	[hbm4b:s13+s2] =	stream.linear.scatter [tilespmem:s29], [sflag:$0x2], $0x1900, $0x38;
	[tilespmem:$0x1C800] =	vst v63  }
0x223: {  	s14 =	sadd.s32 $0x700, s11  }
0x224: {  	[hbm4b:s14+s2] =	stream.linear.scatter [tilespmem:s30], [sflag:$0x2], $0x1900, $0x38;
	[tilespmem:$0x1C800] =	vst v63  }
0x225: {  	s15 =	sadd.s32 $0xA80, s11  }
0x226: {  	[hbm4b:s15+s2] =	stream.linear.scatter [tilespmem:s31], [sflag:$0x2], $0x1900, $0x38;
	[tilespmem:$0x1C800] =	vst v63  }
0x227: {  	s13 =	sadd.s32 $0xE00, s11  }
0x228: {  	[hbm4b:s13+s2] =	stream.linear.scatter [tilespmem:s0], [sflag:$0x2], $0x1900, $0x38;
	[tilespmem:$0x1C800] =	vst v63  }
0x229: {  	s10 =	sadd.s32 $0x1, s10;
	s14 =	sadd.s32 $0x1180, s11  }
0x22a: {  	[hbm4b:s14+s2] =	stream.linear.scatter [tilespmem:s3], [sflag:$0x2], $0x1900, $0x38;
	[tilespmem:$0x1C800] =	vst v63  }
0x22b: {  	p0 =	sne.s32 s10, $0x40;
	s15 =	sadd.s32 $0x1500, s11  }
0x22c: {  	[hbm4b:s15+s2] =	stream.linear.scatter [tilespmem:s7], [sflag:$0x2], $0x1900, $0x38;
	[tilespmem:$0x1C800] =	vst v63  }
.Ltmp8:
0x22d: {  	s11 =	sadd.s32 $0x1880, s11;
	(pc) =	sbr.rel @p0 .LBB2_2-.Ltmp8, $4  }
0x22e: {  	[hbm4b:s11+s2] =	stream.linear.scatter [tilespmem:s1], [sflag:$0x2], $0x1900, $0x38;
	[tilespmem:$0x1C800] =	vst v63  }
0x22f: {  	_ =	swait.ge [sflag:s8], $0xC800  }
0x230: {  	[sflag:s8] =	ssyncset.done $0x0  }
0x231: {  	[sflag:s8] =	ssyncadd.s32 $0xFFFF3800  }
0x232: {  	s11 =	rddreg [dreg:$0x4]  }
0x233: {  	s10 =	rddreg [dreg:$0x3];
	s11 =	sadd.s32 $0x1, s11  }
0x234: {  	p0 =	sne.s32 s11, s10  }
.Ltmp9:
0x235: {  	_ = 	snop;
	(pc) =	sbr.rel @p0 .LBB2_1-.Ltmp9, $1  }
0x236: {  	_ =	sdelay $0x3  }
0x237: {  	_ =	sfence.sel $0x180000  }
0x238: {  	[bflag:$0x0] =	sbarrier.arrive $0xFFFF  }
0x239: {  	_ =	strace $0x90000047  }
0x23a: {  	s0 =	stileid.u32;
	[bflag:$0x2] =	sbarrier.arrive $0xFFFF  }
0x23b: {  	p0 =	sne.s32 s0, $0x0;
	s0 =	rddreg [dreg:$0x2]  }
0x23c: {  	s0 =	sadd.s32 @!p0 $0x100000, s0  }
0x23d: {  	[sflag:s0] =	ssyncadd.tile.s32 @!p0 $0x1;
	_ =	shalt  }
.Lfunc_end2:
_tile_overlayer_lowered:
.L_overlay_start_2:
0x23e: {  	(tag) =	ssettag $0x2  }
0x23f: {  	s0 =	rddreg [dreg:$0x0];
	s2 =	stileid.u32  }
0x240: {  	s1 =	rddreg [dreg:$0x1];
	p0 =	sne.s32 s2, $0x0  }
0x241: {  	s3 =	rddreg [dreg:$0x2];
	[bflag:$0x3] =	sbarrier.arrive $0xFFFF;
	s2 =	simm.s32 @!p0 $0x1C02  }
0x242: {  	[timem:s3], [sflag:s2] =	dma.local @!p0 [hbm:s0], s1  }
0x243: {  	s0 =	simm.s32 @!p0 $0x2  }
0x244: {  	_ =	swait.ge @!p0 [sflag:s0], s1  }
0x245: {  	s1 =	ssub.s32 @!p0 $0x0, s1;
	[sflag:s0] =	ssyncset.done @!p0 $0x0  }
0x246: {  	[sflag:s0] =	ssyncadd.s32 @!p0 s1  }
0x247: {  	[bflag:$0x3] =	sbarrier.arrive $0xFFFF  }
0x248: {  	_ =	shalt  }

</sc_bundles>
